<compile_context>
chip_gen: v7x
topology: tpu7x:2x2x1
jax: 0.10.2.dev20260603
libtpu: 0.0.44.dev20260713+nightly
codegen_flags: <defaults>
</compile_context>

<pallas_src>
import functools

import jax
import jax.numpy as jnp
from jax import lax
from jax.experimental import pallas as pl
from jax.experimental.pallas import tpu as pltpu
from jax.experimental.pallas import tpu_sc as plsc

NP = 10240
RPS = NP // 16
TRASH = NP - 1
CH = 128
BLK = 256
F32 = jnp.float32



def _sc_mesh():
    return plsc.VectorSubcoreMesh(core_axis_name="c", subcore_axis_name="s")


NBUF = 2


def _zero_rows(rows0, dd):
    def zero_body(i, carry):
        rows0[i // dd, pl.ds((i % dd) * 16, 16)] = jnp.zeros((16,), F32)
        return carry

    lax.fori_loop(0, CH * dd, zero_body, 0)


def _zero_acc(rows0, base, acc_sh, cnt_sh):
    for j in range(RPS // CH):
        pltpu.sync_copy(rows0, acc_sh.at[pl.ds(base + j * CH, CH)])
        if cnt_sh is not None:
            pltpu.sync_copy(rows0.at[0], cnt_sh.at[pl.ds(base + j * CH, CH)])


def _edge_loop(n_w, w, table, srcl, dstl, srcs, dsts, rows, gsem, ones_v,
               acc_sh, cnt_sh):
    def load_and_fire(b, i):
        bb = (w + i * 32) * CH
        pltpu.sync_copy(srcl.at[pl.ds(bb, CH)], srcs[b])
        pltpu.sync_copy(dstl.at[pl.ds(bb, CH)], dsts[b])
        pltpu.async_copy(table.at[srcs[b]], rows[b], gsem[b])

    def drain_and_scatter(b):
        pltpu.make_async_copy(table.at[srcs[b]], rows[b], gsem[b]).wait()
        pltpu.sync_copy(rows[b], acc_sh.at[dsts[b]], add=True)
        if cnt_sh is not None:
            pltpu.sync_copy(ones_v, cnt_sh.at[dsts[b]], add=True)

    for b in range(NBUF):
        load_and_fire(b, b)

    def body(g, carry):
        for b in range(NBUF):
            i = g * NBUF + b
            drain_and_scatter(b)
            load_and_fire(b, i + NBUF)
        return carry

    lax.fori_loop(0, (n_w - NBUF) // NBUF, body, 0)
    for b in range(NBUF):
        drain_and_scatter(b)


def _gather32(table, idxg, out_o, w, idx_v, grow_v, sem):
    base = w * 32
    pltpu.sync_copy(idxg.at[pl.ds(base, 32)], idx_v)
    pltpu.async_copy(table.at[idx_v], grow_v, sem).wait()
    pltpu.sync_copy(grow_v, out_o.at[pl.ds(base, 32)])


def _seg_scratch(d, with_cnt):
    sc = [
        pltpu.VMEM((CH,), jnp.int32),
        pltpu.VMEM((CH,), jnp.int32),
        pltpu.VMEM((CH,), jnp.int32),
        pltpu.VMEM((CH,), jnp.int32),
        pltpu.VMEM((CH, d), F32),
        pltpu.VMEM((CH, d), F32),
        pltpu.VMEM_SHARED((NP, d), F32),
        pltpu.SemaphoreType.DMA,
        pltpu.SemaphoreType.DMA,
    ]
    if with_cnt:
        sc += [pltpu.VMEM((CH,), F32), pltpu.VMEM_SHARED((NP,), F32)]
    return sc


SUP = 8


def _sup_scratch(d, with_cnt):
    sc = [
        pltpu.VMEM((SUP, CH), jnp.int32),
        pltpu.VMEM((SUP, CH), jnp.int32),
        pltpu.VMEM((CH, d), F32),
        pltpu.VMEM((CH, d), F32),
        pltpu.VMEM_SHARED((NP, d), F32),
        pltpu.SemaphoreType.DMA,
        pltpu.SemaphoreType.DMA,
        pltpu.SemaphoreType.DMA,
        pltpu.SemaphoreType.DMA,
    ]
    if with_cnt:
        sc += [pltpu.VMEM((CH,), F32), pltpu.VMEM_SHARED((NP,), F32)]
    return sc


@functools.lru_cache(maxsize=None)
def _segsum_sup(nt, d, e, with_cnt=True):
    assert e % (32 * CH * SUP) == 0
    n_sup = e // (32 * CH * SUP)
    dd = d // 16
    if with_cnt:
        out_type = [jax.ShapeDtypeStruct((2 * NP, d), F32),
                    jax.ShapeDtypeStruct((2 * NP,), F32)]
    else:
        out_type = jax.ShapeDtypeStruct((2 * NP, d), F32)

    def body_fn(table, src2d, dst2d, out, cnt_out, src_sup, dst_sup,
                rows0, rows1, acc_sh, gs0, gs1, ss0, ss1, ones_v, cnt_sh):
        rows = (rows0, rows1)
        gsem = (gs0, gs1)
        ssem = (ss0, ss1)
        c = lax.axis_index("c")
        s = lax.axis_index("s")
        w = s * 2 + c
        _zero_rows(rows0, dd)
        base = s * RPS
        _zero_acc(rows0, base, acc_sh, cnt_sh)
        if ones_v is not None:
            for j in range(CH // 16):
                ones_v[pl.ds(j * 16, 16)] = jnp.ones((16,), F32)
        plsc.subcore_barrier()

        def gfire(j):
            pltpu.async_copy(table.at[src_sup.at[j]], rows[j % 2],
                             gsem[j % 2])

        def gdrain(j):
            pltpu.make_async_copy(table.at[src_sup.at[j]], rows[j % 2],
                                  gsem[j % 2]).wait()

        def sfire(j):
            pltpu.async_copy(rows[j % 2], acc_sh.at[dst_sup.at[j]],
                             ssem[j % 2], add=True)
            if cnt_sh is not None:
                pltpu.sync_copy(ones_v, cnt_sh.at[dst_sup.at[j]], add=True)

        def swait(j):
            pltpu.make_async_copy(rows[j % 2], acc_sh.at[dst_sup.at[j]],
                                  ssem[j % 2]).wait()

        def body(q, carry):
            row0 = (w + q * 32) * SUP
            pltpu.sync_copy(src2d.at[pl.ds(row0, SUP)], src_sup)
            pltpu.sync_copy(dst2d.at[pl.ds(row0, SUP)], dst_sup)
            gfire(0)
            for j in range(SUP):
                if j + 1 < SUP:
                    if j >= 1:
                        swait(j - 1)
                    gfire(j + 1)
                gdrain(j)
                sfire(j)
            swait(SUP - 2)
            swait(SUP - 1)
            return carry

        lax.fori_loop(0, n_sup, body, 0)
        plsc.subcore_barrier()
        ob = c * NP + base
        pltpu.sync_copy(acc_sh.at[pl.ds(base, RPS)], out.at[pl.ds(ob, RPS)])
        if cnt_sh is not None:
            pltpu.sync_copy(cnt_sh.at[pl.ds(base, RPS)],
                            cnt_out.at[pl.ds(ob, RPS)])

    kw = dict(mesh=_sc_mesh(), out_type=out_type,
              scratch_types=_sup_scratch(d, with_cnt))
    if with_cnt:
        @functools.partial(pl.kernel, **kw)
        def k(table, src2d, dst2d, out, cnt_out, src_sup, dst_sup,
              rows0, rows1, acc_sh, gs0, gs1, ss0, ss1, ones_v, cnt_sh):
            body_fn(table, src2d, dst2d, out, cnt_out, src_sup, dst_sup,
                    rows0, rows1, acc_sh, gs0, gs1, ss0, ss1, ones_v, cnt_sh)
    else:
        @functools.partial(pl.kernel, **kw)
        def k(table, src2d, dst2d, out, src_sup, dst_sup,
              rows0, rows1, acc_sh, gs0, gs1, ss0, ss1):
            body_fn(table, src2d, dst2d, out, None, src_sup, dst_sup,
                    rows0, rows1, acc_sh, gs0, gs1, ss0, ss1, None, None)

    return k


@functools.lru_cache(maxsize=None)
def _aux1():
    d = 128
    dd = d // 16

    @functools.partial(
        pl.kernel,
        mesh=_sc_mesh(),
        out_type=[
            jax.ShapeDtypeStruct((2 * NP, d), F32),
            jax.ShapeDtypeStruct((2 * NP,), F32),
            jax.ShapeDtypeStruct((1024, d), F32),
            jax.ShapeDtypeStruct((1024, d), F32),
        ],
        scratch_types=_seg_scratch(d, True) + [
            pltpu.VMEM((32,), jnp.int32),
            pltpu.VMEM((32, d), F32),
            pltpu.SemaphoreType.DMA,
        ],
    )
    def k(gen_t, src8, dst8, x_t, idxg, e1_o, k_o, xm_o, gm_o,
          src0, src1, dst0, dst1, rows0, rows1, acc_sh, gs0, gs1,
          ones_v, cnt_sh, idx_v, grow_v, gsem2):
        c = lax.axis_index("c")
        s = lax.axis_index("s")
        w = s * 2 + c
        _gather32(x_t, idxg, xm_o, w, idx_v, grow_v, gsem2)
        _gather32(gen_t, idxg, gm_o, w, idx_v, grow_v, gsem2)
        _zero_rows(rows0, dd)
        base = s * RPS
        _zero_acc(rows0, base, acc_sh, cnt_sh)
        for j in range(CH // 16):
            ones_v[pl.ds(j * 16, 16)] = jnp.ones((16,), F32)
        plsc.subcore_barrier()
        _edge_loop(2, w, gen_t, src8, dst8, (src0, src1), (dst0, dst1),
                   (rows0, rows1), (gs0, gs1), ones_v, acc_sh, cnt_sh)
        plsc.subcore_barrier()
        ob = c * NP + base
        pltpu.sync_copy(acc_sh.at[pl.ds(base, RPS)], e1_o.at[pl.ds(ob, RPS)])
        pltpu.sync_copy(cnt_sh.at[pl.ds(base, RPS)],
                        k_o.at[pl.ds(ob, RPS)])

    return k


@functools.lru_cache(maxsize=None)
def _aux2():
    d = 128
    dd = d // 16

    @functools.partial(
        pl.kernel,
        mesh=_sc_mesh(),
        out_type=[
            jax.ShapeDtypeStruct((2 * NP, d), F32),
            jax.ShapeDtypeStruct((2 * NP, d), F32),
            jax.ShapeDtypeStruct((1024, d), F32),
            jax.ShapeDtypeStruct((1024, d), F32),
        ],
        scratch_types=_seg_scratch(d, False) + [
            pltpu.VMEM((32,), jnp.int32),
            pltpu.VMEM((32, d), F32),
            pltpu.SemaphoreType.DMA,
        ],
    )
    def k(lo_t, hi_t, ar8, dst8, h1lo_t, h1hi_t, idxg,
          e2lo_o, e2hi_o, mlo_o, mhi_o,
          src0, src1, dst0, dst1, rows0, rows1, acc_sh, gs0, gs1,
          idx_v, grow_v, gsem2):
        c = lax.axis_index("c")
        s = lax.axis_index("s")
        w = s * 2 + c
        _gather32(h1lo_t, idxg, mlo_o, w, idx_v, grow_v, gsem2)
        _gather32(h1hi_t, idxg, mhi_o, w, idx_v, grow_v, gsem2)
        base = s * RPS
        ob = c * NP + base
        srcs = (src0, src1)
        dsts = (dst0, dst1)
        rows = (rows0, rows1)
        gsem = (gs0, gs1)
        _zero_rows(rows0, dd)
        _zero_acc(rows0, base, acc_sh, None)
        plsc.subcore_barrier()
        _edge_loop(2, w, lo_t, ar8, dst8, srcs, dsts, rows, gsem, None,
                   acc_sh, None)
        plsc.subcore_barrier()
        pltpu.sync_copy(acc_sh.at[pl.ds(base, RPS)],
                        e2lo_o.at[pl.ds(ob, RPS)])
        _zero_rows(rows0, dd)
        _zero_acc(rows0, base, acc_sh, None)
        plsc.subcore_barrier()
        _edge_loop(2, w, hi_t, ar8, dst8, srcs, dsts, rows, gsem, None,
                   acc_sh, None)
        plsc.subcore_barrier()
        pltpu.sync_copy(acc_sh.at[pl.ds(base, RPS)],
                        e2hi_o.at[pl.ds(ob, RPS)])

    return k


def _trash(num):
    return 10000 + (jnp.arange(num, dtype=jnp.int32) % (NP - 10000))


def _spread_src(num, nt):
    return jnp.arange(num, dtype=jnp.int32) % nt


def _pad_edges(src, dst, e, nt):
    ep = -(-e // (32 * CH * SUP)) * (32 * CH * SUP)
    if ep == e:
        return src, dst, e
    pad = ep - e
    src_p = jnp.concatenate([src, _spread_src(pad, nt)])
    dst_p = jnp.concatenate([dst, _trash(pad)])
    return src_p, dst_p, ep



def _mm(a, w):
    return jnp.dot(a, w, preferred_element_type=F32)


def _gen_body(aggA, aggB, cntA, cntB, xb, wgl, bgl, wgr, wd1, bd1, wd2, bd2,
              gen_o):
    cnt = cntA[...] + cntB[...]
    mean0 = (aggA[...] + aggB[...]) / jnp.maximum(cnt, 1.0)
    h = jnp.maximum(_mm(mean0, wgl[...]) + bgl[...] + _mm(xb[...], wgr[...]),
                    0.0)
    t = jnp.maximum(_mm(h, wd1[...]) + bd1[...], 0.0)
    gen_o[...] = _mm(t, wd2[...]) + bd2[...]


def _conv1_body(aggA, aggB, e1A, e1B, cntA, cntB, kA, kB, xb, wl1, bl1, wr1,
                h1lo_o, h1hi_o, den_o):
    den = jnp.maximum(cntA[...] + cntB[...] + kA[...] + kB[...], 1.0)
    den_r = 1.0 / den
    mean1 = (aggA[...] + aggB[...] + e1A[...] + e1B[...]) * den_r
    h1 = jnp.maximum(_mm(mean1, wl1[...]) + bl1[...] + _mm(xb[...], wr1[...]),
                     0.0)
    h1lo_o[...] = h1[:, :128]
    h1hi_o[...] = h1[:, 128:]
    den_o[...] = den_r


def _new1_body(xm, gm, wl1, bl1, wr1, lo_o, hi_o):
    h1n = jnp.maximum(_mm(xm[...], wl1[...]) + bl1[...] +
                      _mm(gm[...], wr1[...]), 0.0)
    lo_o[...] = h1n[:, :128]
    hi_o[...] = h1n[:, 128:]


def _conv2_body(aloA, aloB, ahiA, ahiB, eloA, eloB, ehiA, ehiB, den, h1lo,
                h1hi, wl2, bl2, wr2, wp, bp, out_o):
    d = den[...]
    mlo = (aloA[...] + aloB[...] + eloA[...] + eloB[...]) * d
    mhi = (ahiA[...] + ahiB[...] + ehiA[...] + ehiB[...]) * d
    wl2v = wl2[...]
    wr2v = wr2[...]
    h2 = jnp.maximum(
        _mm(mlo, wl2v[:128]) + _mm(mhi, wl2v[128:]) + bl2[...] +
        _mm(h1lo[...], wr2v[:128]) + _mm(h1hi[...], wr2v[128:]), 0.0)
    out_o[...] = _mm(h2, wp[...]) + bp[...]


def _new2_body(h1mlo, h1mhi, h1nlo, h1nhi, wl2, bl2, wr2, wp, bp, out_o):
    wl2v = wl2[...]
    wr2v = wr2[...]
    h2n = jnp.maximum(
        _mm(h1mlo[...], wl2v[:128]) + _mm(h1mhi[...], wl2v[128:]) + bl2[...] +
        _mm(h1nlo[...], wr2v[:128]) + _mm(h1nhi[...], wr2v[128:]), 0.0)
    out_o[...] = _mm(h2n, wp[...]) + bp[...]


def _row_spec(w, two_part):
    nb = NP // BLK
    if two_part == 0:
        return pl.BlockSpec((BLK, w), lambda i: (i, 0))
    return pl.BlockSpec((BLK, w), lambda i, nb=nb: (i + nb, 0))


def _full_spec(shape):
    nd = len(shape)
    return pl.BlockSpec(shape, lambda i: (0,) * nd)


def kernel(x, edge_index, missing_indices, Wl1, bl1, Wr1, Wl2, bl2, Wr2,
           Wp, bp, Wgl, bgl, Wgr, Wd1, bd1, Wd2, bd2):
    n, dx = x.shape
    e = edge_index.shape[1]
    m = missing_indices.shape[0]
    src = edge_index[0].astype(jnp.int32)
    dst = edge_index[1].astype(jnp.int32)
    midx = missing_indices.astype(jnp.int32)
    mp = 1024
    x_pad = jnp.pad(x, ((0, NP - n), (0, 0)))
    src_p, dst_p, ep = _pad_edges(src, dst, e, n)
    src_m = jnp.concatenate([midx, jnp.zeros((mp - m,), jnp.int32)])
    src_m8 = jnp.concatenate([midx, _spread_src(8192 - m, n)])
    dst_m8 = jnp.concatenate([midx, _trash(8192 - m)])
    ar8 = jnp.concatenate([jnp.arange(mp, dtype=jnp.int32),
                           _spread_src(8192 - mp, mp)])

    bgl_r = bgl.reshape(1, -1)
    bd1_r = bd1.reshape(1, -1)
    bd2_r = bd2.reshape(1, -1)
    bl1_r = bl1.reshape(1, -1)
    bl2_r = bl2.reshape(1, -1)
    bp_r = bp.reshape(1, -1)

    src2 = src_p.reshape(-1, CH)
    dst2 = dst_p.reshape(-1, CH)
    agg, cnt = _segsum_sup(NP, 128, ep)(x_pad, src2, dst2)
    cnt2 = cnt.reshape(2 * NP, 1)

    nb = NP // BLK
    gen = pl.pallas_call(
        _gen_body,
        grid=(nb,),
        in_specs=[
            _row_spec(128, 0), _row_spec(128, 1),
            _row_spec(1, 0), _row_spec(1, 1),
            _row_spec(128, 0),
            _full_spec((128, 256)), _full_spec((1, 256)),
            _full_spec((128, 256)),
            _full_spec((256, 256)), _full_spec((1, 256)),
            _full_spec((256, 128)), _full_spec((1, 128)),
        ],
        out_specs=_row_spec(128, 0),
        out_shape=jax.ShapeDtypeStruct((NP, 128), F32),
    )(agg, agg, cnt2, cnt2, x_pad, Wgl, bgl_r, Wgr, Wd1, bd1_r, Wd2, bd2_r)

    e1, kcnt, xm, gm = _aux1()(gen, src_m8, dst_m8, x_pad, src_m)
    k2 = kcnt.reshape(2 * NP, 1)

    h1lo, h1hi, den_r = pl.pallas_call(
        _conv1_body,
        grid=(nb,),
        in_specs=[
            _row_spec(128, 0), _row_spec(128, 1),
            _row_spec(128, 0), _row_spec(128, 1),
            _row_spec(1, 0), _row_spec(1, 1),
            _row_spec(1, 0), _row_spec(1, 1),
            _row_spec(128, 0),
            _full_spec((128, 256)), _full_spec((1, 256)),
            _full_spec((128, 256)),
        ],
        out_specs=[_row_spec(128, 0), _row_spec(128, 0), _row_spec(1, 0)],
        out_shape=[
            jax.ShapeDtypeStruct((NP, 128), F32),
            jax.ShapeDtypeStruct((NP, 128), F32),
            jax.ShapeDtypeStruct((NP, 1), F32),
        ],
    )(agg, agg, e1, e1, cnt2, cnt2, k2, k2, x_pad, Wl1, bl1_r, Wr1)

    h1nlo, h1nhi = pl.pallas_call(
        _new1_body,
        grid=(mp // BLK,),
        in_specs=[
            _row_spec(128, 0), _row_spec(128, 0),
            _full_spec((128, 256)), _full_spec((1, 256)),
            _full_spec((128, 256)),
        ],
        out_specs=[_row_spec(128, 0), _row_spec(128, 0)],
        out_shape=[
            jax.ShapeDtypeStruct((mp, 128), F32),
            jax.ShapeDtypeStruct((mp, 128), F32),
        ],
    )(xm, gm, Wl1, bl1_r, Wr1)

    a2lo = _segsum_sup(NP, 128, ep, False)(h1lo, src2, dst2)
    a2hi = _segsum_sup(NP, 128, ep, False)(h1hi, src2, dst2)
    e2lo, e2hi, h1mlo, h1mhi = _aux2()(h1nlo, h1nhi, ar8, dst_m8,
                                       h1lo, h1hi, src_m)

    out_main = pl.pallas_call(
        _conv2_body,
        grid=(nb,),
        in_specs=[
            _row_spec(128, 0), _row_spec(128, 1),
            _row_spec(128, 0), _row_spec(128, 1),
            _row_spec(128, 0), _row_spec(128, 1),
            _row_spec(128, 0), _row_spec(128, 1),
            _row_spec(1, 0),
            _row_spec(128, 0), _row_spec(128, 0),
            _full_spec((256, 256)), _full_spec((1, 256)),
            _full_spec((256, 256)),
            _full_spec((256, 64)), _full_spec((1, 64)),
        ],
        out_specs=_row_spec(64, 0),
        out_shape=jax.ShapeDtypeStruct((NP, 64), F32),
    )(a2lo, a2lo, a2hi, a2hi, e2lo, e2lo, e2hi, e2hi, den_r, h1lo, h1hi,
      Wl2, bl2_r, Wr2, Wp, bp_r)

    out_new = pl.pallas_call(
        _new2_body,
        grid=(mp // BLK,),
        in_specs=[
            _row_spec(128, 0), _row_spec(128, 0),
            _row_spec(128, 0), _row_spec(128, 0),
            _full_spec((256, 256)), _full_spec((1, 256)),
            _full_spec((256, 256)),
            _full_spec((256, 64)), _full_spec((1, 64)),
        ],
        out_specs=_row_spec(64, 0),
        out_shape=jax.ShapeDtypeStruct((mp, 64), F32),
    )(h1mlo, h1mhi, h1nlo, h1nhi, Wl2, bl2_r, Wr2, Wp, bp_r)

    return jnp.concatenate([out_main[:n], out_new[:m]], axis=0)

# --- scband reference (transcript-rebuilt; emitter-appended) ---
"""Pipeline reference for scband-fed-sage-plus-37984690765905 (READ-ONLY COPY).

The authoritative reference and input builder live on the scoring server;
editing this copy changes nothing except your own understanding.
"""

import jax, jax.numpy as jnp
import numpy as np

N = 10000
E = 320000
M = 1000
D = 128
H = 256
C = 64


def _lin_init(key, fan_in, fan_out):
    return jax.random.normal(key, (fan_in, fan_out), jnp.float32) * (1.0 / np.sqrt(fan_in))


def setup_inputs(seed: int = 0) -> dict:
    key = jax.random.key(seed)
    ks = jax.random.split(key, 20)
    inp = {}
    inp["x"] = jax.random.normal(ks[0], (N, D), jnp.float32)
    inp["edge_index"] = jax.random.randint(ks[1], (2, E), 0, N)
    inp["missing_indices"] = jax.random.randint(ks[2], (M,), 0, N)
    # classifier SAGEConv 1 (D -> H): lin_l (aggregated, with bias), lin_r (root, no bias)
    inp["Wl1"] = _lin_init(ks[3], D, H)
    inp["bl1"] = jnp.zeros((H,), jnp.float32)
    inp["Wr1"] = _lin_init(ks[4], D, H)
    # classifier SAGEConv 2 (H -> H)
    inp["Wl2"] = _lin_init(ks[5], H, H)
    inp["bl2"] = jnp.zeros((H,), jnp.float32)
    inp["Wr2"] = _lin_init(ks[6], H, H)
    # final projection (H -> C)
    inp["Wp"] = _lin_init(ks[7], H, C)
    inp["bp"] = jnp.zeros((C,), jnp.float32)
    # generator SAGEConv (D -> H)
    inp["Wgl"] = _lin_init(ks[8], D, H)
    inp["bgl"] = jnp.zeros((H,), jnp.float32)
    inp["Wgr"] = _lin_init(ks[9], D, H)
    # generator decoder: Linear(H,H) -> ReLU -> Linear(H,D)
    inp["Wd1"] = _lin_init(ks[10], H, H)
    inp["bd1"] = jnp.zeros((H,), jnp.float32)
    inp["Wd2"] = _lin_init(ks[11], H, D)
    inp["bd2"] = jnp.zeros((D,), jnp.float32)
    return inp


def _sage_conv(x, src, dst, Wl, bl, Wr, n):
    # PyG-style SAGEConv with mean aggregation:
    # out = lin_l(mean_{j in N(i)} x_j) + lin_r(x_i)
    msg = x[src]
    agg = jax.ops.segment_sum(msg, dst, num_segments=n)
    cnt = jax.ops.segment_sum(jnp.ones((src.shape[0],), x.dtype), dst, num_segments=n)
    mean = agg / jnp.maximum(cnt, 1.0)[:, None]
    return mean @ Wl + bl + x @ Wr


def reference(x, edge_index, missing_indices, Wl1, bl1, Wr1, Wl2, bl2, Wr2, Wp, bp, Wgl, bgl, Wgr, Wd1, bd1, Wd2, bd2):
    src = edge_index[0]
    dst = edge_index[1]
    n = x.shape[0]
    # ---- generator (NeighborGenerator, eval mode: dropout = identity) ----
    h = jax.nn.relu(_sage_conv(x, src, dst, Wgl, bgl, Wgr, n))
    gen_feats = jax.nn.relu(h @ Wd1 + bd1) @ Wd2 + bd2
    new_feats = gen_feats[missing_indices]
    # ---- graph augmentation ----
    x_aug = jnp.concatenate([x, new_feats], axis=0)
    m = missing_indices.shape[0]
    new_node_indices = jnp.arange(n, n + m, dtype=missing_indices.dtype)
    row = jnp.concatenate([missing_indices, new_node_indices])
    col = jnp.concatenate([new_node_indices, missing_indices])
    src_aug = jnp.concatenate([src, row])
    dst_aug = jnp.concatenate([dst, col])
    n_aug = n + m
    # ---- classifier (eval mode: dropout = identity) ----
    h1 = jax.nn.relu(_sage_conv(x_aug, src_aug, dst_aug, Wl1, bl1, Wr1, n_aug))
    h2 = jax.nn.relu(_sage_conv(h1, src_aug, dst_aug, Wl2, bl2, Wr2, n_aug))
    return h2 @ Wp + bp

if __name__ == "__main__":
    import jax
    _d = setup_inputs()
    print(jax.jit(kernel)(*tuple(_d.values())))

</pallas_src>

<mosaic_0001>
#map = affine_map<(d0, d1) -> (0, 0)>
#map1 = affine_map<(d0, d1) -> (0)>
module attributes {stable_mosaic.version = 14 : i64} {
  func.func @k(%arg0: i32, %arg1: i32, %arg2: memref<10240x128xf32, #tpu.memory_space<hbm>>, %arg3: memref<2560x128xi32, #tpu.memory_space<hbm>>, %arg4: memref<2560x128xi32, #tpu.memory_space<hbm>>, %arg5: memref<20480x128xf32, #tpu.memory_space<hbm>>, %arg6: memref<20480xf32, #tpu.memory_space<hbm>>, %arg7: memref<8x128xi32, #tpu.memory_space<vmem>>, %arg8: memref<8x128xi32, #tpu.memory_space<vmem>>, %arg9: memref<128x128xf32, #tpu.memory_space<vmem>>, %arg10: memref<128x128xf32, #tpu.memory_space<vmem>>, %arg11: memref<10240x128xf32, #tpu.memory_space<vmem_shared>>, %arg12: memref<!tpu.dma_semaphore, #tpu.memory_space<semaphore_mem>>, %arg13: memref<!tpu.dma_semaphore, #tpu.memory_space<semaphore_mem>>, %arg14: memref<!tpu.dma_semaphore, #tpu.memory_space<semaphore_mem>>, %arg15: memref<!tpu.dma_semaphore, #tpu.memory_space<semaphore_mem>>, %arg16: memref<128xf32, #tpu.memory_space<vmem>>, %arg17: memref<10240xf32, #tpu.memory_space<vmem_shared>>) attributes {dimension_semantics = [#tpu.dimension_semantics<core_parallel>, #tpu.dimension_semantics<subcore_parallel>], iteration_bounds = array<i64: 2, 16>, scalar_prefetch = 0 : i64, scratch_operands = 11 : i64, tpu.core_type = #tpu.core_type<sc_vector_subcore>, window_params = [{transform_indices = #map}, {transform_indices = #map}, {transform_indices = #map}, {transform_indices = #map}, {transform_indices = #map1}]} {
    %mul3A = arith.constant 2 : i32
    %mul3A_0 = arith.muli %arg1, %mul3A : i32
    %add3A = arith.addi %mul3A_0, %arg0 : i32
    %scan3A = arith.constant 0 : i32
    %scan3A_1 = arith.constant 0 : i32
    %scan3A_2 = arith.constant 1024 : i32
    %scan3A_3 = arith.addi %scan3A_1, %scan3A_2 : i32
    %scan3A_4 = arith.constant 1 : i32
    scf.for %scan3A_88 = %scan3A_1 to %scan3A_3 step %scan3A_4  : i32 {
      %broadcast_in_dim3A_89 = arith.constant 0.000000e+00 : f32
      %broadcast_in_dim3A_90 = vector.broadcast %broadcast_in_dim3A_89 : f32 to vector<16xf32>
      %jit3A = arith.constant 8 : i32
      %div3A = arith.divsi %scan3A_88, %jit3A : i32
      %sign3A = arith.constant 0 : i32
      %sign3A_91 = arith.cmpi sgt, %scan3A_88, %sign3A : i32
      %sign3A_92 = arith.extui %sign3A_91 : i1 to i32
      %sign3A_93 = arith.constant 0 : i32
      %sign3A_94 = arith.cmpi slt, %scan3A_88, %sign3A_93 : i32
      %sign3A_95 = arith.extui %sign3A_94 : i1 to i32
      %sign3A_96 = arith.subi %sign3A_92, %sign3A_95 : i32
      %sign3A_97 = arith.constant 0 : i32
      %sign3A_98 = arith.cmpi sgt, %jit3A, %sign3A_97 : i32
      %sign3A_99 = arith.extui %sign3A_98 : i1 to i32
      %sign3A_100 = arith.constant 0 : i32
      %sign3A_101 = arith.cmpi slt, %jit3A, %sign3A_100 : i32
      %sign3A_102 = arith.extui %sign3A_101 : i1 to i32
      %sign3A_103 = arith.subi %sign3A_99, %sign3A_102 : i32
      %ne3A = arith.cmpi ne, %sign3A_96, %sign3A_103 : i32
      %rem3A = arith.remsi %scan3A_88, %jit3A : i32
      %ne3A_104 = arith.constant 0 : i32
      %ne3A_105 = arith.cmpi ne, %rem3A, %ne3A_104 : i32
      %and3A = arith.andi %ne3A, %ne3A_105 : i1
      %sub3A = arith.constant 1 : i32
      %sub3A_106 = arith.subi %div3A, %sub3A : i32
      %select_n3A = arith.select %and3A, %sub3A_106, %div3A : i32
      %jit3A_107 = arith.constant 8 : i32
      %eq3A = arith.constant 0 : i32
      %eq3A_108 = arith.cmpi eq, %jit3A_107, %eq3A : i32
      %jit3A_109 = arith.constant 1 : i32
      %select_n3A_110 = arith.select %eq3A_108, %jit3A_109, %jit3A_107 : i32
      %rem3A_111 = arith.remsi %scan3A_88, %select_n3A_110 : i32
      %ne3A_112 = arith.constant 0 : i32
      %ne3A_113 = arith.cmpi ne, %rem3A_111, %ne3A_112 : i32
      %lt3A = arith.constant 0 : i32
      %lt3A_114 = arith.cmpi slt, %rem3A_111, %lt3A : i32
      %lt3A_115 = arith.constant 0 : i32
      %lt3A_116 = arith.cmpi slt, %select_n3A_110, %lt3A_115 : i32
      %ne3A_117 = arith.xori %lt3A_114, %lt3A_116 : i1
      %and3A_118 = arith.andi %ne3A_117, %ne3A_113 : i1
      %add3A_119 = arith.addi %rem3A_111, %select_n3A_110 : i32
      %select_n3A_120 = arith.select %and3A_118, %add3A_119, %rem3A_111 : i32
      %mul3A_121 = arith.constant 16 : i32
      %mul3A_122 = arith.muli %select_n3A_120, %mul3A_121 : i32
      %swap3A_123 = arith.index_cast %select_n3A : i32 to index
      %swap3A_124 = arith.index_cast %mul3A_122 : i32 to index
      %swap3A_125 = tpu.vector_load %arg9[%swap3A_123, %swap3A_124] {strides = array<i32>} : memref<128x128xf32, #tpu.memory_space<vmem>>, vector<1x16xf32>,
      %swap3A_126 = vector.shape_cast %swap3A_125 : vector<1x16xf32> to vector<16xf32>
      %swap3A_127 = vector.shape_cast %broadcast_in_dim3A_90 : vector<16xf32> to vector<1x16xf32>
      tpu.vector_store %arg9[%swap3A_123, %swap3A_124], %swap3A_127 {strides = array<i32>} : memref<128x128xf32, #tpu.memory_space<vmem>>, vector<1x16xf32>,
    }
    %scan3A_5 = arith.constant 1024 : i32
    %mul3A_6 = arith.constant 640 : i32
    %mul3A_7 = arith.muli %arg1, %mul3A_6 : i32
    %add3A_8 = arith.constant 0 : i32
    %add3A_9 = arith.addi %mul3A_7, %add3A_8 : i32
    "tpu.region"() ({
      %run_scoped3A_88 = tpu.sem_alloc : memref<!tpu.dma_semaphore, #tpu.memory_space<semaphore_mem>>
      %dma_start3A = arith.constant 0 : i32
      %dma_start3A_89 = tpu.memref_slice %arg11[%add3A_9, %dma_start3A] : memref<10240x128xf32, #tpu.memory_space<vmem_shared>> -> memref<128x128xf32, #tpu.memory_space<vmem_shared>>
      %dma_start3A_90 = arith.constant 0 : i32
      %dma_start3A_91 = tpu.memref_slice %arg11[%add3A_9, %dma_start3A_90] : memref<10240x128xf32, #tpu.memory_space<vmem_shared>> -> memref<128x128xf32, #tpu.memory_space<vmem_shared>>
      tpu.enqueue_dma source(%arg9 : memref<128x128xf32, #tpu.memory_space<vmem>>) target(%dma_start3A_91 : memref<128x128xf32, #tpu.memory_space<vmem_shared>>) target_semaphore(%run_scoped3A_88 : memref<!tpu.dma_semaphore, #tpu.memory_space<semaphore_mem>>)
      %dma_wait3A = arith.constant 0 : i32
      %dma_wait3A_92 = tpu.memref_slice %arg11[%add3A_9, %dma_wait3A] : memref<10240x128xf32, #tpu.memory_space<vmem_shared>> -> memref<128x128xf32, #tpu.memory_space<vmem_shared>>
      %dma_wait3A_93 = arith.constant 0 : i32
      %dma_wait3A_94 = tpu.memref_slice %arg11[%add3A_9, %dma_wait3A_93] : memref<10240x128xf32, #tpu.memory_space<vmem_shared>> -> memref<128x128xf32, #tpu.memory_space<vmem_shared>>
      tpu.wait_dma2 semaphore(%run_scoped3A_88 : memref<!tpu.dma_semaphore, #tpu.memory_space<semaphore_mem>>) src(%arg9 : memref<128x128xf32, #tpu.memory_space<vmem>>) dst(%dma_wait3A_94 : memref<128x128xf32, #tpu.memory_space<vmem_shared>>)
      tpu.yield
    }) : () -> ()
    %add3A_10 = arith.constant 0 : i32
    %add3A_11 = arith.addi %mul3A_7, %add3A_10 : i32
    %run_scoped3A = arith.constant 0 : i32
    "tpu.region"() ({
      %run_scoped3A_88 = tpu.sem_alloc : memref<!tpu.dma_semaphore, #tpu.memory_space<semaphore_mem>>
      %dma_start3A = arith.constant 0 : i32
      %dma_start3A_89 = tpu.memref_slice %arg9[%run_scoped3A, %dma_start3A] : memref<128x128xf32, #tpu.memory_space<vmem>> -> memref<1x128xf32, #tpu.memory_space<vmem>>
      %dma_start3A_90 = tpu.memref_squeeze %dma_start3A_89 : memref<1x128xf32, #tpu.memory_space<vmem>> -> memref<128xf32, #tpu.memory_space<vmem>>
      %dma_start3A_91 = tpu.memref_slice %arg17[%add3A_11] : memref<10240xf32, #tpu.memory_space<vmem_shared>> -> memref<128xf32, #tpu.memory_space<vmem_shared>>
      %dma_start3A_92 = tpu.memref_slice %arg17[%add3A_11] : memref<10240xf32, #tpu.memory_space<vmem_shared>> -> memref<128xf32, #tpu.memory_space<vmem_shared>>
      %dma_start3A_93 = arith.constant 0 : i32
      %dma_start3A_94 = tpu.memref_slice %arg9[%run_scoped3A, %dma_start3A_93] : memref<128x128xf32, #tpu.memory_space<vmem>> -> memref<1x128xf32, #tpu.memory_space<vmem>>
      %dma_start3A_95 = tpu.memref_squeeze %dma_start3A_94 : memref<1x128xf32, #tpu.memory_space<vmem>> -> memref<128xf32, #tpu.memory_space<vmem>>
      tpu.enqueue_dma source(%dma_start3A_95 : memref<128xf32, #tpu.memory_space<vmem>>) target(%dma_start3A_92 : memref<128xf32, #tpu.memory_space<vmem_shared>>) target_semaphore(%run_scoped3A_88 : memref<!tpu.dma_semaphore, #tpu.memory_space<semaphore_mem>>)
      %dma_wait3A = arith.constant 0 : i32
      %dma_wait3A_96 = tpu.memref_slice %arg9[%run_scoped3A, %dma_wait3A] : memref<128x128xf32, #tpu.memory_space<vmem>> -> memref<1x128xf32, #tpu.memory_space<vmem>>
      %dma_wait3A_97 = tpu.memref_squeeze %dma_wait3A_96 : memref<1x128xf32, #tpu.memory_space<vmem>> -> memref<128xf32, #tpu.memory_space<vmem>>
      %dma_wait3A_98 = tpu.memref_slice %arg17[%add3A_11] : memref<10240xf32, #tpu.memory_space<vmem_shared>> -> memref<128xf32, #tpu.memory_space<vmem_shared>>
      %dma_wait3A_99 = tpu.memref_slice %arg17[%add3A_11] : memref<10240xf32, #tpu.memory_space<vmem_shared>> -> memref<128xf32, #tpu.memory_space<vmem_shared>>
      %dma_wait3A_100 = arith.constant 0 : i32
      %dma_wait3A_101 = tpu.memref_slice %arg9[%run_scoped3A, %dma_wait3A_100] : memref<128x128xf32, #tpu.memory_space<vmem>> -> memref<1x128xf32, #tpu.memory_space<vmem>>
      %dma_wait3A_102 = tpu.memref_squeeze %dma_wait3A_101 : memref<1x128xf32, #tpu.memory_space<vmem>> -> memref<128xf32, #tpu.memory_space<vmem>>
      tpu.wait_dma2 semaphore(%run_scoped3A_88 : memref<!tpu.dma_semaphore, #tpu.memory_space<semaphore_mem>>) src(%dma_wait3A_102 : memref<128xf32, #tpu.memory_space<vmem>>) dst(%dma_wait3A_99 : memref<128xf32, #tpu.memory_space<vmem_shared>>)
      tpu.yield
    }) : () -> ()
    %add3A_12 = arith.constant 128 : i32
    %add3A_13 = arith.addi %mul3A_7, %add3A_12 : i32
    "tpu.region"() ({
      %run_scoped3A_88 = tpu.sem_alloc : memref<!tpu.dma_semaphore, #tpu.memory_space<semaphore_mem>>
      %dma_start3A = arith.constant 0 : i32
      %dma_start3A_89 = tpu.memref_slice %arg11[%add3A_13, %dma_start3A] : memref<10240x128xf32, #tpu.memory_space<vmem_shared>> -> memref<128x128xf32, #tpu.memory_space<vmem_shared>>
      %dma_start3A_90 = arith.constant 0 : i32
      %dma_start3A_91 = tpu.memref_slice %arg11[%add3A_13, %dma_start3A_90] : memref<10240x128xf32, #tpu.memory_space<vmem_shared>> -> memref<128x128xf32, #tpu.memory_space<vmem_shared>>
      tpu.enqueue_dma source(%arg9 : memref<128x128xf32, #tpu.memory_space<vmem>>) target(%dma_start3A_91 : memref<128x128xf32, #tpu.memory_space<vmem_shared>>) target_semaphore(%run_scoped3A_88 : memref<!tpu.dma_semaphore, #tpu.memory_space<semaphore_mem>>)
      %dma_wait3A = arith.constant 0 : i32
      %dma_wait3A_92 = tpu.memref_slice %arg11[%add3A_13, %dma_wait3A] : memref<10240x128xf32, #tpu.memory_space<vmem_shared>> -> memref<128x128xf32, #tpu.memory_space<vmem_shared>>
      %dma_wait3A_93 = arith.constant 0 : i32
      %dma_wait3A_94 = tpu.memref_slice %arg11[%add3A_13, %dma_wait3A_93] : memref<10240x128xf32, #tpu.memory_space<vmem_shared>> -> memref<128x128xf32, #tpu.memory_space<vmem_shared>>
      tpu.wait_dma2 semaphore(%run_scoped3A_88 : memref<!tpu.dma_semaphore, #tpu.memory_space<semaphore_mem>>) src(%arg9 : memref<128x128xf32, #tpu.memory_space<vmem>>) dst(%dma_wait3A_94 : memref<128x128xf32, #tpu.memory_space<vmem_shared>>)
      tpu.yield
    }) : () -> ()
    %add3A_14 = arith.constant 128 : i32
    %add3A_15 = arith.addi %mul3A_7, %add3A_14 : i32
    %run_scoped3A_16 = arith.constant 0 : i32
    "tpu.region"() ({
      %run_scoped3A_88 = tpu.sem_alloc : memref<!tpu.dma_semaphore, #tpu.memory_space<semaphore_mem>>
      %dma_start3A = arith.constant 0 : i32
      %dma_start3A_89 = tpu.memref_slice %arg9[%run_scoped3A_16, %dma_start3A] : memref<128x128xf32, #tpu.memory_space<vmem>> -> memref<1x128xf32, #tpu.memory_space<vmem>>
      %dma_start3A_90 = tpu.memref_squeeze %dma_start3A_89 : memref<1x128xf32, #tpu.memory_space<vmem>> -> memref<128xf32, #tpu.memory_space<vmem>>
      %dma_start3A_91 = tpu.memref_slice %arg17[%add3A_15] : memref<10240xf32, #tpu.memory_space<vmem_shared>> -> memref<128xf32, #tpu.memory_space<vmem_shared>>
      %dma_start3A_92 = tpu.memref_slice %arg17[%add3A_15] : memref<10240xf32, #tpu.memory_space<vmem_shared>> -> memref<128xf32, #tpu.memory_space<vmem_shared>>
      %dma_start3A_93 = arith.constant 0 : i32
      %dma_start3A_94 = tpu.memref_slice %arg9[%run_scoped3A_16, %dma_start3A_93] : memref<128x128xf32, #tpu.memory_space<vmem>> -> memref<1x128xf32, #tpu.memory_space<vmem>>
      %dma_start3A_95 = tpu.memref_squeeze %dma_start3A_94 : memref<1x128xf32, #tpu.memory_space<vmem>> -> memref<128xf32, #tpu.memory_space<vmem>>
      tpu.enqueue_dma source(%dma_start3A_95 : memref<128xf32, #tpu.memory_space<vmem>>) target(%dma_start3A_92 : memref<128xf32, #tpu.memory_space<vmem_shared>>) target_semaphore(%run_scoped3A_88 : memref<!tpu.dma_semaphore, #tpu.memory_space<semaphore_mem>>)
      %dma_wait3A = arith.constant 0 : i32
      %dma_wait3A_96 = tpu.memref_slice %arg9[%run_scoped3A_16, %dma_wait3A] : memref<128x128xf32, #tpu.memory_space<vmem>> -> memref<1x128xf32, #tpu.memory_space<vmem>>
      %dma_wait3A_97 = tpu.memref_squeeze %dma_wait3A_96 : memref<1x128xf32, #tpu.memory_space<vmem>> -> memref<128xf32, #tpu.memory_space<vmem>>
      %dma_wait3A_98 = tpu.memref_slice %arg17[%add3A_15] : memref<10240xf32, #tpu.memory_space<vmem_shared>> -> memref<128xf32, #tpu.memory_space<vmem_shared>>
      %dma_wait3A_99 = tpu.memref_slice %arg17[%add3A_15] : memref<10240xf32, #tpu.memory_space<vmem_shared>> -> memref<128xf32, #tpu.memory_space<vmem_shared>>
      %dma_wait3A_100 = arith.constant 0 : i32
      %dma_wait3A_101 = tpu.memref_slice %arg9[%run_scoped3A_16, %dma_wait3A_100] : memref<128x128xf32, #tpu.memory_space<vmem>> -> memref<1x128xf32, #tpu.memory_space<vmem>>
      %dma_wait3A_102 = tpu.memref_squeeze %dma_wait3A_101 : memref<1x128xf32, #tpu.memory_space<vmem>> -> memref<128xf32, #tpu.memory_space<vmem>>
      tpu.wait_dma2 semaphore(%run_scoped3A_88 : memref<!tpu.dma_semaphore, #tpu.memory_space<semaphore_mem>>) src(%dma_wait3A_102 : memref<128xf32, #tpu.memory_space<vmem>>) dst(%dma_wait3A_99 : memref<128xf32, #tpu.memory_space<vmem_shared>>)
      tpu.yield
    }) : () -> ()
    %add3A_17 = arith.constant 256 : i32
    %add3A_18 = arith.addi %mul3A_7, %add3A_17 : i32
    "tpu.region"() ({
      %run_scoped3A_88 = tpu.sem_alloc : memref<!tpu.dma_semaphore, #tpu.memory_space<semaphore_mem>>
      %dma_start3A = arith.constant 0 : i32
      %dma_start3A_89 = tpu.memref_slice %arg11[%add3A_18, %dma_start3A] : memref<10240x128xf32, #tpu.memory_space<vmem_shared>> -> memref<128x128xf32, #tpu.memory_space<vmem_shared>>
      %dma_start3A_90 = arith.constant 0 : i32
      %dma_start3A_91 = tpu.memref_slice %arg11[%add3A_18, %dma_start3A_90] : memref<10240x128xf32, #tpu.memory_space<vmem_shared>> -> memref<128x128xf32, #tpu.memory_space<vmem_shared>>
      tpu.enqueue_dma source(%arg9 : memref<128x128xf32, #tpu.memory_space<vmem>>) target(%dma_start3A_91 : memref<128x128xf32, #tpu.memory_space<vmem_shared>>) target_semaphore(%run_scoped3A_88 : memref<!tpu.dma_semaphore, #tpu.memory_space<semaphore_mem>>)
      %dma_wait3A = arith.constant 0 : i32
      %dma_wait3A_92 = tpu.memref_slice %arg11[%add3A_18, %dma_wait3A] : memref<10240x128xf32, #tpu.memory_space<vmem_shared>> -> memref<128x128xf32, #tpu.memory_space<vmem_shared>>
      %dma_wait3A_93 = arith.constant 0 : i32
      %dma_wait3A_94 = tpu.memref_slice %arg11[%add3A_18, %dma_wait3A_93] : memref<10240x128xf32, #tpu.memory_space<vmem_shared>> -> memref<128x128xf32, #tpu.memory_space<vmem_shared>>
      tpu.wait_dma2 semaphore(%run_scoped3A_88 : memref<!tpu.dma_semaphore, #tpu.memory_space<semaphore_mem>>) src(%arg9 : memref<128x128xf32, #tpu.memory_space<vmem>>) dst(%dma_wait3A_94 : memref<128x128xf32, #tpu.memory_space<vmem_shared>>)
      tpu.yield
    }) : () -> ()
    %add3A_19 = arith.constant 256 : i32
    %add3A_20 = arith.addi %mul3A_7, %add3A_19 : i32
    %run_scoped3A_21 = arith.constant 0 : i32
    "tpu.region"() ({
      %run_scoped3A_88 = tpu.sem_alloc : memref<!tpu.dma_semaphore, #tpu.memory_space<semaphore_mem>>
      %dma_start3A = arith.constant 0 : i32
      %dma_start3A_89 = tpu.memref_slice %arg9[%run_scoped3A_21, %dma_start3A] : memref<128x128xf32, #tpu.memory_space<vmem>> -> memref<1x128xf32, #tpu.memory_space<vmem>>
      %dma_start3A_90 = tpu.memref_squeeze %dma_start3A_89 : memref<1x128xf32, #tpu.memory_space<vmem>> -> memref<128xf32, #tpu.memory_space<vmem>>
      %dma_start3A_91 = tpu.memref_slice %arg17[%add3A_20] : memref<10240xf32, #tpu.memory_space<vmem_shared>> -> memref<128xf32, #tpu.memory_space<vmem_shared>>
      %dma_start3A_92 = tpu.memref_slice %arg17[%add3A_20] : memref<10240xf32, #tpu.memory_space<vmem_shared>> -> memref<128xf32, #tpu.memory_space<vmem_shared>>
      %dma_start3A_93 = arith.constant 0 : i32
      %dma_start3A_94 = tpu.memref_slice %arg9[%run_scoped3A_21, %dma_start3A_93] : memref<128x128xf32, #tpu.memory_space<vmem>> -> memref<1x128xf32, #tpu.memory_space<vmem>>
      %dma_start3A_95 = tpu.memref_squeeze %dma_start3A_94 : memref<1x128xf32, #tpu.memory_space<vmem>> -> memref<128xf32, #tpu.memory_space<vmem>>
      tpu.enqueue_dma source(%dma_start3A_95 : memref<128xf32, #tpu.memory_space<vmem>>) target(%dma_start3A_92 : memref<128xf32, #tpu.memory_space<vmem_shared>>) target_semaphore(%run_scoped3A_88 : memref<!tpu.dma_semaphore, #tpu.memory_space<semaphore_mem>>)
      %dma_wait3A = arith.constant 0 : i32
      %dma_wait3A_96 = tpu.memref_slice %arg9[%run_scoped3A_21, %dma_wait3A] : memref<128x128xf32, #tpu.memory_space<vmem>> -> memref<1x128xf32, #tpu.memory_space<vmem>>
      %dma_wait3A_97 = tpu.memref_squeeze %dma_wait3A_96 : memref<1x128xf32, #tpu.memory_space<vmem>> -> memref<128xf32, #tpu.memory_space<vmem>>
      %dma_wait3A_98 = tpu.memref_slice %arg17[%add3A_20] : memref<10240xf32, #tpu.memory_space<vmem_shared>> -> memref<128xf32, #tpu.memory_space<vmem_shared>>
      %dma_wait3A_99 = tpu.memref_slice %arg17[%add3A_20] : memref<10240xf32, #tpu.memory_space<vmem_shared>> -> memref<128xf32, #tpu.memory_space<vmem_shared>>
      %dma_wait3A_100 = arith.constant 0 : i32
      %dma_wait3A_101 = tpu.memref_slice %arg9[%run_scoped3A_21, %dma_wait3A_100] : memref<128x128xf32, #tpu.memory_space<vmem>> -> memref<1x128xf32, #tpu.memory_space<vmem>>
      %dma_wait3A_102 = tpu.memref_squeeze %dma_wait3A_101 : memref<1x128xf32, #tpu.memory_space<vmem>> -> memref<128xf32, #tpu.memory_space<vmem>>
      tpu.wait_dma2 semaphore(%run_scoped3A_88 : memref<!tpu.dma_semaphore, #tpu.memory_space<semaphore_mem>>) src(%dma_wait3A_102 : memref<128xf32, #tpu.memory_space<vmem>>) dst(%dma_wait3A_99 : memref<128xf32, #tpu.memory_space<vmem_shared>>)
      tpu.yield
    }) : () -> ()
    %add3A_22 = arith.constant 384 : i32
    %add3A_23 = arith.addi %mul3A_7, %add3A_22 : i32
    "tpu.region"() ({
      %run_scoped3A_88 = tpu.sem_alloc : memref<!tpu.dma_semaphore, #tpu.memory_space<semaphore_mem>>
      %dma_start3A = arith.constant 0 : i32
      %dma_start3A_89 = tpu.memref_slice %arg11[%add3A_23, %dma_start3A] : memref<10240x128xf32, #tpu.memory_space<vmem_shared>> -> memref<128x128xf32, #tpu.memory_space<vmem_shared>>
      %dma_start3A_90 = arith.constant 0 : i32
      %dma_start3A_91 = tpu.memref_slice %arg11[%add3A_23, %dma_start3A_90] : memref<10240x128xf32, #tpu.memory_space<vmem_shared>> -> memref<128x128xf32, #tpu.memory_space<vmem_shared>>
      tpu.enqueue_dma source(%arg9 : memref<128x128xf32, #tpu.memory_space<vmem>>) target(%dma_start3A_91 : memref<128x128xf32, #tpu.memory_space<vmem_shared>>) target_semaphore(%run_scoped3A_88 : memref<!tpu.dma_semaphore, #tpu.memory_space<semaphore_mem>>)
      %dma_wait3A = arith.constant 0 : i32
      %dma_wait3A_92 = tpu.memref_slice %arg11[%add3A_23, %dma_wait3A] : memref<10240x128xf32, #tpu.memory_space<vmem_shared>> -> memref<128x128xf32, #tpu.memory_space<vmem_shared>>
      %dma_wait3A_93 = arith.constant 0 : i32
      %dma_wait3A_94 = tpu.memref_slice %arg11[%add3A_23, %dma_wait3A_93] : memref<10240x128xf32, #tpu.memory_space<vmem_shared>> -> memref<128x128xf32, #tpu.memory_space<vmem_shared>>
      tpu.wait_dma2 semaphore(%run_scoped3A_88 : memref<!tpu.dma_semaphore, #tpu.memory_space<semaphore_mem>>) src(%arg9 : memref<128x128xf32, #tpu.memory_space<vmem>>) dst(%dma_wait3A_94 : memref<128x128xf32, #tpu.memory_space<vmem_shared>>)
      tpu.yield
    }) : () -> ()
    %add3A_24 = arith.constant 384 : i32
    %add3A_25 = arith.addi %mul3A_7, %add3A_24 : i32
    %run_scoped3A_26 = arith.constant 0 : i32
    "tpu.region"() ({
      %run_scoped3A_88 = tpu.sem_alloc : memref<!tpu.dma_semaphore, #tpu.memory_space<semaphore_mem>>
      %dma_start3A = arith.constant 0 : i32
      %dma_start3A_89 = tpu.memref_slice %arg9[%run_scoped3A_26, %dma_start3A] : memref<128x128xf32, #tpu.memory_space<vmem>> -> memref<1x128xf32, #tpu.memory_space<vmem>>
      %dma_start3A_90 = tpu.memref_squeeze %dma_start3A_89 : memref<1x128xf32, #tpu.memory_space<vmem>> -> memref<128xf32, #tpu.memory_space<vmem>>
      %dma_start3A_91 = tpu.memref_slice %arg17[%add3A_25] : memref<10240xf32, #tpu.memory_space<vmem_shared>> -> memref<128xf32, #tpu.memory_space<vmem_shared>>
      %dma_start3A_92 = tpu.memref_slice %arg17[%add3A_25] : memref<10240xf32, #tpu.memory_space<vmem_shared>> -> memref<128xf32, #tpu.memory_space<vmem_shared>>
      %dma_start3A_93 = arith.constant 0 : i32
      %dma_start3A_94 = tpu.memref_slice %arg9[%run_scoped3A_26, %dma_start3A_93] : memref<128x128xf32, #tpu.memory_space<vmem>> -> memref<1x128xf32, #tpu.memory_space<vmem>>
      %dma_start3A_95 = tpu.memref_squeeze %dma_start3A_94 : memref<1x128xf32, #tpu.memory_space<vmem>> -> memref<128xf32, #tpu.memory_space<vmem>>
      tpu.enqueue_dma source(%dma_start3A_95 : memref<128xf32, #tpu.memory_space<vmem>>) target(%dma_start3A_92 : memref<128xf32, #tpu.memory_space<vmem_shared>>) target_semaphore(%run_scoped3A_88 : memref<!tpu.dma_semaphore, #tpu.memory_space<semaphore_mem>>)
      %dma_wait3A = arith.constant 0 : i32
      %dma_wait3A_96 = tpu.memref_slice %arg9[%run_scoped3A_26, %dma_wait3A] : memref<128x128xf32, #tpu.memory_space<vmem>> -> memref<1x128xf32, #tpu.memory_space<vmem>>
      %dma_wait3A_97 = tpu.memref_squeeze %dma_wait3A_96 : memref<1x128xf32, #tpu.memory_space<vmem>> -> memref<128xf32, #tpu.memory_space<vmem>>
      %dma_wait3A_98 = tpu.memref_slice %arg17[%add3A_25] : memref<10240xf32, #tpu.memory_space<vmem_shared>> -> memref<128xf32, #tpu.memory_space<vmem_shared>>
      %dma_wait3A_99 = tpu.memref_slice %arg17[%add3A_25] : memref<10240xf32, #tpu.memory_space<vmem_shared>> -> memref<128xf32, #tpu.memory_space<vmem_shared>>
      %dma_wait3A_100 = arith.constant 0 : i32
      %dma_wait3A_101 = tpu.memref_slice %arg9[%run_scoped3A_26, %dma_wait3A_100] : memref<128x128xf32, #tpu.memory_space<vmem>> -> memref<1x128xf32, #tpu.memory_space<vmem>>
      %dma_wait3A_102 = tpu.memref_squeeze %dma_wait3A_101 : memref<1x128xf32, #tpu.memory_space<vmem>> -> memref<128xf32, #tpu.memory_space<vmem>>
      tpu.wait_dma2 semaphore(%run_scoped3A_88 : memref<!tpu.dma_semaphore, #tpu.memory_space<semaphore_mem>>) src(%dma_wait3A_102 : memref<128xf32, #tpu.memory_space<vmem>>) dst(%dma_wait3A_99 : memref<128xf32, #tpu.memory_space<vmem_shared>>)
      tpu.yield
    }) : () -> ()
    %add3A_27 = arith.constant 512 : i32
    %add3A_28 = arith.addi %mul3A_7, %add3A_27 : i32
    "tpu.region"() ({
      %run_scoped3A_88 = tpu.sem_alloc : memref<!tpu.dma_semaphore, #tpu.memory_space<semaphore_mem>>
      %dma_start3A = arith.constant 0 : i32
      %dma_start3A_89 = tpu.memref_slice %arg11[%add3A_28, %dma_start3A] : memref<10240x128xf32, #tpu.memory_space<vmem_shared>> -> memref<128x128xf32, #tpu.memory_space<vmem_shared>>
      %dma_start3A_90 = arith.constant 0 : i32
      %dma_start3A_91 = tpu.memref_slice %arg11[%add3A_28, %dma_start3A_90] : memref<10240x128xf32, #tpu.memory_space<vmem_shared>> -> memref<128x128xf32, #tpu.memory_space<vmem_shared>>
      tpu.enqueue_dma source(%arg9 : memref<128x128xf32, #tpu.memory_space<vmem>>) target(%dma_start3A_91 : memref<128x128xf32, #tpu.memory_space<vmem_shared>>) target_semaphore(%run_scoped3A_88 : memref<!tpu.dma_semaphore, #tpu.memory_space<semaphore_mem>>)
      %dma_wait3A = arith.constant 0 : i32
      %dma_wait3A_92 = tpu.memref_slice %arg11[%add3A_28, %dma_wait3A] : memref<10240x128xf32, #tpu.memory_space<vmem_shared>> -> memref<128x128xf32, #tpu.memory_space<vmem_shared>>
      %dma_wait3A_93 = arith.constant 0 : i32
      %dma_wait3A_94 = tpu.memref_slice %arg11[%add3A_28, %dma_wait3A_93] : memref<10240x128xf32, #tpu.memory_space<vmem_shared>> -> memref<128x128xf32, #tpu.memory_space<vmem_shared>>
      tpu.wait_dma2 semaphore(%run_scoped3A_88 : memref<!tpu.dma_semaphore, #tpu.memory_space<semaphore_mem>>) src(%arg9 : memref<128x128xf32, #tpu.memory_space<vmem>>) dst(%dma_wait3A_94 : memref<128x128xf32, #tpu.memory_space<vmem_shared>>)
      tpu.yield
    }) : () -> ()
    %add3A_29 = arith.constant 512 : i32
    %add3A_30 = arith.addi %mul3A_7, %add3A_29 : i32
    %run_scoped3A_31 = arith.constant 0 : i32
    "tpu.region"() ({
      %run_scoped3A_88 = tpu.sem_alloc : memref<!tpu.dma_semaphore, #tpu.memory_space<semaphore_mem>>
      %dma_start3A = arith.constant 0 : i32
      %dma_start3A_89 = tpu.memref_slice %arg9[%run_scoped3A_31, %dma_start3A] : memref<128x128xf32, #tpu.memory_space<vmem>> -> memref<1x128xf32, #tpu.memory_space<vmem>>
      %dma_start3A_90 = tpu.memref_squeeze %dma_start3A_89 : memref<1x128xf32, #tpu.memory_space<vmem>> -> memref<128xf32, #tpu.memory_space<vmem>>
      %dma_start3A_91 = tpu.memref_slice %arg17[%add3A_30] : memref<10240xf32, #tpu.memory_space<vmem_shared>> -> memref<128xf32, #tpu.memory_space<vmem_shared>>
      %dma_start3A_92 = tpu.memref_slice %arg17[%add3A_30] : memref<10240xf32, #tpu.memory_space<vmem_shared>> -> memref<128xf32, #tpu.memory_space<vmem_shared>>
      %dma_start3A_93 = arith.constant 0 : i32
      %dma_start3A_94 = tpu.memref_slice %arg9[%run_scoped3A_31, %dma_start3A_93] : memref<128x128xf32, #tpu.memory_space<vmem>> -> memref<1x128xf32, #tpu.memory_space<vmem>>
      %dma_start3A_95 = tpu.memref_squeeze %dma_start3A_94 : memref<1x128xf32, #tpu.memory_space<vmem>> -> memref<128xf32, #tpu.memory_space<vmem>>
      tpu.enqueue_dma source(%dma_start3A_95 : memref<128xf32, #tpu.memory_space<vmem>>) target(%dma_start3A_92 : memref<128xf32, #tpu.memory_space<vmem_shared>>) target_semaphore(%run_scoped3A_88 : memref<!tpu.dma_semaphore, #tpu.memory_space<semaphore_mem>>)
      %dma_wait3A = arith.constant 0 : i32
      %dma_wait3A_96 = tpu.memref_slice %arg9[%run_scoped3A_31, %dma_wait3A] : memref<128x128xf32, #tpu.memory_space<vmem>> -> memref<1x128xf32, #tpu.memory_space<vmem>>
      %dma_wait3A_97 = tpu.memref_squeeze %dma_wait3A_96 : memref<1x128xf32, #tpu.memory_space<vmem>> -> memref<128xf32, #tpu.memory_space<vmem>>
      %dma_wait3A_98 = tpu.memref_slice %arg17[%add3A_30] : memref<10240xf32, #tpu.memory_space<vmem_shared>> -> memref<128xf32, #tpu.memory_space<vmem_shared>>
      %dma_wait3A_99 = tpu.memref_slice %arg17[%add3A_30] : memref<10240xf32, #tpu.memory_space<vmem_shared>> -> memref<128xf32, #tpu.memory_space<vmem_shared>>
      %dma_wait3A_100 = arith.constant 0 : i32
      %dma_wait3A_101 = tpu.memref_slice %arg9[%run_scoped3A_31, %dma_wait3A_100] : memref<128x128xf32, #tpu.memory_space<vmem>> -> memref<1x128xf32, #tpu.memory_space<vmem>>
      %dma_wait3A_102 = tpu.memref_squeeze %dma_wait3A_101 : memref<1x128xf32, #tpu.memory_space<vmem>> -> memref<128xf32, #tpu.memory_space<vmem>>
      tpu.wait_dma2 semaphore(%run_scoped3A_88 : memref<!tpu.dma_semaphore, #tpu.memory_space<semaphore_mem>>) src(%dma_wait3A_102 : memref<128xf32, #tpu.memory_space<vmem>>) dst(%dma_wait3A_99 : memref<128xf32, #tpu.memory_space<vmem_shared>>)
      tpu.yield
    }) : () -> ()
    %broadcast_in_dim3A = arith.constant 1.000000e+00 : f32
    %broadcast_in_dim3A_32 = vector.broadcast %broadcast_in_dim3A : f32 to vector<16xf32>
    %swap3A = arith.constant 0 : index
    %swap3A_33 = tpu.vector_load %arg16[%swap3A] {strides = array<i32>} : memref<128xf32, #tpu.memory_space<vmem>>, vector<16xf32>,
    %swap3A_34 = vector.shape_cast %swap3A_33 : vector<16xf32> to vector<16xf32>
    %swap3A_35 = vector.shape_cast %broadcast_in_dim3A_32 : vector<16xf32> to vector<16xf32>
    tpu.vector_store %arg16[%swap3A], %swap3A_35 {strides = array<i32>} : memref<128xf32, #tpu.memory_space<vmem>>, vector<16xf32>,
    %broadcast_in_dim3A_36 = arith.constant 1.000000e+00 : f32
    %broadcast_in_dim3A_37 = vector.broadcast %broadcast_in_dim3A_36 : f32 to vector<16xf32>
    %swap3A_38 = arith.constant 16 : index
    %swap3A_39 = tpu.vector_load %arg16[%swap3A_38] {strides = array<i32>} : memref<128xf32, #tpu.memory_space<vmem>>, vector<16xf32>,
    %swap3A_40 = vector.shape_cast %swap3A_39 : vector<16xf32> to vector<16xf32>
    %swap3A_41 = vector.shape_cast %broadcast_in_dim3A_37 : vector<16xf32> to vector<16xf32>
    tpu.vector_store %arg16[%swap3A_38], %swap3A_41 {strides = array<i32>} : memref<128xf32, #tpu.memory_space<vmem>>, vector<16xf32>,
    %broadcast_in_dim3A_42 = arith.constant 1.000000e+00 : f32
    %broadcast_in_dim3A_43 = vector.broadcast %broadcast_in_dim3A_42 : f32 to vector<16xf32>
    %swap3A_44 = arith.constant 32 : index
    %swap3A_45 = tpu.vector_load %arg16[%swap3A_44] {strides = array<i32>} : memref<128xf32, #tpu.memory_space<vmem>>, vector<16xf32>,
    %swap3A_46 = vector.shape_cast %swap3A_45 : vector<16xf32> to vector<16xf32>
    %swap3A_47 = vector.shape_cast %broadcast_in_dim3A_43 : vector<16xf32> to vector<16xf32>
    tpu.vector_store %arg16[%swap3A_44], %swap3A_47 {strides = array<i32>} : memref<128xf32, #tpu.memory_space<vmem>>, vector<16xf32>,
    %broadcast_in_dim3A_48 = arith.constant 1.000000e+00 : f32
    %broadcast_in_dim3A_49 = vector.broadcast %broadcast_in_dim3A_48 : f32 to vector<16xf32>
    %swap3A_50 = arith.constant 48 : index
    %swap3A_51 = tpu.vector_load %arg16[%swap3A_50] {strides = array<i32>} : memref<128xf32, #tpu.memory_space<vmem>>, vector<16xf32>,
    %swap3A_52 = vector.shape_cast %swap3A_51 : vector<16xf32> to vector<16xf32>
    %swap3A_53 = vector.shape_cast %broadcast_in_dim3A_49 : vector<16xf32> to vector<16xf32>
    tpu.vector_store %arg16[%swap3A_50], %swap3A_53 {strides = array<i32>} : memref<128xf32, #tpu.memory_space<vmem>>, vector<16xf32>,
    %broadcast_in_dim3A_54 = arith.constant 1.000000e+00 : f32
    %broadcast_in_dim3A_55 = vector.broadcast %broadcast_in_dim3A_54 : f32 to vector<16xf32>
    %swap3A_56 = arith.constant 64 : index
    %swap3A_57 = tpu.vector_load %arg16[%swap3A_56] {strides = array<i32>} : memref<128xf32, #tpu.memory_space<vmem>>, vector<16xf32>,
    %swap3A_58 = vector.shape_cast %swap3A_57 : vector<16xf32> to vector<16xf32>
    %swap3A_59 = vector.shape_cast %broadcast_in_dim3A_55 : vector<16xf32> to vector<16xf32>
    tpu.vector_store %arg16[%swap3A_56], %swap3A_59 {strides = array<i32>} : memref<128xf32, #tpu.memory_space<vmem>>, vector<16xf32>,
    %broadcast_in_dim3A_60 = arith.constant 1.000000e+00 : f32
    %broadcast_in_dim3A_61 = vector.broadcast %broadcast_in_dim3A_60 : f32 to vector<16xf32>
    %swap3A_62 = arith.constant 80 : index
    %swap3A_63 = tpu.vector_load %arg16[%swap3A_62] {strides = array<i32>} : memref<128xf32, #tpu.memory_space<vmem>>, vector<16xf32>,
    %swap3A_64 = vector.shape_cast %swap3A_63 : vector<16xf32> to vector<16xf32>
    %swap3A_65 = vector.shape_cast %broadcast_in_dim3A_61 : vector<16xf32> to vector<16xf32>
    tpu.vector_store %arg16[%swap3A_62], %swap3A_65 {strides = array<i32>} : memref<128xf32, #tpu.memory_space<vmem>>, vector<16xf32>,
    %broadcast_in_dim3A_66 = arith.constant 1.000000e+00 : f32
    %broadcast_in_dim3A_67 = vector.broadcast %broadcast_in_dim3A_66 : f32 to vector<16xf32>
    %swap3A_68 = arith.constant 96 : index
    %swap3A_69 = tpu.vector_load %arg16[%swap3A_68] {strides = array<i32>} : memref<128xf32, #tpu.memory_space<vmem>>, vector<16xf32>,
    %swap3A_70 = vector.shape_cast %swap3A_69 : vector<16xf32> to vector<16xf32>
    %swap3A_71 = vector.shape_cast %broadcast_in_dim3A_67 : vector<16xf32> to vector<16xf32>
    tpu.vector_store %arg16[%swap3A_68], %swap3A_71 {strides = array<i32>} : memref<128xf32, #tpu.memory_space<vmem>>, vector<16xf32>,
    %broadcast_in_dim3A_72 = arith.constant 1.000000e+00 : f32
    %broadcast_in_dim3A_73 = vector.broadcast %broadcast_in_dim3A_72 : f32 to vector<16xf32>
    %swap3A_74 = arith.constant 112 : index
    %swap3A_75 = tpu.vector_load %arg16[%swap3A_74] {strides = array<i32>} : memref<128xf32, #tpu.memory_space<vmem>>, vector<16xf32>,
    %swap3A_76 = vector.shape_cast %swap3A_75 : vector<16xf32> to vector<16xf32>
    %swap3A_77 = vector.shape_cast %broadcast_in_dim3A_73 : vector<16xf32> to vector<16xf32>
    tpu.vector_store %arg16[%swap3A_74], %swap3A_77 {strides = array<i32>} : memref<128xf32, #tpu.memory_space<vmem>>, vector<16xf32>,
    %barrier3A = arith.constant 0 : index
    tpu.barrier barrier_id(%barrier3A)
    %scan3A_78 = arith.constant 0 : i32
    %scan3A_79 = arith.constant 0 : i32
    %scan3A_80 = arith.constant 10 : i32
    %scan3A_81 = arith.addi %scan3A_79, %scan3A_80 : i32
    %scan3A_82 = arith.constant 1 : i32
    scf.for %scan3A_88 = %scan3A_79 to %scan3A_81 step %scan3A_82  : i32 {
      %mul3A_89 = arith.constant 32 : i32
      %mul3A_90 = arith.muli %scan3A_88, %mul3A_89 : i32
      %add3A_91 = arith.addi %add3A, %mul3A_90 : i32
      %mul3A_92 = arith.constant 8 : i32
      %mul3A_93 = arith.muli %add3A_91, %mul3A_92 : i32
      "tpu.region"() ({
        %run_scoped3A_324 = tpu.sem_alloc : memref<!tpu.dma_semaphore, #tpu.memory_space<semaphore_mem>>
        %dma_start3A_325 = arith.constant 0 : i32
        %dma_start3A_326 = tpu.memref_slice %arg3[%mul3A_93, %dma_start3A_325] : memref<2560x128xi32, #tpu.memory_space<hbm>> -> memref<8x128xi32, #tpu.memory_space<hbm>>
        %dma_start3A_327 = arith.constant 0 : i32
        %dma_start3A_328 = tpu.memref_slice %arg3[%mul3A_93, %dma_start3A_327] : memref<2560x128xi32, #tpu.memory_space<hbm>> -> memref<8x128xi32, #tpu.memory_space<hbm>>
        tpu.enqueue_dma source(%dma_start3A_328 : memref<8x128xi32, #tpu.memory_space<hbm>>) target(%arg7 : memref<8x128xi32, #tpu.memory_space<vmem>>) target_semaphore(%run_scoped3A_324 : memref<!tpu.dma_semaphore, #tpu.memory_space<semaphore_mem>>)
        %dma_wait3A_329 = arith.constant 0 : i32
        %dma_wait3A_330 = tpu.memref_slice %arg3[%mul3A_93, %dma_wait3A_329] : memref<2560x128xi32, #tpu.memory_space<hbm>> -> memref<8x128xi32, #tpu.memory_space<hbm>>
        %dma_wait3A_331 = arith.constant 0 : i32
        %dma_wait3A_332 = tpu.memref_slice %arg3[%mul3A_93, %dma_wait3A_331] : memref<2560x128xi32, #tpu.memory_space<hbm>> -> memref<8x128xi32, #tpu.memory_space<hbm>>
        tpu.wait_dma2 semaphore(%run_scoped3A_324 : memref<!tpu.dma_semaphore, #tpu.memory_space<semaphore_mem>>) src(%dma_wait3A_332 : memref<8x128xi32, #tpu.memory_space<hbm>>) dst(%arg7 : memref<8x128xi32, #tpu.memory_space<vmem>>)
        tpu.yield
      }) : () -> ()
      "tpu.region"() ({
        %run_scoped3A_324 = tpu.sem_alloc : memref<!tpu.dma_semaphore, #tpu.memory_space<semaphore_mem>>
        %dma_start3A_325 = arith.constant 0 : i32
        %dma_start3A_326 = tpu.memref_slice %arg4[%mul3A_93, %dma_start3A_325] : memref<2560x128xi32, #tpu.memory_space<hbm>> -> memref<8x128xi32, #tpu.memory_space<hbm>>
        %dma_start3A_327 = arith.constant 0 : i32
        %dma_start3A_328 = tpu.memref_slice %arg4[%mul3A_93, %dma_start3A_327] : memref<2560x128xi32, #tpu.memory_space<hbm>> -> memref<8x128xi32, #tpu.memory_space<hbm>>
        tpu.enqueue_dma source(%dma_start3A_328 : memref<8x128xi32, #tpu.memory_space<hbm>>) target(%arg8 : memref<8x128xi32, #tpu.memory_space<vmem>>) target_semaphore(%run_scoped3A_324 : memref<!tpu.dma_semaphore, #tpu.memory_space<semaphore_mem>>)
        %dma_wait3A_329 = arith.constant 0 : i32
        %dma_wait3A_330 = tpu.memref_slice %arg4[%mul3A_93, %dma_wait3A_329] : memref<2560x128xi32, #tpu.memory_space<hbm>> -> memref<8x128xi32, #tpu.memory_space<hbm>>
        %dma_wait3A_331 = arith.constant 0 : i32
        %dma_wait3A_332 = tpu.memref_slice %arg4[%mul3A_93, %dma_wait3A_331] : memref<2560x128xi32, #tpu.memory_space<hbm>> -> memref<8x128xi32, #tpu.memory_space<hbm>>
        tpu.wait_dma2 semaphore(%run_scoped3A_324 : memref<!tpu.dma_semaphore, #tpu.memory_space<semaphore_mem>>) src(%dma_wait3A_332 : memref<8x128xi32, #tpu.memory_space<hbm>>) dst(%arg8 : memref<8x128xi32, #tpu.memory_space<vmem>>)
        tpu.yield
      }) : () -> ()
      %dma_start3A = arith.constant 0 : i32
      %dma_start3A_94 = arith.constant 0 : i32
      %dma_start3A_95 = tpu.memref_slice %arg7[%dma_start3A, %dma_start3A_94] : memref<8x128xi32, #tpu.memory_space<vmem>> -> memref<1x128xi32, #tpu.memory_space<vmem>>
      %dma_start3A_96 = tpu.memref_squeeze %dma_start3A_95 : memref<1x128xi32, #tpu.memory_space<vmem>> -> memref<128xi32, #tpu.memory_space<vmem>>
      %dma_start3A_97 = arith.constant 0 : i32
      %dma_start3A_98 = arith.constant 0 : i32
      %dma_start3A_99 = tpu.memref_slice %arg2[%dma_start3A_97, %dma_start3A_98] : memref<10240x128xf32, #tpu.memory_space<hbm>> -> memref<10240x128xf32, #tpu.memory_space<hbm>>
      tpu.enqueue_indirect_dma source(%dma_start3A_99 : memref<10240x128xf32, #tpu.memory_space<hbm>>) target(%arg9 : memref<128x128xf32, #tpu.memory_space<vmem>>) offsets(%dma_start3A_96 : memref<128xi32, #tpu.memory_space<vmem>>) semaphore(%arg12 : memref<!tpu.dma_semaphore, #tpu.memory_space<semaphore_mem>>)
      %dma_start3A_100 = arith.constant 1 : i32
      %dma_start3A_101 = arith.constant 0 : i32
      %dma_start3A_102 = tpu.memref_slice %arg7[%dma_start3A_100, %dma_start3A_101] : memref<8x128xi32, #tpu.memory_space<vmem>> -> memref<1x128xi32, #tpu.memory_space<vmem>>
      %dma_start3A_103 = tpu.memref_squeeze %dma_start3A_102 : memref<1x128xi32, #tpu.memory_space<vmem>> -> memref<128xi32, #tpu.memory_space<vmem>>
      %dma_start3A_104 = arith.constant 0 : i32
      %dma_start3A_105 = arith.constant 0 : i32
      %dma_start3A_106 = tpu.memref_slice %arg2[%dma_start3A_104, %dma_start3A_105] : memref<10240x128xf32, #tpu.memory_space<hbm>> -> memref<10240x128xf32, #tpu.memory_space<hbm>>
      tpu.enqueue_indirect_dma source(%dma_start3A_106 : memref<10240x128xf32, #tpu.memory_space<hbm>>) target(%arg10 : memref<128x128xf32, #tpu.memory_space<vmem>>) offsets(%dma_start3A_103 : memref<128xi32, #tpu.memory_space<vmem>>) semaphore(%arg13 : memref<!tpu.dma_semaphore, #tpu.memory_space<semaphore_mem>>)
      %dma_wait3A = arith.constant 0 : i32
      %dma_wait3A_107 = arith.constant 0 : i32
      %dma_wait3A_108 = tpu.memref_slice %arg7[%dma_wait3A, %dma_wait3A_107] : memref<8x128xi32, #tpu.memory_space<vmem>> -> memref<1x128xi32, #tpu.memory_space<vmem>>
      %dma_wait3A_109 = tpu.memref_squeeze %dma_wait3A_108 : memref<1x128xi32, #tpu.memory_space<vmem>> -> memref<128xi32, #tpu.memory_space<vmem>>
      %dma_wait3A_110 = arith.constant 0 : i32
      %dma_wait3A_111 = arith.constant 0 : i32
      %dma_wait3A_112 = tpu.memref_slice %arg2[%dma_wait3A_110, %dma_wait3A_111] : memref<10240x128xf32, #tpu.memory_space<hbm>> -> memref<10240x128xf32, #tpu.memory_space<hbm>>
      tpu.wait_indirect_dma semaphore(%arg12 : memref<!tpu.dma_semaphore, #tpu.memory_space<semaphore_mem>>) src(%dma_wait3A_112 : memref<10240x128xf32, #tpu.memory_space<hbm>>) dst(%arg9 : memref<128x128xf32, #tpu.memory_space<vmem>>)
      %dma_start3A_113 = arith.constant 0 : i32
      %dma_start3A_114 = arith.constant 0 : i32
      %dma_start3A_115 = tpu.memref_slice %arg8[%dma_start3A_113, %dma_start3A_114] : memref<8x128xi32, #tpu.memory_space<vmem>> -> memref<1x128xi32, #tpu.memory_space<vmem>>
      %dma_start3A_116 = tpu.memref_squeeze %dma_start3A_115 : memref<1x128xi32, #tpu.memory_space<vmem>> -> memref<128xi32, #tpu.memory_space<vmem>>
      %dma_start3A_117 = arith.constant 0 : i32
      %dma_start3A_118 = arith.constant 0 : i32
      %dma_start3A_119 = tpu.memref_slice %arg11[%dma_start3A_117, %dma_start3A_118] : memref<10240x128xf32, #tpu.memory_space<vmem_shared>> -> memref<10240x128xf32, #tpu.memory_space<vmem_shared>>
      tpu.enqueue_indirect_dma source(%arg9 : memref<128x128xf32, #tpu.memory_space<vmem>>) target(%dma_start3A_119 : memref<10240x128xf32, #tpu.memory_space<vmem_shared>>) offsets(%dma_start3A_116 : memref<128xi32, #tpu.memory_space<vmem>>) semaphore(%arg14 : memref<!tpu.dma_semaphore, #tpu.memory_space<semaphore_mem>>) {add = true}
      %run_scoped3A_120 = arith.constant 0 : i32
      "tpu.region"() ({
        %run_scoped3A_324 = tpu.sem_alloc : memref<!tpu.dma_semaphore, #tpu.memory_space<semaphore_mem>>
        %dma_start3A_325 = arith.constant 0 : i32
        %dma_start3A_326 = tpu.memref_slice %arg8[%run_scoped3A_120, %dma_start3A_325] : memref<8x128xi32, #tpu.memory_space<vmem>> -> memref<1x128xi32, #tpu.memory_space<vmem>>
        %dma_start3A_327 = tpu.memref_squeeze %dma_start3A_326 : memref<1x128xi32, #tpu.memory_space<vmem>> -> memref<128xi32, #tpu.memory_space<vmem>>
        %dma_start3A_328 = arith.constant 0 : i32
        %dma_start3A_329 = tpu.memref_slice %arg17[%dma_start3A_328] : memref<10240xf32, #tpu.memory_space<vmem_shared>> -> memref<10240xf32, #tpu.memory_space<vmem_shared>>
        tpu.enqueue_indirect_dma source(%arg16 : memref<128xf32, #tpu.memory_space<vmem>>) target(%dma_start3A_329 : memref<10240xf32, #tpu.memory_space<vmem_shared>>) offsets(%dma_start3A_327 : memref<128xi32, #tpu.memory_space<vmem>>) semaphore(%run_scoped3A_324 : memref<!tpu.dma_semaphore, #tpu.memory_space<semaphore_mem>>) {add = true}
        %dma_wait3A_330 = arith.constant 0 : i32
        %dma_wait3A_331 = tpu.memref_slice %arg8[%run_scoped3A_120, %dma_wait3A_330] : memref<8x128xi32, #tpu.memory_space<vmem>> -> memref<1x128xi32, #tpu.memory_space<vmem>>
        %dma_wait3A_332 = tpu.memref_squeeze %dma_wait3A_331 : memref<1x128xi32, #tpu.memory_space<vmem>> -> memref<128xi32, #tpu.memory_space<vmem>>
        %dma_wait3A_333 = arith.constant 0 : i32
        %dma_wait3A_334 = tpu.memref_slice %arg17[%dma_wait3A_333] : memref<10240xf32, #tpu.memory_space<vmem_shared>> -> memref<10240xf32, #tpu.memory_space<vmem_shared>>
        tpu.wait_indirect_dma semaphore(%run_scoped3A_324 : memref<!tpu.dma_semaphore, #tpu.memory_space<semaphore_mem>>) src(%arg16 : memref<128xf32, #tpu.memory_space<vmem>>) dst(%dma_wait3A_334 : memref<10240xf32, #tpu.memory_space<vmem_shared>>)
        tpu.yield
      }) : () -> ()
      %dma_wait3A_121 = arith.constant 0 : i32
      %dma_wait3A_122 = arith.constant 0 : i32
      %dma_wait3A_123 = tpu.memref_slice %arg8[%dma_wait3A_121, %dma_wait3A_122] : memref<8x128xi32, #tpu.memory_space<vmem>> -> memref<1x128xi32, #tpu.memory_space<vmem>>
      %dma_wait3A_124 = tpu.memref_squeeze %dma_wait3A_123 : memref<1x128xi32, #tpu.memory_space<vmem>> -> memref<128xi32, #tpu.memory_space<vmem>>
      %dma_wait3A_125 = arith.constant 0 : i32
      %dma_wait3A_126 = arith.constant 0 : i32
      %dma_wait3A_127 = tpu.memref_slice %arg11[%dma_wait3A_125, %dma_wait3A_126] : memref<10240x128xf32, #tpu.memory_space<vmem_shared>> -> memref<10240x128xf32, #tpu.memory_space<vmem_shared>>
      tpu.wait_indirect_dma semaphore(%arg14 : memref<!tpu.dma_semaphore, #tpu.memory_space<semaphore_mem>>) src(%arg9 : memref<128x128xf32, #tpu.memory_space<vmem>>) dst(%dma_wait3A_127 : memref<10240x128xf32, #tpu.memory_space<vmem_shared>>)
      %dma_start3A_128 = arith.constant 2 : i32
      %dma_start3A_129 = arith.constant 0 : i32
      %dma_start3A_130 = tpu.memref_slice %arg7[%dma_start3A_128, %dma_start3A_129] : memref<8x128xi32, #tpu.memory_space<vmem>> -> memref<1x128xi32, #tpu.memory_space<vmem>>
      %dma_start3A_131 = tpu.memref_squeeze %dma_start3A_130 : memref<1x128xi32, #tpu.memory_space<vmem>> -> memref<128xi32, #tpu.memory_space<vmem>>
      %dma_start3A_132 = arith.constant 0 : i32
      %dma_start3A_133 = arith.constant 0 : i32
      %dma_start3A_134 = tpu.memref_slice %arg2[%dma_start3A_132, %dma_start3A_133] : memref<10240x128xf32, #tpu.memory_space<hbm>> -> memref<10240x128xf32, #tpu.memory_space<hbm>>
      tpu.enqueue_indirect_dma source(%dma_start3A_134 : memref<10240x128xf32, #tpu.memory_space<hbm>>) target(%arg9 : memref<128x128xf32, #tpu.memory_space<vmem>>) offsets(%dma_start3A_131 : memref<128xi32, #tpu.memory_space<vmem>>) semaphore(%arg12 : memref<!tpu.dma_semaphore, #tpu.memory_space<semaphore_mem>>)
      %dma_wait3A_135 = arith.constant 1 : i32
      %dma_wait3A_136 = arith.constant 0 : i32
      %dma_wait3A_137 = tpu.memref_slice %arg7[%dma_wait3A_135, %dma_wait3A_136] : memref<8x128xi32, #tpu.memory_space<vmem>> -> memref<1x128xi32, #tpu.memory_space<vmem>>
      %dma_wait3A_138 = tpu.memref_squeeze %dma_wait3A_137 : memref<1x128xi32, #tpu.memory_space<vmem>> -> memref<128xi32, #tpu.memory_space<vmem>>
      %dma_wait3A_139 = arith.constant 0 : i32
      %dma_wait3A_140 = arith.constant 0 : i32
      %dma_wait3A_141 = tpu.memref_slice %arg2[%dma_wait3A_139, %dma_wait3A_140] : memref<10240x128xf32, #tpu.memory_space<hbm>> -> memref<10240x128xf32, #tpu.memory_space<hbm>>
      tpu.wait_indirect_dma semaphore(%arg13 : memref<!tpu.dma_semaphore, #tpu.memory_space<semaphore_mem>>) src(%dma_wait3A_141 : memref<10240x128xf32, #tpu.memory_space<hbm>>) dst(%arg10 : memref<128x128xf32, #tpu.memory_space<vmem>>)
      %dma_start3A_142 = arith.constant 1 : i32
      %dma_start3A_143 = arith.constant 0 : i32
      %dma_start3A_144 = tpu.memref_slice %arg8[%dma_start3A_142, %dma_start3A_143] : memref<8x128xi32, #tpu.memory_space<vmem>> -> memref<1x128xi32, #tpu.memory_space<vmem>>
      %dma_start3A_145 = tpu.memref_squeeze %dma_start3A_144 : memref<1x128xi32, #tpu.memory_space<vmem>> -> memref<128xi32, #tpu.memory_space<vmem>>
      %dma_start3A_146 = arith.constant 0 : i32
      %dma_start3A_147 = arith.constant 0 : i32
      %dma_start3A_148 = tpu.memref_slice %arg11[%dma_start3A_146, %dma_start3A_147] : memref<10240x128xf32, #tpu.memory_space<vmem_shared>> -> memref<10240x128xf32, #tpu.memory_space<vmem_shared>>
      tpu.enqueue_indirect_dma source(%arg10 : memref<128x128xf32, #tpu.memory_space<vmem>>) target(%dma_start3A_148 : memref<10240x128xf32, #tpu.memory_space<vmem_shared>>) offsets(%dma_start3A_145 : memref<128xi32, #tpu.memory_space<vmem>>) semaphore(%arg15 : memref<!tpu.dma_semaphore, #tpu.memory_space<semaphore_mem>>) {add = true}
      %run_scoped3A_149 = arith.constant 1 : i32
      "tpu.region"() ({
        %run_scoped3A_324 = tpu.sem_alloc : memref<!tpu.dma_semaphore, #tpu.memory_space<semaphore_mem>>
        %dma_start3A_325 = arith.constant 0 : i32
        %dma_start3A_326 = tpu.memref_slice %arg8[%run_scoped3A_149, %dma_start3A_325] : memref<8x128xi32, #tpu.memory_space<vmem>> -> memref<1x128xi32, #tpu.memory_space<vmem>>
        %dma_start3A_327 = tpu.memref_squeeze %dma_start3A_326 : memref<1x128xi32, #tpu.memory_space<vmem>> -> memref<128xi32, #tpu.memory_space<vmem>>
        %dma_start3A_328 = arith.constant 0 : i32
        %dma_start3A_329 = tpu.memref_slice %arg17[%dma_start3A_328] : memref<10240xf32, #tpu.memory_space<vmem_shared>> -> memref<10240xf32, #tpu.memory_space<vmem_shared>>
        tpu.enqueue_indirect_dma source(%arg16 : memref<128xf32, #tpu.memory_space<vmem>>) target(%dma_start3A_329 : memref<10240xf32, #tpu.memory_space<vmem_shared>>) offsets(%dma_start3A_327 : memref<128xi32, #tpu.memory_space<vmem>>) semaphore(%run_scoped3A_324 : memref<!tpu.dma_semaphore, #tpu.memory_space<semaphore_mem>>) {add = true}
        %dma_wait3A_330 = arith.constant 0 : i32
        %dma_wait3A_331 = tpu.memref_slice %arg8[%run_scoped3A_149, %dma_wait3A_330] : memref<8x128xi32, #tpu.memory_space<vmem>> -> memref<1x128xi32, #tpu.memory_space<vmem>>
        %dma_wait3A_332 = tpu.memref_squeeze %dma_wait3A_331 : memref<1x128xi32, #tpu.memory_space<vmem>> -> memref<128xi32, #tpu.memory_space<vmem>>
        %dma_wait3A_333 = arith.constant 0 : i32
        %dma_wait3A_334 = tpu.memref_slice %arg17[%dma_wait3A_333] : memref<10240xf32, #tpu.memory_space<vmem_shared>> -> memref<10240xf32, #tpu.memory_space<vmem_shared>>
        tpu.wait_indirect_dma semaphore(%run_scoped3A_324 : memref<!tpu.dma_semaphore, #tpu.memory_space<semaphore_mem>>) src(%arg16 : memref<128xf32, #tpu.memory_space<vmem>>) dst(%dma_wait3A_334 : memref<10240xf32, #tpu.memory_space<vmem_shared>>)
        tpu.yield
      }) : () -> ()
      %dma_wait3A_150 = arith.constant 1 : i32
      %dma_wait3A_151 = arith.constant 0 : i32
      %dma_wait3A_152 = tpu.memref_slice %arg8[%dma_wait3A_150, %dma_wait3A_151] : memref<8x128xi32, #tpu.memory_space<vmem>> -> memref<1x128xi32, #tpu.memory_space<vmem>>
      %dma_wait3A_153 = tpu.memref_squeeze %dma_wait3A_152 : memref<1x128xi32, #tpu.memory_space<vmem>> -> memref<128xi32, #tpu.memory_space<vmem>>
      %dma_wait3A_154 = arith.constant 0 : i32
      %dma_wait3A_155 = arith.constant 0 : i32
      %dma_wait3A_156 = tpu.memref_slice %arg11[%dma_wait3A_154, %dma_wait3A_155] : memref<10240x128xf32, #tpu.memory_space<vmem_shared>> -> memref<10240x128xf32, #tpu.memory_space<vmem_shared>>
      tpu.wait_indirect_dma semaphore(%arg15 : memref<!tpu.dma_semaphore, #tpu.memory_space<semaphore_mem>>) src(%arg10 : memref<128x128xf32, #tpu.memory_space<vmem>>) dst(%dma_wait3A_156 : memref<10240x128xf32, #tpu.memory_space<vmem_shared>>)
      %dma_start3A_157 = arith.constant 3 : i32
      %dma_start3A_158 = arith.constant 0 : i32
      %dma_start3A_159 = tpu.memref_slice %arg7[%dma_start3A_157, %dma_start3A_158] : memref<8x128xi32, #tpu.memory_space<vmem>> -> memref<1x128xi32, #tpu.memory_space<vmem>>
      %dma_start3A_160 = tpu.memref_squeeze %dma_start3A_159 : memref<1x128xi32, #tpu.memory_space<vmem>> -> memref<128xi32, #tpu.memory_space<vmem>>
      %dma_start3A_161 = arith.constant 0 : i32
      %dma_start3A_162 = arith.constant 0 : i32
      %dma_start3A_163 = tpu.memref_slice %arg2[%dma_start3A_161, %dma_start3A_162] : memref<10240x128xf32, #tpu.memory_space<hbm>> -> memref<10240x128xf32, #tpu.memory_space<hbm>>
      tpu.enqueue_indirect_dma source(%dma_start3A_163 : memref<10240x128xf32, #tpu.memory_space<hbm>>) target(%arg10 : memref<128x128xf32, #tpu.memory_space<vmem>>) offsets(%dma_start3A_160 : memref<128xi32, #tpu.memory_space<vmem>>) semaphore(%arg13 : memref<!tpu.dma_semaphore, #tpu.memory_space<semaphore_mem>>)
      %dma_wait3A_164 = arith.constant 2 : i32
      %dma_wait3A_165 = arith.constant 0 : i32
      %dma_wait3A_166 = tpu.memref_slice %arg7[%dma_wait3A_164, %dma_wait3A_165] : memref<8x128xi32, #tpu.memory_space<vmem>> -> memref<1x128xi32, #tpu.memory_space<vmem>>
      %dma_wait3A_167 = tpu.memref_squeeze %dma_wait3A_166 : memref<1x128xi32, #tpu.memory_space<vmem>> -> memref<128xi32, #tpu.memory_space<vmem>>
      %dma_wait3A_168 = arith.constant 0 : i32
      %dma_wait3A_169 = arith.constant 0 : i32
      %dma_wait3A_170 = tpu.memref_slice %arg2[%dma_wait3A_168, %dma_wait3A_169] : memref<10240x128xf32, #tpu.memory_space<hbm>> -> memref<10240x128xf32, #tpu.memory_space<hbm>>
      tpu.wait_indirect_dma semaphore(%arg12 : memref<!tpu.dma_semaphore, #tpu.memory_space<semaphore_mem>>) src(%dma_wait3A_170 : memref<10240x128xf32, #tpu.memory_space<hbm>>) dst(%arg9 : memref<128x128xf32, #tpu.memory_space<vmem>>)
      %dma_start3A_171 = arith.constant 2 : i32
      %dma_start3A_172 = arith.constant 0 : i32
      %dma_start3A_173 = tpu.memref_slice %arg8[%dma_start3A_171, %dma_start3A_172] : memref<8x128xi32, #tpu.memory_space<vmem>> -> memref<1x128xi32, #tpu.memory_space<vmem>>
      %dma_start3A_174 = tpu.memref_squeeze %dma_start3A_173 : memref<1x128xi32, #tpu.memory_space<vmem>> -> memref<128xi32, #tpu.memory_space<vmem>>
      %dma_start3A_175 = arith.constant 0 : i32
      %dma_start3A_176 = arith.constant 0 : i32
      %dma_start3A_177 = tpu.memref_slice %arg11[%dma_start3A_175, %dma_start3A_176] : memref<10240x128xf32, #tpu.memory_space<vmem_shared>> -> memref<10240x128xf32, #tpu.memory_space<vmem_shared>>
      tpu.enqueue_indirect_dma source(%arg9 : memref<128x128xf32, #tpu.memory_space<vmem>>) target(%dma_start3A_177 : memref<10240x128xf32, #tpu.memory_space<vmem_shared>>) offsets(%dma_start3A_174 : memref<128xi32, #tpu.memory_space<vmem>>) semaphore(%arg14 : memref<!tpu.dma_semaphore, #tpu.memory_space<semaphore_mem>>) {add = true}
      %run_scoped3A_178 = arith.constant 2 : i32
      "tpu.region"() ({
        %run_scoped3A_324 = tpu.sem_alloc : memref<!tpu.dma_semaphore, #tpu.memory_space<semaphore_mem>>
        %dma_start3A_325 = arith.constant 0 : i32
        %dma_start3A_326 = tpu.memref_slice %arg8[%run_scoped3A_178, %dma_start3A_325] : memref<8x128xi32, #tpu.memory_space<vmem>> -> memref<1x128xi32, #tpu.memory_space<vmem>>
        %dma_start3A_327 = tpu.memref_squeeze %dma_start3A_326 : memref<1x128xi32, #tpu.memory_space<vmem>> -> memref<128xi32, #tpu.memory_space<vmem>>
        %dma_start3A_328 = arith.constant 0 : i32
        %dma_start3A_329 = tpu.memref_slice %arg17[%dma_start3A_328] : memref<10240xf32, #tpu.memory_space<vmem_shared>> -> memref<10240xf32, #tpu.memory_space<vmem_shared>>
        tpu.enqueue_indirect_dma source(%arg16 : memref<128xf32, #tpu.memory_space<vmem>>) target(%dma_start3A_329 : memref<10240xf32, #tpu.memory_space<vmem_shared>>) offsets(%dma_start3A_327 : memref<128xi32, #tpu.memory_space<vmem>>) semaphore(%run_scoped3A_324 : memref<!tpu.dma_semaphore, #tpu.memory_space<semaphore_mem>>) {add = true}
        %dma_wait3A_330 = arith.constant 0 : i32
        %dma_wait3A_331 = tpu.memref_slice %arg8[%run_scoped3A_178, %dma_wait3A_330] : memref<8x128xi32, #tpu.memory_space<vmem>> -> memref<1x128xi32, #tpu.memory_space<vmem>>
        %dma_wait3A_332 = tpu.memref_squeeze %dma_wait3A_331 : memref<1x128xi32, #tpu.memory_space<vmem>> -> memref<128xi32, #tpu.memory_space<vmem>>
        %dma_wait3A_333 = arith.constant 0 : i32
        %dma_wait3A_334 = tpu.memref_slice %arg17[%dma_wait3A_333] : memref<10240xf32, #tpu.memory_space<vmem_shared>> -> memref<10240xf32, #tpu.memory_space<vmem_shared>>
        tpu.wait_indirect_dma semaphore(%run_scoped3A_324 : memref<!tpu.dma_semaphore, #tpu.memory_space<semaphore_mem>>) src(%arg16 : memref<128xf32, #tpu.memory_space<vmem>>) dst(%dma_wait3A_334 : memref<10240xf32, #tpu.memory_space<vmem_shared>>)
        tpu.yield
      }) : () -> ()
      %dma_wait3A_179 = arith.constant 2 : i32
      %dma_wait3A_180 = arith.constant 0 : i32
      %dma_wait3A_181 = tpu.memref_slice %arg8[%dma_wait3A_179, %dma_wait3A_180] : memref<8x128xi32, #tpu.memory_space<vmem>> -> memref<1x128xi32, #tpu.memory_space<vmem>>
      %dma_wait3A_182 = tpu.memref_squeeze %dma_wait3A_181 : memref<1x128xi32, #tpu.memory_space<vmem>> -> memref<128xi32, #tpu.memory_space<vmem>>
      %dma_wait3A_183 = arith.constant 0 : i32
      %dma_wait3A_184 = arith.constant 0 : i32
      %dma_wait3A_185 = tpu.memref_slice %arg11[%dma_wait3A_183, %dma_wait3A_184] : memref<10240x128xf32, #tpu.memory_space<vmem_shared>> -> memref<10240x128xf32, #tpu.memory_space<vmem_shared>>
      tpu.wait_indirect_dma semaphore(%arg14 : memref<!tpu.dma_semaphore, #tpu.memory_space<semaphore_mem>>) src(%arg9 : memref<128x128xf32, #tpu.memory_space<vmem>>) dst(%dma_wait3A_185 : memref<10240x128xf32, #tpu.memory_space<vmem_shared>>)
      %dma_start3A_186 = arith.constant 4 : i32
      %dma_start3A_187 = arith.constant 0 : i32
      %dma_start3A_188 = tpu.memref_slice %arg7[%dma_start3A_186, %dma_start3A_187] : memref<8x128xi32, #tpu.memory_space<vmem>> -> memref<1x128xi32, #tpu.memory_space<vmem>>
      %dma_start3A_189 = tpu.memref_squeeze %dma_start3A_188 : memref<1x128xi32, #tpu.memory_space<vmem>> -> memref<128xi32, #tpu.memory_space<vmem>>
      %dma_start3A_190 = arith.constant 0 : i32
      %dma_start3A_191 = arith.constant 0 : i32
      %dma_start3A_192 = tpu.memref_slice %arg2[%dma_start3A_190, %dma_start3A_191] : memref<10240x128xf32, #tpu.memory_space<hbm>> -> memref<10240x128xf32, #tpu.memory_space<hbm>>
      tpu.enqueue_indirect_dma source(%dma_start3A_192 : memref<10240x128xf32, #tpu.memory_space<hbm>>) target(%arg9 : memref<128x128xf32, #tpu.memory_space<vmem>>) offsets(%dma_start3A_189 : memref<128xi32, #tpu.memory_space<vmem>>) semaphore(%arg12 : memref<!tpu.dma_semaphore, #tpu.memory_space<semaphore_mem>>)
      %dma_wait3A_193 = arith.constant 3 : i32
      %dma_wait3A_194 = arith.constant 0 : i32
      %dma_wait3A_195 = tpu.memref_slice %arg7[%dma_wait3A_193, %dma_wait3A_194] : memref<8x128xi32, #tpu.memory_space<vmem>> -> memref<1x128xi32, #tpu.memory_space<vmem>>
      %dma_wait3A_196 = tpu.memref_squeeze %dma_wait3A_195 : memref<1x128xi32, #tpu.memory_space<vmem>> -> memref<128xi32, #tpu.memory_space<vmem>>
      %dma_wait3A_197 = arith.constant 0 : i32
      %dma_wait3A_198 = arith.constant 0 : i32
      %dma_wait3A_199 = tpu.memref_slice %arg2[%dma_wait3A_197, %dma_wait3A_198] : memref<10240x128xf32, #tpu.memory_space<hbm>> -> memref<10240x128xf32, #tpu.memory_space<hbm>>
      tpu.wait_indirect_dma semaphore(%arg13 : memref<!tpu.dma_semaphore, #tpu.memory_space<semaphore_mem>>) src(%dma_wait3A_199 : memref<10240x128xf32, #tpu.memory_space<hbm>>) dst(%arg10 : memref<128x128xf32, #tpu.memory_space<vmem>>)
      %dma_start3A_200 = arith.constant 3 : i32
      %dma_start3A_201 = arith.constant 0 : i32
      %dma_start3A_202 = tpu.memref_slice %arg8[%dma_start3A_200, %dma_start3A_201] : memref<8x128xi32, #tpu.memory_space<vmem>> -> memref<1x128xi32, #tpu.memory_space<vmem>>
      %dma_start3A_203 = tpu.memref_squeeze %dma_start3A_202 : memref<1x128xi32, #tpu.memory_space<vmem>> -> memref<128xi32, #tpu.memory_space<vmem>>
      %dma_start3A_204 = arith.constant 0 : i32
      %dma_start3A_205 = arith.constant 0 : i32
      %dma_start3A_206 = tpu.memref_slice %arg11[%dma_start3A_204, %dma_start3A_205] : memref<10240x128xf32, #tpu.memory_space<vmem_shared>> -> memref<10240x128xf32, #tpu.memory_space<vmem_shared>>
      tpu.enqueue_indirect_dma source(%arg10 : memref<128x128xf32, #tpu.memory_space<vmem>>) target(%dma_start3A_206 : memref<10240x128xf32, #tpu.memory_space<vmem_shared>>) offsets(%dma_start3A_203 : memref<128xi32, #tpu.memory_space<vmem>>) semaphore(%arg15 : memref<!tpu.dma_semaphore, #tpu.memory_space<semaphore_mem>>) {add = true}
      %run_scoped3A_207 = arith.constant 3 : i32
      "tpu.region"() ({
        %run_scoped3A_324 = tpu.sem_alloc : memref<!tpu.dma_semaphore, #tpu.memory_space<semaphore_mem>>
        %dma_start3A_325 = arith.constant 0 : i32
        %dma_start3A_326 = tpu.memref_slice %arg8[%run_scoped3A_207, %dma_start3A_325] : memref<8x128xi32, #tpu.memory_space<vmem>> -> memref<1x128xi32, #tpu.memory_space<vmem>>
        %dma_start3A_327 = tpu.memref_squeeze %dma_start3A_326 : memref<1x128xi32, #tpu.memory_space<vmem>> -> memref<128xi32, #tpu.memory_space<vmem>>
        %dma_start3A_328 = arith.constant 0 : i32
        %dma_start3A_329 = tpu.memref_slice %arg17[%dma_start3A_328] : memref<10240xf32, #tpu.memory_space<vmem_shared>> -> memref<10240xf32, #tpu.memory_space<vmem_shared>>
        tpu.enqueue_indirect_dma source(%arg16 : memref<128xf32, #tpu.memory_space<vmem>>) target(%dma_start3A_329 : memref<10240xf32, #tpu.memory_space<vmem_shared>>) offsets(%dma_start3A_327 : memref<128xi32, #tpu.memory_space<vmem>>) semaphore(%run_scoped3A_324 : memref<!tpu.dma_semaphore, #tpu.memory_space<semaphore_mem>>) {add = true}
        %dma_wait3A_330 = arith.constant 0 : i32
        %dma_wait3A_331 = tpu.memref_slice %arg8[%run_scoped3A_207, %dma_wait3A_330] : memref<8x128xi32, #tpu.memory_space<vmem>> -> memref<1x128xi32, #tpu.memory_space<vmem>>
        %dma_wait3A_332 = tpu.memref_squeeze %dma_wait3A_331 : memref<1x128xi32, #tpu.memory_space<vmem>> -> memref<128xi32, #tpu.memory_space<vmem>>
        %dma_wait3A_333 = arith.constant 0 : i32
        %dma_wait3A_334 = tpu.memref_slice %arg17[%dma_wait3A_333] : memref<10240xf32, #tpu.memory_space<vmem_shared>> -> memref<10240xf32, #tpu.memory_space<vmem_shared>>
        tpu.wait_indirect_dma semaphore(%run_scoped3A_324 : memref<!tpu.dma_semaphore, #tpu.memory_space<semaphore_mem>>) src(%arg16 : memref<128xf32, #tpu.memory_space<vmem>>) dst(%dma_wait3A_334 : memref<10240xf32, #tpu.memory_space<vmem_shared>>)
        tpu.yield
      }) : () -> ()
      %dma_wait3A_208 = arith.constant 3 : i32
      %dma_wait3A_209 = arith.constant 0 : i32
      %dma_wait3A_210 = tpu.memref_slice %arg8[%dma_wait3A_208, %dma_wait3A_209] : memref<8x128xi32, #tpu.memory_space<vmem>> -> memref<1x128xi32, #tpu.memory_space<vmem>>
      %dma_wait3A_211 = tpu.memref_squeeze %dma_wait3A_210 : memref<1x128xi32, #tpu.memory_space<vmem>> -> memref<128xi32, #tpu.memory_space<vmem>>
      %dma_wait3A_212 = arith.constant 0 : i32
      %dma_wait3A_213 = arith.constant 0 : i32
      %dma_wait3A_214 = tpu.memref_slice %arg11[%dma_wait3A_212, %dma_wait3A_213] : memref<10240x128xf32, #tpu.memory_space<vmem_shared>> -> memref<10240x128xf32, #tpu.memory_space<vmem_shared>>
      tpu.wait_indirect_dma semaphore(%arg15 : memref<!tpu.dma_semaphore, #tpu.memory_space<semaphore_mem>>) src(%arg10 : memref<128x128xf32, #tpu.memory_space<vmem>>) dst(%dma_wait3A_214 : memref<10240x128xf32, #tpu.memory_space<vmem_shared>>)
      %dma_start3A_215 = arith.constant 5 : i32
      %dma_start3A_216 = arith.constant 0 : i32
      %dma_start3A_217 = tpu.memref_slice %arg7[%dma_start3A_215, %dma_start3A_216] : memref<8x128xi32, #tpu.memory_space<vmem>> -> memref<1x128xi32, #tpu.memory_space<vmem>>
      %dma_start3A_218 = tpu.memref_squeeze %dma_start3A_217 : memref<1x128xi32, #tpu.memory_space<vmem>> -> memref<128xi32, #tpu.memory_space<vmem>>
      %dma_start3A_219 = arith.constant 0 : i32
      %dma_start3A_220 = arith.constant 0 : i32
      %dma_start3A_221 = tpu.memref_slice %arg2[%dma_start3A_219, %dma_start3A_220] : memref<10240x128xf32, #tpu.memory_space<hbm>> -> memref<10240x128xf32, #tpu.memory_space<hbm>>
      tpu.enqueue_indirect_dma source(%dma_start3A_221 : memref<10240x128xf32, #tpu.memory_space<hbm>>) target(%arg10 : memref<128x128xf32, #tpu.memory_space<vmem>>) offsets(%dma_start3A_218 : memref<128xi32, #tpu.memory_space<vmem>>) semaphore(%arg13 : memref<!tpu.dma_semaphore, #tpu.memory_space<semaphore_mem>>)
      %dma_wait3A_222 = arith.constant 4 : i32
      %dma_wait3A_223 = arith.constant 0 : i32
      %dma_wait3A_224 = tpu.memref_slice %arg7[%dma_wait3A_222, %dma_wait3A_223] : memref<8x128xi32, #tpu.memory_space<vmem>> -> memref<1x128xi32, #tpu.memory_space<vmem>>
      %dma_wait3A_225 = tpu.memref_squeeze %dma_wait3A_224 : memref<1x128xi32, #tpu.memory_space<vmem>> -> memref<128xi32, #tpu.memory_space<vmem>>
      %dma_wait3A_226 = arith.constant 0 : i32
      %dma_wait3A_227 = arith.constant 0 : i32
      %dma_wait3A_228 = tpu.memref_slice %arg2[%dma_wait3A_226, %dma_wait3A_227] : memref<10240x128xf32, #tpu.memory_space<hbm>> -> memref<10240x128xf32, #tpu.memory_space<hbm>>
      tpu.wait_indirect_dma semaphore(%arg12 : memref<!tpu.dma_semaphore, #tpu.memory_space<semaphore_mem>>) src(%dma_wait3A_228 : memref<10240x128xf32, #tpu.memory_space<hbm>>) dst(%arg9 : memref<128x128xf32, #tpu.memory_space<vmem>>)
      %dma_start3A_229 = arith.constant 4 : i32
      %dma_start3A_230 = arith.constant 0 : i32
      %dma_start3A_231 = tpu.memref_slice %arg8[%dma_start3A_229, %dma_start3A_230] : memref<8x128xi32, #tpu.memory_space<vmem>> -> memref<1x128xi32, #tpu.memory_space<vmem>>
      %dma_start3A_232 = tpu.memref_squeeze %dma_start3A_231 : memref<1x128xi32, #tpu.memory_space<vmem>> -> memref<128xi32, #tpu.memory_space<vmem>>
      %dma_start3A_233 = arith.constant 0 : i32
      %dma_start3A_234 = arith.constant 0 : i32
      %dma_start3A_235 = tpu.memref_slice %arg11[%dma_start3A_233, %dma_start3A_234] : memref<10240x128xf32, #tpu.memory_space<vmem_shared>> -> memref<10240x128xf32, #tpu.memory_space<vmem_shared>>
      tpu.enqueue_indirect_dma source(%arg9 : memref<128x128xf32, #tpu.memory_space<vmem>>) target(%dma_start3A_235 : memref<10240x128xf32, #tpu.memory_space<vmem_shared>>) offsets(%dma_start3A_232 : memref<128xi32, #tpu.memory_space<vmem>>) semaphore(%arg14 : memref<!tpu.dma_semaphore, #tpu.memory_space<semaphore_mem>>) {add = true}
      %run_scoped3A_236 = arith.constant 4 : i32
      "tpu.region"() ({
        %run_scoped3A_324 = tpu.sem_alloc : memref<!tpu.dma_semaphore, #tpu.memory_space<semaphore_mem>>
        %dma_start3A_325 = arith.constant 0 : i32
        %dma_start3A_326 = tpu.memref_slice %arg8[%run_scoped3A_236, %dma_start3A_325] : memref<8x128xi32, #tpu.memory_space<vmem>> -> memref<1x128xi32, #tpu.memory_space<vmem>>
        %dma_start3A_327 = tpu.memref_squeeze %dma_start3A_326 : memref<1x128xi32, #tpu.memory_space<vmem>> -> memref<128xi32, #tpu.memory_space<vmem>>
        %dma_start3A_328 = arith.constant 0 : i32
        %dma_start3A_329 = tpu.memref_slice %arg17[%dma_start3A_328] : memref<10240xf32, #tpu.memory_space<vmem_shared>> -> memref<10240xf32, #tpu.memory_space<vmem_shared>>
        tpu.enqueue_indirect_dma source(%arg16 : memref<128xf32, #tpu.memory_space<vmem>>) target(%dma_start3A_329 : memref<10240xf32, #tpu.memory_space<vmem_shared>>) offsets(%dma_start3A_327 : memref<128xi32, #tpu.memory_space<vmem>>) semaphore(%run_scoped3A_324 : memref<!tpu.dma_semaphore, #tpu.memory_space<semaphore_mem>>) {add = true}
        %dma_wait3A_330 = arith.constant 0 : i32
        %dma_wait3A_331 = tpu.memref_slice %arg8[%run_scoped3A_236, %dma_wait3A_330] : memref<8x128xi32, #tpu.memory_space<vmem>> -> memref<1x128xi32, #tpu.memory_space<vmem>>
        %dma_wait3A_332 = tpu.memref_squeeze %dma_wait3A_331 : memref<1x128xi32, #tpu.memory_space<vmem>> -> memref<128xi32, #tpu.memory_space<vmem>>
        %dma_wait3A_333 = arith.constant 0 : i32
        %dma_wait3A_334 = tpu.memref_slice %arg17[%dma_wait3A_333] : memref<10240xf32, #tpu.memory_space<vmem_shared>> -> memref<10240xf32, #tpu.memory_space<vmem_shared>>
        tpu.wait_indirect_dma semaphore(%run_scoped3A_324 : memref<!tpu.dma_semaphore, #tpu.memory_space<semaphore_mem>>) src(%arg16 : memref<128xf32, #tpu.memory_space<vmem>>) dst(%dma_wait3A_334 : memref<10240xf32, #tpu.memory_space<vmem_shared>>)
        tpu.yield
      }) : () -> ()
      %dma_wait3A_237 = arith.constant 4 : i32
      %dma_wait3A_238 = arith.constant 0 : i32
      %dma_wait3A_239 = tpu.memref_slice %arg8[%dma_wait3A_237, %dma_wait3A_238] : memref<8x128xi32, #tpu.memory_space<vmem>> -> memref<1x128xi32, #tpu.memory_space<vmem>>
      %dma_wait3A_240 = tpu.memref_squeeze %dma_wait3A_239 : memref<1x128xi32, #tpu.memory_space<vmem>> -> memref<128xi32, #tpu.memory_space<vmem>>
      %dma_wait3A_241 = arith.constant 0 : i32
      %dma_wait3A_242 = arith.constant 0 : i32
      %dma_wait3A_243 = tpu.memref_slice %arg11[%dma_wait3A_241, %dma_wait3A_242] : memref<10240x128xf32, #tpu.memory_space<vmem_shared>> -> memref<10240x128xf32, #tpu.memory_space<vmem_shared>>
      tpu.wait_indirect_dma semaphore(%arg14 : memref<!tpu.dma_semaphore, #tpu.memory_space<semaphore_mem>>) src(%arg9 : memref<128x128xf32, #tpu.memory_space<vmem>>) dst(%dma_wait3A_243 : memref<10240x128xf32, #tpu.memory_space<vmem_shared>>)
      %dma_start3A_244 = arith.constant 6 : i32
      %dma_start3A_245 = arith.constant 0 : i32
      %dma_start3A_246 = tpu.memref_slice %arg7[%dma_start3A_244, %dma_start3A_245] : memref<8x128xi32, #tpu.memory_space<vmem>> -> memref<1x128xi32, #tpu.memory_space<vmem>>
      %dma_start3A_247 = tpu.memref_squeeze %dma_start3A_246 : memref<1x128xi32, #tpu.memory_space<vmem>> -> memref<128xi32, #tpu.memory_space<vmem>>
      %dma_start3A_248 = arith.constant 0 : i32
      %dma_start3A_249 = arith.constant 0 : i32
      %dma_start3A_250 = tpu.memref_slice %arg2[%dma_start3A_248, %dma_start3A_249] : memref<10240x128xf32, #tpu.memory_space<hbm>> -> memref<10240x128xf32, #tpu.memory_space<hbm>>
      tpu.enqueue_indirect_dma source(%dma_start3A_250 : memref<10240x128xf32, #tpu.memory_space<hbm>>) target(%arg9 : memref<128x128xf32, #tpu.memory_space<vmem>>) offsets(%dma_start3A_247 : memref<128xi32, #tpu.memory_space<vmem>>) semaphore(%arg12 : memref<!tpu.dma_semaphore, #tpu.memory_space<semaphore_mem>>)
      %dma_wait3A_251 = arith.constant 5 : i32
      %dma_wait3A_252 = arith.constant 0 : i32
      %dma_wait3A_253 = tpu.memref_slice %arg7[%dma_wait3A_251, %dma_wait3A_252] : memref<8x128xi32, #tpu.memory_space<vmem>> -> memref<1x128xi32, #tpu.memory_space<vmem>>
      %dma_wait3A_254 = tpu.memref_squeeze %dma_wait3A_253 : memref<1x128xi32, #tpu.memory_space<vmem>> -> memref<128xi32, #tpu.memory_space<vmem>>
      %dma_wait3A_255 = arith.constant 0 : i32
      %dma_wait3A_256 = arith.constant 0 : i32
      %dma_wait3A_257 = tpu.memref_slice %arg2[%dma_wait3A_255, %dma_wait3A_256] : memref<10240x128xf32, #tpu.memory_space<hbm>> -> memref<10240x128xf32, #tpu.memory_space<hbm>>
      tpu.wait_indirect_dma semaphore(%arg13 : memref<!tpu.dma_semaphore, #tpu.memory_space<semaphore_mem>>) src(%dma_wait3A_257 : memref<10240x128xf32, #tpu.memory_space<hbm>>) dst(%arg10 : memref<128x128xf32, #tpu.memory_space<vmem>>)
      %dma_start3A_258 = arith.constant 5 : i32
      %dma_start3A_259 = arith.constant 0 : i32
      %dma_start3A_260 = tpu.memref_slice %arg8[%dma_start3A_258, %dma_start3A_259] : memref<8x128xi32, #tpu.memory_space<vmem>> -> memref<1x128xi32, #tpu.memory_space<vmem>>
      %dma_start3A_261 = tpu.memref_squeeze %dma_start3A_260 : memref<1x128xi32, #tpu.memory_space<vmem>> -> memref<128xi32, #tpu.memory_space<vmem>>
      %dma_start3A_262 = arith.constant 0 : i32
      %dma_start3A_263 = arith.constant 0 : i32
      %dma_start3A_264 = tpu.memref_slice %arg11[%dma_start3A_262, %dma_start3A_263] : memref<10240x128xf32, #tpu.memory_space<vmem_shared>> -> memref<10240x128xf32, #tpu.memory_space<vmem_shared>>
      tpu.enqueue_indirect_dma source(%arg10 : memref<128x128xf32, #tpu.memory_space<vmem>>) target(%dma_start3A_264 : memref<10240x128xf32, #tpu.memory_space<vmem_shared>>) offsets(%dma_start3A_261 : memref<128xi32, #tpu.memory_space<vmem>>) semaphore(%arg15 : memref<!tpu.dma_semaphore, #tpu.memory_space<semaphore_mem>>) {add = true}
      %run_scoped3A_265 = arith.constant 5 : i32
      "tpu.region"() ({
        %run_scoped3A_324 = tpu.sem_alloc : memref<!tpu.dma_semaphore, #tpu.memory_space<semaphore_mem>>
        %dma_start3A_325 = arith.constant 0 : i32
        %dma_start3A_326 = tpu.memref_slice %arg8[%run_scoped3A_265, %dma_start3A_325] : memref<8x128xi32, #tpu.memory_space<vmem>> -> memref<1x128xi32, #tpu.memory_space<vmem>>
        %dma_start3A_327 = tpu.memref_squeeze %dma_start3A_326 : memref<1x128xi32, #tpu.memory_space<vmem>> -> memref<128xi32, #tpu.memory_space<vmem>>
        %dma_start3A_328 = arith.constant 0 : i32
        %dma_start3A_329 = tpu.memref_slice %arg17[%dma_start3A_328] : memref<10240xf32, #tpu.memory_space<vmem_shared>> -> memref<10240xf32, #tpu.memory_space<vmem_shared>>
        tpu.enqueue_indirect_dma source(%arg16 : memref<128xf32, #tpu.memory_space<vmem>>) target(%dma_start3A_329 : memref<10240xf32, #tpu.memory_space<vmem_shared>>) offsets(%dma_start3A_327 : memref<128xi32, #tpu.memory_space<vmem>>) semaphore(%run_scoped3A_324 : memref<!tpu.dma_semaphore, #tpu.memory_space<semaphore_mem>>) {add = true}
        %dma_wait3A_330 = arith.constant 0 : i32
        %dma_wait3A_331 = tpu.memref_slice %arg8[%run_scoped3A_265, %dma_wait3A_330] : memref<8x128xi32, #tpu.memory_space<vmem>> -> memref<1x128xi32, #tpu.memory_space<vmem>>
        %dma_wait3A_332 = tpu.memref_squeeze %dma_wait3A_331 : memref<1x128xi32, #tpu.memory_space<vmem>> -> memref<128xi32, #tpu.memory_space<vmem>>
        %dma_wait3A_333 = arith.constant 0 : i32
        %dma_wait3A_334 = tpu.memref_slice %arg17[%dma_wait3A_333] : memref<10240xf32, #tpu.memory_space<vmem_shared>> -> memref<10240xf32, #tpu.memory_space<vmem_shared>>
        tpu.wait_indirect_dma semaphore(%run_scoped3A_324 : memref<!tpu.dma_semaphore, #tpu.memory_space<semaphore_mem>>) src(%arg16 : memref<128xf32, #tpu.memory_space<vmem>>) dst(%dma_wait3A_334 : memref<10240xf32, #tpu.memory_space<vmem_shared>>)
        tpu.yield
      }) : () -> ()
      %dma_wait3A_266 = arith.constant 5 : i32
      %dma_wait3A_267 = arith.constant 0 : i32
      %dma_wait3A_268 = tpu.memref_slice %arg8[%dma_wait3A_266, %dma_wait3A_267] : memref<8x128xi32, #tpu.memory_space<vmem>> -> memref<1x128xi32, #tpu.memory_space<vmem>>
      %dma_wait3A_269 = tpu.memref_squeeze %dma_wait3A_268 : memref<1x128xi32, #tpu.memory_space<vmem>> -> memref<128xi32, #tpu.memory_space<vmem>>
      %dma_wait3A_270 = arith.constant 0 : i32
      %dma_wait3A_271 = arith.constant 0 : i32
      %dma_wait3A_272 = tpu.memref_slice %arg11[%dma_wait3A_270, %dma_wait3A_271] : memref<10240x128xf32, #tpu.memory_space<vmem_shared>> -> memref<10240x128xf32, #tpu.memory_space<vmem_shared>>
      tpu.wait_indirect_dma semaphore(%arg15 : memref<!tpu.dma_semaphore, #tpu.memory_space<semaphore_mem>>) src(%arg10 : memref<128x128xf32, #tpu.memory_space<vmem>>) dst(%dma_wait3A_272 : memref<10240x128xf32, #tpu.memory_space<vmem_shared>>)
      %dma_start3A_273 = arith.constant 7 : i32
      %dma_start3A_274 = arith.constant 0 : i32
      %dma_start3A_275 = tpu.memref_slice %arg7[%dma_start3A_273, %dma_start3A_274] : memref<8x128xi32, #tpu.memory_space<vmem>> -> memref<1x128xi32, #tpu.memory_space<vmem>>
      %dma_start3A_276 = tpu.memref_squeeze %dma_start3A_275 : memref<1x128xi32, #tpu.memory_space<vmem>> -> memref<128xi32, #tpu.memory_space<vmem>>
      %dma_start3A_277 = arith.constant 0 : i32
      %dma_start3A_278 = arith.constant 0 : i32
      %dma_start3A_279 = tpu.memref_slice %arg2[%dma_start3A_277, %dma_start3A_278] : memref<10240x128xf32, #tpu.memory_space<hbm>> -> memref<10240x128xf32, #tpu.memory_space<hbm>>
      tpu.enqueue_indirect_dma source(%dma_start3A_279 : memref<10240x128xf32, #tpu.memory_space<hbm>>) target(%arg10 : memref<128x128xf32, #tpu.memory_space<vmem>>) offsets(%dma_start3A_276 : memref<128xi32, #tpu.memory_space<vmem>>) semaphore(%arg13 : memref<!tpu.dma_semaphore, #tpu.memory_space<semaphore_mem>>)
      %dma_wait3A_280 = arith.constant 6 : i32
      %dma_wait3A_281 = arith.constant 0 : i32
      %dma_wait3A_282 = tpu.memref_slice %arg7[%dma_wait3A_280, %dma_wait3A_281] : memref<8x128xi32, #tpu.memory_space<vmem>> -> memref<1x128xi32, #tpu.memory_space<vmem>>
      %dma_wait3A_283 = tpu.memref_squeeze %dma_wait3A_282 : memref<1x128xi32, #tpu.memory_space<vmem>> -> memref<128xi32, #tpu.memory_space<vmem>>
      %dma_wait3A_284 = arith.constant 0 : i32
      %dma_wait3A_285 = arith.constant 0 : i32
      %dma_wait3A_286 = tpu.memref_slice %arg2[%dma_wait3A_284, %dma_wait3A_285] : memref<10240x128xf32, #tpu.memory_space<hbm>> -> memref<10240x128xf32, #tpu.memory_space<hbm>>
      tpu.wait_indirect_dma semaphore(%arg12 : memref<!tpu.dma_semaphore, #tpu.memory_space<semaphore_mem>>) src(%dma_wait3A_286 : memref<10240x128xf32, #tpu.memory_space<hbm>>) dst(%arg9 : memref<128x128xf32, #tpu.memory_space<vmem>>)
      %dma_start3A_287 = arith.constant 6 : i32
      %dma_start3A_288 = arith.constant 0 : i32
      %dma_start3A_289 = tpu.memref_slice %arg8[%dma_start3A_287, %dma_start3A_288] : memref<8x128xi32, #tpu.memory_space<vmem>> -> memref<1x128xi32, #tpu.memory_space<vmem>>
      %dma_start3A_290 = tpu.memref_squeeze %dma_start3A_289 : memref<1x128xi32, #tpu.memory_space<vmem>> -> memref<128xi32, #tpu.memory_space<vmem>>
      %dma_start3A_291 = arith.constant 0 : i32
      %dma_start3A_292 = arith.constant 0 : i32
      %dma_start3A_293 = tpu.memref_slice %arg11[%dma_start3A_291, %dma_start3A_292] : memref<10240x128xf32, #tpu.memory_space<vmem_shared>> -> memref<10240x128xf32, #tpu.memory_space<vmem_shared>>
      tpu.enqueue_indirect_dma source(%arg9 : memref<128x128xf32, #tpu.memory_space<vmem>>) target(%dma_start3A_293 : memref<10240x128xf32, #tpu.memory_space<vmem_shared>>) offsets(%dma_start3A_290 : memref<128xi32, #tpu.memory_space<vmem>>) semaphore(%arg14 : memref<!tpu.dma_semaphore, #tpu.memory_space<semaphore_mem>>) {add = true}
      %run_scoped3A_294 = arith.constant 6 : i32
      "tpu.region"() ({
        %run_scoped3A_324 = tpu.sem_alloc : memref<!tpu.dma_semaphore, #tpu.memory_space<semaphore_mem>>
        %dma_start3A_325 = arith.constant 0 : i32
        %dma_start3A_326 = tpu.memref_slice %arg8[%run_scoped3A_294, %dma_start3A_325] : memref<8x128xi32, #tpu.memory_space<vmem>> -> memref<1x128xi32, #tpu.memory_space<vmem>>
        %dma_start3A_327 = tpu.memref_squeeze %dma_start3A_326 : memref<1x128xi32, #tpu.memory_space<vmem>> -> memref<128xi32, #tpu.memory_space<vmem>>
        %dma_start3A_328 = arith.constant 0 : i32
        %dma_start3A_329 = tpu.memref_slice %arg17[%dma_start3A_328] : memref<10240xf32, #tpu.memory_space<vmem_shared>> -> memref<10240xf32, #tpu.memory_space<vmem_shared>>
        tpu.enqueue_indirect_dma source(%arg16 : memref<128xf32, #tpu.memory_space<vmem>>) target(%dma_start3A_329 : memref<10240xf32, #tpu.memory_space<vmem_shared>>) offsets(%dma_start3A_327 : memref<128xi32, #tpu.memory_space<vmem>>) semaphore(%run_scoped3A_324 : memref<!tpu.dma_semaphore, #tpu.memory_space<semaphore_mem>>) {add = true}
        %dma_wait3A_330 = arith.constant 0 : i32
        %dma_wait3A_331 = tpu.memref_slice %arg8[%run_scoped3A_294, %dma_wait3A_330] : memref<8x128xi32, #tpu.memory_space<vmem>> -> memref<1x128xi32, #tpu.memory_space<vmem>>
        %dma_wait3A_332 = tpu.memref_squeeze %dma_wait3A_331 : memref<1x128xi32, #tpu.memory_space<vmem>> -> memref<128xi32, #tpu.memory_space<vmem>>
        %dma_wait3A_333 = arith.constant 0 : i32
        %dma_wait3A_334 = tpu.memref_slice %arg17[%dma_wait3A_333] : memref<10240xf32, #tpu.memory_space<vmem_shared>> -> memref<10240xf32, #tpu.memory_space<vmem_shared>>
        tpu.wait_indirect_dma semaphore(%run_scoped3A_324 : memref<!tpu.dma_semaphore, #tpu.memory_space<semaphore_mem>>) src(%arg16 : memref<128xf32, #tpu.memory_space<vmem>>) dst(%dma_wait3A_334 : memref<10240xf32, #tpu.memory_space<vmem_shared>>)
        tpu.yield
      }) : () -> ()
      %dma_wait3A_295 = arith.constant 7 : i32
      %dma_wait3A_296 = arith.constant 0 : i32
      %dma_wait3A_297 = tpu.memref_slice %arg7[%dma_wait3A_295, %dma_wait3A_296] : memref<8x128xi32, #tpu.memory_space<vmem>> -> memref<1x128xi32, #tpu.memory_space<vmem>>
      %dma_wait3A_298 = tpu.memref_squeeze %dma_wait3A_297 : memref<1x128xi32, #tpu.memory_space<vmem>> -> memref<128xi32, #tpu.memory_space<vmem>>
      %dma_wait3A_299 = arith.constant 0 : i32
      %dma_wait3A_300 = arith.constant 0 : i32
      %dma_wait3A_301 = tpu.memref_slice %arg2[%dma_wait3A_299, %dma_wait3A_300] : memref<10240x128xf32, #tpu.memory_space<hbm>> -> memref<10240x128xf32, #tpu.memory_space<hbm>>
      tpu.wait_indirect_dma semaphore(%arg13 : memref<!tpu.dma_semaphore, #tpu.memory_space<semaphore_mem>>) src(%dma_wait3A_301 : memref<10240x128xf32, #tpu.memory_space<hbm>>) dst(%arg10 : memref<128x128xf32, #tpu.memory_space<vmem>>)
      %dma_start3A_302 = arith.constant 7 : i32
      %dma_start3A_303 = arith.constant 0 : i32
      %dma_start3A_304 = tpu.memref_slice %arg8[%dma_start3A_302, %dma_start3A_303] : memref<8x128xi32, #tpu.memory_space<vmem>> -> memref<1x128xi32, #tpu.memory_space<vmem>>
      %dma_start3A_305 = tpu.memref_squeeze %dma_start3A_304 : memref<1x128xi32, #tpu.memory_space<vmem>> -> memref<128xi32, #tpu.memory_space<vmem>>
      %dma_start3A_306 = arith.constant 0 : i32
      %dma_start3A_307 = arith.constant 0 : i32
      %dma_start3A_308 = tpu.memref_slice %arg11[%dma_start3A_306, %dma_start3A_307] : memref<10240x128xf32, #tpu.memory_space<vmem_shared>> -> memref<10240x128xf32, #tpu.memory_space<vmem_shared>>
      tpu.enqueue_indirect_dma source(%arg10 : memref<128x128xf32, #tpu.memory_space<vmem>>) target(%dma_start3A_308 : memref<10240x128xf32, #tpu.memory_space<vmem_shared>>) offsets(%dma_start3A_305 : memref<128xi32, #tpu.memory_space<vmem>>) semaphore(%arg15 : memref<!tpu.dma_semaphore, #tpu.memory_space<semaphore_mem>>) {add = true}
      %run_scoped3A_309 = arith.constant 7 : i32
      "tpu.region"() ({
        %run_scoped3A_324 = tpu.sem_alloc : memref<!tpu.dma_semaphore, #tpu.memory_space<semaphore_mem>>
        %dma_start3A_325 = arith.constant 0 : i32
        %dma_start3A_326 = tpu.memref_slice %arg8[%run_scoped3A_309, %dma_start3A_325] : memref<8x128xi32, #tpu.memory_space<vmem>> -> memref<1x128xi32, #tpu.memory_space<vmem>>
        %dma_start3A_327 = tpu.memref_squeeze %dma_start3A_326 : memref<1x128xi32, #tpu.memory_space<vmem>> -> memref<128xi32, #tpu.memory_space<vmem>>
        %dma_start3A_328 = arith.constant 0 : i32
        %dma_start3A_329 = tpu.memref_slice %arg17[%dma_start3A_328] : memref<10240xf32, #tpu.memory_space<vmem_shared>> -> memref<10240xf32, #tpu.memory_space<vmem_shared>>
        tpu.enqueue_indirect_dma source(%arg16 : memref<128xf32, #tpu.memory_space<vmem>>) target(%dma_start3A_329 : memref<10240xf32, #tpu.memory_space<vmem_shared>>) offsets(%dma_start3A_327 : memref<128xi32, #tpu.memory_space<vmem>>) semaphore(%run_scoped3A_324 : memref<!tpu.dma_semaphore, #tpu.memory_space<semaphore_mem>>) {add = true}
        %dma_wait3A_330 = arith.constant 0 : i32
        %dma_wait3A_331 = tpu.memref_slice %arg8[%run_scoped3A_309, %dma_wait3A_330] : memref<8x128xi32, #tpu.memory_space<vmem>> -> memref<1x128xi32, #tpu.memory_space<vmem>>
        %dma_wait3A_332 = tpu.memref_squeeze %dma_wait3A_331 : memref<1x128xi32, #tpu.memory_space<vmem>> -> memref<128xi32, #tpu.memory_space<vmem>>
        %dma_wait3A_333 = arith.constant 0 : i32
        %dma_wait3A_334 = tpu.memref_slice %arg17[%dma_wait3A_333] : memref<10240xf32, #tpu.memory_space<vmem_shared>> -> memref<10240xf32, #tpu.memory_space<vmem_shared>>
        tpu.wait_indirect_dma semaphore(%run_scoped3A_324 : memref<!tpu.dma_semaphore, #tpu.memory_space<semaphore_mem>>) src(%arg16 : memref<128xf32, #tpu.memory_space<vmem>>) dst(%dma_wait3A_334 : memref<10240xf32, #tpu.memory_space<vmem_shared>>)
        tpu.yield
      }) : () -> ()
      %dma_wait3A_310 = arith.constant 6 : i32
      %dma_wait3A_311 = arith.constant 0 : i32
      %dma_wait3A_312 = tpu.memref_slice %arg8[%dma_wait3A_310, %dma_wait3A_311] : memref<8x128xi32, #tpu.memory_space<vmem>> -> memref<1x128xi32, #tpu.memory_space<vmem>>
      %dma_wait3A_313 = tpu.memref_squeeze %dma_wait3A_312 : memref<1x128xi32, #tpu.memory_space<vmem>> -> memref<128xi32, #tpu.memory_space<vmem>>
      %dma_wait3A_314 = arith.constant 0 : i32
      %dma_wait3A_315 = arith.constant 0 : i32
      %dma_wait3A_316 = tpu.memref_slice %arg11[%dma_wait3A_314, %dma_wait3A_315] : memref<10240x128xf32, #tpu.memory_space<vmem_shared>> -> memref<10240x128xf32, #tpu.memory_space<vmem_shared>>
      tpu.wait_indirect_dma semaphore(%arg14 : memref<!tpu.dma_semaphore, #tpu.memory_space<semaphore_mem>>) src(%arg9 : memref<128x128xf32, #tpu.memory_space<vmem>>) dst(%dma_wait3A_316 : memref<10240x128xf32, #tpu.memory_space<vmem_shared>>)
      %dma_wait3A_317 = arith.constant 7 : i32
      %dma_wait3A_318 = arith.constant 0 : i32
      %dma_wait3A_319 = tpu.memref_slice %arg8[%dma_wait3A_317, %dma_wait3A_318] : memref<8x128xi32, #tpu.memory_space<vmem>> -> memref<1x128xi32, #tpu.memory_space<vmem>>
      %dma_wait3A_320 = tpu.memref_squeeze %dma_wait3A_319 : memref<1x128xi32, #tpu.memory_space<vmem>> -> memref<128xi32, #tpu.memory_space<vmem>>
      %dma_wait3A_321 = arith.constant 0 : i32
      %dma_wait3A_322 = arith.constant 0 : i32
      %dma_wait3A_323 = tpu.memref_slice %arg11[%dma_wait3A_321, %dma_wait3A_322] : memref<10240x128xf32, #tpu.memory_space<vmem_shared>> -> memref<10240x128xf32, #tpu.memory_space<vmem_shared>>
      tpu.wait_indirect_dma semaphore(%arg15 : memref<!tpu.dma_semaphore, #tpu.memory_space<semaphore_mem>>) src(%arg10 : memref<128x128xf32, #tpu.memory_space<vmem>>) dst(%dma_wait3A_323 : memref<10240x128xf32, #tpu.memory_space<vmem_shared>>)
    }
    %scan3A_83 = arith.constant 10 : i32
    %barrier3A_84 = arith.constant 0 : index
    tpu.barrier barrier_id(%barrier3A_84)
    %mul3A_85 = arith.constant 10240 : i32
    %mul3A_86 = arith.muli %arg0, %mul3A_85 : i32
    %add3A_87 = arith.addi %mul3A_86, %mul3A_7 : i32
    "tpu.region"() ({
      %run_scoped3A_88 = tpu.sem_alloc : memref<!tpu.dma_semaphore, #tpu.memory_space<semaphore_mem>>
      %dma_start3A = arith.constant 0 : i32
      %dma_start3A_89 = tpu.memref_slice %arg5[%add3A_87, %dma_start3A] : memref<20480x128xf32, #tpu.memory_space<hbm>> -> memref<640x128xf32, #tpu.memory_space<hbm>>
      %dma_start3A_90 = arith.constant 0 : i32
      %dma_start3A_91 = tpu.memref_slice %arg11[%mul3A_7, %dma_start3A_90] : memref<10240x128xf32, #tpu.memory_space<vmem_shared>> -> memref<640x128xf32, #tpu.memory_space<vmem_shared>>
      tpu.enqueue_dma source(%dma_start3A_91 : memref<640x128xf32, #tpu.memory_space<vmem_shared>>) target(%dma_start3A_89 : memref<640x128xf32, #tpu.memory_space<hbm>>) target_semaphore(%run_scoped3A_88 : memref<!tpu.dma_semaphore, #tpu.memory_space<semaphore_mem>>)
      %dma_wait3A = arith.constant 0 : i32
      %dma_wait3A_92 = tpu.memref_slice %arg5[%add3A_87, %dma_wait3A] : memref<20480x128xf32, #tpu.memory_space<hbm>> -> memref<640x128xf32, #tpu.memory_space<hbm>>
      %dma_wait3A_93 = arith.constant 0 : i32
      %dma_wait3A_94 = tpu.memref_slice %arg11[%mul3A_7, %dma_wait3A_93] : memref<10240x128xf32, #tpu.memory_space<vmem_shared>> -> memref<640x128xf32, #tpu.memory_space<vmem_shared>>
      tpu.wait_dma2 semaphore(%run_scoped3A_88 : memref<!tpu.dma_semaphore, #tpu.memory_space<semaphore_mem>>) src(%dma_wait3A_94 : memref<640x128xf32, #tpu.memory_space<vmem_shared>>) dst(%dma_wait3A_92 : memref<640x128xf32, #tpu.memory_space<hbm>>)
      tpu.yield
    }) : () -> ()
    "tpu.region"() ({
      %run_scoped3A_88 = tpu.sem_alloc : memref<!tpu.dma_semaphore, #tpu.memory_space<semaphore_mem>>
      %dma_start3A = tpu.memref_slice %arg6[%add3A_87] : memref<20480xf32, #tpu.memory_space<hbm>> -> memref<640xf32, #tpu.memory_space<hbm>>
      %dma_start3A_89 = tpu.memref_slice %arg17[%mul3A_7] : memref<10240xf32, #tpu.memory_space<vmem_shared>> -> memref<640xf32, #tpu.memory_space<vmem_shared>>
      tpu.enqueue_dma source(%dma_start3A_89 : memref<640xf32, #tpu.memory_space<vmem_shared>>) target(%dma_start3A : memref<640xf32, #tpu.memory_space<hbm>>) target_semaphore(%run_scoped3A_88 : memref<!tpu.dma_semaphore, #tpu.memory_space<semaphore_mem>>)
      %dma_wait3A = tpu.memref_slice %arg6[%add3A_87] : memref<20480xf32, #tpu.memory_space<hbm>> -> memref<640xf32, #tpu.memory_space<hbm>>
      %dma_wait3A_90 = tpu.memref_slice %arg17[%mul3A_7] : memref<10240xf32, #tpu.memory_space<vmem_shared>> -> memref<640xf32, #tpu.memory_space<vmem_shared>>
      tpu.wait_dma2 semaphore(%run_scoped3A_88 : memref<!tpu.dma_semaphore, #tpu.memory_space<semaphore_mem>>) src(%dma_wait3A_90 : memref<640xf32, #tpu.memory_space<vmem_shared>>) dst(%dma_wait3A : memref<640xf32, #tpu.memory_space<hbm>>)
      tpu.yield
    }) : () -> ()
    return
  }
}

#map = affine_map<(d0, d1) -> (0, 0)>
module attributes {stable_mosaic.version = 14 : i64} {
  func.func @k(%arg0: i32, %arg1: i32, %arg2: memref<10240x128xf32, #tpu.memory_space<hbm>>, %arg3: memref<2560x128xi32, #tpu.memory_space<hbm>>, %arg4: memref<2560x128xi32, #tpu.memory_space<hbm>>, %arg5: memref<20480x128xf32, #tpu.memory_space<hbm>>, %arg6: memref<8x128xi32, #tpu.memory_space<vmem>>, %arg7: memref<8x128xi32, #tpu.memory_space<vmem>>, %arg8: memref<128x128xf32, #tpu.memory_space<vmem>>, %arg9: memref<128x128xf32, #tpu.memory_space<vmem>>, %arg10: memref<10240x128xf32, #tpu.memory_space<vmem_shared>>, %arg11: memref<!tpu.dma_semaphore, #tpu.memory_space<semaphore_mem>>, %arg12: memref<!tpu.dma_semaphore, #tpu.memory_space<semaphore_mem>>, %arg13: memref<!tpu.dma_semaphore, #tpu.memory_space<semaphore_mem>>, %arg14: memref<!tpu.dma_semaphore, #tpu.memory_space<semaphore_mem>>) attributes {dimension_semantics = [#tpu.dimension_semantics<core_parallel>, #tpu.dimension_semantics<subcore_parallel>], iteration_bounds = array<i64: 2, 16>, scalar_prefetch = 0 : i64, scratch_operands = 9 : i64, tpu.core_type = #tpu.core_type<sc_vector_subcore>, window_params = [{transform_indices = #map}, {transform_indices = #map}, {transform_indices = #map}, {transform_indices = #map}]} {
    %mul3A = arith.constant 2 : i32
    %mul3A_0 = arith.muli %arg1, %mul3A : i32
    %add3A = arith.addi %mul3A_0, %arg0 : i32
    %scan3A = arith.constant 0 : i32
    %scan3A_1 = arith.constant 0 : i32
    %scan3A_2 = arith.constant 1024 : i32
    %scan3A_3 = arith.addi %scan3A_1, %scan3A_2 : i32
    %scan3A_4 = arith.constant 1 : i32
    scf.for %scan3A_28 = %scan3A_1 to %scan3A_3 step %scan3A_4  : i32 {
      %broadcast_in_dim3A = arith.constant 0.000000e+00 : f32
      %broadcast_in_dim3A_29 = vector.broadcast %broadcast_in_dim3A : f32 to vector<16xf32>
      %jit3A = arith.constant 8 : i32
      %div3A = arith.divsi %scan3A_28, %jit3A : i32
      %sign3A = arith.constant 0 : i32
      %sign3A_30 = arith.cmpi sgt, %scan3A_28, %sign3A : i32
      %sign3A_31 = arith.extui %sign3A_30 : i1 to i32
      %sign3A_32 = arith.constant 0 : i32
      %sign3A_33 = arith.cmpi slt, %scan3A_28, %sign3A_32 : i32
      %sign3A_34 = arith.extui %sign3A_33 : i1 to i32
      %sign3A_35 = arith.subi %sign3A_31, %sign3A_34 : i32
      %sign3A_36 = arith.constant 0 : i32
      %sign3A_37 = arith.cmpi sgt, %jit3A, %sign3A_36 : i32
      %sign3A_38 = arith.extui %sign3A_37 : i1 to i32
      %sign3A_39 = arith.constant 0 : i32
      %sign3A_40 = arith.cmpi slt, %jit3A, %sign3A_39 : i32
      %sign3A_41 = arith.extui %sign3A_40 : i1 to i32
      %sign3A_42 = arith.subi %sign3A_38, %sign3A_41 : i32
      %ne3A = arith.cmpi ne, %sign3A_35, %sign3A_42 : i32
      %rem3A = arith.remsi %scan3A_28, %jit3A : i32
      %ne3A_43 = arith.constant 0 : i32
      %ne3A_44 = arith.cmpi ne, %rem3A, %ne3A_43 : i32
      %and3A = arith.andi %ne3A, %ne3A_44 : i1
      %sub3A = arith.constant 1 : i32
      %sub3A_45 = arith.subi %div3A, %sub3A : i32
      %select_n3A = arith.select %and3A, %sub3A_45, %div3A : i32
      %jit3A_46 = arith.constant 8 : i32
      %eq3A = arith.constant 0 : i32
      %eq3A_47 = arith.cmpi eq, %jit3A_46, %eq3A : i32
      %jit3A_48 = arith.constant 1 : i32
      %select_n3A_49 = arith.select %eq3A_47, %jit3A_48, %jit3A_46 : i32
      %rem3A_50 = arith.remsi %scan3A_28, %select_n3A_49 : i32
      %ne3A_51 = arith.constant 0 : i32
      %ne3A_52 = arith.cmpi ne, %rem3A_50, %ne3A_51 : i32
      %lt3A = arith.constant 0 : i32
      %lt3A_53 = arith.cmpi slt, %rem3A_50, %lt3A : i32
      %lt3A_54 = arith.constant 0 : i32
      %lt3A_55 = arith.cmpi slt, %select_n3A_49, %lt3A_54 : i32
      %ne3A_56 = arith.xori %lt3A_53, %lt3A_55 : i1
      %and3A_57 = arith.andi %ne3A_56, %ne3A_52 : i1
      %add3A_58 = arith.addi %rem3A_50, %select_n3A_49 : i32
      %select_n3A_59 = arith.select %and3A_57, %add3A_58, %rem3A_50 : i32
      %mul3A_60 = arith.constant 16 : i32
      %mul3A_61 = arith.muli %select_n3A_59, %mul3A_60 : i32
      %swap3A = arith.index_cast %select_n3A : i32 to index
      %swap3A_62 = arith.index_cast %mul3A_61 : i32 to index
      %swap3A_63 = tpu.vector_load %arg8[%swap3A, %swap3A_62] {strides = array<i32>} : memref<128x128xf32, #tpu.memory_space<vmem>>, vector<1x16xf32>,
      %swap3A_64 = vector.shape_cast %swap3A_63 : vector<1x16xf32> to vector<16xf32>
      %swap3A_65 = vector.shape_cast %broadcast_in_dim3A_29 : vector<16xf32> to vector<1x16xf32>
      tpu.vector_store %arg8[%swap3A, %swap3A_62], %swap3A_65 {strides = array<i32>} : memref<128x128xf32, #tpu.memory_space<vmem>>, vector<1x16xf32>,
    }
    %scan3A_5 = arith.constant 1024 : i32
    %mul3A_6 = arith.constant 640 : i32
    %mul3A_7 = arith.muli %arg1, %mul3A_6 : i32
    %add3A_8 = arith.constant 0 : i32
    %add3A_9 = arith.addi %mul3A_7, %add3A_8 : i32
    "tpu.region"() ({
      %run_scoped3A = tpu.sem_alloc : memref<!tpu.dma_semaphore, #tpu.memory_space<semaphore_mem>>
      %dma_start3A = arith.constant 0 : i32
      %dma_start3A_28 = tpu.memref_slice %arg10[%add3A_9, %dma_start3A] : memref<10240x128xf32, #tpu.memory_space<vmem_shared>> -> memref<128x128xf32, #tpu.memory_space<vmem_shared>>
      %dma_start3A_29 = arith.constant 0 : i32
      %dma_start3A_30 = tpu.memref_slice %arg10[%add3A_9, %dma_start3A_29] : memref<10240x128xf32, #tpu.memory_space<vmem_shared>> -> memref<128x128xf32, #tpu.memory_space<vmem_shared>>
      tpu.enqueue_dma source(%arg8 : memref<128x128xf32, #tpu.memory_space<vmem>>) target(%dma_start3A_30 : memref<128x128xf32, #tpu.memory_space<vmem_shared>>) target_semaphore(%run_scoped3A : memref<!tpu.dma_semaphore, #tpu.memory_space<semaphore_mem>>)
      %dma_wait3A = arith.constant 0 : i32
      %dma_wait3A_31 = tpu.memref_slice %arg10[%add3A_9, %dma_wait3A] : memref<10240x128xf32, #tpu.memory_space<vmem_shared>> -> memref<128x128xf32, #tpu.memory_space<vmem_shared>>
      %dma_wait3A_32 = arith.constant 0 : i32
      %dma_wait3A_33 = tpu.memref_slice %arg10[%add3A_9, %dma_wait3A_32] : memref<10240x128xf32, #tpu.memory_space<vmem_shared>> -> memref<128x128xf32, #tpu.memory_space<vmem_shared>>
      tpu.wait_dma2 semaphore(%run_scoped3A : memref<!tpu.dma_semaphore, #tpu.memory_space<semaphore_mem>>) src(%arg8 : memref<128x128xf32, #tpu.memory_space<vmem>>) dst(%dma_wait3A_33 : memref<128x128xf32, #tpu.memory_space<vmem_shared>>)
      tpu.yield
    }) : () -> ()
    %add3A_10 = arith.constant 128 : i32
    %add3A_11 = arith.addi %mul3A_7, %add3A_10 : i32
    "tpu.region"() ({
      %run_scoped3A = tpu.sem_alloc : memref<!tpu.dma_semaphore, #tpu.memory_space<semaphore_mem>>
      %dma_start3A = arith.constant 0 : i32
      %dma_start3A_28 = tpu.memref_slice %arg10[%add3A_11, %dma_start3A] : memref<10240x128xf32, #tpu.memory_space<vmem_shared>> -> memref<128x128xf32, #tpu.memory_space<vmem_shared>>
      %dma_start3A_29 = arith.constant 0 : i32
      %dma_start3A_30 = tpu.memref_slice %arg10[%add3A_11, %dma_start3A_29] : memref<10240x128xf32, #tpu.memory_space<vmem_shared>> -> memref<128x128xf32, #tpu.memory_space<vmem_shared>>
      tpu.enqueue_dma source(%arg8 : memref<128x128xf32, #tpu.memory_space<vmem>>) target(%dma_start3A_30 : memref<128x128xf32, #tpu.memory_space<vmem_shared>>) target_semaphore(%run_scoped3A : memref<!tpu.dma_semaphore, #tpu.memory_space<semaphore_mem>>)
      %dma_wait3A = arith.constant 0 : i32
      %dma_wait3A_31 = tpu.memref_slice %arg10[%add3A_11, %dma_wait3A] : memref<10240x128xf32, #tpu.memory_space<vmem_shared>> -> memref<128x128xf32, #tpu.memory_space<vmem_shared>>
      %dma_wait3A_32 = arith.constant 0 : i32
      %dma_wait3A_33 = tpu.memref_slice %arg10[%add3A_11, %dma_wait3A_32] : memref<10240x128xf32, #tpu.memory_space<vmem_shared>> -> memref<128x128xf32, #tpu.memory_space<vmem_shared>>
      tpu.wait_dma2 semaphore(%run_scoped3A : memref<!tpu.dma_semaphore, #tpu.memory_space<semaphore_mem>>) src(%arg8 : memref<128x128xf32, #tpu.memory_space<vmem>>) dst(%dma_wait3A_33 : memref<128x128xf32, #tpu.memory_space<vmem_shared>>)
      tpu.yield
    }) : () -> ()
    %add3A_12 = arith.constant 256 : i32
    %add3A_13 = arith.addi %mul3A_7, %add3A_12 : i32
    "tpu.region"() ({
      %run_scoped3A = tpu.sem_alloc : memref<!tpu.dma_semaphore, #tpu.memory_space<semaphore_mem>>
      %dma_start3A = arith.constant 0 : i32
      %dma_start3A_28 = tpu.memref_slice %arg10[%add3A_13, %dma_start3A] : memref<10240x128xf32, #tpu.memory_space<vmem_shared>> -> memref<128x128xf32, #tpu.memory_space<vmem_shared>>
      %dma_start3A_29 = arith.constant 0 : i32
      %dma_start3A_30 = tpu.memref_slice %arg10[%add3A_13, %dma_start3A_29] : memref<10240x128xf32, #tpu.memory_space<vmem_shared>> -> memref<128x128xf32, #tpu.memory_space<vmem_shared>>
      tpu.enqueue_dma source(%arg8 : memref<128x128xf32, #tpu.memory_space<vmem>>) target(%dma_start3A_30 : memref<128x128xf32, #tpu.memory_space<vmem_shared>>) target_semaphore(%run_scoped3A : memref<!tpu.dma_semaphore, #tpu.memory_space<semaphore_mem>>)
      %dma_wait3A = arith.constant 0 : i32
      %dma_wait3A_31 = tpu.memref_slice %arg10[%add3A_13, %dma_wait3A] : memref<10240x128xf32, #tpu.memory_space<vmem_shared>> -> memref<128x128xf32, #tpu.memory_space<vmem_shared>>
      %dma_wait3A_32 = arith.constant 0 : i32
      %dma_wait3A_33 = tpu.memref_slice %arg10[%add3A_13, %dma_wait3A_32] : memref<10240x128xf32, #tpu.memory_space<vmem_shared>> -> memref<128x128xf32, #tpu.memory_space<vmem_shared>>
      tpu.wait_dma2 semaphore(%run_scoped3A : memref<!tpu.dma_semaphore, #tpu.memory_space<semaphore_mem>>) src(%arg8 : memref<128x128xf32, #tpu.memory_space<vmem>>) dst(%dma_wait3A_33 : memref<128x128xf32, #tpu.memory_space<vmem_shared>>)
      tpu.yield
    }) : () -> ()
    %add3A_14 = arith.constant 384 : i32
    %add3A_15 = arith.addi %mul3A_7, %add3A_14 : i32
    "tpu.region"() ({
      %run_scoped3A = tpu.sem_alloc : memref<!tpu.dma_semaphore, #tpu.memory_space<semaphore_mem>>
      %dma_start3A = arith.constant 0 : i32
      %dma_start3A_28 = tpu.memref_slice %arg10[%add3A_15, %dma_start3A] : memref<10240x128xf32, #tpu.memory_space<vmem_shared>> -> memref<128x128xf32, #tpu.memory_space<vmem_shared>>
      %dma_start3A_29 = arith.constant 0 : i32
      %dma_start3A_30 = tpu.memref_slice %arg10[%add3A_15, %dma_start3A_29] : memref<10240x128xf32, #tpu.memory_space<vmem_shared>> -> memref<128x128xf32, #tpu.memory_space<vmem_shared>>
      tpu.enqueue_dma source(%arg8 : memref<128x128xf32, #tpu.memory_space<vmem>>) target(%dma_start3A_30 : memref<128x128xf32, #tpu.memory_space<vmem_shared>>) target_semaphore(%run_scoped3A : memref<!tpu.dma_semaphore, #tpu.memory_space<semaphore_mem>>)
      %dma_wait3A = arith.constant 0 : i32
      %dma_wait3A_31 = tpu.memref_slice %arg10[%add3A_15, %dma_wait3A] : memref<10240x128xf32, #tpu.memory_space<vmem_shared>> -> memref<128x128xf32, #tpu.memory_space<vmem_shared>>
      %dma_wait3A_32 = arith.constant 0 : i32
      %dma_wait3A_33 = tpu.memref_slice %arg10[%add3A_15, %dma_wait3A_32] : memref<10240x128xf32, #tpu.memory_space<vmem_shared>> -> memref<128x128xf32, #tpu.memory_space<vmem_shared>>
      tpu.wait_dma2 semaphore(%run_scoped3A : memref<!tpu.dma_semaphore, #tpu.memory_space<semaphore_mem>>) src(%arg8 : memref<128x128xf32, #tpu.memory_space<vmem>>) dst(%dma_wait3A_33 : memref<128x128xf32, #tpu.memory_space<vmem_shared>>)
      tpu.yield
    }) : () -> ()
    %add3A_16 = arith.constant 512 : i32
    %add3A_17 = arith.addi %mul3A_7, %add3A_16 : i32
    "tpu.region"() ({
      %run_scoped3A = tpu.sem_alloc : memref<!tpu.dma_semaphore, #tpu.memory_space<semaphore_mem>>
      %dma_start3A = arith.constant 0 : i32
      %dma_start3A_28 = tpu.memref_slice %arg10[%add3A_17, %dma_start3A] : memref<10240x128xf32, #tpu.memory_space<vmem_shared>> -> memref<128x128xf32, #tpu.memory_space<vmem_shared>>
      %dma_start3A_29 = arith.constant 0 : i32
      %dma_start3A_30 = tpu.memref_slice %arg10[%add3A_17, %dma_start3A_29] : memref<10240x128xf32, #tpu.memory_space<vmem_shared>> -> memref<128x128xf32, #tpu.memory_space<vmem_shared>>
      tpu.enqueue_dma source(%arg8 : memref<128x128xf32, #tpu.memory_space<vmem>>) target(%dma_start3A_30 : memref<128x128xf32, #tpu.memory_space<vmem_shared>>) target_semaphore(%run_scoped3A : memref<!tpu.dma_semaphore, #tpu.memory_space<semaphore_mem>>)
      %dma_wait3A = arith.constant 0 : i32
      %dma_wait3A_31 = tpu.memref_slice %arg10[%add3A_17, %dma_wait3A] : memref<10240x128xf32, #tpu.memory_space<vmem_shared>> -> memref<128x128xf32, #tpu.memory_space<vmem_shared>>
      %dma_wait3A_32 = arith.constant 0 : i32
      %dma_wait3A_33 = tpu.memref_slice %arg10[%add3A_17, %dma_wait3A_32] : memref<10240x128xf32, #tpu.memory_space<vmem_shared>> -> memref<128x128xf32, #tpu.memory_space<vmem_shared>>
      tpu.wait_dma2 semaphore(%run_scoped3A : memref<!tpu.dma_semaphore, #tpu.memory_space<semaphore_mem>>) src(%arg8 : memref<128x128xf32, #tpu.memory_space<vmem>>) dst(%dma_wait3A_33 : memref<128x128xf32, #tpu.memory_space<vmem_shared>>)
      tpu.yield
    }) : () -> ()
    %barrier3A = arith.constant 0 : index
    tpu.barrier barrier_id(%barrier3A)
    %scan3A_18 = arith.constant 0 : i32
    %scan3A_19 = arith.constant 0 : i32
    %scan3A_20 = arith.constant 10 : i32
    %scan3A_21 = arith.addi %scan3A_19, %scan3A_20 : i32
    %scan3A_22 = arith.constant 1 : i32
    scf.for %scan3A_28 = %scan3A_19 to %scan3A_21 step %scan3A_22  : i32 {
      %mul3A_29 = arith.constant 32 : i32
      %mul3A_30 = arith.muli %scan3A_28, %mul3A_29 : i32
      %add3A_31 = arith.addi %add3A, %mul3A_30 : i32
      %mul3A_32 = arith.constant 8 : i32
      %mul3A_33 = arith.muli %add3A_31, %mul3A_32 : i32
      "tpu.region"() ({
        %run_scoped3A = tpu.sem_alloc : memref<!tpu.dma_semaphore, #tpu.memory_space<semaphore_mem>>
        %dma_start3A_256 = arith.constant 0 : i32
        %dma_start3A_257 = tpu.memref_slice %arg3[%mul3A_33, %dma_start3A_256] : memref<2560x128xi32, #tpu.memory_space<hbm>> -> memref<8x128xi32, #tpu.memory_space<hbm>>
        %dma_start3A_258 = arith.constant 0 : i32
        %dma_start3A_259 = tpu.memref_slice %arg3[%mul3A_33, %dma_start3A_258] : memref<2560x128xi32, #tpu.memory_space<hbm>> -> memref<8x128xi32, #tpu.memory_space<hbm>>
        tpu.enqueue_dma source(%dma_start3A_259 : memref<8x128xi32, #tpu.memory_space<hbm>>) target(%arg6 : memref<8x128xi32, #tpu.memory_space<vmem>>) target_semaphore(%run_scoped3A : memref<!tpu.dma_semaphore, #tpu.memory_space<semaphore_mem>>)
        %dma_wait3A_260 = arith.constant 0 : i32
        %dma_wait3A_261 = tpu.memref_slice %arg3[%mul3A_33, %dma_wait3A_260] : memref<2560x128xi32, #tpu.memory_space<hbm>> -> memref<8x128xi32, #tpu.memory_space<hbm>>
        %dma_wait3A_262 = arith.constant 0 : i32
        %dma_wait3A_263 = tpu.memref_slice %arg3[%mul3A_33, %dma_wait3A_262] : memref<2560x128xi32, #tpu.memory_space<hbm>> -> memref<8x128xi32, #tpu.memory_space<hbm>>
        tpu.wait_dma2 semaphore(%run_scoped3A : memref<!tpu.dma_semaphore, #tpu.memory_space<semaphore_mem>>) src(%dma_wait3A_263 : memref<8x128xi32, #tpu.memory_space<hbm>>) dst(%arg6 : memref<8x128xi32, #tpu.memory_space<vmem>>)
        tpu.yield
      }) : () -> ()
      "tpu.region"() ({
        %run_scoped3A = tpu.sem_alloc : memref<!tpu.dma_semaphore, #tpu.memory_space<semaphore_mem>>
        %dma_start3A_256 = arith.constant 0 : i32
        %dma_start3A_257 = tpu.memref_slice %arg4[%mul3A_33, %dma_start3A_256] : memref<2560x128xi32, #tpu.memory_space<hbm>> -> memref<8x128xi32, #tpu.memory_space<hbm>>
        %dma_start3A_258 = arith.constant 0 : i32
        %dma_start3A_259 = tpu.memref_slice %arg4[%mul3A_33, %dma_start3A_258] : memref<2560x128xi32, #tpu.memory_space<hbm>> -> memref<8x128xi32, #tpu.memory_space<hbm>>
        tpu.enqueue_dma source(%dma_start3A_259 : memref<8x128xi32, #tpu.memory_space<hbm>>) target(%arg7 : memref<8x128xi32, #tpu.memory_space<vmem>>) target_semaphore(%run_scoped3A : memref<!tpu.dma_semaphore, #tpu.memory_space<semaphore_mem>>)
        %dma_wait3A_260 = arith.constant 0 : i32
        %dma_wait3A_261 = tpu.memref_slice %arg4[%mul3A_33, %dma_wait3A_260] : memref<2560x128xi32, #tpu.memory_space<hbm>> -> memref<8x128xi32, #tpu.memory_space<hbm>>
        %dma_wait3A_262 = arith.constant 0 : i32
        %dma_wait3A_263 = tpu.memref_slice %arg4[%mul3A_33, %dma_wait3A_262] : memref<2560x128xi32, #tpu.memory_space<hbm>> -> memref<8x128xi32, #tpu.memory_space<hbm>>
        tpu.wait_dma2 semaphore(%run_scoped3A : memref<!tpu.dma_semaphore, #tpu.memory_space<semaphore_mem>>) src(%dma_wait3A_263 : memref<8x128xi32, #tpu.memory_space<hbm>>) dst(%arg7 : memref<8x128xi32, #tpu.memory_space<vmem>>)
        tpu.yield
      }) : () -> ()
      %dma_start3A = arith.constant 0 : i32
      %dma_start3A_34 = arith.constant 0 : i32
      %dma_start3A_35 = tpu.memref_slice %arg6[%dma_start3A, %dma_start3A_34] : memref<8x128xi32, #tpu.memory_space<vmem>> -> memref<1x128xi32, #tpu.memory_space<vmem>>
      %dma_start3A_36 = tpu.memref_squeeze %dma_start3A_35 : memref<1x128xi32, #tpu.memory_space<vmem>> -> memref<128xi32, #tpu.memory_space<vmem>>
      %dma_start3A_37 = arith.constant 0 : i32
      %dma_start3A_38 = arith.constant 0 : i32
      %dma_start3A_39 = tpu.memref_slice %arg2[%dma_start3A_37, %dma_start3A_38] : memref<10240x128xf32, #tpu.memory_space<hbm>> -> memref<10240x128xf32, #tpu.memory_space<hbm>>
      tpu.enqueue_indirect_dma source(%dma_start3A_39 : memref<10240x128xf32, #tpu.memory_space<hbm>>) target(%arg8 : memref<128x128xf32, #tpu.memory_space<vmem>>) offsets(%dma_start3A_36 : memref<128xi32, #tpu.memory_space<vmem>>) semaphore(%arg11 : memref<!tpu.dma_semaphore, #tpu.memory_space<semaphore_mem>>)
      %dma_start3A_40 = arith.constant 1 : i32
      %dma_start3A_41 = arith.constant 0 : i32
      %dma_start3A_42 = tpu.memref_slice %arg6[%dma_start3A_40, %dma_start3A_41] : memref<8x128xi32, #tpu.memory_space<vmem>> -> memref<1x128xi32, #tpu.memory_space<vmem>>
      %dma_start3A_43 = tpu.memref_squeeze %dma_start3A_42 : memref<1x128xi32, #tpu.memory_space<vmem>> -> memref<128xi32, #tpu.memory_space<vmem>>
      %dma_start3A_44 = arith.constant 0 : i32
      %dma_start3A_45 = arith.constant 0 : i32
      %dma_start3A_46 = tpu.memref_slice %arg2[%dma_start3A_44, %dma_start3A_45] : memref<10240x128xf32, #tpu.memory_space<hbm>> -> memref<10240x128xf32, #tpu.memory_space<hbm>>
      tpu.enqueue_indirect_dma source(%dma_start3A_46 : memref<10240x128xf32, #tpu.memory_space<hbm>>) target(%arg9 : memref<128x128xf32, #tpu.memory_space<vmem>>) offsets(%dma_start3A_43 : memref<128xi32, #tpu.memory_space<vmem>>) semaphore(%arg12 : memref<!tpu.dma_semaphore, #tpu.memory_space<semaphore_mem>>)
      %dma_wait3A = arith.constant 0 : i32
      %dma_wait3A_47 = arith.constant 0 : i32
      %dma_wait3A_48 = tpu.memref_slice %arg6[%dma_wait3A, %dma_wait3A_47] : memref<8x128xi32, #tpu.memory_space<vmem>> -> memref<1x128xi32, #tpu.memory_space<vmem>>
      %dma_wait3A_49 = tpu.memref_squeeze %dma_wait3A_48 : memref<1x128xi32, #tpu.memory_space<vmem>> -> memref<128xi32, #tpu.memory_space<vmem>>
      %dma_wait3A_50 = arith.constant 0 : i32
      %dma_wait3A_51 = arith.constant 0 : i32
      %dma_wait3A_52 = tpu.memref_slice %arg2[%dma_wait3A_50, %dma_wait3A_51] : memref<10240x128xf32, #tpu.memory_space<hbm>> -> memref<10240x128xf32, #tpu.memory_space<hbm>>
      tpu.wait_indirect_dma semaphore(%arg11 : memref<!tpu.dma_semaphore, #tpu.memory_space<semaphore_mem>>) src(%dma_wait3A_52 : memref<10240x128xf32, #tpu.memory_space<hbm>>) dst(%arg8 : memref<128x128xf32, #tpu.memory_space<vmem>>)
      %dma_start3A_53 = arith.constant 0 : i32
      %dma_start3A_54 = arith.constant 0 : i32
      %dma_start3A_55 = tpu.memref_slice %arg7[%dma_start3A_53, %dma_start3A_54] : memref<8x128xi32, #tpu.memory_space<vmem>> -> memref<1x128xi32, #tpu.memory_space<vmem>>
      %dma_start3A_56 = tpu.memref_squeeze %dma_start3A_55 : memref<1x128xi32, #tpu.memory_space<vmem>> -> memref<128xi32, #tpu.memory_space<vmem>>
      %dma_start3A_57 = arith.constant 0 : i32
      %dma_start3A_58 = arith.constant 0 : i32
      %dma_start3A_59 = tpu.memref_slice %arg10[%dma_start3A_57, %dma_start3A_58] : memref<10240x128xf32, #tpu.memory_space<vmem_shared>> -> memref<10240x128xf32, #tpu.memory_space<vmem_shared>>
      tpu.enqueue_indirect_dma source(%arg8 : memref<128x128xf32, #tpu.memory_space<vmem>>) target(%dma_start3A_59 : memref<10240x128xf32, #tpu.memory_space<vmem_shared>>) offsets(%dma_start3A_56 : memref<128xi32, #tpu.memory_space<vmem>>) semaphore(%arg13 : memref<!tpu.dma_semaphore, #tpu.memory_space<semaphore_mem>>) {add = true}
      %dma_wait3A_60 = arith.constant 0 : i32
      %dma_wait3A_61 = arith.constant 0 : i32
      %dma_wait3A_62 = tpu.memref_slice %arg7[%dma_wait3A_60, %dma_wait3A_61] : memref<8x128xi32, #tpu.memory_space<vmem>> -> memref<1x128xi32, #tpu.memory_space<vmem>>
      %dma_wait3A_63 = tpu.memref_squeeze %dma_wait3A_62 : memref<1x128xi32, #tpu.memory_space<vmem>> -> memref<128xi32, #tpu.memory_space<vmem>>
      %dma_wait3A_64 = arith.constant 0 : i32
      %dma_wait3A_65 = arith.constant 0 : i32
      %dma_wait3A_66 = tpu.memref_slice %arg10[%dma_wait3A_64, %dma_wait3A_65] : memref<10240x128xf32, #tpu.memory_space<vmem_shared>> -> memref<10240x128xf32, #tpu.memory_space<vmem_shared>>
      tpu.wait_indirect_dma semaphore(%arg13 : memref<!tpu.dma_semaphore, #tpu.memory_space<semaphore_mem>>) src(%arg8 : memref<128x128xf32, #tpu.memory_space<vmem>>) dst(%dma_wait3A_66 : memref<10240x128xf32, #tpu.memory_space<vmem_shared>>)
      %dma_start3A_67 = arith.constant 2 : i32
      %dma_start3A_68 = arith.constant 0 : i32
      %dma_start3A_69 = tpu.memref_slice %arg6[%dma_start3A_67, %dma_start3A_68] : memref<8x128xi32, #tpu.memory_space<vmem>> -> memref<1x128xi32, #tpu.memory_space<vmem>>
      %dma_start3A_70 = tpu.memref_squeeze %dma_start3A_69 : memref<1x128xi32, #tpu.memory_space<vmem>> -> memref<128xi32, #tpu.memory_space<vmem>>
      %dma_start3A_71 = arith.constant 0 : i32
      %dma_start3A_72 = arith.constant 0 : i32
      %dma_start3A_73 = tpu.memref_slice %arg2[%dma_start3A_71, %dma_start3A_72] : memref<10240x128xf32, #tpu.memory_space<hbm>> -> memref<10240x128xf32, #tpu.memory_space<hbm>>
      tpu.enqueue_indirect_dma source(%dma_start3A_73 : memref<10240x128xf32, #tpu.memory_space<hbm>>) target(%arg8 : memref<128x128xf32, #tpu.memory_space<vmem>>) offsets(%dma_start3A_70 : memref<128xi32, #tpu.memory_space<vmem>>) semaphore(%arg11 : memref<!tpu.dma_semaphore, #tpu.memory_space<semaphore_mem>>)
      %dma_wait3A_74 = arith.constant 1 : i32
      %dma_wait3A_75 = arith.constant 0 : i32
      %dma_wait3A_76 = tpu.memref_slice %arg6[%dma_wait3A_74, %dma_wait3A_75] : memref<8x128xi32, #tpu.memory_space<vmem>> -> memref<1x128xi32, #tpu.memory_space<vmem>>
      %dma_wait3A_77 = tpu.memref_squeeze %dma_wait3A_76 : memref<1x128xi32, #tpu.memory_space<vmem>> -> memref<128xi32, #tpu.memory_space<vmem>>
      %dma_wait3A_78 = arith.constant 0 : i32
      %dma_wait3A_79 = arith.constant 0 : i32
      %dma_wait3A_80 = tpu.memref_slice %arg2[%dma_wait3A_78, %dma_wait3A_79] : memref<10240x128xf32, #tpu.memory_space<hbm>> -> memref<10240x128xf32, #tpu.memory_space<hbm>>
      tpu.wait_indirect_dma semaphore(%arg12 : memref<!tpu.dma_semaphore, #tpu.memory_space<semaphore_mem>>) src(%dma_wait3A_80 : memref<10240x128xf32, #tpu.memory_space<hbm>>) dst(%arg9 : memref<128x128xf32, #tpu.memory_space<vmem>>)
      %dma_start3A_81 = arith.constant 1 : i32
      %dma_start3A_82 = arith.constant 0 : i32
      %dma_start3A_83 = tpu.memref_slice %arg7[%dma_start3A_81, %dma_start3A_82] : memref<8x128xi32, #tpu.memory_space<vmem>> -> memref<1x128xi32, #tpu.memory_space<vmem>>
      %dma_start3A_84 = tpu.memref_squeeze %dma_start3A_83 : memref<1x128xi32, #tpu.memory_space<vmem>> -> memref<128xi32, #tpu.memory_space<vmem>>
      %dma_start3A_85 = arith.constant 0 : i32
      %dma_start3A_86 = arith.constant 0 : i32
      %dma_start3A_87 = tpu.memref_slice %arg10[%dma_start3A_85, %dma_start3A_86] : memref<10240x128xf32, #tpu.memory_space<vmem_shared>> -> memref<10240x128xf32, #tpu.memory_space<vmem_shared>>
      tpu.enqueue_indirect_dma source(%arg9 : memref<128x128xf32, #tpu.memory_space<vmem>>) target(%dma_start3A_87 : memref<10240x128xf32, #tpu.memory_space<vmem_shared>>) offsets(%dma_start3A_84 : memref<128xi32, #tpu.memory_space<vmem>>) semaphore(%arg14 : memref<!tpu.dma_semaphore, #tpu.memory_space<semaphore_mem>>) {add = true}
      %dma_wait3A_88 = arith.constant 1 : i32
      %dma_wait3A_89 = arith.constant 0 : i32
      %dma_wait3A_90 = tpu.memref_slice %arg7[%dma_wait3A_88, %dma_wait3A_89] : memref<8x128xi32, #tpu.memory_space<vmem>> -> memref<1x128xi32, #tpu.memory_space<vmem>>
      %dma_wait3A_91 = tpu.memref_squeeze %dma_wait3A_90 : memref<1x128xi32, #tpu.memory_space<vmem>> -> memref<128xi32, #tpu.memory_space<vmem>>
      %dma_wait3A_92 = arith.constant 0 : i32
      %dma_wait3A_93 = arith.constant 0 : i32
      %dma_wait3A_94 = tpu.memref_slice %arg10[%dma_wait3A_92, %dma_wait3A_93] : memref<10240x128xf32, #tpu.memory_space<vmem_shared>> -> memref<10240x128xf32, #tpu.memory_space<vmem_shared>>
      tpu.wait_indirect_dma semaphore(%arg14 : memref<!tpu.dma_semaphore, #tpu.memory_space<semaphore_mem>>) src(%arg9 : memref<128x128xf32, #tpu.memory_space<vmem>>) dst(%dma_wait3A_94 : memref<10240x128xf32, #tpu.memory_space<vmem_shared>>)
      %dma_start3A_95 = arith.constant 3 : i32
      %dma_start3A_96 = arith.constant 0 : i32
      %dma_start3A_97 = tpu.memref_slice %arg6[%dma_start3A_95, %dma_start3A_96] : memref<8x128xi32, #tpu.memory_space<vmem>> -> memref<1x128xi32, #tpu.memory_space<vmem>>
      %dma_start3A_98 = tpu.memref_squeeze %dma_start3A_97 : memref<1x128xi32, #tpu.memory_space<vmem>> -> memref<128xi32, #tpu.memory_space<vmem>>
      %dma_start3A_99 = arith.constant 0 : i32
      %dma_start3A_100 = arith.constant 0 : i32
      %dma_start3A_101 = tpu.memref_slice %arg2[%dma_start3A_99, %dma_start3A_100] : memref<10240x128xf32, #tpu.memory_space<hbm>> -> memref<10240x128xf32, #tpu.memory_space<hbm>>
      tpu.enqueue_indirect_dma source(%dma_start3A_101 : memref<10240x128xf32, #tpu.memory_space<hbm>>) target(%arg9 : memref<128x128xf32, #tpu.memory_space<vmem>>) offsets(%dma_start3A_98 : memref<128xi32, #tpu.memory_space<vmem>>) semaphore(%arg12 : memref<!tpu.dma_semaphore, #tpu.memory_space<semaphore_mem>>)
      %dma_wait3A_102 = arith.constant 2 : i32
      %dma_wait3A_103 = arith.constant 0 : i32
      %dma_wait3A_104 = tpu.memref_slice %arg6[%dma_wait3A_102, %dma_wait3A_103] : memref<8x128xi32, #tpu.memory_space<vmem>> -> memref<1x128xi32, #tpu.memory_space<vmem>>
      %dma_wait3A_105 = tpu.memref_squeeze %dma_wait3A_104 : memref<1x128xi32, #tpu.memory_space<vmem>> -> memref<128xi32, #tpu.memory_space<vmem>>
      %dma_wait3A_106 = arith.constant 0 : i32
      %dma_wait3A_107 = arith.constant 0 : i32
      %dma_wait3A_108 = tpu.memref_slice %arg2[%dma_wait3A_106, %dma_wait3A_107] : memref<10240x128xf32, #tpu.memory_space<hbm>> -> memref<10240x128xf32, #tpu.memory_space<hbm>>
      tpu.wait_indirect_dma semaphore(%arg11 : memref<!tpu.dma_semaphore, #tpu.memory_space<semaphore_mem>>) src(%dma_wait3A_108 : memref<10240x128xf32, #tpu.memory_space<hbm>>) dst(%arg8 : memref<128x128xf32, #tpu.memory_space<vmem>>)
      %dma_start3A_109 = arith.constant 2 : i32
      %dma_start3A_110 = arith.constant 0 : i32
      %dma_start3A_111 = tpu.memref_slice %arg7[%dma_start3A_109, %dma_start3A_110] : memref<8x128xi32, #tpu.memory_space<vmem>> -> memref<1x128xi32, #tpu.memory_space<vmem>>
      %dma_start3A_112 = tpu.memref_squeeze %dma_start3A_111 : memref<1x128xi32, #tpu.memory_space<vmem>> -> memref<128xi32, #tpu.memory_space<vmem>>
      %dma_start3A_113 = arith.constant 0 : i32
      %dma_start3A_114 = arith.constant 0 : i32
      %dma_start3A_115 = tpu.memref_slice %arg10[%dma_start3A_113, %dma_start3A_114] : memref<10240x128xf32, #tpu.memory_space<vmem_shared>> -> memref<10240x128xf32, #tpu.memory_space<vmem_shared>>
      tpu.enqueue_indirect_dma source(%arg8 : memref<128x128xf32, #tpu.memory_space<vmem>>) target(%dma_start3A_115 : memref<10240x128xf32, #tpu.memory_space<vmem_shared>>) offsets(%dma_start3A_112 : memref<128xi32, #tpu.memory_space<vmem>>) semaphore(%arg13 : memref<!tpu.dma_semaphore, #tpu.memory_space<semaphore_mem>>) {add = true}
      %dma_wait3A_116 = arith.constant 2 : i32
      %dma_wait3A_117 = arith.constant 0 : i32
      %dma_wait3A_118 = tpu.memref_slice %arg7[%dma_wait3A_116, %dma_wait3A_117] : memref<8x128xi32, #tpu.memory_space<vmem>> -> memref<1x128xi32, #tpu.memory_space<vmem>>
      %dma_wait3A_119 = tpu.memref_squeeze %dma_wait3A_118 : memref<1x128xi32, #tpu.memory_space<vmem>> -> memref<128xi32, #tpu.memory_space<vmem>>
      %dma_wait3A_120 = arith.constant 0 : i32
      %dma_wait3A_121 = arith.constant 0 : i32
      %dma_wait3A_122 = tpu.memref_slice %arg10[%dma_wait3A_120, %dma_wait3A_121] : memref<10240x128xf32, #tpu.memory_space<vmem_shared>> -> memref<10240x128xf32, #tpu.memory_space<vmem_shared>>
      tpu.wait_indirect_dma semaphore(%arg13 : memref<!tpu.dma_semaphore, #tpu.memory_space<semaphore_mem>>) src(%arg8 : memref<128x128xf32, #tpu.memory_space<vmem>>) dst(%dma_wait3A_122 : memref<10240x128xf32, #tpu.memory_space<vmem_shared>>)
      %dma_start3A_123 = arith.constant 4 : i32
      %dma_start3A_124 = arith.constant 0 : i32
      %dma_start3A_125 = tpu.memref_slice %arg6[%dma_start3A_123, %dma_start3A_124] : memref<8x128xi32, #tpu.memory_space<vmem>> -> memref<1x128xi32, #tpu.memory_space<vmem>>
      %dma_start3A_126 = tpu.memref_squeeze %dma_start3A_125 : memref<1x128xi32, #tpu.memory_space<vmem>> -> memref<128xi32, #tpu.memory_space<vmem>>
      %dma_start3A_127 = arith.constant 0 : i32
      %dma_start3A_128 = arith.constant 0 : i32
      %dma_start3A_129 = tpu.memref_slice %arg2[%dma_start3A_127, %dma_start3A_128] : memref<10240x128xf32, #tpu.memory_space<hbm>> -> memref<10240x128xf32, #tpu.memory_space<hbm>>
      tpu.enqueue_indirect_dma source(%dma_start3A_129 : memref<10240x128xf32, #tpu.memory_space<hbm>>) target(%arg8 : memref<128x128xf32, #tpu.memory_space<vmem>>) offsets(%dma_start3A_126 : memref<128xi32, #tpu.memory_space<vmem>>) semaphore(%arg11 : memref<!tpu.dma_semaphore, #tpu.memory_space<semaphore_mem>>)
      %dma_wait3A_130 = arith.constant 3 : i32
      %dma_wait3A_131 = arith.constant 0 : i32
      %dma_wait3A_132 = tpu.memref_slice %arg6[%dma_wait3A_130, %dma_wait3A_131] : memref<8x128xi32, #tpu.memory_space<vmem>> -> memref<1x128xi32, #tpu.memory_space<vmem>>
      %dma_wait3A_133 = tpu.memref_squeeze %dma_wait3A_132 : memref<1x128xi32, #tpu.memory_space<vmem>> -> memref<128xi32, #tpu.memory_space<vmem>>
      %dma_wait3A_134 = arith.constant 0 : i32
      %dma_wait3A_135 = arith.constant 0 : i32
      %dma_wait3A_136 = tpu.memref_slice %arg2[%dma_wait3A_134, %dma_wait3A_135] : memref<10240x128xf32, #tpu.memory_space<hbm>> -> memref<10240x128xf32, #tpu.memory_space<hbm>>
      tpu.wait_indirect_dma semaphore(%arg12 : memref<!tpu.dma_semaphore, #tpu.memory_space<semaphore_mem>>) src(%dma_wait3A_136 : memref<10240x128xf32, #tpu.memory_space<hbm>>) dst(%arg9 : memref<128x128xf32, #tpu.memory_space<vmem>>)
      %dma_start3A_137 = arith.constant 3 : i32
      %dma_start3A_138 = arith.constant 0 : i32
      %dma_start3A_139 = tpu.memref_slice %arg7[%dma_start3A_137, %dma_start3A_138] : memref<8x128xi32, #tpu.memory_space<vmem>> -> memref<1x128xi32, #tpu.memory_space<vmem>>
      %dma_start3A_140 = tpu.memref_squeeze %dma_start3A_139 : memref<1x128xi32, #tpu.memory_space<vmem>> -> memref<128xi32, #tpu.memory_space<vmem>>
      %dma_start3A_141 = arith.constant 0 : i32
      %dma_start3A_142 = arith.constant 0 : i32
      %dma_start3A_143 = tpu.memref_slice %arg10[%dma_start3A_141, %dma_start3A_142] : memref<10240x128xf32, #tpu.memory_space<vmem_shared>> -> memref<10240x128xf32, #tpu.memory_space<vmem_shared>>
      tpu.enqueue_indirect_dma source(%arg9 : memref<128x128xf32, #tpu.memory_space<vmem>>) target(%dma_start3A_143 : memref<10240x128xf32, #tpu.memory_space<vmem_shared>>) offsets(%dma_start3A_140 : memref<128xi32, #tpu.memory_space<vmem>>) semaphore(%arg14 : memref<!tpu.dma_semaphore, #tpu.memory_space<semaphore_mem>>) {add = true}
      %dma_wait3A_144 = arith.constant 3 : i32
      %dma_wait3A_145 = arith.constant 0 : i32
      %dma_wait3A_146 = tpu.memref_slice %arg7[%dma_wait3A_144, %dma_wait3A_145] : memref<8x128xi32, #tpu.memory_space<vmem>> -> memref<1x128xi32, #tpu.memory_space<vmem>>
      %dma_wait3A_147 = tpu.memref_squeeze %dma_wait3A_146 : memref<1x128xi32, #tpu.memory_space<vmem>> -> memref<128xi32, #tpu.memory_space<vmem>>
      %dma_wait3A_148 = arith.constant 0 : i32
      %dma_wait3A_149 = arith.constant 0 : i32
      %dma_wait3A_150 = tpu.memref_slice %arg10[%dma_wait3A_148, %dma_wait3A_149] : memref<10240x128xf32, #tpu.memory_space<vmem_shared>> -> memref<10240x128xf32, #tpu.memory_space<vmem_shared>>
      tpu.wait_indirect_dma semaphore(%arg14 : memref<!tpu.dma_semaphore, #tpu.memory_space<semaphore_mem>>) src(%arg9 : memref<128x128xf32, #tpu.memory_space<vmem>>) dst(%dma_wait3A_150 : memref<10240x128xf32, #tpu.memory_space<vmem_shared>>)
      %dma_start3A_151 = arith.constant 5 : i32
      %dma_start3A_152 = arith.constant 0 : i32
      %dma_start3A_153 = tpu.memref_slice %arg6[%dma_start3A_151, %dma_start3A_152] : memref<8x128xi32, #tpu.memory_space<vmem>> -> memref<1x128xi32, #tpu.memory_space<vmem>>
      %dma_start3A_154 = tpu.memref_squeeze %dma_start3A_153 : memref<1x128xi32, #tpu.memory_space<vmem>> -> memref<128xi32, #tpu.memory_space<vmem>>
      %dma_start3A_155 = arith.constant 0 : i32
      %dma_start3A_156 = arith.constant 0 : i32
      %dma_start3A_157 = tpu.memref_slice %arg2[%dma_start3A_155, %dma_start3A_156] : memref<10240x128xf32, #tpu.memory_space<hbm>> -> memref<10240x128xf32, #tpu.memory_space<hbm>>
      tpu.enqueue_indirect_dma source(%dma_start3A_157 : memref<10240x128xf32, #tpu.memory_space<hbm>>) target(%arg9 : memref<128x128xf32, #tpu.memory_space<vmem>>) offsets(%dma_start3A_154 : memref<128xi32, #tpu.memory_space<vmem>>) semaphore(%arg12 : memref<!tpu.dma_semaphore, #tpu.memory_space<semaphore_mem>>)
      %dma_wait3A_158 = arith.constant 4 : i32
      %dma_wait3A_159 = arith.constant 0 : i32
      %dma_wait3A_160 = tpu.memref_slice %arg6[%dma_wait3A_158, %dma_wait3A_159] : memref<8x128xi32, #tpu.memory_space<vmem>> -> memref<1x128xi32, #tpu.memory_space<vmem>>
      %dma_wait3A_161 = tpu.memref_squeeze %dma_wait3A_160 : memref<1x128xi32, #tpu.memory_space<vmem>> -> memref<128xi32, #tpu.memory_space<vmem>>
      %dma_wait3A_162 = arith.constant 0 : i32
      %dma_wait3A_163 = arith.constant 0 : i32
      %dma_wait3A_164 = tpu.memref_slice %arg2[%dma_wait3A_162, %dma_wait3A_163] : memref<10240x128xf32, #tpu.memory_space<hbm>> -> memref<10240x128xf32, #tpu.memory_space<hbm>>
      tpu.wait_indirect_dma semaphore(%arg11 : memref<!tpu.dma_semaphore, #tpu.memory_space<semaphore_mem>>) src(%dma_wait3A_164 : memref<10240x128xf32, #tpu.memory_space<hbm>>) dst(%arg8 : memref<128x128xf32, #tpu.memory_space<vmem>>)
      %dma_start3A_165 = arith.constant 4 : i32
      %dma_start3A_166 = arith.constant 0 : i32
      %dma_start3A_167 = tpu.memref_slice %arg7[%dma_start3A_165, %dma_start3A_166] : memref<8x128xi32, #tpu.memory_space<vmem>> -> memref<1x128xi32, #tpu.memory_space<vmem>>
      %dma_start3A_168 = tpu.memref_squeeze %dma_start3A_167 : memref<1x128xi32, #tpu.memory_space<vmem>> -> memref<128xi32, #tpu.memory_space<vmem>>
      %dma_start3A_169 = arith.constant 0 : i32
      %dma_start3A_170 = arith.constant 0 : i32
      %dma_start3A_171 = tpu.memref_slice %arg10[%dma_start3A_169, %dma_start3A_170] : memref<10240x128xf32, #tpu.memory_space<vmem_shared>> -> memref<10240x128xf32, #tpu.memory_space<vmem_shared>>
      tpu.enqueue_indirect_dma source(%arg8 : memref<128x128xf32, #tpu.memory_space<vmem>>) target(%dma_start3A_171 : memref<10240x128xf32, #tpu.memory_space<vmem_shared>>) offsets(%dma_start3A_168 : memref<128xi32, #tpu.memory_space<vmem>>) semaphore(%arg13 : memref<!tpu.dma_semaphore, #tpu.memory_space<semaphore_mem>>) {add = true}
      %dma_wait3A_172 = arith.constant 4 : i32
      %dma_wait3A_173 = arith.constant 0 : i32
      %dma_wait3A_174 = tpu.memref_slice %arg7[%dma_wait3A_172, %dma_wait3A_173] : memref<8x128xi32, #tpu.memory_space<vmem>> -> memref<1x128xi32, #tpu.memory_space<vmem>>
      %dma_wait3A_175 = tpu.memref_squeeze %dma_wait3A_174 : memref<1x128xi32, #tpu.memory_space<vmem>> -> memref<128xi32, #tpu.memory_space<vmem>>
      %dma_wait3A_176 = arith.constant 0 : i32
      %dma_wait3A_177 = arith.constant 0 : i32
      %dma_wait3A_178 = tpu.memref_slice %arg10[%dma_wait3A_176, %dma_wait3A_177] : memref<10240x128xf32, #tpu.memory_space<vmem_shared>> -> memref<10240x128xf32, #tpu.memory_space<vmem_shared>>
      tpu.wait_indirect_dma semaphore(%arg13 : memref<!tpu.dma_semaphore, #tpu.memory_space<semaphore_mem>>) src(%arg8 : memref<128x128xf32, #tpu.memory_space<vmem>>) dst(%dma_wait3A_178 : memref<10240x128xf32, #tpu.memory_space<vmem_shared>>)
      %dma_start3A_179 = arith.constant 6 : i32
      %dma_start3A_180 = arith.constant 0 : i32
      %dma_start3A_181 = tpu.memref_slice %arg6[%dma_start3A_179, %dma_start3A_180] : memref<8x128xi32, #tpu.memory_space<vmem>> -> memref<1x128xi32, #tpu.memory_space<vmem>>
      %dma_start3A_182 = tpu.memref_squeeze %dma_start3A_181 : memref<1x128xi32, #tpu.memory_space<vmem>> -> memref<128xi32, #tpu.memory_space<vmem>>
      %dma_start3A_183 = arith.constant 0 : i32
      %dma_start3A_184 = arith.constant 0 : i32
      %dma_start3A_185 = tpu.memref_slice %arg2[%dma_start3A_183, %dma_start3A_184] : memref<10240x128xf32, #tpu.memory_space<hbm>> -> memref<10240x128xf32, #tpu.memory_space<hbm>>
      tpu.enqueue_indirect_dma source(%dma_start3A_185 : memref<10240x128xf32, #tpu.memory_space<hbm>>) target(%arg8 : memref<128x128xf32, #tpu.memory_space<vmem>>) offsets(%dma_start3A_182 : memref<128xi32, #tpu.memory_space<vmem>>) semaphore(%arg11 : memref<!tpu.dma_semaphore, #tpu.memory_space<semaphore_mem>>)
      %dma_wait3A_186 = arith.constant 5 : i32
      %dma_wait3A_187 = arith.constant 0 : i32
      %dma_wait3A_188 = tpu.memref_slice %arg6[%dma_wait3A_186, %dma_wait3A_187] : memref<8x128xi32, #tpu.memory_space<vmem>> -> memref<1x128xi32, #tpu.memory_space<vmem>>
      %dma_wait3A_189 = tpu.memref_squeeze %dma_wait3A_188 : memref<1x128xi32, #tpu.memory_space<vmem>> -> memref<128xi32, #tpu.memory_space<vmem>>
      %dma_wait3A_190 = arith.constant 0 : i32
      %dma_wait3A_191 = arith.constant 0 : i32
      %dma_wait3A_192 = tpu.memref_slice %arg2[%dma_wait3A_190, %dma_wait3A_191] : memref<10240x128xf32, #tpu.memory_space<hbm>> -> memref<10240x128xf32, #tpu.memory_space<hbm>>
      tpu.wait_indirect_dma semaphore(%arg12 : memref<!tpu.dma_semaphore, #tpu.memory_space<semaphore_mem>>) src(%dma_wait3A_192 : memref<10240x128xf32, #tpu.memory_space<hbm>>) dst(%arg9 : memref<128x128xf32, #tpu.memory_space<vmem>>)
      %dma_start3A_193 = arith.constant 5 : i32
      %dma_start3A_194 = arith.constant 0 : i32
      %dma_start3A_195 = tpu.memref_slice %arg7[%dma_start3A_193, %dma_start3A_194] : memref<8x128xi32, #tpu.memory_space<vmem>> -> memref<1x128xi32, #tpu.memory_space<vmem>>
      %dma_start3A_196 = tpu.memref_squeeze %dma_start3A_195 : memref<1x128xi32, #tpu.memory_space<vmem>> -> memref<128xi32, #tpu.memory_space<vmem>>
      %dma_start3A_197 = arith.constant 0 : i32
      %dma_start3A_198 = arith.constant 0 : i32
      %dma_start3A_199 = tpu.memref_slice %arg10[%dma_start3A_197, %dma_start3A_198] : memref<10240x128xf32, #tpu.memory_space<vmem_shared>> -> memref<10240x128xf32, #tpu.memory_space<vmem_shared>>
      tpu.enqueue_indirect_dma source(%arg9 : memref<128x128xf32, #tpu.memory_space<vmem>>) target(%dma_start3A_199 : memref<10240x128xf32, #tpu.memory_space<vmem_shared>>) offsets(%dma_start3A_196 : memref<128xi32, #tpu.memory_space<vmem>>) semaphore(%arg14 : memref<!tpu.dma_semaphore, #tpu.memory_space<semaphore_mem>>) {add = true}
      %dma_wait3A_200 = arith.constant 5 : i32
      %dma_wait3A_201 = arith.constant 0 : i32
      %dma_wait3A_202 = tpu.memref_slice %arg7[%dma_wait3A_200, %dma_wait3A_201] : memref<8x128xi32, #tpu.memory_space<vmem>> -> memref<1x128xi32, #tpu.memory_space<vmem>>
      %dma_wait3A_203 = tpu.memref_squeeze %dma_wait3A_202 : memref<1x128xi32, #tpu.memory_space<vmem>> -> memref<128xi32, #tpu.memory_space<vmem>>
      %dma_wait3A_204 = arith.constant 0 : i32
      %dma_wait3A_205 = arith.constant 0 : i32
      %dma_wait3A_206 = tpu.memref_slice %arg10[%dma_wait3A_204, %dma_wait3A_205] : memref<10240x128xf32, #tpu.memory_space<vmem_shared>> -> memref<10240x128xf32, #tpu.memory_space<vmem_shared>>
      tpu.wait_indirect_dma semaphore(%arg14 : memref<!tpu.dma_semaphore, #tpu.memory_space<semaphore_mem>>) src(%arg9 : memref<128x128xf32, #tpu.memory_space<vmem>>) dst(%dma_wait3A_206 : memref<10240x128xf32, #tpu.memory_space<vmem_shared>>)
      %dma_start3A_207 = arith.constant 7 : i32
      %dma_start3A_208 = arith.constant 0 : i32
      %dma_start3A_209 = tpu.memref_slice %arg6[%dma_start3A_207, %dma_start3A_208] : memref<8x128xi32, #tpu.memory_space<vmem>> -> memref<1x128xi32, #tpu.memory_space<vmem>>
      %dma_start3A_210 = tpu.memref_squeeze %dma_start3A_209 : memref<1x128xi32, #tpu.memory_space<vmem>> -> memref<128xi32, #tpu.memory_space<vmem>>
      %dma_start3A_211 = arith.constant 0 : i32
      %dma_start3A_212 = arith.constant 0 : i32
      %dma_start3A_213 = tpu.memref_slice %arg2[%dma_start3A_211, %dma_start3A_212] : memref<10240x128xf32, #tpu.memory_space<hbm>> -> memref<10240x128xf32, #tpu.memory_space<hbm>>
      tpu.enqueue_indirect_dma source(%dma_start3A_213 : memref<10240x128xf32, #tpu.memory_space<hbm>>) target(%arg9 : memref<128x128xf32, #tpu.memory_space<vmem>>) offsets(%dma_start3A_210 : memref<128xi32, #tpu.memory_space<vmem>>) semaphore(%arg12 : memref<!tpu.dma_semaphore, #tpu.memory_space<semaphore_mem>>)
      %dma_wait3A_214 = arith.constant 6 : i32
      %dma_wait3A_215 = arith.constant 0 : i32
      %dma_wait3A_216 = tpu.memref_slice %arg6[%dma_wait3A_214, %dma_wait3A_215] : memref<8x128xi32, #tpu.memory_space<vmem>> -> memref<1x128xi32, #tpu.memory_space<vmem>>
      %dma_wait3A_217 = tpu.memref_squeeze %dma_wait3A_216 : memref<1x128xi32, #tpu.memory_space<vmem>> -> memref<128xi32, #tpu.memory_space<vmem>>
      %dma_wait3A_218 = arith.constant 0 : i32
      %dma_wait3A_219 = arith.constant 0 : i32
      %dma_wait3A_220 = tpu.memref_slice %arg2[%dma_wait3A_218, %dma_wait3A_219] : memref<10240x128xf32, #tpu.memory_space<hbm>> -> memref<10240x128xf32, #tpu.memory_space<hbm>>
      tpu.wait_indirect_dma semaphore(%arg11 : memref<!tpu.dma_semaphore, #tpu.memory_space<semaphore_mem>>) src(%dma_wait3A_220 : memref<10240x128xf32, #tpu.memory_space<hbm>>) dst(%arg8 : memref<128x128xf32, #tpu.memory_space<vmem>>)
      %dma_start3A_221 = arith.constant 6 : i32
      %dma_start3A_222 = arith.constant 0 : i32
      %dma_start3A_223 = tpu.memref_slice %arg7[%dma_start3A_221, %dma_start3A_222] : memref<8x128xi32, #tpu.memory_space<vmem>> -> memref<1x128xi32, #tpu.memory_space<vmem>>
      %dma_start3A_224 = tpu.memref_squeeze %dma_start3A_223 : memref<1x128xi32, #tpu.memory_space<vmem>> -> memref<128xi32, #tpu.memory_space<vmem>>
      %dma_start3A_225 = arith.constant 0 : i32
      %dma_start3A_226 = arith.constant 0 : i32
      %dma_start3A_227 = tpu.memref_slice %arg10[%dma_start3A_225, %dma_start3A_226] : memref<10240x128xf32, #tpu.memory_space<vmem_shared>> -> memref<10240x128xf32, #tpu.memory_space<vmem_shared>>
      tpu.enqueue_indirect_dma source(%arg8 : memref<128x128xf32, #tpu.memory_space<vmem>>) target(%dma_start3A_227 : memref<10240x128xf32, #tpu.memory_space<vmem_shared>>) offsets(%dma_start3A_224 : memref<128xi32, #tpu.memory_space<vmem>>) semaphore(%arg13 : memref<!tpu.dma_semaphore, #tpu.memory_space<semaphore_mem>>) {add = true}
      %dma_wait3A_228 = arith.constant 7 : i32
      %dma_wait3A_229 = arith.constant 0 : i32
      %dma_wait3A_230 = tpu.memref_slice %arg6[%dma_wait3A_228, %dma_wait3A_229] : memref<8x128xi32, #tpu.memory_space<vmem>> -> memref<1x128xi32, #tpu.memory_space<vmem>>
      %dma_wait3A_231 = tpu.memref_squeeze %dma_wait3A_230 : memref<1x128xi32, #tpu.memory_space<vmem>> -> memref<128xi32, #tpu.memory_space<vmem>>
      %dma_wait3A_232 = arith.constant 0 : i32
      %dma_wait3A_233 = arith.constant 0 : i32
      %dma_wait3A_234 = tpu.memref_slice %arg2[%dma_wait3A_232, %dma_wait3A_233] : memref<10240x128xf32, #tpu.memory_space<hbm>> -> memref<10240x128xf32, #tpu.memory_space<hbm>>
      tpu.wait_indirect_dma semaphore(%arg12 : memref<!tpu.dma_semaphore, #tpu.memory_space<semaphore_mem>>) src(%dma_wait3A_234 : memref<10240x128xf32, #tpu.memory_space<hbm>>) dst(%arg9 : memref<128x128xf32, #tpu.memory_space<vmem>>)
      %dma_start3A_235 = arith.constant 7 : i32
      %dma_start3A_236 = arith.constant 0 : i32
      %dma_start3A_237 = tpu.memref_slice %arg7[%dma_start3A_235, %dma_start3A_236] : memref<8x128xi32, #tpu.memory_space<vmem>> -> memref<1x128xi32, #tpu.memory_space<vmem>>
      %dma_start3A_238 = tpu.memref_squeeze %dma_start3A_237 : memref<1x128xi32, #tpu.memory_space<vmem>> -> memref<128xi32, #tpu.memory_space<vmem>>
      %dma_start3A_239 = arith.constant 0 : i32
      %dma_start3A_240 = arith.constant 0 : i32
      %dma_start3A_241 = tpu.memref_slice %arg10[%dma_start3A_239, %dma_start3A_240] : memref<10240x128xf32, #tpu.memory_space<vmem_shared>> -> memref<10240x128xf32, #tpu.memory_space<vmem_shared>>
      tpu.enqueue_indirect_dma source(%arg9 : memref<128x128xf32, #tpu.memory_space<vmem>>) target(%dma_start3A_241 : memref<10240x128xf32, #tpu.memory_space<vmem_shared>>) offsets(%dma_start3A_238 : memref<128xi32, #tpu.memory_space<vmem>>) semaphore(%arg14 : memref<!tpu.dma_semaphore, #tpu.memory_space<semaphore_mem>>) {add = true}
      %dma_wait3A_242 = arith.constant 6 : i32
      %dma_wait3A_243 = arith.constant 0 : i32
      %dma_wait3A_244 = tpu.memref_slice %arg7[%dma_wait3A_242, %dma_wait3A_243] : memref<8x128xi32, #tpu.memory_space<vmem>> -> memref<1x128xi32, #tpu.memory_space<vmem>>
      %dma_wait3A_245 = tpu.memref_squeeze %dma_wait3A_244 : memref<1x128xi32, #tpu.memory_space<vmem>> -> memref<128xi32, #tpu.memory_space<vmem>>
      %dma_wait3A_246 = arith.constant 0 : i32
      %dma_wait3A_247 = arith.constant 0 : i32
      %dma_wait3A_248 = tpu.memref_slice %arg10[%dma_wait3A_246, %dma_wait3A_247] : memref<10240x128xf32, #tpu.memory_space<vmem_shared>> -> memref<10240x128xf32, #tpu.memory_space<vmem_shared>>
      tpu.wait_indirect_dma semaphore(%arg13 : memref<!tpu.dma_semaphore, #tpu.memory_space<semaphore_mem>>) src(%arg8 : memref<128x128xf32, #tpu.memory_space<vmem>>) dst(%dma_wait3A_248 : memref<10240x128xf32, #tpu.memory_space<vmem_shared>>)
      %dma_wait3A_249 = arith.constant 7 : i32
      %dma_wait3A_250 = arith.constant 0 : i32
      %dma_wait3A_251 = tpu.memref_slice %arg7[%dma_wait3A_249, %dma_wait3A_250] : memref<8x128xi32, #tpu.memory_space<vmem>> -> memref<1x128xi32, #tpu.memory_space<vmem>>
      %dma_wait3A_252 = tpu.memref_squeeze %dma_wait3A_251 : memref<1x128xi32, #tpu.memory_space<vmem>> -> memref<128xi32, #tpu.memory_space<vmem>>
      %dma_wait3A_253 = arith.constant 0 : i32
      %dma_wait3A_254 = arith.constant 0 : i32
      %dma_wait3A_255 = tpu.memref_slice %arg10[%dma_wait3A_253, %dma_wait3A_254] : memref<10240x128xf32, #tpu.memory_space<vmem_shared>> -> memref<10240x128xf32, #tpu.memory_space<vmem_shared>>
      tpu.wait_indirect_dma semaphore(%arg14 : memref<!tpu.dma_semaphore, #tpu.memory_space<semaphore_mem>>) src(%arg9 : memref<128x128xf32, #tpu.memory_space<vmem>>) dst(%dma_wait3A_255 : memref<10240x128xf32, #tpu.memory_space<vmem_shared>>)
    }
    %scan3A_23 = arith.constant 10 : i32
    %barrier3A_24 = arith.constant 0 : index
    tpu.barrier barrier_id(%barrier3A_24)
    %mul3A_25 = arith.constant 10240 : i32
    %mul3A_26 = arith.muli %arg0, %mul3A_25 : i32
    %add3A_27 = arith.addi %mul3A_26, %mul3A_7 : i32
    "tpu.region"() ({
      %run_scoped3A = tpu.sem_alloc : memref<!tpu.dma_semaphore, #tpu.memory_space<semaphore_mem>>
      %dma_start3A = arith.constant 0 : i32
      %dma_start3A_28 = tpu.memref_slice %arg5[%add3A_27, %dma_start3A] : memref<20480x128xf32, #tpu.memory_space<hbm>> -> memref<640x128xf32, #tpu.memory_space<hbm>>
      %dma_start3A_29 = arith.constant 0 : i32
      %dma_start3A_30 = tpu.memref_slice %arg10[%mul3A_7, %dma_start3A_29] : memref<10240x128xf32, #tpu.memory_space<vmem_shared>> -> memref<640x128xf32, #tpu.memory_space<vmem_shared>>
      tpu.enqueue_dma source(%dma_start3A_30 : memref<640x128xf32, #tpu.memory_space<vmem_shared>>) target(%dma_start3A_28 : memref<640x128xf32, #tpu.memory_space<hbm>>) target_semaphore(%run_scoped3A : memref<!tpu.dma_semaphore, #tpu.memory_space<semaphore_mem>>)
      %dma_wait3A = arith.constant 0 : i32
      %dma_wait3A_31 = tpu.memref_slice %arg5[%add3A_27, %dma_wait3A] : memref<20480x128xf32, #tpu.memory_space<hbm>> -> memref<640x128xf32, #tpu.memory_space<hbm>>
      %dma_wait3A_32 = arith.constant 0 : i32
      %dma_wait3A_33 = tpu.memref_slice %arg10[%mul3A_7, %dma_wait3A_32] : memref<10240x128xf32, #tpu.memory_space<vmem_shared>> -> memref<640x128xf32, #tpu.memory_space<vmem_shared>>
      tpu.wait_dma2 semaphore(%run_scoped3A : memref<!tpu.dma_semaphore, #tpu.memory_space<semaphore_mem>>) src(%dma_wait3A_33 : memref<640x128xf32, #tpu.memory_space<vmem_shared>>) dst(%dma_wait3A_31 : memref<640x128xf32, #tpu.memory_space<hbm>>)
      tpu.yield
    }) : () -> ()
    return
  }
}

#map = affine_map<(d0, d1) -> (0, 0)>
#map1 = affine_map<(d0, d1) -> (0)>
module attributes {stable_mosaic.version = 14 : i64} {
  func.func @k(%arg0: i32, %arg1: i32, %arg2: memref<10240x128xf32, #tpu.memory_space<hbm>>, %arg3: memref<8192xi32, #tpu.memory_space<hbm>>, %arg4: memref<8192xi32, #tpu.memory_space<hbm>>, %arg5: memref<10240x128xf32, #tpu.memory_space<hbm>>, %arg6: memref<1024xi32, #tpu.memory_space<hbm>>, %arg7: memref<20480x128xf32, #tpu.memory_space<hbm>>, %arg8: memref<20480xf32, #tpu.memory_space<hbm>>, %arg9: memref<1024x128xf32, #tpu.memory_space<hbm>>, %arg10: memref<1024x128xf32, #tpu.memory_space<hbm>>, %arg11: memref<128xi32, #tpu.memory_space<vmem>>, %arg12: memref<128xi32, #tpu.memory_space<vmem>>, %arg13: memref<128xi32, #tpu.memory_space<vmem>>, %arg14: memref<128xi32, #tpu.memory_space<vmem>>, %arg15: memref<128x128xf32, #tpu.memory_space<vmem>>, %arg16: memref<128x128xf32, #tpu.memory_space<vmem>>, %arg17: memref<10240x128xf32, #tpu.memory_space<vmem_shared>>, %arg18: memref<!tpu.dma_semaphore, #tpu.memory_space<semaphore_mem>>, %arg19: memref<!tpu.dma_semaphore, #tpu.memory_space<semaphore_mem>>, %arg20: memref<128xf32, #tpu.memory_space<vmem>>, %arg21: memref<10240xf32, #tpu.memory_space<vmem_shared>>, %arg22: memref<32xi32, #tpu.memory_space<vmem>>, %arg23: memref<32x128xf32, #tpu.memory_space<vmem>>, %arg24: memref<!tpu.dma_semaphore, #tpu.memory_space<semaphore_mem>>) attributes {dimension_semantics = [#tpu.dimension_semantics<core_parallel>, #tpu.dimension_semantics<subcore_parallel>], iteration_bounds = array<i64: 2, 16>, scalar_prefetch = 0 : i64, scratch_operands = 14 : i64, tpu.core_type = #tpu.core_type<sc_vector_subcore>, window_params = [{transform_indices = #map}, {transform_indices = #map1}, {transform_indices = #map1}, {transform_indices = #map}, {transform_indices = #map1}, {transform_indices = #map}, {transform_indices = #map1}, {transform_indices = #map}, {transform_indices = #map}]} {
    %mul3A = arith.constant 2 : i32
    %mul3A_0 = arith.muli %arg1, %mul3A : i32
    %add3A = arith.addi %mul3A_0, %arg0 : i32
    %mul3A_1 = arith.constant 32 : i32
    %mul3A_2 = arith.muli %add3A, %mul3A_1 : i32
    "tpu.region"() ({
      %run_scoped3A_121 = tpu.sem_alloc : memref<!tpu.dma_semaphore, #tpu.memory_space<semaphore_mem>>
      %dma_start3A_122 = tpu.memref_slice %arg6[%mul3A_2] : memref<1024xi32, #tpu.memory_space<hbm>> -> memref<32xi32, #tpu.memory_space<hbm>>
      %dma_start3A_123 = tpu.memref_slice %arg6[%mul3A_2] : memref<1024xi32, #tpu.memory_space<hbm>> -> memref<32xi32, #tpu.memory_space<hbm>>
      tpu.enqueue_dma source(%dma_start3A_123 : memref<32xi32, #tpu.memory_space<hbm>>) target(%arg22 : memref<32xi32, #tpu.memory_space<vmem>>) target_semaphore(%run_scoped3A_121 : memref<!tpu.dma_semaphore, #tpu.memory_space<semaphore_mem>>)
      %dma_wait3A_124 = tpu.memref_slice %arg6[%mul3A_2] : memref<1024xi32, #tpu.memory_space<hbm>> -> memref<32xi32, #tpu.memory_space<hbm>>
      %dma_wait3A_125 = tpu.memref_slice %arg6[%mul3A_2] : memref<1024xi32, #tpu.memory_space<hbm>> -> memref<32xi32, #tpu.memory_space<hbm>>
      tpu.wait_dma2 semaphore(%run_scoped3A_121 : memref<!tpu.dma_semaphore, #tpu.memory_space<semaphore_mem>>) src(%dma_wait3A_125 : memref<32xi32, #tpu.memory_space<hbm>>) dst(%arg22 : memref<32xi32, #tpu.memory_space<vmem>>)
      tpu.yield
    }) : () -> ()
    %dma_start3A = arith.constant 0 : i32
    %dma_start3A_3 = arith.constant 0 : i32
    %dma_start3A_4 = tpu.memref_slice %arg5[%dma_start3A, %dma_start3A_3] : memref<10240x128xf32, #tpu.memory_space<hbm>> -> memref<10240x128xf32, #tpu.memory_space<hbm>>
    tpu.enqueue_indirect_dma source(%dma_start3A_4 : memref<10240x128xf32, #tpu.memory_space<hbm>>) target(%arg23 : memref<32x128xf32, #tpu.memory_space<vmem>>) offsets(%arg22 : memref<32xi32, #tpu.memory_space<vmem>>) semaphore(%arg24 : memref<!tpu.dma_semaphore, #tpu.memory_space<semaphore_mem>>)
    %dma_wait3A = arith.constant 0 : i32
    %dma_wait3A_5 = arith.constant 0 : i32
    %dma_wait3A_6 = tpu.memref_slice %arg5[%dma_wait3A, %dma_wait3A_5] : memref<10240x128xf32, #tpu.memory_space<hbm>> -> memref<10240x128xf32, #tpu.memory_space<hbm>>
    tpu.wait_indirect_dma semaphore(%arg24 : memref<!tpu.dma_semaphore, #tpu.memory_space<semaphore_mem>>) src(%dma_wait3A_6 : memref<10240x128xf32, #tpu.memory_space<hbm>>) dst(%arg23 : memref<32x128xf32, #tpu.memory_space<vmem>>)
    "tpu.region"() ({
      %run_scoped3A_121 = tpu.sem_alloc : memref<!tpu.dma_semaphore, #tpu.memory_space<semaphore_mem>>
      %dma_start3A_122 = arith.constant 0 : i32
      %dma_start3A_123 = tpu.memref_slice %arg9[%mul3A_2, %dma_start3A_122] : memref<1024x128xf32, #tpu.memory_space<hbm>> -> memref<32x128xf32, #tpu.memory_space<hbm>>
      %dma_start3A_124 = arith.constant 0 : i32
      %dma_start3A_125 = tpu.memref_slice %arg9[%mul3A_2, %dma_start3A_124] : memref<1024x128xf32, #tpu.memory_space<hbm>> -> memref<32x128xf32, #tpu.memory_space<hbm>>
      tpu.enqueue_dma source(%arg23 : memref<32x128xf32, #tpu.memory_space<vmem>>) target(%dma_start3A_125 : memref<32x128xf32, #tpu.memory_space<hbm>>) target_semaphore(%run_scoped3A_121 : memref<!tpu.dma_semaphore, #tpu.memory_space<semaphore_mem>>)
      %dma_wait3A_126 = arith.constant 0 : i32
      %dma_wait3A_127 = tpu.memref_slice %arg9[%mul3A_2, %dma_wait3A_126] : memref<1024x128xf32, #tpu.memory_space<hbm>> -> memref<32x128xf32, #tpu.memory_space<hbm>>
      %dma_wait3A_128 = arith.constant 0 : i32
      %dma_wait3A_129 = tpu.memref_slice %arg9[%mul3A_2, %dma_wait3A_128] : memref<1024x128xf32, #tpu.memory_space<hbm>> -> memref<32x128xf32, #tpu.memory_space<hbm>>
      tpu.wait_dma2 semaphore(%run_scoped3A_121 : memref<!tpu.dma_semaphore, #tpu.memory_space<semaphore_mem>>) src(%arg23 : memref<32x128xf32, #tpu.memory_space<vmem>>) dst(%dma_wait3A_129 : memref<32x128xf32, #tpu.memory_space<hbm>>)
      tpu.yield
    }) : () -> ()
    %mul3A_7 = arith.constant 32 : i32
    %mul3A_8 = arith.muli %add3A, %mul3A_7 : i32
    "tpu.region"() ({
      %run_scoped3A_121 = tpu.sem_alloc : memref<!tpu.dma_semaphore, #tpu.memory_space<semaphore_mem>>
      %dma_start3A_122 = tpu.memref_slice %arg6[%mul3A_8] : memref<1024xi32, #tpu.memory_space<hbm>> -> memref<32xi32, #tpu.memory_space<hbm>>
      %dma_start3A_123 = tpu.memref_slice %arg6[%mul3A_8] : memref<1024xi32, #tpu.memory_space<hbm>> -> memref<32xi32, #tpu.memory_space<hbm>>
      tpu.enqueue_dma source(%dma_start3A_123 : memref<32xi32, #tpu.memory_space<hbm>>) target(%arg22 : memref<32xi32, #tpu.memory_space<vmem>>) target_semaphore(%run_scoped3A_121 : memref<!tpu.dma_semaphore, #tpu.memory_space<semaphore_mem>>)
      %dma_wait3A_124 = tpu.memref_slice %arg6[%mul3A_8] : memref<1024xi32, #tpu.memory_space<hbm>> -> memref<32xi32, #tpu.memory_space<hbm>>
      %dma_wait3A_125 = tpu.memref_slice %arg6[%mul3A_8] : memref<1024xi32, #tpu.memory_space<hbm>> -> memref<32xi32, #tpu.memory_space<hbm>>
      tpu.wait_dma2 semaphore(%run_scoped3A_121 : memref<!tpu.dma_semaphore, #tpu.memory_space<semaphore_mem>>) src(%dma_wait3A_125 : memref<32xi32, #tpu.memory_space<hbm>>) dst(%arg22 : memref<32xi32, #tpu.memory_space<vmem>>)
      tpu.yield
    }) : () -> ()
    %dma_start3A_9 = arith.constant 0 : i32
    %dma_start3A_10 = arith.constant 0 : i32
    %dma_start3A_11 = tpu.memref_slice %arg2[%dma_start3A_9, %dma_start3A_10] : memref<10240x128xf32, #tpu.memory_space<hbm>> -> memref<10240x128xf32, #tpu.memory_space<hbm>>
    tpu.enqueue_indirect_dma source(%dma_start3A_11 : memref<10240x128xf32, #tpu.memory_space<hbm>>) target(%arg23 : memref<32x128xf32, #tpu.memory_space<vmem>>) offsets(%arg22 : memref<32xi32, #tpu.memory_space<vmem>>) semaphore(%arg24 : memref<!tpu.dma_semaphore, #tpu.memory_space<semaphore_mem>>)
    %dma_wait3A_12 = arith.constant 0 : i32
    %dma_wait3A_13 = arith.constant 0 : i32
    %dma_wait3A_14 = tpu.memref_slice %arg2[%dma_wait3A_12, %dma_wait3A_13] : memref<10240x128xf32, #tpu.memory_space<hbm>> -> memref<10240x128xf32, #tpu.memory_space<hbm>>
    tpu.wait_indirect_dma semaphore(%arg24 : memref<!tpu.dma_semaphore, #tpu.memory_space<semaphore_mem>>) src(%dma_wait3A_14 : memref<10240x128xf32, #tpu.memory_space<hbm>>) dst(%arg23 : memref<32x128xf32, #tpu.memory_space<vmem>>)
    "tpu.region"() ({
      %run_scoped3A_121 = tpu.sem_alloc : memref<!tpu.dma_semaphore, #tpu.memory_space<semaphore_mem>>
      %dma_start3A_122 = arith.constant 0 : i32
      %dma_start3A_123 = tpu.memref_slice %arg10[%mul3A_8, %dma_start3A_122] : memref<1024x128xf32, #tpu.memory_space<hbm>> -> memref<32x128xf32, #tpu.memory_space<hbm>>
      %dma_start3A_124 = arith.constant 0 : i32
      %dma_start3A_125 = tpu.memref_slice %arg10[%mul3A_8, %dma_start3A_124] : memref<1024x128xf32, #tpu.memory_space<hbm>> -> memref<32x128xf32, #tpu.memory_space<hbm>>
      tpu.enqueue_dma source(%arg23 : memref<32x128xf32, #tpu.memory_space<vmem>>) target(%dma_start3A_125 : memref<32x128xf32, #tpu.memory_space<hbm>>) target_semaphore(%run_scoped3A_121 : memref<!tpu.dma_semaphore, #tpu.memory_space<semaphore_mem>>)
      %dma_wait3A_126 = arith.constant 0 : i32
      %dma_wait3A_127 = tpu.memref_slice %arg10[%mul3A_8, %dma_wait3A_126] : memref<1024x128xf32, #tpu.memory_space<hbm>> -> memref<32x128xf32, #tpu.memory_space<hbm>>
      %dma_wait3A_128 = arith.constant 0 : i32
      %dma_wait3A_129 = tpu.memref_slice %arg10[%mul3A_8, %dma_wait3A_128] : memref<1024x128xf32, #tpu.memory_space<hbm>> -> memref<32x128xf32, #tpu.memory_space<hbm>>
      tpu.wait_dma2 semaphore(%run_scoped3A_121 : memref<!tpu.dma_semaphore, #tpu.memory_space<semaphore_mem>>) src(%arg23 : memref<32x128xf32, #tpu.memory_space<vmem>>) dst(%dma_wait3A_129 : memref<32x128xf32, #tpu.memory_space<hbm>>)
      tpu.yield
    }) : () -> ()
    %scan3A = arith.constant 0 : i32
    %scan3A_15 = arith.constant 0 : i32
    %scan3A_16 = arith.constant 1024 : i32
    %scan3A_17 = arith.addi %scan3A_15, %scan3A_16 : i32
    %scan3A_18 = arith.constant 1 : i32
    scf.for %scan3A_121 = %scan3A_15 to %scan3A_17 step %scan3A_18  : i32 {
      %broadcast_in_dim3A_122 = arith.constant 0.000000e+00 : f32
      %broadcast_in_dim3A_123 = vector.broadcast %broadcast_in_dim3A_122 : f32 to vector<16xf32>
      %jit3A = arith.constant 8 : i32
      %div3A = arith.divsi %scan3A_121, %jit3A : i32
      %sign3A = arith.constant 0 : i32
      %sign3A_124 = arith.cmpi sgt, %scan3A_121, %sign3A : i32
      %sign3A_125 = arith.extui %sign3A_124 : i1 to i32
      %sign3A_126 = arith.constant 0 : i32
      %sign3A_127 = arith.cmpi slt, %scan3A_121, %sign3A_126 : i32
      %sign3A_128 = arith.extui %sign3A_127 : i1 to i32
      %sign3A_129 = arith.subi %sign3A_125, %sign3A_128 : i32
      %sign3A_130 = arith.constant 0 : i32
      %sign3A_131 = arith.cmpi sgt, %jit3A, %sign3A_130 : i32
      %sign3A_132 = arith.extui %sign3A_131 : i1 to i32
      %sign3A_133 = arith.constant 0 : i32
      %sign3A_134 = arith.cmpi slt, %jit3A, %sign3A_133 : i32
      %sign3A_135 = arith.extui %sign3A_134 : i1 to i32
      %sign3A_136 = arith.subi %sign3A_132, %sign3A_135 : i32
      %ne3A = arith.cmpi ne, %sign3A_129, %sign3A_136 : i32
      %rem3A = arith.remsi %scan3A_121, %jit3A : i32
      %ne3A_137 = arith.constant 0 : i32
      %ne3A_138 = arith.cmpi ne, %rem3A, %ne3A_137 : i32
      %and3A = arith.andi %ne3A, %ne3A_138 : i1
      %sub3A = arith.constant 1 : i32
      %sub3A_139 = arith.subi %div3A, %sub3A : i32
      %select_n3A = arith.select %and3A, %sub3A_139, %div3A : i32
      %jit3A_140 = arith.constant 8 : i32
      %eq3A = arith.constant 0 : i32
      %eq3A_141 = arith.cmpi eq, %jit3A_140, %eq3A : i32
      %jit3A_142 = arith.constant 1 : i32
      %select_n3A_143 = arith.select %eq3A_141, %jit3A_142, %jit3A_140 : i32
      %rem3A_144 = arith.remsi %scan3A_121, %select_n3A_143 : i32
      %ne3A_145 = arith.constant 0 : i32
      %ne3A_146 = arith.cmpi ne, %rem3A_144, %ne3A_145 : i32
      %lt3A = arith.constant 0 : i32
      %lt3A_147 = arith.cmpi slt, %rem3A_144, %lt3A : i32
      %lt3A_148 = arith.constant 0 : i32
      %lt3A_149 = arith.cmpi slt, %select_n3A_143, %lt3A_148 : i32
      %ne3A_150 = arith.xori %lt3A_147, %lt3A_149 : i1
      %and3A_151 = arith.andi %ne3A_150, %ne3A_146 : i1
      %add3A_152 = arith.addi %rem3A_144, %select_n3A_143 : i32
      %select_n3A_153 = arith.select %and3A_151, %add3A_152, %rem3A_144 : i32
      %mul3A_154 = arith.constant 16 : i32
      %mul3A_155 = arith.muli %select_n3A_153, %mul3A_154 : i32
      %swap3A_156 = arith.index_cast %select_n3A : i32 to index
      %swap3A_157 = arith.index_cast %mul3A_155 : i32 to index
      %swap3A_158 = tpu.vector_load %arg15[%swap3A_156, %swap3A_157] {strides = array<i32>} : memref<128x128xf32, #tpu.memory_space<vmem>>, vector<1x16xf32>,
      %swap3A_159 = vector.shape_cast %swap3A_158 : vector<1x16xf32> to vector<16xf32>
      %swap3A_160 = vector.shape_cast %broadcast_in_dim3A_123 : vector<16xf32> to vector<1x16xf32>
      tpu.vector_store %arg15[%swap3A_156, %swap3A_157], %swap3A_160 {strides = array<i32>} : memref<128x128xf32, #tpu.memory_space<vmem>>, vector<1x16xf32>,
    }
    %scan3A_19 = arith.constant 1024 : i32
    %mul3A_20 = arith.constant 640 : i32
    %mul3A_21 = arith.muli %arg1, %mul3A_20 : i32
    %add3A_22 = arith.constant 0 : i32
    %add3A_23 = arith.addi %mul3A_21, %add3A_22 : i32
    "tpu.region"() ({
      %run_scoped3A_121 = tpu.sem_alloc : memref<!tpu.dma_semaphore, #tpu.memory_space<semaphore_mem>>
      %dma_start3A_122 = arith.constant 0 : i32
      %dma_start3A_123 = tpu.memref_slice %arg17[%add3A_23, %dma_start3A_122] : memref<10240x128xf32, #tpu.memory_space<vmem_shared>> -> memref<128x128xf32, #tpu.memory_space<vmem_shared>>
      %dma_start3A_124 = arith.constant 0 : i32
      %dma_start3A_125 = tpu.memref_slice %arg17[%add3A_23, %dma_start3A_124] : memref<10240x128xf32, #tpu.memory_space<vmem_shared>> -> memref<128x128xf32, #tpu.memory_space<vmem_shared>>
      tpu.enqueue_dma source(%arg15 : memref<128x128xf32, #tpu.memory_space<vmem>>) target(%dma_start3A_125 : memref<128x128xf32, #tpu.memory_space<vmem_shared>>) target_semaphore(%run_scoped3A_121 : memref<!tpu.dma_semaphore, #tpu.memory_space<semaphore_mem>>)
      %dma_wait3A_126 = arith.constant 0 : i32
      %dma_wait3A_127 = tpu.memref_slice %arg17[%add3A_23, %dma_wait3A_126] : memref<10240x128xf32, #tpu.memory_space<vmem_shared>> -> memref<128x128xf32, #tpu.memory_space<vmem_shared>>
      %dma_wait3A_128 = arith.constant 0 : i32
      %dma_wait3A_129 = tpu.memref_slice %arg17[%add3A_23, %dma_wait3A_128] : memref<10240x128xf32, #tpu.memory_space<vmem_shared>> -> memref<128x128xf32, #tpu.memory_space<vmem_shared>>
      tpu.wait_dma2 semaphore(%run_scoped3A_121 : memref<!tpu.dma_semaphore, #tpu.memory_space<semaphore_mem>>) src(%arg15 : memref<128x128xf32, #tpu.memory_space<vmem>>) dst(%dma_wait3A_129 : memref<128x128xf32, #tpu.memory_space<vmem_shared>>)
      tpu.yield
    }) : () -> ()
    %add3A_24 = arith.constant 0 : i32
    %add3A_25 = arith.addi %mul3A_21, %add3A_24 : i32
    %run_scoped3A = arith.constant 0 : i32
    "tpu.region"() ({
      %run_scoped3A_121 = tpu.sem_alloc : memref<!tpu.dma_semaphore, #tpu.memory_space<semaphore_mem>>
      %dma_start3A_122 = arith.constant 0 : i32
      %dma_start3A_123 = tpu.memref_slice %arg15[%run_scoped3A, %dma_start3A_122] : memref<128x128xf32, #tpu.memory_space<vmem>> -> memref<1x128xf32, #tpu.memory_space<vmem>>
      %dma_start3A_124 = tpu.memref_squeeze %dma_start3A_123 : memref<1x128xf32, #tpu.memory_space<vmem>> -> memref<128xf32, #tpu.memory_space<vmem>>
      %dma_start3A_125 = tpu.memref_slice %arg21[%add3A_25] : memref<10240xf32, #tpu.memory_space<vmem_shared>> -> memref<128xf32, #tpu.memory_space<vmem_shared>>
      %dma_start3A_126 = tpu.memref_slice %arg21[%add3A_25] : memref<10240xf32, #tpu.memory_space<vmem_shared>> -> memref<128xf32, #tpu.memory_space<vmem_shared>>
      %dma_start3A_127 = arith.constant 0 : i32
      %dma_start3A_128 = tpu.memref_slice %arg15[%run_scoped3A, %dma_start3A_127] : memref<128x128xf32, #tpu.memory_space<vmem>> -> memref<1x128xf32, #tpu.memory_space<vmem>>
      %dma_start3A_129 = tpu.memref_squeeze %dma_start3A_128 : memref<1x128xf32, #tpu.memory_space<vmem>> -> memref<128xf32, #tpu.memory_space<vmem>>
      tpu.enqueue_dma source(%dma_start3A_129 : memref<128xf32, #tpu.memory_space<vmem>>) target(%dma_start3A_126 : memref<128xf32, #tpu.memory_space<vmem_shared>>) target_semaphore(%run_scoped3A_121 : memref<!tpu.dma_semaphore, #tpu.memory_space<semaphore_mem>>)
      %dma_wait3A_130 = arith.constant 0 : i32
      %dma_wait3A_131 = tpu.memref_slice %arg15[%run_scoped3A, %dma_wait3A_130] : memref<128x128xf32, #tpu.memory_space<vmem>> -> memref<1x128xf32, #tpu.memory_space<vmem>>
      %dma_wait3A_132 = tpu.memref_squeeze %dma_wait3A_131 : memref<1x128xf32, #tpu.memory_space<vmem>> -> memref<128xf32, #tpu.memory_space<vmem>>
      %dma_wait3A_133 = tpu.memref_slice %arg21[%add3A_25] : memref<10240xf32, #tpu.memory_space<vmem_shared>> -> memref<128xf32, #tpu.memory_space<vmem_shared>>
      %dma_wait3A_134 = tpu.memref_slice %arg21[%add3A_25] : memref<10240xf32, #tpu.memory_space<vmem_shared>> -> memref<128xf32, #tpu.memory_space<vmem_shared>>
      %dma_wait3A_135 = arith.constant 0 : i32
      %dma_wait3A_136 = tpu.memref_slice %arg15[%run_scoped3A, %dma_wait3A_135] : memref<128x128xf32, #tpu.memory_space<vmem>> -> memref<1x128xf32, #tpu.memory_space<vmem>>
      %dma_wait3A_137 = tpu.memref_squeeze %dma_wait3A_136 : memref<1x128xf32, #tpu.memory_space<vmem>> -> memref<128xf32, #tpu.memory_space<vmem>>
      tpu.wait_dma2 semaphore(%run_scoped3A_121 : memref<!tpu.dma_semaphore, #tpu.memory_space<semaphore_mem>>) src(%dma_wait3A_137 : memref<128xf32, #tpu.memory_space<vmem>>) dst(%dma_wait3A_134 : memref<128xf32, #tpu.memory_space<vmem_shared>>)
      tpu.yield
    }) : () -> ()
    %add3A_26 = arith.constant 128 : i32
    %add3A_27 = arith.addi %mul3A_21, %add3A_26 : i32
    "tpu.region"() ({
      %run_scoped3A_121 = tpu.sem_alloc : memref<!tpu.dma_semaphore, #tpu.memory_space<semaphore_mem>>
      %dma_start3A_122 = arith.constant 0 : i32
      %dma_start3A_123 = tpu.memref_slice %arg17[%add3A_27, %dma_start3A_122] : memref<10240x128xf32, #tpu.memory_space<vmem_shared>> -> memref<128x128xf32, #tpu.memory_space<vmem_shared>>
      %dma_start3A_124 = arith.constant 0 : i32
      %dma_start3A_125 = tpu.memref_slice %arg17[%add3A_27, %dma_start3A_124] : memref<10240x128xf32, #tpu.memory_space<vmem_shared>> -> memref<128x128xf32, #tpu.memory_space<vmem_shared>>
      tpu.enqueue_dma source(%arg15 : memref<128x128xf32, #tpu.memory_space<vmem>>) target(%dma_start3A_125 : memref<128x128xf32, #tpu.memory_space<vmem_shared>>) target_semaphore(%run_scoped3A_121 : memref<!tpu.dma_semaphore, #tpu.memory_space<semaphore_mem>>)
      %dma_wait3A_126 = arith.constant 0 : i32
      %dma_wait3A_127 = tpu.memref_slice %arg17[%add3A_27, %dma_wait3A_126] : memref<10240x128xf32, #tpu.memory_space<vmem_shared>> -> memref<128x128xf32, #tpu.memory_space<vmem_shared>>
      %dma_wait3A_128 = arith.constant 0 : i32
      %dma_wait3A_129 = tpu.memref_slice %arg17[%add3A_27, %dma_wait3A_128] : memref<10240x128xf32, #tpu.memory_space<vmem_shared>> -> memref<128x128xf32, #tpu.memory_space<vmem_shared>>
      tpu.wait_dma2 semaphore(%run_scoped3A_121 : memref<!tpu.dma_semaphore, #tpu.memory_space<semaphore_mem>>) src(%arg15 : memref<128x128xf32, #tpu.memory_space<vmem>>) dst(%dma_wait3A_129 : memref<128x128xf32, #tpu.memory_space<vmem_shared>>)
      tpu.yield
    }) : () -> ()
    %add3A_28 = arith.constant 128 : i32
    %add3A_29 = arith.addi %mul3A_21, %add3A_28 : i32
    %run_scoped3A_30 = arith.constant 0 : i32
    "tpu.region"() ({
      %run_scoped3A_121 = tpu.sem_alloc : memref<!tpu.dma_semaphore, #tpu.memory_space<semaphore_mem>>
      %dma_start3A_122 = arith.constant 0 : i32
      %dma_start3A_123 = tpu.memref_slice %arg15[%run_scoped3A_30, %dma_start3A_122] : memref<128x128xf32, #tpu.memory_space<vmem>> -> memref<1x128xf32, #tpu.memory_space<vmem>>
      %dma_start3A_124 = tpu.memref_squeeze %dma_start3A_123 : memref<1x128xf32, #tpu.memory_space<vmem>> -> memref<128xf32, #tpu.memory_space<vmem>>
      %dma_start3A_125 = tpu.memref_slice %arg21[%add3A_29] : memref<10240xf32, #tpu.memory_space<vmem_shared>> -> memref<128xf32, #tpu.memory_space<vmem_shared>>
      %dma_start3A_126 = tpu.memref_slice %arg21[%add3A_29] : memref<10240xf32, #tpu.memory_space<vmem_shared>> -> memref<128xf32, #tpu.memory_space<vmem_shared>>
      %dma_start3A_127 = arith.constant 0 : i32
      %dma_start3A_128 = tpu.memref_slice %arg15[%run_scoped3A_30, %dma_start3A_127] : memref<128x128xf32, #tpu.memory_space<vmem>> -> memref<1x128xf32, #tpu.memory_space<vmem>>
      %dma_start3A_129 = tpu.memref_squeeze %dma_start3A_128 : memref<1x128xf32, #tpu.memory_space<vmem>> -> memref<128xf32, #tpu.memory_space<vmem>>
      tpu.enqueue_dma source(%dma_start3A_129 : memref<128xf32, #tpu.memory_space<vmem>>) target(%dma_start3A_126 : memref<128xf32, #tpu.memory_space<vmem_shared>>) target_semaphore(%run_scoped3A_121 : memref<!tpu.dma_semaphore, #tpu.memory_space<semaphore_mem>>)
      %dma_wait3A_130 = arith.constant 0 : i32
      %dma_wait3A_131 = tpu.memref_slice %arg15[%run_scoped3A_30, %dma_wait3A_130] : memref<128x128xf32, #tpu.memory_space<vmem>> -> memref<1x128xf32, #tpu.memory_space<vmem>>
      %dma_wait3A_132 = tpu.memref_squeeze %dma_wait3A_131 : memref<1x128xf32, #tpu.memory_space<vmem>> -> memref<128xf32, #tpu.memory_space<vmem>>
      %dma_wait3A_133 = tpu.memref_slice %arg21[%add3A_29] : memref<10240xf32, #tpu.memory_space<vmem_shared>> -> memref<128xf32, #tpu.memory_space<vmem_shared>>
      %dma_wait3A_134 = tpu.memref_slice %arg21[%add3A_29] : memref<10240xf32, #tpu.memory_space<vmem_shared>> -> memref<128xf32, #tpu.memory_space<vmem_shared>>
      %dma_wait3A_135 = arith.constant 0 : i32
      %dma_wait3A_136 = tpu.memref_slice %arg15[%run_scoped3A_30, %dma_wait3A_135] : memref<128x128xf32, #tpu.memory_space<vmem>> -> memref<1x128xf32, #tpu.memory_space<vmem>>
      %dma_wait3A_137 = tpu.memref_squeeze %dma_wait3A_136 : memref<1x128xf32, #tpu.memory_space<vmem>> -> memref<128xf32, #tpu.memory_space<vmem>>
      tpu.wait_dma2 semaphore(%run_scoped3A_121 : memref<!tpu.dma_semaphore, #tpu.memory_space<semaphore_mem>>) src(%dma_wait3A_137 : memref<128xf32, #tpu.memory_space<vmem>>) dst(%dma_wait3A_134 : memref<128xf32, #tpu.memory_space<vmem_shared>>)
      tpu.yield
    }) : () -> ()
    %add3A_31 = arith.constant 256 : i32
    %add3A_32 = arith.addi %mul3A_21, %add3A_31 : i32
    "tpu.region"() ({
      %run_scoped3A_121 = tpu.sem_alloc : memref<!tpu.dma_semaphore, #tpu.memory_space<semaphore_mem>>
      %dma_start3A_122 = arith.constant 0 : i32
      %dma_start3A_123 = tpu.memref_slice %arg17[%add3A_32, %dma_start3A_122] : memref<10240x128xf32, #tpu.memory_space<vmem_shared>> -> memref<128x128xf32, #tpu.memory_space<vmem_shared>>
      %dma_start3A_124 = arith.constant 0 : i32
      %dma_start3A_125 = tpu.memref_slice %arg17[%add3A_32, %dma_start3A_124] : memref<10240x128xf32, #tpu.memory_space<vmem_shared>> -> memref<128x128xf32, #tpu.memory_space<vmem_shared>>
      tpu.enqueue_dma source(%arg15 : memref<128x128xf32, #tpu.memory_space<vmem>>) target(%dma_start3A_125 : memref<128x128xf32, #tpu.memory_space<vmem_shared>>) target_semaphore(%run_scoped3A_121 : memref<!tpu.dma_semaphore, #tpu.memory_space<semaphore_mem>>)
      %dma_wait3A_126 = arith.constant 0 : i32
      %dma_wait3A_127 = tpu.memref_slice %arg17[%add3A_32, %dma_wait3A_126] : memref<10240x128xf32, #tpu.memory_space<vmem_shared>> -> memref<128x128xf32, #tpu.memory_space<vmem_shared>>
      %dma_wait3A_128 = arith.constant 0 : i32
      %dma_wait3A_129 = tpu.memref_slice %arg17[%add3A_32, %dma_wait3A_128] : memref<10240x128xf32, #tpu.memory_space<vmem_shared>> -> memref<128x128xf32, #tpu.memory_space<vmem_shared>>
      tpu.wait_dma2 semaphore(%run_scoped3A_121 : memref<!tpu.dma_semaphore, #tpu.memory_space<semaphore_mem>>) src(%arg15 : memref<128x128xf32, #tpu.memory_space<vmem>>) dst(%dma_wait3A_129 : memref<128x128xf32, #tpu.memory_space<vmem_shared>>)
      tpu.yield
    }) : () -> ()
    %add3A_33 = arith.constant 256 : i32
    %add3A_34 = arith.addi %mul3A_21, %add3A_33 : i32
    %run_scoped3A_35 = arith.constant 0 : i32
    "tpu.region"() ({
      %run_scoped3A_121 = tpu.sem_alloc : memref<!tpu.dma_semaphore, #tpu.memory_space<semaphore_mem>>
      %dma_start3A_122 = arith.constant 0 : i32
      %dma_start3A_123 = tpu.memref_slice %arg15[%run_scoped3A_35, %dma_start3A_122] : memref<128x128xf32, #tpu.memory_space<vmem>> -> memref<1x128xf32, #tpu.memory_space<vmem>>
      %dma_start3A_124 = tpu.memref_squeeze %dma_start3A_123 : memref<1x128xf32, #tpu.memory_space<vmem>> -> memref<128xf32, #tpu.memory_space<vmem>>
      %dma_start3A_125 = tpu.memref_slice %arg21[%add3A_34] : memref<10240xf32, #tpu.memory_space<vmem_shared>> -> memref<128xf32, #tpu.memory_space<vmem_shared>>
      %dma_start3A_126 = tpu.memref_slice %arg21[%add3A_34] : memref<10240xf32, #tpu.memory_space<vmem_shared>> -> memref<128xf32, #tpu.memory_space<vmem_shared>>
      %dma_start3A_127 = arith.constant 0 : i32
      %dma_start3A_128 = tpu.memref_slice %arg15[%run_scoped3A_35, %dma_start3A_127] : memref<128x128xf32, #tpu.memory_space<vmem>> -> memref<1x128xf32, #tpu.memory_space<vmem>>
      %dma_start3A_129 = tpu.memref_squeeze %dma_start3A_128 : memref<1x128xf32, #tpu.memory_space<vmem>> -> memref<128xf32, #tpu.memory_space<vmem>>
      tpu.enqueue_dma source(%dma_start3A_129 : memref<128xf32, #tpu.memory_space<vmem>>) target(%dma_start3A_126 : memref<128xf32, #tpu.memory_space<vmem_shared>>) target_semaphore(%run_scoped3A_121 : memref<!tpu.dma_semaphore, #tpu.memory_space<semaphore_mem>>)
      %dma_wait3A_130 = arith.constant 0 : i32
      %dma_wait3A_131 = tpu.memref_slice %arg15[%run_scoped3A_35, %dma_wait3A_130] : memref<128x128xf32, #tpu.memory_space<vmem>> -> memref<1x128xf32, #tpu.memory_space<vmem>>
      %dma_wait3A_132 = tpu.memref_squeeze %dma_wait3A_131 : memref<1x128xf32, #tpu.memory_space<vmem>> -> memref<128xf32, #tpu.memory_space<vmem>>
      %dma_wait3A_133 = tpu.memref_slice %arg21[%add3A_34] : memref<10240xf32, #tpu.memory_space<vmem_shared>> -> memref<128xf32, #tpu.memory_space<vmem_shared>>
      %dma_wait3A_134 = tpu.memref_slice %arg21[%add3A_34] : memref<10240xf32, #tpu.memory_space<vmem_shared>> -> memref<128xf32, #tpu.memory_space<vmem_shared>>
      %dma_wait3A_135 = arith.constant 0 : i32
      %dma_wait3A_136 = tpu.memref_slice %arg15[%run_scoped3A_35, %dma_wait3A_135] : memref<128x128xf32, #tpu.memory_space<vmem>> -> memref<1x128xf32, #tpu.memory_space<vmem>>
      %dma_wait3A_137 = tpu.memref_squeeze %dma_wait3A_136 : memref<1x128xf32, #tpu.memory_space<vmem>> -> memref<128xf32, #tpu.memory_space<vmem>>
      tpu.wait_dma2 semaphore(%run_scoped3A_121 : memref<!tpu.dma_semaphore, #tpu.memory_space<semaphore_mem>>) src(%dma_wait3A_137 : memref<128xf32, #tpu.memory_space<vmem>>) dst(%dma_wait3A_134 : memref<128xf32, #tpu.memory_space<vmem_shared>>)
      tpu.yield
    }) : () -> ()
    %add3A_36 = arith.constant 384 : i32
    %add3A_37 = arith.addi %mul3A_21, %add3A_36 : i32
    "tpu.region"() ({
      %run_scoped3A_121 = tpu.sem_alloc : memref<!tpu.dma_semaphore, #tpu.memory_space<semaphore_mem>>
      %dma_start3A_122 = arith.constant 0 : i32
      %dma_start3A_123 = tpu.memref_slice %arg17[%add3A_37, %dma_start3A_122] : memref<10240x128xf32, #tpu.memory_space<vmem_shared>> -> memref<128x128xf32, #tpu.memory_space<vmem_shared>>
      %dma_start3A_124 = arith.constant 0 : i32
      %dma_start3A_125 = tpu.memref_slice %arg17[%add3A_37, %dma_start3A_124] : memref<10240x128xf32, #tpu.memory_space<vmem_shared>> -> memref<128x128xf32, #tpu.memory_space<vmem_shared>>
      tpu.enqueue_dma source(%arg15 : memref<128x128xf32, #tpu.memory_space<vmem>>) target(%dma_start3A_125 : memref<128x128xf32, #tpu.memory_space<vmem_shared>>) target_semaphore(%run_scoped3A_121 : memref<!tpu.dma_semaphore, #tpu.memory_space<semaphore_mem>>)
      %dma_wait3A_126 = arith.constant 0 : i32
      %dma_wait3A_127 = tpu.memref_slice %arg17[%add3A_37, %dma_wait3A_126] : memref<10240x128xf32, #tpu.memory_space<vmem_shared>> -> memref<128x128xf32, #tpu.memory_space<vmem_shared>>
      %dma_wait3A_128 = arith.constant 0 : i32
      %dma_wait3A_129 = tpu.memref_slice %arg17[%add3A_37, %dma_wait3A_128] : memref<10240x128xf32, #tpu.memory_space<vmem_shared>> -> memref<128x128xf32, #tpu.memory_space<vmem_shared>>
      tpu.wait_dma2 semaphore(%run_scoped3A_121 : memref<!tpu.dma_semaphore, #tpu.memory_space<semaphore_mem>>) src(%arg15 : memref<128x128xf32, #tpu.memory_space<vmem>>) dst(%dma_wait3A_129 : memref<128x128xf32, #tpu.memory_space<vmem_shared>>)
      tpu.yield
    }) : () -> ()
    %add3A_38 = arith.constant 384 : i32
    %add3A_39 = arith.addi %mul3A_21, %add3A_38 : i32
    %run_scoped3A_40 = arith.constant 0 : i32
    "tpu.region"() ({
      %run_scoped3A_121 = tpu.sem_alloc : memref<!tpu.dma_semaphore, #tpu.memory_space<semaphore_mem>>
      %dma_start3A_122 = arith.constant 0 : i32
      %dma_start3A_123 = tpu.memref_slice %arg15[%run_scoped3A_40, %dma_start3A_122] : memref<128x128xf32, #tpu.memory_space<vmem>> -> memref<1x128xf32, #tpu.memory_space<vmem>>
      %dma_start3A_124 = tpu.memref_squeeze %dma_start3A_123 : memref<1x128xf32, #tpu.memory_space<vmem>> -> memref<128xf32, #tpu.memory_space<vmem>>
      %dma_start3A_125 = tpu.memref_slice %arg21[%add3A_39] : memref<10240xf32, #tpu.memory_space<vmem_shared>> -> memref<128xf32, #tpu.memory_space<vmem_shared>>
      %dma_start3A_126 = tpu.memref_slice %arg21[%add3A_39] : memref<10240xf32, #tpu.memory_space<vmem_shared>> -> memref<128xf32, #tpu.memory_space<vmem_shared>>
      %dma_start3A_127 = arith.constant 0 : i32
      %dma_start3A_128 = tpu.memref_slice %arg15[%run_scoped3A_40, %dma_start3A_127] : memref<128x128xf32, #tpu.memory_space<vmem>> -> memref<1x128xf32, #tpu.memory_space<vmem>>
      %dma_start3A_129 = tpu.memref_squeeze %dma_start3A_128 : memref<1x128xf32, #tpu.memory_space<vmem>> -> memref<128xf32, #tpu.memory_space<vmem>>
      tpu.enqueue_dma source(%dma_start3A_129 : memref<128xf32, #tpu.memory_space<vmem>>) target(%dma_start3A_126 : memref<128xf32, #tpu.memory_space<vmem_shared>>) target_semaphore(%run_scoped3A_121 : memref<!tpu.dma_semaphore, #tpu.memory_space<semaphore_mem>>)
      %dma_wait3A_130 = arith.constant 0 : i32
      %dma_wait3A_131 = tpu.memref_slice %arg15[%run_scoped3A_40, %dma_wait3A_130] : memref<128x128xf32, #tpu.memory_space<vmem>> -> memref<1x128xf32, #tpu.memory_space<vmem>>
      %dma_wait3A_132 = tpu.memref_squeeze %dma_wait3A_131 : memref<1x128xf32, #tpu.memory_space<vmem>> -> memref<128xf32, #tpu.memory_space<vmem>>
      %dma_wait3A_133 = tpu.memref_slice %arg21[%add3A_39] : memref<10240xf32, #tpu.memory_space<vmem_shared>> -> memref<128xf32, #tpu.memory_space<vmem_shared>>
      %dma_wait3A_134 = tpu.memref_slice %arg21[%add3A_39] : memref<10240xf32, #tpu.memory_space<vmem_shared>> -> memref<128xf32, #tpu.memory_space<vmem_shared>>
      %dma_wait3A_135 = arith.constant 0 : i32
      %dma_wait3A_136 = tpu.memref_slice %arg15[%run_scoped3A_40, %dma_wait3A_135] : memref<128x128xf32, #tpu.memory_space<vmem>> -> memref<1x128xf32, #tpu.memory_space<vmem>>
      %dma_wait3A_137 = tpu.memref_squeeze %dma_wait3A_136 : memref<1x128xf32, #tpu.memory_space<vmem>> -> memref<128xf32, #tpu.memory_space<vmem>>
      tpu.wait_dma2 semaphore(%run_scoped3A_121 : memref<!tpu.dma_semaphore, #tpu.memory_space<semaphore_mem>>) src(%dma_wait3A_137 : memref<128xf32, #tpu.memory_space<vmem>>) dst(%dma_wait3A_134 : memref<128xf32, #tpu.memory_space<vmem_shared>>)
      tpu.yield
    }) : () -> ()
    %add3A_41 = arith.constant 512 : i32
    %add3A_42 = arith.addi %mul3A_21, %add3A_41 : i32
    "tpu.region"() ({
      %run_scoped3A_121 = tpu.sem_alloc : memref<!tpu.dma_semaphore, #tpu.memory_space<semaphore_mem>>
      %dma_start3A_122 = arith.constant 0 : i32
      %dma_start3A_123 = tpu.memref_slice %arg17[%add3A_42, %dma_start3A_122] : memref<10240x128xf32, #tpu.memory_space<vmem_shared>> -> memref<128x128xf32, #tpu.memory_space<vmem_shared>>
      %dma_start3A_124 = arith.constant 0 : i32
      %dma_start3A_125 = tpu.memref_slice %arg17[%add3A_42, %dma_start3A_124] : memref<10240x128xf32, #tpu.memory_space<vmem_shared>> -> memref<128x128xf32, #tpu.memory_space<vmem_shared>>
      tpu.enqueue_dma source(%arg15 : memref<128x128xf32, #tpu.memory_space<vmem>>) target(%dma_start3A_125 : memref<128x128xf32, #tpu.memory_space<vmem_shared>>) target_semaphore(%run_scoped3A_121 : memref<!tpu.dma_semaphore, #tpu.memory_space<semaphore_mem>>)
      %dma_wait3A_126 = arith.constant 0 : i32
      %dma_wait3A_127 = tpu.memref_slice %arg17[%add3A_42, %dma_wait3A_126] : memref<10240x128xf32, #tpu.memory_space<vmem_shared>> -> memref<128x128xf32, #tpu.memory_space<vmem_shared>>
      %dma_wait3A_128 = arith.constant 0 : i32
      %dma_wait3A_129 = tpu.memref_slice %arg17[%add3A_42, %dma_wait3A_128] : memref<10240x128xf32, #tpu.memory_space<vmem_shared>> -> memref<128x128xf32, #tpu.memory_space<vmem_shared>>
      tpu.wait_dma2 semaphore(%run_scoped3A_121 : memref<!tpu.dma_semaphore, #tpu.memory_space<semaphore_mem>>) src(%arg15 : memref<128x128xf32, #tpu.memory_space<vmem>>) dst(%dma_wait3A_129 : memref<128x128xf32, #tpu.memory_space<vmem_shared>>)
      tpu.yield
    }) : () -> ()
    %add3A_43 = arith.constant 512 : i32
    %add3A_44 = arith.addi %mul3A_21, %add3A_43 : i32
    %run_scoped3A_45 = arith.constant 0 : i32
    "tpu.region"() ({
      %run_scoped3A_121 = tpu.sem_alloc : memref<!tpu.dma_semaphore, #tpu.memory_space<semaphore_mem>>
      %dma_start3A_122 = arith.constant 0 : i32
      %dma_start3A_123 = tpu.memref_slice %arg15[%run_scoped3A_45, %dma_start3A_122] : memref<128x128xf32, #tpu.memory_space<vmem>> -> memref<1x128xf32, #tpu.memory_space<vmem>>
      %dma_start3A_124 = tpu.memref_squeeze %dma_start3A_123 : memref<1x128xf32, #tpu.memory_space<vmem>> -> memref<128xf32, #tpu.memory_space<vmem>>
      %dma_start3A_125 = tpu.memref_slice %arg21[%add3A_44] : memref<10240xf32, #tpu.memory_space<vmem_shared>> -> memref<128xf32, #tpu.memory_space<vmem_shared>>
      %dma_start3A_126 = tpu.memref_slice %arg21[%add3A_44] : memref<10240xf32, #tpu.memory_space<vmem_shared>> -> memref<128xf32, #tpu.memory_space<vmem_shared>>
      %dma_start3A_127 = arith.constant 0 : i32
      %dma_start3A_128 = tpu.memref_slice %arg15[%run_scoped3A_45, %dma_start3A_127] : memref<128x128xf32, #tpu.memory_space<vmem>> -> memref<1x128xf32, #tpu.memory_space<vmem>>
      %dma_start3A_129 = tpu.memref_squeeze %dma_start3A_128 : memref<1x128xf32, #tpu.memory_space<vmem>> -> memref<128xf32, #tpu.memory_space<vmem>>
      tpu.enqueue_dma source(%dma_start3A_129 : memref<128xf32, #tpu.memory_space<vmem>>) target(%dma_start3A_126 : memref<128xf32, #tpu.memory_space<vmem_shared>>) target_semaphore(%run_scoped3A_121 : memref<!tpu.dma_semaphore, #tpu.memory_space<semaphore_mem>>)
      %dma_wait3A_130 = arith.constant 0 : i32
      %dma_wait3A_131 = tpu.memref_slice %arg15[%run_scoped3A_45, %dma_wait3A_130] : memref<128x128xf32, #tpu.memory_space<vmem>> -> memref<1x128xf32, #tpu.memory_space<vmem>>
      %dma_wait3A_132 = tpu.memref_squeeze %dma_wait3A_131 : memref<1x128xf32, #tpu.memory_space<vmem>> -> memref<128xf32, #tpu.memory_space<vmem>>
      %dma_wait3A_133 = tpu.memref_slice %arg21[%add3A_44] : memref<10240xf32, #tpu.memory_space<vmem_shared>> -> memref<128xf32, #tpu.memory_space<vmem_shared>>
      %dma_wait3A_134 = tpu.memref_slice %arg21[%add3A_44] : memref<10240xf32, #tpu.memory_space<vmem_shared>> -> memref<128xf32, #tpu.memory_space<vmem_shared>>
      %dma_wait3A_135 = arith.constant 0 : i32
      %dma_wait3A_136 = tpu.memref_slice %arg15[%run_scoped3A_45, %dma_wait3A_135] : memref<128x128xf32, #tpu.memory_space<vmem>> -> memref<1x128xf32, #tpu.memory_space<vmem>>
      %dma_wait3A_137 = tpu.memref_squeeze %dma_wait3A_136 : memref<1x128xf32, #tpu.memory_space<vmem>> -> memref<128xf32, #tpu.memory_space<vmem>>
      tpu.wait_dma2 semaphore(%run_scoped3A_121 : memref<!tpu.dma_semaphore, #tpu.memory_space<semaphore_mem>>) src(%dma_wait3A_137 : memref<128xf32, #tpu.memory_space<vmem>>) dst(%dma_wait3A_134 : memref<128xf32, #tpu.memory_space<vmem_shared>>)
      tpu.yield
    }) : () -> ()
    %broadcast_in_dim3A = arith.constant 1.000000e+00 : f32
    %broadcast_in_dim3A_46 = vector.broadcast %broadcast_in_dim3A : f32 to vector<16xf32>
    %swap3A = arith.constant 0 : index
    %swap3A_47 = tpu.vector_load %arg20[%swap3A] {strides = array<i32>} : memref<128xf32, #tpu.memory_space<vmem>>, vector<16xf32>,
    %swap3A_48 = vector.shape_cast %swap3A_47 : vector<16xf32> to vector<16xf32>
    %swap3A_49 = vector.shape_cast %broadcast_in_dim3A_46 : vector<16xf32> to vector<16xf32>
    tpu.vector_store %arg20[%swap3A], %swap3A_49 {strides = array<i32>} : memref<128xf32, #tpu.memory_space<vmem>>, vector<16xf32>,
    %broadcast_in_dim3A_50 = arith.constant 1.000000e+00 : f32
    %broadcast_in_dim3A_51 = vector.broadcast %broadcast_in_dim3A_50 : f32 to vector<16xf32>
    %swap3A_52 = arith.constant 16 : index
    %swap3A_53 = tpu.vector_load %arg20[%swap3A_52] {strides = array<i32>} : memref<128xf32, #tpu.memory_space<vmem>>, vector<16xf32>,
    %swap3A_54 = vector.shape_cast %swap3A_53 : vector<16xf32> to vector<16xf32>
    %swap3A_55 = vector.shape_cast %broadcast_in_dim3A_51 : vector<16xf32> to vector<16xf32>
    tpu.vector_store %arg20[%swap3A_52], %swap3A_55 {strides = array<i32>} : memref<128xf32, #tpu.memory_space<vmem>>, vector<16xf32>,
    %broadcast_in_dim3A_56 = arith.constant 1.000000e+00 : f32
    %broadcast_in_dim3A_57 = vector.broadcast %broadcast_in_dim3A_56 : f32 to vector<16xf32>
    %swap3A_58 = arith.constant 32 : index
    %swap3A_59 = tpu.vector_load %arg20[%swap3A_58] {strides = array<i32>} : memref<128xf32, #tpu.memory_space<vmem>>, vector<16xf32>,
    %swap3A_60 = vector.shape_cast %swap3A_59 : vector<16xf32> to vector<16xf32>
    %swap3A_61 = vector.shape_cast %broadcast_in_dim3A_57 : vector<16xf32> to vector<16xf32>
    tpu.vector_store %arg20[%swap3A_58], %swap3A_61 {strides = array<i32>} : memref<128xf32, #tpu.memory_space<vmem>>, vector<16xf32>,
    %broadcast_in_dim3A_62 = arith.constant 1.000000e+00 : f32
    %broadcast_in_dim3A_63 = vector.broadcast %broadcast_in_dim3A_62 : f32 to vector<16xf32>
    %swap3A_64 = arith.constant 48 : index
    %swap3A_65 = tpu.vector_load %arg20[%swap3A_64] {strides = array<i32>} : memref<128xf32, #tpu.memory_space<vmem>>, vector<16xf32>,
    %swap3A_66 = vector.shape_cast %swap3A_65 : vector<16xf32> to vector<16xf32>
    %swap3A_67 = vector.shape_cast %broadcast_in_dim3A_63 : vector<16xf32> to vector<16xf32>
    tpu.vector_store %arg20[%swap3A_64], %swap3A_67 {strides = array<i32>} : memref<128xf32, #tpu.memory_space<vmem>>, vector<16xf32>,
    %broadcast_in_dim3A_68 = arith.constant 1.000000e+00 : f32
    %broadcast_in_dim3A_69 = vector.broadcast %broadcast_in_dim3A_68 : f32 to vector<16xf32>
    %swap3A_70 = arith.constant 64 : index
    %swap3A_71 = tpu.vector_load %arg20[%swap3A_70] {strides = array<i32>} : memref<128xf32, #tpu.memory_space<vmem>>, vector<16xf32>,
    %swap3A_72 = vector.shape_cast %swap3A_71 : vector<16xf32> to vector<16xf32>
    %swap3A_73 = vector.shape_cast %broadcast_in_dim3A_69 : vector<16xf32> to vector<16xf32>
    tpu.vector_store %arg20[%swap3A_70], %swap3A_73 {strides = array<i32>} : memref<128xf32, #tpu.memory_space<vmem>>, vector<16xf32>,
    %broadcast_in_dim3A_74 = arith.constant 1.000000e+00 : f32
    %broadcast_in_dim3A_75 = vector.broadcast %broadcast_in_dim3A_74 : f32 to vector<16xf32>
    %swap3A_76 = arith.constant 80 : index
    %swap3A_77 = tpu.vector_load %arg20[%swap3A_76] {strides = array<i32>} : memref<128xf32, #tpu.memory_space<vmem>>, vector<16xf32>,
    %swap3A_78 = vector.shape_cast %swap3A_77 : vector<16xf32> to vector<16xf32>
    %swap3A_79 = vector.shape_cast %broadcast_in_dim3A_75 : vector<16xf32> to vector<16xf32>
    tpu.vector_store %arg20[%swap3A_76], %swap3A_79 {strides = array<i32>} : memref<128xf32, #tpu.memory_space<vmem>>, vector<16xf32>,
    %broadcast_in_dim3A_80 = arith.constant 1.000000e+00 : f32
    %broadcast_in_dim3A_81 = vector.broadcast %broadcast_in_dim3A_80 : f32 to vector<16xf32>
    %swap3A_82 = arith.constant 96 : index
    %swap3A_83 = tpu.vector_load %arg20[%swap3A_82] {strides = array<i32>} : memref<128xf32, #tpu.memory_space<vmem>>, vector<16xf32>,
    %swap3A_84 = vector.shape_cast %swap3A_83 : vector<16xf32> to vector<16xf32>
    %swap3A_85 = vector.shape_cast %broadcast_in_dim3A_81 : vector<16xf32> to vector<16xf32>
    tpu.vector_store %arg20[%swap3A_82], %swap3A_85 {strides = array<i32>} : memref<128xf32, #tpu.memory_space<vmem>>, vector<16xf32>,
    %broadcast_in_dim3A_86 = arith.constant 1.000000e+00 : f32
    %broadcast_in_dim3A_87 = vector.broadcast %broadcast_in_dim3A_86 : f32 to vector<16xf32>
    %swap3A_88 = arith.constant 112 : index
    %swap3A_89 = tpu.vector_load %arg20[%swap3A_88] {strides = array<i32>} : memref<128xf32, #tpu.memory_space<vmem>>, vector<16xf32>,
    %swap3A_90 = vector.shape_cast %swap3A_89 : vector<16xf32> to vector<16xf32>
    %swap3A_91 = vector.shape_cast %broadcast_in_dim3A_87 : vector<16xf32> to vector<16xf32>
    tpu.vector_store %arg20[%swap3A_88], %swap3A_91 {strides = array<i32>} : memref<128xf32, #tpu.memory_space<vmem>>, vector<16xf32>,
    %barrier3A = arith.constant 0 : index
    tpu.barrier barrier_id(%barrier3A)
    %add3A_92 = arith.constant 0 : i32
    %add3A_93 = arith.addi %add3A, %add3A_92 : i32
    %mul3A_94 = arith.constant 128 : i32
    %mul3A_95 = arith.muli %add3A_93, %mul3A_94 : i32
    "tpu.region"() ({
      %run_scoped3A_121 = tpu.sem_alloc : memref<!tpu.dma_semaphore, #tpu.memory_space<semaphore_mem>>
      %dma_start3A_122 = tpu.memref_slice %arg3[%mul3A_95] : memref<8192xi32, #tpu.memory_space<hbm>> -> memref<128xi32, #tpu.memory_space<hbm>>
      %dma_start3A_123 = tpu.memref_slice %arg3[%mul3A_95] : memref<8192xi32, #tpu.memory_space<hbm>> -> memref<128xi32, #tpu.memory_space<hbm>>
      tpu.enqueue_dma source(%dma_start3A_123 : memref<128xi32, #tpu.memory_space<hbm>>) target(%arg11 : memref<128xi32, #tpu.memory_space<vmem>>) target_semaphore(%run_scoped3A_121 : memref<!tpu.dma_semaphore, #tpu.memory_space<semaphore_mem>>)
      %dma_wait3A_124 = tpu.memref_slice %arg3[%mul3A_95] : memref<8192xi32, #tpu.memory_space<hbm>> -> memref<128xi32, #tpu.memory_space<hbm>>
      %dma_wait3A_125 = tpu.memref_slice %arg3[%mul3A_95] : memref<8192xi32, #tpu.memory_space<hbm>> -> memref<128xi32, #tpu.memory_space<hbm>>
      tpu.wait_dma2 semaphore(%run_scoped3A_121 : memref<!tpu.dma_semaphore, #tpu.memory_space<semaphore_mem>>) src(%dma_wait3A_125 : memref<128xi32, #tpu.memory_space<hbm>>) dst(%arg11 : memref<128xi32, #tpu.memory_space<vmem>>)
      tpu.yield
    }) : () -> ()
    "tpu.region"() ({
      %run_scoped3A_121 = tpu.sem_alloc : memref<!tpu.dma_semaphore, #tpu.memory_space<semaphore_mem>>
      %dma_start3A_122 = tpu.memref_slice %arg4[%mul3A_95] : memref<8192xi32, #tpu.memory_space<hbm>> -> memref<128xi32, #tpu.memory_space<hbm>>
      %dma_start3A_123 = tpu.memref_slice %arg4[%mul3A_95] : memref<8192xi32, #tpu.memory_space<hbm>> -> memref<128xi32, #tpu.memory_space<hbm>>
      tpu.enqueue_dma source(%dma_start3A_123 : memref<128xi32, #tpu.memory_space<hbm>>) target(%arg13 : memref<128xi32, #tpu.memory_space<vmem>>) target_semaphore(%run_scoped3A_121 : memref<!tpu.dma_semaphore, #tpu.memory_space<semaphore_mem>>)
      %dma_wait3A_124 = tpu.memref_slice %arg4[%mul3A_95] : memref<8192xi32, #tpu.memory_space<hbm>> -> memref<128xi32, #tpu.memory_space<hbm>>
      %dma_wait3A_125 = tpu.memref_slice %arg4[%mul3A_95] : memref<8192xi32, #tpu.memory_space<hbm>> -> memref<128xi32, #tpu.memory_space<hbm>>
      tpu.wait_dma2 semaphore(%run_scoped3A_121 : memref<!tpu.dma_semaphore, #tpu.memory_space<semaphore_mem>>) src(%dma_wait3A_125 : memref<128xi32, #tpu.memory_space<hbm>>) dst(%arg13 : memref<128xi32, #tpu.memory_space<vmem>>)
      tpu.yield
    }) : () -> ()
    %dma_start3A_96 = arith.constant 0 : i32
    %dma_start3A_97 = arith.constant 0 : i32
    %dma_start3A_98 = tpu.memref_slice %arg2[%dma_start3A_96, %dma_start3A_97] : memref<10240x128xf32, #tpu.memory_space<hbm>> -> memref<10240x128xf32, #tpu.memory_space<hbm>>
    tpu.enqueue_indirect_dma source(%dma_start3A_98 : memref<10240x128xf32, #tpu.memory_space<hbm>>) target(%arg15 : memref<128x128xf32, #tpu.memory_space<vmem>>) offsets(%arg11 : memref<128xi32, #tpu.memory_space<vmem>>) semaphore(%arg18 : memref<!tpu.dma_semaphore, #tpu.memory_space<semaphore_mem>>)
    %add3A_99 = arith.constant 32 : i32
    %add3A_100 = arith.addi %add3A, %add3A_99 : i32
    %mul3A_101 = arith.constant 128 : i32
    %mul3A_102 = arith.muli %add3A_100, %mul3A_101 : i32
    "tpu.region"() ({
      %run_scoped3A_121 = tpu.sem_alloc : memref<!tpu.dma_semaphore, #tpu.memory_space<semaphore_mem>>
      %dma_start3A_122 = tpu.memref_slice %arg3[%mul3A_102] : memref<8192xi32, #tpu.memory_space<hbm>> -> memref<128xi32, #tpu.memory_space<hbm>>
      %dma_start3A_123 = tpu.memref_slice %arg3[%mul3A_102] : memref<8192xi32, #tpu.memory_space<hbm>> -> memref<128xi32, #tpu.memory_space<hbm>>
      tpu.enqueue_dma source(%dma_start3A_123 : memref<128xi32, #tpu.memory_space<hbm>>) target(%arg12 : memref<128xi32, #tpu.memory_space<vmem>>) target_semaphore(%run_scoped3A_121 : memref<!tpu.dma_semaphore, #tpu.memory_space<semaphore_mem>>)
      %dma_wait3A_124 = tpu.memref_slice %arg3[%mul3A_102] : memref<8192xi32, #tpu.memory_space<hbm>> -> memref<128xi32, #tpu.memory_space<hbm>>
      %dma_wait3A_125 = tpu.memref_slice %arg3[%mul3A_102] : memref<8192xi32, #tpu.memory_space<hbm>> -> memref<128xi32, #tpu.memory_space<hbm>>
      tpu.wait_dma2 semaphore(%run_scoped3A_121 : memref<!tpu.dma_semaphore, #tpu.memory_space<semaphore_mem>>) src(%dma_wait3A_125 : memref<128xi32, #tpu.memory_space<hbm>>) dst(%arg12 : memref<128xi32, #tpu.memory_space<vmem>>)
      tpu.yield
    }) : () -> ()
    "tpu.region"() ({
      %run_scoped3A_121 = tpu.sem_alloc : memref<!tpu.dma_semaphore, #tpu.memory_space<semaphore_mem>>
      %dma_start3A_122 = tpu.memref_slice %arg4[%mul3A_102] : memref<8192xi32, #tpu.memory_space<hbm>> -> memref<128xi32, #tpu.memory_space<hbm>>
      %dma_start3A_123 = tpu.memref_slice %arg4[%mul3A_102] : memref<8192xi32, #tpu.memory_space<hbm>> -> memref<128xi32, #tpu.memory_space<hbm>>
      tpu.enqueue_dma source(%dma_start3A_123 : memref<128xi32, #tpu.memory_space<hbm>>) target(%arg14 : memref<128xi32, #tpu.memory_space<vmem>>) target_semaphore(%run_scoped3A_121 : memref<!tpu.dma_semaphore, #tpu.memory_space<semaphore_mem>>)
      %dma_wait3A_124 = tpu.memref_slice %arg4[%mul3A_102] : memref<8192xi32, #tpu.memory_space<hbm>> -> memref<128xi32, #tpu.memory_space<hbm>>
      %dma_wait3A_125 = tpu.memref_slice %arg4[%mul3A_102] : memref<8192xi32, #tpu.memory_space<hbm>> -> memref<128xi32, #tpu.memory_space<hbm>>
      tpu.wait_dma2 semaphore(%run_scoped3A_121 : memref<!tpu.dma_semaphore, #tpu.memory_space<semaphore_mem>>) src(%dma_wait3A_125 : memref<128xi32, #tpu.memory_space<hbm>>) dst(%arg14 : memref<128xi32, #tpu.memory_space<vmem>>)
      tpu.yield
    }) : () -> ()
    %dma_start3A_103 = arith.constant 0 : i32
    %dma_start3A_104 = arith.constant 0 : i32
    %dma_start3A_105 = tpu.memref_slice %arg2[%dma_start3A_103, %dma_start3A_104] : memref<10240x128xf32, #tpu.memory_space<hbm>> -> memref<10240x128xf32, #tpu.memory_space<hbm>>
    tpu.enqueue_indirect_dma source(%dma_start3A_105 : memref<10240x128xf32, #tpu.memory_space<hbm>>) target(%arg16 : memref<128x128xf32, #tpu.memory_space<vmem>>) offsets(%arg12 : memref<128xi32, #tpu.memory_space<vmem>>) semaphore(%arg19 : memref<!tpu.dma_semaphore, #tpu.memory_space<semaphore_mem>>)
    %scan3A_106 = arith.constant 0 : i32
    %scan3A_107 = arith.constant 0 : i32
    %scan3A_108 = arith.constant 0 : i32
    %scan3A_109 = arith.addi %scan3A_107, %scan3A_108 : i32
    %scan3A_110 = arith.constant 0 : i32
    %dma_wait3A_111 = arith.constant 0 : i32
    %dma_wait3A_112 = arith.constant 0 : i32
    %dma_wait3A_113 = tpu.memref_slice %arg2[%dma_wait3A_111, %dma_wait3A_112] : memref<10240x128xf32, #tpu.memory_space<hbm>> -> memref<10240x128xf32, #tpu.memory_space<hbm>>
    tpu.wait_indirect_dma semaphore(%arg18 : memref<!tpu.dma_semaphore, #tpu.memory_space<semaphore_mem>>) src(%dma_wait3A_113 : memref<10240x128xf32, #tpu.memory_space<hbm>>) dst(%arg15 : memref<128x128xf32, #tpu.memory_space<vmem>>)
    "tpu.region"() ({
      %run_scoped3A_121 = tpu.sem_alloc : memref<!tpu.dma_semaphore, #tpu.memory_space<semaphore_mem>>
      %dma_start3A_122 = arith.constant 0 : i32
      %dma_start3A_123 = arith.constant 0 : i32
      %dma_start3A_124 = tpu.memref_slice %arg17[%dma_start3A_122, %dma_start3A_123] : memref<10240x128xf32, #tpu.memory_space<vmem_shared>> -> memref<10240x128xf32, #tpu.memory_space<vmem_shared>>
      tpu.enqueue_indirect_dma source(%arg15 : memref<128x128xf32, #tpu.memory_space<vmem>>) target(%dma_start3A_124 : memref<10240x128xf32, #tpu.memory_space<vmem_shared>>) offsets(%arg13 : memref<128xi32, #tpu.memory_space<vmem>>) semaphore(%run_scoped3A_121 : memref<!tpu.dma_semaphore, #tpu.memory_space<semaphore_mem>>) {add = true}
      %dma_wait3A_125 = arith.constant 0 : i32
      %dma_wait3A_126 = arith.constant 0 : i32
      %dma_wait3A_127 = tpu.memref_slice %arg17[%dma_wait3A_125, %dma_wait3A_126] : memref<10240x128xf32, #tpu.memory_space<vmem_shared>> -> memref<10240x128xf32, #tpu.memory_space<vmem_shared>>
      tpu.wait_indirect_dma semaphore(%run_scoped3A_121 : memref<!tpu.dma_semaphore, #tpu.memory_space<semaphore_mem>>) src(%arg15 : memref<128x128xf32, #tpu.memory_space<vmem>>) dst(%dma_wait3A_127 : memref<10240x128xf32, #tpu.memory_space<vmem_shared>>)
      tpu.yield
    }) : () -> ()
    "tpu.region"() ({
      %run_scoped3A_121 = tpu.sem_alloc : memref<!tpu.dma_semaphore, #tpu.memory_space<semaphore_mem>>
      %dma_start3A_122 = arith.constant 0 : i32
      %dma_start3A_123 = tpu.memref_slice %arg21[%dma_start3A_122] : memref<10240xf32, #tpu.memory_space<vmem_shared>> -> memref<10240xf32, #tpu.memory_space<vmem_shared>>
      tpu.enqueue_indirect_dma source(%arg20 : memref<128xf32, #tpu.memory_space<vmem>>) target(%dma_start3A_123 : memref<10240xf32, #tpu.memory_space<vmem_shared>>) offsets(%arg13 : memref<128xi32, #tpu.memory_space<vmem>>) semaphore(%run_scoped3A_121 : memref<!tpu.dma_semaphore, #tpu.memory_space<semaphore_mem>>) {add = true}
      %dma_wait3A_124 = arith.constant 0 : i32
      %dma_wait3A_125 = tpu.memref_slice %arg21[%dma_wait3A_124] : memref<10240xf32, #tpu.memory_space<vmem_shared>> -> memref<10240xf32, #tpu.memory_space<vmem_shared>>
      tpu.wait_indirect_dma semaphore(%run_scoped3A_121 : memref<!tpu.dma_semaphore, #tpu.memory_space<semaphore_mem>>) src(%arg20 : memref<128xf32, #tpu.memory_space<vmem>>) dst(%dma_wait3A_125 : memref<10240xf32, #tpu.memory_space<vmem_shared>>)
      tpu.yield
    }) : () -> ()
    %dma_wait3A_114 = arith.constant 0 : i32
    %dma_wait3A_115 = arith.constant 0 : i32
    %dma_wait3A_116 = tpu.memref_slice %arg2[%dma_wait3A_114, %dma_wait3A_115] : memref<10240x128xf32, #tpu.memory_space<hbm>> -> memref<10240x128xf32, #tpu.memory_space<hbm>>
    tpu.wait_indirect_dma semaphore(%arg19 : memref<!tpu.dma_semaphore, #tpu.memory_space<semaphore_mem>>) src(%dma_wait3A_116 : memref<10240x128xf32, #tpu.memory_space<hbm>>) dst(%arg16 : memref<128x128xf32, #tpu.memory_space<vmem>>)
    "tpu.region"() ({
      %run_scoped3A_121 = tpu.sem_alloc : memref<!tpu.dma_semaphore, #tpu.memory_space<semaphore_mem>>
      %dma_start3A_122 = arith.constant 0 : i32
      %dma_start3A_123 = arith.constant 0 : i32
      %dma_start3A_124 = tpu.memref_slice %arg17[%dma_start3A_122, %dma_start3A_123] : memref<10240x128xf32, #tpu.memory_space<vmem_shared>> -> memref<10240x128xf32, #tpu.memory_space<vmem_shared>>
      tpu.enqueue_indirect_dma source(%arg16 : memref<128x128xf32, #tpu.memory_space<vmem>>) target(%dma_start3A_124 : memref<10240x128xf32, #tpu.memory_space<vmem_shared>>) offsets(%arg14 : memref<128xi32, #tpu.memory_space<vmem>>) semaphore(%run_scoped3A_121 : memref<!tpu.dma_semaphore, #tpu.memory_space<semaphore_mem>>) {add = true}
      %dma_wait3A_125 = arith.constant 0 : i32
      %dma_wait3A_126 = arith.constant 0 : i32
      %dma_wait3A_127 = tpu.memref_slice %arg17[%dma_wait3A_125, %dma_wait3A_126] : memref<10240x128xf32, #tpu.memory_space<vmem_shared>> -> memref<10240x128xf32, #tpu.memory_space<vmem_shared>>
      tpu.wait_indirect_dma semaphore(%run_scoped3A_121 : memref<!tpu.dma_semaphore, #tpu.memory_space<semaphore_mem>>) src(%arg16 : memref<128x128xf32, #tpu.memory_space<vmem>>) dst(%dma_wait3A_127 : memref<10240x128xf32, #tpu.memory_space<vmem_shared>>)
      tpu.yield
    }) : () -> ()
    "tpu.region"() ({
      %run_scoped3A_121 = tpu.sem_alloc : memref<!tpu.dma_semaphore, #tpu.memory_space<semaphore_mem>>
      %dma_start3A_122 = arith.constant 0 : i32
      %dma_start3A_123 = tpu.memref_slice %arg21[%dma_start3A_122] : memref<10240xf32, #tpu.memory_space<vmem_shared>> -> memref<10240xf32, #tpu.memory_space<vmem_shared>>
      tpu.enqueue_indirect_dma source(%arg20 : memref<128xf32, #tpu.memory_space<vmem>>) target(%dma_start3A_123 : memref<10240xf32, #tpu.memory_space<vmem_shared>>) offsets(%arg14 : memref<128xi32, #tpu.memory_space<vmem>>) semaphore(%run_scoped3A_121 : memref<!tpu.dma_semaphore, #tpu.memory_space<semaphore_mem>>) {add = true}
      %dma_wait3A_124 = arith.constant 0 : i32
      %dma_wait3A_125 = tpu.memref_slice %arg21[%dma_wait3A_124] : memref<10240xf32, #tpu.memory_space<vmem_shared>> -> memref<10240xf32, #tpu.memory_space<vmem_shared>>
      tpu.wait_indirect_dma semaphore(%run_scoped3A_121 : memref<!tpu.dma_semaphore, #tpu.memory_space<semaphore_mem>>) src(%arg20 : memref<128xf32, #tpu.memory_space<vmem>>) dst(%dma_wait3A_125 : memref<10240xf32, #tpu.memory_space<vmem_shared>>)
      tpu.yield
    }) : () -> ()
    %barrier3A_117 = arith.constant 0 : index
    tpu.barrier barrier_id(%barrier3A_117)
    %mul3A_118 = arith.constant 10240 : i32
    %mul3A_119 = arith.muli %arg0, %mul3A_118 : i32
    %add3A_120 = arith.addi %mul3A_119, %mul3A_21 : i32
    "tpu.region"() ({
      %run_scoped3A_121 = tpu.sem_alloc : memref<!tpu.dma_semaphore, #tpu.memory_space<semaphore_mem>>
      %dma_start3A_122 = arith.constant 0 : i32
      %dma_start3A_123 = tpu.memref_slice %arg7[%add3A_120, %dma_start3A_122] : memref<20480x128xf32, #tpu.memory_space<hbm>> -> memref<640x128xf32, #tpu.memory_space<hbm>>
      %dma_start3A_124 = arith.constant 0 : i32
      %dma_start3A_125 = tpu.memref_slice %arg17[%mul3A_21, %dma_start3A_124] : memref<10240x128xf32, #tpu.memory_space<vmem_shared>> -> memref<640x128xf32, #tpu.memory_space<vmem_shared>>
      tpu.enqueue_dma source(%dma_start3A_125 : memref<640x128xf32, #tpu.memory_space<vmem_shared>>) target(%dma_start3A_123 : memref<640x128xf32, #tpu.memory_space<hbm>>) target_semaphore(%run_scoped3A_121 : memref<!tpu.dma_semaphore, #tpu.memory_space<semaphore_mem>>)
      %dma_wait3A_126 = arith.constant 0 : i32
      %dma_wait3A_127 = tpu.memref_slice %arg7[%add3A_120, %dma_wait3A_126] : memref<20480x128xf32, #tpu.memory_space<hbm>> -> memref<640x128xf32, #tpu.memory_space<hbm>>
      %dma_wait3A_128 = arith.constant 0 : i32
      %dma_wait3A_129 = tpu.memref_slice %arg17[%mul3A_21, %dma_wait3A_128] : memref<10240x128xf32, #tpu.memory_space<vmem_shared>> -> memref<640x128xf32, #tpu.memory_space<vmem_shared>>
      tpu.wait_dma2 semaphore(%run_scoped3A_121 : memref<!tpu.dma_semaphore, #tpu.memory_space<semaphore_mem>>) src(%dma_wait3A_129 : memref<640x128xf32, #tpu.memory_space<vmem_shared>>) dst(%dma_wait3A_127 : memref<640x128xf32, #tpu.memory_space<hbm>>)
      tpu.yield
    }) : () -> ()
    "tpu.region"() ({
      %run_scoped3A_121 = tpu.sem_alloc : memref<!tpu.dma_semaphore, #tpu.memory_space<semaphore_mem>>
      %dma_start3A_122 = tpu.memref_slice %arg8[%add3A_120] : memref<20480xf32, #tpu.memory_space<hbm>> -> memref<640xf32, #tpu.memory_space<hbm>>
      %dma_start3A_123 = tpu.memref_slice %arg21[%mul3A_21] : memref<10240xf32, #tpu.memory_space<vmem_shared>> -> memref<640xf32, #tpu.memory_space<vmem_shared>>
      tpu.enqueue_dma source(%dma_start3A_123 : memref<640xf32, #tpu.memory_space<vmem_shared>>) target(%dma_start3A_122 : memref<640xf32, #tpu.memory_space<hbm>>) target_semaphore(%run_scoped3A_121 : memref<!tpu.dma_semaphore, #tpu.memory_space<semaphore_mem>>)
      %dma_wait3A_124 = tpu.memref_slice %arg8[%add3A_120] : memref<20480xf32, #tpu.memory_space<hbm>> -> memref<640xf32, #tpu.memory_space<hbm>>
      %dma_wait3A_125 = tpu.memref_slice %arg21[%mul3A_21] : memref<10240xf32, #tpu.memory_space<vmem_shared>> -> memref<640xf32, #tpu.memory_space<vmem_shared>>
      tpu.wait_dma2 semaphore(%run_scoped3A_121 : memref<!tpu.dma_semaphore, #tpu.memory_space<semaphore_mem>>) src(%dma_wait3A_125 : memref<640xf32, #tpu.memory_space<vmem_shared>>) dst(%dma_wait3A_124 : memref<640xf32, #tpu.memory_space<hbm>>)
      tpu.yield
    }) : () -> ()
    return
  }
}

#map = affine_map<(d0, d1) -> (0, 0)>
#map1 = affine_map<(d0, d1) -> (0)>
module attributes {stable_mosaic.version = 14 : i64} {
  func.func @k(%arg0: i32, %arg1: i32, %arg2: memref<1024x128xf32, #tpu.memory_space<hbm>>, %arg3: memref<1024x128xf32, #tpu.memory_space<hbm>>, %arg4: memref<8192xi32, #tpu.memory_space<hbm>>, %arg5: memref<8192xi32, #tpu.memory_space<hbm>>, %arg6: memref<10240x128xf32, #tpu.memory_space<hbm>>, %arg7: memref<10240x128xf32, #tpu.memory_space<hbm>>, %arg8: memref<1024xi32, #tpu.memory_space<hbm>>, %arg9: memref<20480x128xf32, #tpu.memory_space<hbm>>, %arg10: memref<20480x128xf32, #tpu.memory_space<hbm>>, %arg11: memref<1024x128xf32, #tpu.memory_space<hbm>>, %arg12: memref<1024x128xf32, #tpu.memory_space<hbm>>, %arg13: memref<128xi32, #tpu.memory_space<vmem>>, %arg14: memref<128xi32, #tpu.memory_space<vmem>>, %arg15: memref<128xi32, #tpu.memory_space<vmem>>, %arg16: memref<128xi32, #tpu.memory_space<vmem>>, %arg17: memref<128x128xf32, #tpu.memory_space<vmem>>, %arg18: memref<128x128xf32, #tpu.memory_space<vmem>>, %arg19: memref<10240x128xf32, #tpu.memory_space<vmem_shared>>, %arg20: memref<!tpu.dma_semaphore, #tpu.memory_space<semaphore_mem>>, %arg21: memref<!tpu.dma_semaphore, #tpu.memory_space<semaphore_mem>>, %arg22: memref<32xi32, #tpu.memory_space<vmem>>, %arg23: memref<32x128xf32, #tpu.memory_space<vmem>>, %arg24: memref<!tpu.dma_semaphore, #tpu.memory_space<semaphore_mem>>) attributes {dimension_semantics = [#tpu.dimension_semantics<core_parallel>, #tpu.dimension_semantics<subcore_parallel>], iteration_bounds = array<i64: 2, 16>, scalar_prefetch = 0 : i64, scratch_operands = 12 : i64, tpu.core_type = #tpu.core_type<sc_vector_subcore>, window_params = [{transform_indices = #map}, {transform_indices = #map}, {transform_indices = #map1}, {transform_indices = #map1}, {transform_indices = #map}, {transform_indices = #map}, {transform_indices = #map1}, {transform_indices = #map}, {transform_indices = #map}, {transform_indices = #map}, {transform_indices = #map}]} {
    %mul3A = arith.constant 2 : i32
    %mul3A_0 = arith.muli %arg1, %mul3A : i32
    %add3A = arith.addi %mul3A_0, %arg0 : i32
    %mul3A_1 = arith.constant 32 : i32
    %mul3A_2 = arith.muli %add3A, %mul3A_1 : i32
    "tpu.region"() ({
      %run_scoped3A = tpu.sem_alloc : memref<!tpu.dma_semaphore, #tpu.memory_space<semaphore_mem>>
      %dma_start3A_104 = tpu.memref_slice %arg8[%mul3A_2] : memref<1024xi32, #tpu.memory_space<hbm>> -> memref<32xi32, #tpu.memory_space<hbm>>
      %dma_start3A_105 = tpu.memref_slice %arg8[%mul3A_2] : memref<1024xi32, #tpu.memory_space<hbm>> -> memref<32xi32, #tpu.memory_space<hbm>>
      tpu.enqueue_dma source(%dma_start3A_105 : memref<32xi32, #tpu.memory_space<hbm>>) target(%arg22 : memref<32xi32, #tpu.memory_space<vmem>>) target_semaphore(%run_scoped3A : memref<!tpu.dma_semaphore, #tpu.memory_space<semaphore_mem>>)
      %dma_wait3A_106 = tpu.memref_slice %arg8[%mul3A_2] : memref<1024xi32, #tpu.memory_space<hbm>> -> memref<32xi32, #tpu.memory_space<hbm>>
      %dma_wait3A_107 = tpu.memref_slice %arg8[%mul3A_2] : memref<1024xi32, #tpu.memory_space<hbm>> -> memref<32xi32, #tpu.memory_space<hbm>>
      tpu.wait_dma2 semaphore(%run_scoped3A : memref<!tpu.dma_semaphore, #tpu.memory_space<semaphore_mem>>) src(%dma_wait3A_107 : memref<32xi32, #tpu.memory_space<hbm>>) dst(%arg22 : memref<32xi32, #tpu.memory_space<vmem>>)
      tpu.yield
    }) : () -> ()
    %dma_start3A = arith.constant 0 : i32
    %dma_start3A_3 = arith.constant 0 : i32
    %dma_start3A_4 = tpu.memref_slice %arg6[%dma_start3A, %dma_start3A_3] : memref<10240x128xf32, #tpu.memory_space<hbm>> -> memref<10240x128xf32, #tpu.memory_space<hbm>>
    tpu.enqueue_indirect_dma source(%dma_start3A_4 : memref<10240x128xf32, #tpu.memory_space<hbm>>) target(%arg23 : memref<32x128xf32, #tpu.memory_space<vmem>>) offsets(%arg22 : memref<32xi32, #tpu.memory_space<vmem>>) semaphore(%arg24 : memref<!tpu.dma_semaphore, #tpu.memory_space<semaphore_mem>>)
    %dma_wait3A = arith.constant 0 : i32
    %dma_wait3A_5 = arith.constant 0 : i32
    %dma_wait3A_6 = tpu.memref_slice %arg6[%dma_wait3A, %dma_wait3A_5] : memref<10240x128xf32, #tpu.memory_space<hbm>> -> memref<10240x128xf32, #tpu.memory_space<hbm>>
    tpu.wait_indirect_dma semaphore(%arg24 : memref<!tpu.dma_semaphore, #tpu.memory_space<semaphore_mem>>) src(%dma_wait3A_6 : memref<10240x128xf32, #tpu.memory_space<hbm>>) dst(%arg23 : memref<32x128xf32, #tpu.memory_space<vmem>>)
    "tpu.region"() ({
      %run_scoped3A = tpu.sem_alloc : memref<!tpu.dma_semaphore, #tpu.memory_space<semaphore_mem>>
      %dma_start3A_104 = arith.constant 0 : i32
      %dma_start3A_105 = tpu.memref_slice %arg11[%mul3A_2, %dma_start3A_104] : memref<1024x128xf32, #tpu.memory_space<hbm>> -> memref<32x128xf32, #tpu.memory_space<hbm>>
      %dma_start3A_106 = arith.constant 0 : i32
      %dma_start3A_107 = tpu.memref_slice %arg11[%mul3A_2, %dma_start3A_106] : memref<1024x128xf32, #tpu.memory_space<hbm>> -> memref<32x128xf32, #tpu.memory_space<hbm>>
      tpu.enqueue_dma source(%arg23 : memref<32x128xf32, #tpu.memory_space<vmem>>) target(%dma_start3A_107 : memref<32x128xf32, #tpu.memory_space<hbm>>) target_semaphore(%run_scoped3A : memref<!tpu.dma_semaphore, #tpu.memory_space<semaphore_mem>>)
      %dma_wait3A_108 = arith.constant 0 : i32
      %dma_wait3A_109 = tpu.memref_slice %arg11[%mul3A_2, %dma_wait3A_108] : memref<1024x128xf32, #tpu.memory_space<hbm>> -> memref<32x128xf32, #tpu.memory_space<hbm>>
      %dma_wait3A_110 = arith.constant 0 : i32
      %dma_wait3A_111 = tpu.memref_slice %arg11[%mul3A_2, %dma_wait3A_110] : memref<1024x128xf32, #tpu.memory_space<hbm>> -> memref<32x128xf32, #tpu.memory_space<hbm>>
      tpu.wait_dma2 semaphore(%run_scoped3A : memref<!tpu.dma_semaphore, #tpu.memory_space<semaphore_mem>>) src(%arg23 : memref<32x128xf32, #tpu.memory_space<vmem>>) dst(%dma_wait3A_111 : memref<32x128xf32, #tpu.memory_space<hbm>>)
      tpu.yield
    }) : () -> ()
    %mul3A_7 = arith.constant 32 : i32
    %mul3A_8 = arith.muli %add3A, %mul3A_7 : i32
    "tpu.region"() ({
      %run_scoped3A = tpu.sem_alloc : memref<!tpu.dma_semaphore, #tpu.memory_space<semaphore_mem>>
      %dma_start3A_104 = tpu.memref_slice %arg8[%mul3A_8] : memref<1024xi32, #tpu.memory_space<hbm>> -> memref<32xi32, #tpu.memory_space<hbm>>
      %dma_start3A_105 = tpu.memref_slice %arg8[%mul3A_8] : memref<1024xi32, #tpu.memory_space<hbm>> -> memref<32xi32, #tpu.memory_space<hbm>>
      tpu.enqueue_dma source(%dma_start3A_105 : memref<32xi32, #tpu.memory_space<hbm>>) target(%arg22 : memref<32xi32, #tpu.memory_space<vmem>>) target_semaphore(%run_scoped3A : memref<!tpu.dma_semaphore, #tpu.memory_space<semaphore_mem>>)
      %dma_wait3A_106 = tpu.memref_slice %arg8[%mul3A_8] : memref<1024xi32, #tpu.memory_space<hbm>> -> memref<32xi32, #tpu.memory_space<hbm>>
      %dma_wait3A_107 = tpu.memref_slice %arg8[%mul3A_8] : memref<1024xi32, #tpu.memory_space<hbm>> -> memref<32xi32, #tpu.memory_space<hbm>>
      tpu.wait_dma2 semaphore(%run_scoped3A : memref<!tpu.dma_semaphore, #tpu.memory_space<semaphore_mem>>) src(%dma_wait3A_107 : memref<32xi32, #tpu.memory_space<hbm>>) dst(%arg22 : memref<32xi32, #tpu.memory_space<vmem>>)
      tpu.yield
    }) : () -> ()
    %dma_start3A_9 = arith.constant 0 : i32
    %dma_start3A_10 = arith.constant 0 : i32
    %dma_start3A_11 = tpu.memref_slice %arg7[%dma_start3A_9, %dma_start3A_10] : memref<10240x128xf32, #tpu.memory_space<hbm>> -> memref<10240x128xf32, #tpu.memory_space<hbm>>
    tpu.enqueue_indirect_dma source(%dma_start3A_11 : memref<10240x128xf32, #tpu.memory_space<hbm>>) target(%arg23 : memref<32x128xf32, #tpu.memory_space<vmem>>) offsets(%arg22 : memref<32xi32, #tpu.memory_space<vmem>>) semaphore(%arg24 : memref<!tpu.dma_semaphore, #tpu.memory_space<semaphore_mem>>)
    %dma_wait3A_12 = arith.constant 0 : i32
    %dma_wait3A_13 = arith.constant 0 : i32
    %dma_wait3A_14 = tpu.memref_slice %arg7[%dma_wait3A_12, %dma_wait3A_13] : memref<10240x128xf32, #tpu.memory_space<hbm>> -> memref<10240x128xf32, #tpu.memory_space<hbm>>
    tpu.wait_indirect_dma semaphore(%arg24 : memref<!tpu.dma_semaphore, #tpu.memory_space<semaphore_mem>>) src(%dma_wait3A_14 : memref<10240x128xf32, #tpu.memory_space<hbm>>) dst(%arg23 : memref<32x128xf32, #tpu.memory_space<vmem>>)
    "tpu.region"() ({
      %run_scoped3A = tpu.sem_alloc : memref<!tpu.dma_semaphore, #tpu.memory_space<semaphore_mem>>
      %dma_start3A_104 = arith.constant 0 : i32
      %dma_start3A_105 = tpu.memref_slice %arg12[%mul3A_8, %dma_start3A_104] : memref<1024x128xf32, #tpu.memory_space<hbm>> -> memref<32x128xf32, #tpu.memory_space<hbm>>
      %dma_start3A_106 = arith.constant 0 : i32
      %dma_start3A_107 = tpu.memref_slice %arg12[%mul3A_8, %dma_start3A_106] : memref<1024x128xf32, #tpu.memory_space<hbm>> -> memref<32x128xf32, #tpu.memory_space<hbm>>
      tpu.enqueue_dma source(%arg23 : memref<32x128xf32, #tpu.memory_space<vmem>>) target(%dma_start3A_107 : memref<32x128xf32, #tpu.memory_space<hbm>>) target_semaphore(%run_scoped3A : memref<!tpu.dma_semaphore, #tpu.memory_space<semaphore_mem>>)
      %dma_wait3A_108 = arith.constant 0 : i32
      %dma_wait3A_109 = tpu.memref_slice %arg12[%mul3A_8, %dma_wait3A_108] : memref<1024x128xf32, #tpu.memory_space<hbm>> -> memref<32x128xf32, #tpu.memory_space<hbm>>
      %dma_wait3A_110 = arith.constant 0 : i32
      %dma_wait3A_111 = tpu.memref_slice %arg12[%mul3A_8, %dma_wait3A_110] : memref<1024x128xf32, #tpu.memory_space<hbm>> -> memref<32x128xf32, #tpu.memory_space<hbm>>
      tpu.wait_dma2 semaphore(%run_scoped3A : memref<!tpu.dma_semaphore, #tpu.memory_space<semaphore_mem>>) src(%arg23 : memref<32x128xf32, #tpu.memory_space<vmem>>) dst(%dma_wait3A_111 : memref<32x128xf32, #tpu.memory_space<hbm>>)
      tpu.yield
    }) : () -> ()
    %mul3A_15 = arith.constant 640 : i32
    %mul3A_16 = arith.muli %arg1, %mul3A_15 : i32
    %mul3A_17 = arith.constant 10240 : i32
    %mul3A_18 = arith.muli %arg0, %mul3A_17 : i32
    %add3A_19 = arith.addi %mul3A_18, %mul3A_16 : i32
    %scan3A = arith.constant 0 : i32
    %scan3A_20 = arith.constant 0 : i32
    %scan3A_21 = arith.constant 1024 : i32
    %scan3A_22 = arith.addi %scan3A_20, %scan3A_21 : i32
    %scan3A_23 = arith.constant 1 : i32
    scf.for %scan3A_104 = %scan3A_20 to %scan3A_22 step %scan3A_23  : i32 {
      %broadcast_in_dim3A = arith.constant 0.000000e+00 : f32
      %broadcast_in_dim3A_105 = vector.broadcast %broadcast_in_dim3A : f32 to vector<16xf32>
      %jit3A = arith.constant 8 : i32
      %div3A = arith.divsi %scan3A_104, %jit3A : i32
      %sign3A = arith.constant 0 : i32
      %sign3A_106 = arith.cmpi sgt, %scan3A_104, %sign3A : i32
      %sign3A_107 = arith.extui %sign3A_106 : i1 to i32
      %sign3A_108 = arith.constant 0 : i32
      %sign3A_109 = arith.cmpi slt, %scan3A_104, %sign3A_108 : i32
      %sign3A_110 = arith.extui %sign3A_109 : i1 to i32
      %sign3A_111 = arith.subi %sign3A_107, %sign3A_110 : i32
      %sign3A_112 = arith.constant 0 : i32
      %sign3A_113 = arith.cmpi sgt, %jit3A, %sign3A_112 : i32
      %sign3A_114 = arith.extui %sign3A_113 : i1 to i32
      %sign3A_115 = arith.constant 0 : i32
      %sign3A_116 = arith.cmpi slt, %jit3A, %sign3A_115 : i32
      %sign3A_117 = arith.extui %sign3A_116 : i1 to i32
      %sign3A_118 = arith.subi %sign3A_114, %sign3A_117 : i32
      %ne3A = arith.cmpi ne, %sign3A_111, %sign3A_118 : i32
      %rem3A = arith.remsi %scan3A_104, %jit3A : i32
      %ne3A_119 = arith.constant 0 : i32
      %ne3A_120 = arith.cmpi ne, %rem3A, %ne3A_119 : i32
      %and3A = arith.andi %ne3A, %ne3A_120 : i1
      %sub3A = arith.constant 1 : i32
      %sub3A_121 = arith.subi %div3A, %sub3A : i32
      %select_n3A = arith.select %and3A, %sub3A_121, %div3A : i32
      %jit3A_122 = arith.constant 8 : i32
      %eq3A = arith.constant 0 : i32
      %eq3A_123 = arith.cmpi eq, %jit3A_122, %eq3A : i32
      %jit3A_124 = arith.constant 1 : i32
      %select_n3A_125 = arith.select %eq3A_123, %jit3A_124, %jit3A_122 : i32
      %rem3A_126 = arith.remsi %scan3A_104, %select_n3A_125 : i32
      %ne3A_127 = arith.constant 0 : i32
      %ne3A_128 = arith.cmpi ne, %rem3A_126, %ne3A_127 : i32
      %lt3A = arith.constant 0 : i32
      %lt3A_129 = arith.cmpi slt, %rem3A_126, %lt3A : i32
      %lt3A_130 = arith.constant 0 : i32
      %lt3A_131 = arith.cmpi slt, %select_n3A_125, %lt3A_130 : i32
      %ne3A_132 = arith.xori %lt3A_129, %lt3A_131 : i1
      %and3A_133 = arith.andi %ne3A_132, %ne3A_128 : i1
      %add3A_134 = arith.addi %rem3A_126, %select_n3A_125 : i32
      %select_n3A_135 = arith.select %and3A_133, %add3A_134, %rem3A_126 : i32
      %mul3A_136 = arith.constant 16 : i32
      %mul3A_137 = arith.muli %select_n3A_135, %mul3A_136 : i32
      %swap3A = arith.index_cast %select_n3A : i32 to index
      %swap3A_138 = arith.index_cast %mul3A_137 : i32 to index
      %swap3A_139 = tpu.vector_load %arg17[%swap3A, %swap3A_138] {strides = array<i32>} : memref<128x128xf32, #tpu.memory_space<vmem>>, vector<1x16xf32>,
      %swap3A_140 = vector.shape_cast %swap3A_139 : vector<1x16xf32> to vector<16xf32>
      %swap3A_141 = vector.shape_cast %broadcast_in_dim3A_105 : vector<16xf32> to vector<1x16xf32>
      tpu.vector_store %arg17[%swap3A, %swap3A_138], %swap3A_141 {strides = array<i32>} : memref<128x128xf32, #tpu.memory_space<vmem>>, vector<1x16xf32>,
    }
    %scan3A_24 = arith.constant 1024 : i32
    %add3A_25 = arith.constant 0 : i32
    %add3A_26 = arith.addi %mul3A_16, %add3A_25 : i32
    "tpu.region"() ({
      %run_scoped3A = tpu.sem_alloc : memref<!tpu.dma_semaphore, #tpu.memory_space<semaphore_mem>>
      %dma_start3A_104 = arith.constant 0 : i32
      %dma_start3A_105 = tpu.memref_slice %arg19[%add3A_26, %dma_start3A_104] : memref<10240x128xf32, #tpu.memory_space<vmem_shared>> -> memref<128x128xf32, #tpu.memory_space<vmem_shared>>
      %dma_start3A_106 = arith.constant 0 : i32
      %dma_start3A_107 = tpu.memref_slice %arg19[%add3A_26, %dma_start3A_106] : memref<10240x128xf32, #tpu.memory_space<vmem_shared>> -> memref<128x128xf32, #tpu.memory_space<vmem_shared>>
      tpu.enqueue_dma source(%arg17 : memref<128x128xf32, #tpu.memory_space<vmem>>) target(%dma_start3A_107 : memref<128x128xf32, #tpu.memory_space<vmem_shared>>) target_semaphore(%run_scoped3A : memref<!tpu.dma_semaphore, #tpu.memory_space<semaphore_mem>>)
      %dma_wait3A_108 = arith.constant 0 : i32
      %dma_wait3A_109 = tpu.memref_slice %arg19[%add3A_26, %dma_wait3A_108] : memref<10240x128xf32, #tpu.memory_space<vmem_shared>> -> memref<128x128xf32, #tpu.memory_space<vmem_shared>>
      %dma_wait3A_110 = arith.constant 0 : i32
      %dma_wait3A_111 = tpu.memref_slice %arg19[%add3A_26, %dma_wait3A_110] : memref<10240x128xf32, #tpu.memory_space<vmem_shared>> -> memref<128x128xf32, #tpu.memory_space<vmem_shared>>
      tpu.wait_dma2 semaphore(%run_scoped3A : memref<!tpu.dma_semaphore, #tpu.memory_space<semaphore_mem>>) src(%arg17 : memref<128x128xf32, #tpu.memory_space<vmem>>) dst(%dma_wait3A_111 : memref<128x128xf32, #tpu.memory_space<vmem_shared>>)
      tpu.yield
    }) : () -> ()
    %add3A_27 = arith.constant 128 : i32
    %add3A_28 = arith.addi %mul3A_16, %add3A_27 : i32
    "tpu.region"() ({
      %run_scoped3A = tpu.sem_alloc : memref<!tpu.dma_semaphore, #tpu.memory_space<semaphore_mem>>
      %dma_start3A_104 = arith.constant 0 : i32
      %dma_start3A_105 = tpu.memref_slice %arg19[%add3A_28, %dma_start3A_104] : memref<10240x128xf32, #tpu.memory_space<vmem_shared>> -> memref<128x128xf32, #tpu.memory_space<vmem_shared>>
      %dma_start3A_106 = arith.constant 0 : i32
      %dma_start3A_107 = tpu.memref_slice %arg19[%add3A_28, %dma_start3A_106] : memref<10240x128xf32, #tpu.memory_space<vmem_shared>> -> memref<128x128xf32, #tpu.memory_space<vmem_shared>>
      tpu.enqueue_dma source(%arg17 : memref<128x128xf32, #tpu.memory_space<vmem>>) target(%dma_start3A_107 : memref<128x128xf32, #tpu.memory_space<vmem_shared>>) target_semaphore(%run_scoped3A : memref<!tpu.dma_semaphore, #tpu.memory_space<semaphore_mem>>)
      %dma_wait3A_108 = arith.constant 0 : i32
      %dma_wait3A_109 = tpu.memref_slice %arg19[%add3A_28, %dma_wait3A_108] : memref<10240x128xf32, #tpu.memory_space<vmem_shared>> -> memref<128x128xf32, #tpu.memory_space<vmem_shared>>
      %dma_wait3A_110 = arith.constant 0 : i32
      %dma_wait3A_111 = tpu.memref_slice %arg19[%add3A_28, %dma_wait3A_110] : memref<10240x128xf32, #tpu.memory_space<vmem_shared>> -> memref<128x128xf32, #tpu.memory_space<vmem_shared>>
      tpu.wait_dma2 semaphore(%run_scoped3A : memref<!tpu.dma_semaphore, #tpu.memory_space<semaphore_mem>>) src(%arg17 : memref<128x128xf32, #tpu.memory_space<vmem>>) dst(%dma_wait3A_111 : memref<128x128xf32, #tpu.memory_space<vmem_shared>>)
      tpu.yield
    }) : () -> ()
    %add3A_29 = arith.constant 256 : i32
    %add3A_30 = arith.addi %mul3A_16, %add3A_29 : i32
    "tpu.region"() ({
      %run_scoped3A = tpu.sem_alloc : memref<!tpu.dma_semaphore, #tpu.memory_space<semaphore_mem>>
      %dma_start3A_104 = arith.constant 0 : i32
      %dma_start3A_105 = tpu.memref_slice %arg19[%add3A_30, %dma_start3A_104] : memref<10240x128xf32, #tpu.memory_space<vmem_shared>> -> memref<128x128xf32, #tpu.memory_space<vmem_shared>>
      %dma_start3A_106 = arith.constant 0 : i32
      %dma_start3A_107 = tpu.memref_slice %arg19[%add3A_30, %dma_start3A_106] : memref<10240x128xf32, #tpu.memory_space<vmem_shared>> -> memref<128x128xf32, #tpu.memory_space<vmem_shared>>
      tpu.enqueue_dma source(%arg17 : memref<128x128xf32, #tpu.memory_space<vmem>>) target(%dma_start3A_107 : memref<128x128xf32, #tpu.memory_space<vmem_shared>>) target_semaphore(%run_scoped3A : memref<!tpu.dma_semaphore, #tpu.memory_space<semaphore_mem>>)
      %dma_wait3A_108 = arith.constant 0 : i32
      %dma_wait3A_109 = tpu.memref_slice %arg19[%add3A_30, %dma_wait3A_108] : memref<10240x128xf32, #tpu.memory_space<vmem_shared>> -> memref<128x128xf32, #tpu.memory_space<vmem_shared>>
      %dma_wait3A_110 = arith.constant 0 : i32
      %dma_wait3A_111 = tpu.memref_slice %arg19[%add3A_30, %dma_wait3A_110] : memref<10240x128xf32, #tpu.memory_space<vmem_shared>> -> memref<128x128xf32, #tpu.memory_space<vmem_shared>>
      tpu.wait_dma2 semaphore(%run_scoped3A : memref<!tpu.dma_semaphore, #tpu.memory_space<semaphore_mem>>) src(%arg17 : memref<128x128xf32, #tpu.memory_space<vmem>>) dst(%dma_wait3A_111 : memref<128x128xf32, #tpu.memory_space<vmem_shared>>)
      tpu.yield
    }) : () -> ()
    %add3A_31 = arith.constant 384 : i32
    %add3A_32 = arith.addi %mul3A_16, %add3A_31 : i32
    "tpu.region"() ({
      %run_scoped3A = tpu.sem_alloc : memref<!tpu.dma_semaphore, #tpu.memory_space<semaphore_mem>>
      %dma_start3A_104 = arith.constant 0 : i32
      %dma_start3A_105 = tpu.memref_slice %arg19[%add3A_32, %dma_start3A_104] : memref<10240x128xf32, #tpu.memory_space<vmem_shared>> -> memref<128x128xf32, #tpu.memory_space<vmem_shared>>
      %dma_start3A_106 = arith.constant 0 : i32
      %dma_start3A_107 = tpu.memref_slice %arg19[%add3A_32, %dma_start3A_106] : memref<10240x128xf32, #tpu.memory_space<vmem_shared>> -> memref<128x128xf32, #tpu.memory_space<vmem_shared>>
      tpu.enqueue_dma source(%arg17 : memref<128x128xf32, #tpu.memory_space<vmem>>) target(%dma_start3A_107 : memref<128x128xf32, #tpu.memory_space<vmem_shared>>) target_semaphore(%run_scoped3A : memref<!tpu.dma_semaphore, #tpu.memory_space<semaphore_mem>>)
      %dma_wait3A_108 = arith.constant 0 : i32
      %dma_wait3A_109 = tpu.memref_slice %arg19[%add3A_32, %dma_wait3A_108] : memref<10240x128xf32, #tpu.memory_space<vmem_shared>> -> memref<128x128xf32, #tpu.memory_space<vmem_shared>>
      %dma_wait3A_110 = arith.constant 0 : i32
      %dma_wait3A_111 = tpu.memref_slice %arg19[%add3A_32, %dma_wait3A_110] : memref<10240x128xf32, #tpu.memory_space<vmem_shared>> -> memref<128x128xf32, #tpu.memory_space<vmem_shared>>
      tpu.wait_dma2 semaphore(%run_scoped3A : memref<!tpu.dma_semaphore, #tpu.memory_space<semaphore_mem>>) src(%arg17 : memref<128x128xf32, #tpu.memory_space<vmem>>) dst(%dma_wait3A_111 : memref<128x128xf32, #tpu.memory_space<vmem_shared>>)
      tpu.yield
    }) : () -> ()
    %add3A_33 = arith.constant 512 : i32
    %add3A_34 = arith.addi %mul3A_16, %add3A_33 : i32
    "tpu.region"() ({
      %run_scoped3A = tpu.sem_alloc : memref<!tpu.dma_semaphore, #tpu.memory_space<semaphore_mem>>
      %dma_start3A_104 = arith.constant 0 : i32
      %dma_start3A_105 = tpu.memref_slice %arg19[%add3A_34, %dma_start3A_104] : memref<10240x128xf32, #tpu.memory_space<vmem_shared>> -> memref<128x128xf32, #tpu.memory_space<vmem_shared>>
      %dma_start3A_106 = arith.constant 0 : i32
      %dma_start3A_107 = tpu.memref_slice %arg19[%add3A_34, %dma_start3A_106] : memref<10240x128xf32, #tpu.memory_space<vmem_shared>> -> memref<128x128xf32, #tpu.memory_space<vmem_shared>>
      tpu.enqueue_dma source(%arg17 : memref<128x128xf32, #tpu.memory_space<vmem>>) target(%dma_start3A_107 : memref<128x128xf32, #tpu.memory_space<vmem_shared>>) target_semaphore(%run_scoped3A : memref<!tpu.dma_semaphore, #tpu.memory_space<semaphore_mem>>)
      %dma_wait3A_108 = arith.constant 0 : i32
      %dma_wait3A_109 = tpu.memref_slice %arg19[%add3A_34, %dma_wait3A_108] : memref<10240x128xf32, #tpu.memory_space<vmem_shared>> -> memref<128x128xf32, #tpu.memory_space<vmem_shared>>
      %dma_wait3A_110 = arith.constant 0 : i32
      %dma_wait3A_111 = tpu.memref_slice %arg19[%add3A_34, %dma_wait3A_110] : memref<10240x128xf32, #tpu.memory_space<vmem_shared>> -> memref<128x128xf32, #tpu.memory_space<vmem_shared>>
      tpu.wait_dma2 semaphore(%run_scoped3A : memref<!tpu.dma_semaphore, #tpu.memory_space<semaphore_mem>>) src(%arg17 : memref<128x128xf32, #tpu.memory_space<vmem>>) dst(%dma_wait3A_111 : memref<128x128xf32, #tpu.memory_space<vmem_shared>>)
      tpu.yield
    }) : () -> ()
    %barrier3A = arith.constant 0 : index
    tpu.barrier barrier_id(%barrier3A)
    %add3A_35 = arith.constant 0 : i32
    %add3A_36 = arith.addi %add3A, %add3A_35 : i32
    %mul3A_37 = arith.constant 128 : i32
    %mul3A_38 = arith.muli %add3A_36, %mul3A_37 : i32
    "tpu.region"() ({
      %run_scoped3A = tpu.sem_alloc : memref<!tpu.dma_semaphore, #tpu.memory_space<semaphore_mem>>
      %dma_start3A_104 = tpu.memref_slice %arg4[%mul3A_38] : memref<8192xi32, #tpu.memory_space<hbm>> -> memref<128xi32, #tpu.memory_space<hbm>>
      %dma_start3A_105 = tpu.memref_slice %arg4[%mul3A_38] : memref<8192xi32, #tpu.memory_space<hbm>> -> memref<128xi32, #tpu.memory_space<hbm>>
      tpu.enqueue_dma source(%dma_start3A_105 : memref<128xi32, #tpu.memory_space<hbm>>) target(%arg13 : memref<128xi32, #tpu.memory_space<vmem>>) target_semaphore(%run_scoped3A : memref<!tpu.dma_semaphore, #tpu.memory_space<semaphore_mem>>)
      %dma_wait3A_106 = tpu.memref_slice %arg4[%mul3A_38] : memref<8192xi32, #tpu.memory_space<hbm>> -> memref<128xi32, #tpu.memory_space<hbm>>
      %dma_wait3A_107 = tpu.memref_slice %arg4[%mul3A_38] : memref<8192xi32, #tpu.memory_space<hbm>> -> memref<128xi32, #tpu.memory_space<hbm>>
      tpu.wait_dma2 semaphore(%run_scoped3A : memref<!tpu.dma_semaphore, #tpu.memory_space<semaphore_mem>>) src(%dma_wait3A_107 : memref<128xi32, #tpu.memory_space<hbm>>) dst(%arg13 : memref<128xi32, #tpu.memory_space<vmem>>)
      tpu.yield
    }) : () -> ()
    "tpu.region"() ({
      %run_scoped3A = tpu.sem_alloc : memref<!tpu.dma_semaphore, #tpu.memory_space<semaphore_mem>>
      %dma_start3A_104 = tpu.memref_slice %arg5[%mul3A_38] : memref<8192xi32, #tpu.memory_space<hbm>> -> memref<128xi32, #tpu.memory_space<hbm>>
      %dma_start3A_105 = tpu.memref_slice %arg5[%mul3A_38] : memref<8192xi32, #tpu.memory_space<hbm>> -> memref<128xi32, #tpu.memory_space<hbm>>
      tpu.enqueue_dma source(%dma_start3A_105 : memref<128xi32, #tpu.memory_space<hbm>>) target(%arg15 : memref<128xi32, #tpu.memory_space<vmem>>) target_semaphore(%run_scoped3A : memref<!tpu.dma_semaphore, #tpu.memory_space<semaphore_mem>>)
      %dma_wait3A_106 = tpu.memref_slice %arg5[%mul3A_38] : memref<8192xi32, #tpu.memory_space<hbm>> -> memref<128xi32, #tpu.memory_space<hbm>>
      %dma_wait3A_107 = tpu.memref_slice %arg5[%mul3A_38] : memref<8192xi32, #tpu.memory_space<hbm>> -> memref<128xi32, #tpu.memory_space<hbm>>
      tpu.wait_dma2 semaphore(%run_scoped3A : memref<!tpu.dma_semaphore, #tpu.memory_space<semaphore_mem>>) src(%dma_wait3A_107 : memref<128xi32, #tpu.memory_space<hbm>>) dst(%arg15 : memref<128xi32, #tpu.memory_space<vmem>>)
      tpu.yield
    }) : () -> ()
    %dma_start3A_39 = arith.constant 0 : i32
    %dma_start3A_40 = arith.constant 0 : i32
    %dma_start3A_41 = tpu.memref_slice %arg2[%dma_start3A_39, %dma_start3A_40] : memref<1024x128xf32, #tpu.memory_space<hbm>> -> memref<1024x128xf32, #tpu.memory_space<hbm>>
    tpu.enqueue_indirect_dma source(%dma_start3A_41 : memref<1024x128xf32, #tpu.memory_space<hbm>>) target(%arg17 : memref<128x128xf32, #tpu.memory_space<vmem>>) offsets(%arg13 : memref<128xi32, #tpu.memory_space<vmem>>) semaphore(%arg20 : memref<!tpu.dma_semaphore, #tpu.memory_space<semaphore_mem>>)
    %add3A_42 = arith.constant 32 : i32
    %add3A_43 = arith.addi %add3A, %add3A_42 : i32
    %mul3A_44 = arith.constant 128 : i32
    %mul3A_45 = arith.muli %add3A_43, %mul3A_44 : i32
    "tpu.region"() ({
      %run_scoped3A = tpu.sem_alloc : memref<!tpu.dma_semaphore, #tpu.memory_space<semaphore_mem>>
      %dma_start3A_104 = tpu.memref_slice %arg4[%mul3A_45] : memref<8192xi32, #tpu.memory_space<hbm>> -> memref<128xi32, #tpu.memory_space<hbm>>
      %dma_start3A_105 = tpu.memref_slice %arg4[%mul3A_45] : memref<8192xi32, #tpu.memory_space<hbm>> -> memref<128xi32, #tpu.memory_space<hbm>>
      tpu.enqueue_dma source(%dma_start3A_105 : memref<128xi32, #tpu.memory_space<hbm>>) target(%arg14 : memref<128xi32, #tpu.memory_space<vmem>>) target_semaphore(%run_scoped3A : memref<!tpu.dma_semaphore, #tpu.memory_space<semaphore_mem>>)
      %dma_wait3A_106 = tpu.memref_slice %arg4[%mul3A_45] : memref<8192xi32, #tpu.memory_space<hbm>> -> memref<128xi32, #tpu.memory_space<hbm>>
      %dma_wait3A_107 = tpu.memref_slice %arg4[%mul3A_45] : memref<8192xi32, #tpu.memory_space<hbm>> -> memref<128xi32, #tpu.memory_space<hbm>>
      tpu.wait_dma2 semaphore(%run_scoped3A : memref<!tpu.dma_semaphore, #tpu.memory_space<semaphore_mem>>) src(%dma_wait3A_107 : memref<128xi32, #tpu.memory_space<hbm>>) dst(%arg14 : memref<128xi32, #tpu.memory_space<vmem>>)
      tpu.yield
    }) : () -> ()
    "tpu.region"() ({
      %run_scoped3A = tpu.sem_alloc : memref<!tpu.dma_semaphore, #tpu.memory_space<semaphore_mem>>
      %dma_start3A_104 = tpu.memref_slice %arg5[%mul3A_45] : memref<8192xi32, #tpu.memory_space<hbm>> -> memref<128xi32, #tpu.memory_space<hbm>>
      %dma_start3A_105 = tpu.memref_slice %arg5[%mul3A_45] : memref<8192xi32, #tpu.memory_space<hbm>> -> memref<128xi32, #tpu.memory_space<hbm>>
      tpu.enqueue_dma source(%dma_start3A_105 : memref<128xi32, #tpu.memory_space<hbm>>) target(%arg16 : memref<128xi32, #tpu.memory_space<vmem>>) target_semaphore(%run_scoped3A : memref<!tpu.dma_semaphore, #tpu.memory_space<semaphore_mem>>)
      %dma_wait3A_106 = tpu.memref_slice %arg5[%mul3A_45] : memref<8192xi32, #tpu.memory_space<hbm>> -> memref<128xi32, #tpu.memory_space<hbm>>
      %dma_wait3A_107 = tpu.memref_slice %arg5[%mul3A_45] : memref<8192xi32, #tpu.memory_space<hbm>> -> memref<128xi32, #tpu.memory_space<hbm>>
      tpu.wait_dma2 semaphore(%run_scoped3A : memref<!tpu.dma_semaphore, #tpu.memory_space<semaphore_mem>>) src(%dma_wait3A_107 : memref<128xi32, #tpu.memory_space<hbm>>) dst(%arg16 : memref<128xi32, #tpu.memory_space<vmem>>)
      tpu.yield
    }) : () -> ()
    %dma_start3A_46 = arith.constant 0 : i32
    %dma_start3A_47 = arith.constant 0 : i32
    %dma_start3A_48 = tpu.memref_slice %arg2[%dma_start3A_46, %dma_start3A_47] : memref<1024x128xf32, #tpu.memory_space<hbm>> -> memref<1024x128xf32, #tpu.memory_space<hbm>>
    tpu.enqueue_indirect_dma source(%dma_start3A_48 : memref<1024x128xf32, #tpu.memory_space<hbm>>) target(%arg18 : memref<128x128xf32, #tpu.memory_space<vmem>>) offsets(%arg14 : memref<128xi32, #tpu.memory_space<vmem>>) semaphore(%arg21 : memref<!tpu.dma_semaphore, #tpu.memory_space<semaphore_mem>>)
    %scan3A_49 = arith.constant 0 : i32
    %scan3A_50 = arith.constant 0 : i32
    %scan3A_51 = arith.constant 0 : i32
    %scan3A_52 = arith.addi %scan3A_50, %scan3A_51 : i32
    %scan3A_53 = arith.constant 0 : i32
    %dma_wait3A_54 = arith.constant 0 : i32
    %dma_wait3A_55 = arith.constant 0 : i32
    %dma_wait3A_56 = tpu.memref_slice %arg2[%dma_wait3A_54, %dma_wait3A_55] : memref<1024x128xf32, #tpu.memory_space<hbm>> -> memref<1024x128xf32, #tpu.memory_space<hbm>>
    tpu.wait_indirect_dma semaphore(%arg20 : memref<!tpu.dma_semaphore, #tpu.memory_space<semaphore_mem>>) src(%dma_wait3A_56 : memref<1024x128xf32, #tpu.memory_space<hbm>>) dst(%arg17 : memref<128x128xf32, #tpu.memory_space<vmem>>)
    "tpu.region"() ({
      %run_scoped3A = tpu.sem_alloc : memref<!tpu.dma_semaphore, #tpu.memory_space<semaphore_mem>>
      %dma_start3A_104 = arith.constant 0 : i32
      %dma_start3A_105 = arith.constant 0 : i32
      %dma_start3A_106 = tpu.memref_slice %arg19[%dma_start3A_104, %dma_start3A_105] : memref<10240x128xf32, #tpu.memory_space<vmem_shared>> -> memref<10240x128xf32, #tpu.memory_space<vmem_shared>>
      tpu.enqueue_indirect_dma source(%arg17 : memref<128x128xf32, #tpu.memory_space<vmem>>) target(%dma_start3A_106 : memref<10240x128xf32, #tpu.memory_space<vmem_shared>>) offsets(%arg15 : memref<128xi32, #tpu.memory_space<vmem>>) semaphore(%run_scoped3A : memref<!tpu.dma_semaphore, #tpu.memory_space<semaphore_mem>>) {add = true}
      %dma_wait3A_107 = arith.constant 0 : i32
      %dma_wait3A_108 = arith.constant 0 : i32
      %dma_wait3A_109 = tpu.memref_slice %arg19[%dma_wait3A_107, %dma_wait3A_108] : memref<10240x128xf32, #tpu.memory_space<vmem_shared>> -> memref<10240x128xf32, #tpu.memory_space<vmem_shared>>
      tpu.wait_indirect_dma semaphore(%run_scoped3A : memref<!tpu.dma_semaphore, #tpu.memory_space<semaphore_mem>>) src(%arg17 : memref<128x128xf32, #tpu.memory_space<vmem>>) dst(%dma_wait3A_109 : memref<10240x128xf32, #tpu.memory_space<vmem_shared>>)
      tpu.yield
    }) : () -> ()
    %dma_wait3A_57 = arith.constant 0 : i32
    %dma_wait3A_58 = arith.constant 0 : i32
    %dma_wait3A_59 = tpu.memref_slice %arg2[%dma_wait3A_57, %dma_wait3A_58] : memref<1024x128xf32, #tpu.memory_space<hbm>> -> memref<1024x128xf32, #tpu.memory_space<hbm>>
    tpu.wait_indirect_dma semaphore(%arg21 : memref<!tpu.dma_semaphore, #tpu.memory_space<semaphore_mem>>) src(%dma_wait3A_59 : memref<1024x128xf32, #tpu.memory_space<hbm>>) dst(%arg18 : memref<128x128xf32, #tpu.memory_space<vmem>>)
    "tpu.region"() ({
      %run_scoped3A = tpu.sem_alloc : memref<!tpu.dma_semaphore, #tpu.memory_space<semaphore_mem>>
      %dma_start3A_104 = arith.constant 0 : i32
      %dma_start3A_105 = arith.constant 0 : i32
      %dma_start3A_106 = tpu.memref_slice %arg19[%dma_start3A_104, %dma_start3A_105] : memref<10240x128xf32, #tpu.memory_space<vmem_shared>> -> memref<10240x128xf32, #tpu.memory_space<vmem_shared>>
      tpu.enqueue_indirect_dma source(%arg18 : memref<128x128xf32, #tpu.memory_space<vmem>>) target(%dma_start3A_106 : memref<10240x128xf32, #tpu.memory_space<vmem_shared>>) offsets(%arg16 : memref<128xi32, #tpu.memory_space<vmem>>) semaphore(%run_scoped3A : memref<!tpu.dma_semaphore, #tpu.memory_space<semaphore_mem>>) {add = true}
      %dma_wait3A_107 = arith.constant 0 : i32
      %dma_wait3A_108 = arith.constant 0 : i32
      %dma_wait3A_109 = tpu.memref_slice %arg19[%dma_wait3A_107, %dma_wait3A_108] : memref<10240x128xf32, #tpu.memory_space<vmem_shared>> -> memref<10240x128xf32, #tpu.memory_space<vmem_shared>>
      tpu.wait_indirect_dma semaphore(%run_scoped3A : memref<!tpu.dma_semaphore, #tpu.memory_space<semaphore_mem>>) src(%arg18 : memref<128x128xf32, #tpu.memory_space<vmem>>) dst(%dma_wait3A_109 : memref<10240x128xf32, #tpu.memory_space<vmem_shared>>)
      tpu.yield
    }) : () -> ()
    %barrier3A_60 = arith.constant 0 : index
    tpu.barrier barrier_id(%barrier3A_60)
    "tpu.region"() ({
      %run_scoped3A = tpu.sem_alloc : memref<!tpu.dma_semaphore, #tpu.memory_space<semaphore_mem>>
      %dma_start3A_104 = arith.constant 0 : i32
      %dma_start3A_105 = tpu.memref_slice %arg9[%add3A_19, %dma_start3A_104] : memref<20480x128xf32, #tpu.memory_space<hbm>> -> memref<640x128xf32, #tpu.memory_space<hbm>>
      %dma_start3A_106 = arith.constant 0 : i32
      %dma_start3A_107 = tpu.memref_slice %arg19[%mul3A_16, %dma_start3A_106] : memref<10240x128xf32, #tpu.memory_space<vmem_shared>> -> memref<640x128xf32, #tpu.memory_space<vmem_shared>>
      tpu.enqueue_dma source(%dma_start3A_107 : memref<640x128xf32, #tpu.memory_space<vmem_shared>>) target(%dma_start3A_105 : memref<640x128xf32, #tpu.memory_space<hbm>>) target_semaphore(%run_scoped3A : memref<!tpu.dma_semaphore, #tpu.memory_space<semaphore_mem>>)
      %dma_wait3A_108 = arith.constant 0 : i32
      %dma_wait3A_109 = tpu.memref_slice %arg9[%add3A_19, %dma_wait3A_108] : memref<20480x128xf32, #tpu.memory_space<hbm>> -> memref<640x128xf32, #tpu.memory_space<hbm>>
      %dma_wait3A_110 = arith.constant 0 : i32
      %dma_wait3A_111 = tpu.memref_slice %arg19[%mul3A_16, %dma_wait3A_110] : memref<10240x128xf32, #tpu.memory_space<vmem_shared>> -> memref<640x128xf32, #tpu.memory_space<vmem_shared>>
      tpu.wait_dma2 semaphore(%run_scoped3A : memref<!tpu.dma_semaphore, #tpu.memory_space<semaphore_mem>>) src(%dma_wait3A_111 : memref<640x128xf32, #tpu.memory_space<vmem_shared>>) dst(%dma_wait3A_109 : memref<640x128xf32, #tpu.memory_space<hbm>>)
      tpu.yield
    }) : () -> ()
    %scan3A_61 = arith.constant 0 : i32
    %scan3A_62 = arith.constant 0 : i32
    %scan3A_63 = arith.constant 1024 : i32
    %scan3A_64 = arith.addi %scan3A_62, %scan3A_63 : i32
    %scan3A_65 = arith.constant 1 : i32
    scf.for %scan3A_104 = %scan3A_62 to %scan3A_64 step %scan3A_65  : i32 {
      %broadcast_in_dim3A = arith.constant 0.000000e+00 : f32
      %broadcast_in_dim3A_105 = vector.broadcast %broadcast_in_dim3A : f32 to vector<16xf32>
      %jit3A = arith.constant 8 : i32
      %div3A = arith.divsi %scan3A_104, %jit3A : i32
      %sign3A = arith.constant 0 : i32
      %sign3A_106 = arith.cmpi sgt, %scan3A_104, %sign3A : i32
      %sign3A_107 = arith.extui %sign3A_106 : i1 to i32
      %sign3A_108 = arith.constant 0 : i32
      %sign3A_109 = arith.cmpi slt, %scan3A_104, %sign3A_108 : i32
      %sign3A_110 = arith.extui %sign3A_109 : i1 to i32
      %sign3A_111 = arith.subi %sign3A_107, %sign3A_110 : i32
      %sign3A_112 = arith.constant 0 : i32
      %sign3A_113 = arith.cmpi sgt, %jit3A, %sign3A_112 : i32
      %sign3A_114 = arith.extui %sign3A_113 : i1 to i32
      %sign3A_115 = arith.constant 0 : i32
      %sign3A_116 = arith.cmpi slt, %jit3A, %sign3A_115 : i32
      %sign3A_117 = arith.extui %sign3A_116 : i1 to i32
      %sign3A_118 = arith.subi %sign3A_114, %sign3A_117 : i32
      %ne3A = arith.cmpi ne, %sign3A_111, %sign3A_118 : i32
      %rem3A = arith.remsi %scan3A_104, %jit3A : i32
      %ne3A_119 = arith.constant 0 : i32
      %ne3A_120 = arith.cmpi ne, %rem3A, %ne3A_119 : i32
      %and3A = arith.andi %ne3A, %ne3A_120 : i1
      %sub3A = arith.constant 1 : i32
      %sub3A_121 = arith.subi %div3A, %sub3A : i32
      %select_n3A = arith.select %and3A, %sub3A_121, %div3A : i32
      %jit3A_122 = arith.constant 8 : i32
      %eq3A = arith.constant 0 : i32
      %eq3A_123 = arith.cmpi eq, %jit3A_122, %eq3A : i32
      %jit3A_124 = arith.constant 1 : i32
      %select_n3A_125 = arith.select %eq3A_123, %jit3A_124, %jit3A_122 : i32
      %rem3A_126 = arith.remsi %scan3A_104, %select_n3A_125 : i32
      %ne3A_127 = arith.constant 0 : i32
      %ne3A_128 = arith.cmpi ne, %rem3A_126, %ne3A_127 : i32
      %lt3A = arith.constant 0 : i32
      %lt3A_129 = arith.cmpi slt, %rem3A_126, %lt3A : i32
      %lt3A_130 = arith.constant 0 : i32
      %lt3A_131 = arith.cmpi slt, %select_n3A_125, %lt3A_130 : i32
      %ne3A_132 = arith.xori %lt3A_129, %lt3A_131 : i1
      %and3A_133 = arith.andi %ne3A_132, %ne3A_128 : i1
      %add3A_134 = arith.addi %rem3A_126, %select_n3A_125 : i32
      %select_n3A_135 = arith.select %and3A_133, %add3A_134, %rem3A_126 : i32
      %mul3A_136 = arith.constant 16 : i32
      %mul3A_137 = arith.muli %select_n3A_135, %mul3A_136 : i32
      %swap3A = arith.index_cast %select_n3A : i32 to index
      %swap3A_138 = arith.index_cast %mul3A_137 : i32 to index
      %swap3A_139 = tpu.vector_load %arg17[%swap3A, %swap3A_138] {strides = array<i32>} : memref<128x128xf32, #tpu.memory_space<vmem>>, vector<1x16xf32>,
      %swap3A_140 = vector.shape_cast %swap3A_139 : vector<1x16xf32> to vector<16xf32>
      %swap3A_141 = vector.shape_cast %broadcast_in_dim3A_105 : vector<16xf32> to vector<1x16xf32>
      tpu.vector_store %arg17[%swap3A, %swap3A_138], %swap3A_141 {strides = array<i32>} : memref<128x128xf32, #tpu.memory_space<vmem>>, vector<1x16xf32>,
    }
    %scan3A_66 = arith.constant 1024 : i32
    %add3A_67 = arith.constant 0 : i32
    %add3A_68 = arith.addi %mul3A_16, %add3A_67 : i32
    "tpu.region"() ({
      %run_scoped3A = tpu.sem_alloc : memref<!tpu.dma_semaphore, #tpu.memory_space<semaphore_mem>>
      %dma_start3A_104 = arith.constant 0 : i32
      %dma_start3A_105 = tpu.memref_slice %arg19[%add3A_68, %dma_start3A_104] : memref<10240x128xf32, #tpu.memory_space<vmem_shared>> -> memref<128x128xf32, #tpu.memory_space<vmem_shared>>
      %dma_start3A_106 = arith.constant 0 : i32
      %dma_start3A_107 = tpu.memref_slice %arg19[%add3A_68, %dma_start3A_106] : memref<10240x128xf32, #tpu.memory_space<vmem_shared>> -> memref<128x128xf32, #tpu.memory_space<vmem_shared>>
      tpu.enqueue_dma source(%arg17 : memref<128x128xf32, #tpu.memory_space<vmem>>) target(%dma_start3A_107 : memref<128x128xf32, #tpu.memory_space<vmem_shared>>) target_semaphore(%run_scoped3A : memref<!tpu.dma_semaphore, #tpu.memory_space<semaphore_mem>>)
      %dma_wait3A_108 = arith.constant 0 : i32
      %dma_wait3A_109 = tpu.memref_slice %arg19[%add3A_68, %dma_wait3A_108] : memref<10240x128xf32, #tpu.memory_space<vmem_shared>> -> memref<128x128xf32, #tpu.memory_space<vmem_shared>>
      %dma_wait3A_110 = arith.constant 0 : i32
      %dma_wait3A_111 = tpu.memref_slice %arg19[%add3A_68, %dma_wait3A_110] : memref<10240x128xf32, #tpu.memory_space<vmem_shared>> -> memref<128x128xf32, #tpu.memory_space<vmem_shared>>
      tpu.wait_dma2 semaphore(%run_scoped3A : memref<!tpu.dma_semaphore, #tpu.memory_space<semaphore_mem>>) src(%arg17 : memref<128x128xf32, #tpu.memory_space<vmem>>) dst(%dma_wait3A_111 : memref<128x128xf32, #tpu.memory_space<vmem_shared>>)
      tpu.yield
    }) : () -> ()
    %add3A_69 = arith.constant 128 : i32
    %add3A_70 = arith.addi %mul3A_16, %add3A_69 : i32
    "tpu.region"() ({
      %run_scoped3A = tpu.sem_alloc : memref<!tpu.dma_semaphore, #tpu.memory_space<semaphore_mem>>
      %dma_start3A_104 = arith.constant 0 : i32
      %dma_start3A_105 = tpu.memref_slice %arg19[%add3A_70, %dma_start3A_104] : memref<10240x128xf32, #tpu.memory_space<vmem_shared>> -> memref<128x128xf32, #tpu.memory_space<vmem_shared>>
      %dma_start3A_106 = arith.constant 0 : i32
      %dma_start3A_107 = tpu.memref_slice %arg19[%add3A_70, %dma_start3A_106] : memref<10240x128xf32, #tpu.memory_space<vmem_shared>> -> memref<128x128xf32, #tpu.memory_space<vmem_shared>>
      tpu.enqueue_dma source(%arg17 : memref<128x128xf32, #tpu.memory_space<vmem>>) target(%dma_start3A_107 : memref<128x128xf32, #tpu.memory_space<vmem_shared>>) target_semaphore(%run_scoped3A : memref<!tpu.dma_semaphore, #tpu.memory_space<semaphore_mem>>)
      %dma_wait3A_108 = arith.constant 0 : i32
      %dma_wait3A_109 = tpu.memref_slice %arg19[%add3A_70, %dma_wait3A_108] : memref<10240x128xf32, #tpu.memory_space<vmem_shared>> -> memref<128x128xf32, #tpu.memory_space<vmem_shared>>
      %dma_wait3A_110 = arith.constant 0 : i32
      %dma_wait3A_111 = tpu.memref_slice %arg19[%add3A_70, %dma_wait3A_110] : memref<10240x128xf32, #tpu.memory_space<vmem_shared>> -> memref<128x128xf32, #tpu.memory_space<vmem_shared>>
      tpu.wait_dma2 semaphore(%run_scoped3A : memref<!tpu.dma_semaphore, #tpu.memory_space<semaphore_mem>>) src(%arg17 : memref<128x128xf32, #tpu.memory_space<vmem>>) dst(%dma_wait3A_111 : memref<128x128xf32, #tpu.memory_space<vmem_shared>>)
      tpu.yield
    }) : () -> ()
    %add3A_71 = arith.constant 256 : i32
    %add3A_72 = arith.addi %mul3A_16, %add3A_71 : i32
    "tpu.region"() ({
      %run_scoped3A = tpu.sem_alloc : memref<!tpu.dma_semaphore, #tpu.memory_space<semaphore_mem>>
      %dma_start3A_104 = arith.constant 0 : i32
      %dma_start3A_105 = tpu.memref_slice %arg19[%add3A_72, %dma_start3A_104] : memref<10240x128xf32, #tpu.memory_space<vmem_shared>> -> memref<128x128xf32, #tpu.memory_space<vmem_shared>>
      %dma_start3A_106 = arith.constant 0 : i32
      %dma_start3A_107 = tpu.memref_slice %arg19[%add3A_72, %dma_start3A_106] : memref<10240x128xf32, #tpu.memory_space<vmem_shared>> -> memref<128x128xf32, #tpu.memory_space<vmem_shared>>
      tpu.enqueue_dma source(%arg17 : memref<128x128xf32, #tpu.memory_space<vmem>>) target(%dma_start3A_107 : memref<128x128xf32, #tpu.memory_space<vmem_shared>>) target_semaphore(%run_scoped3A : memref<!tpu.dma_semaphore, #tpu.memory_space<semaphore_mem>>)
      %dma_wait3A_108 = arith.constant 0 : i32
      %dma_wait3A_109 = tpu.memref_slice %arg19[%add3A_72, %dma_wait3A_108] : memref<10240x128xf32, #tpu.memory_space<vmem_shared>> -> memref<128x128xf32, #tpu.memory_space<vmem_shared>>
      %dma_wait3A_110 = arith.constant 0 : i32
      %dma_wait3A_111 = tpu.memref_slice %arg19[%add3A_72, %dma_wait3A_110] : memref<10240x128xf32, #tpu.memory_space<vmem_shared>> -> memref<128x128xf32, #tpu.memory_space<vmem_shared>>
      tpu.wait_dma2 semaphore(%run_scoped3A : memref<!tpu.dma_semaphore, #tpu.memory_space<semaphore_mem>>) src(%arg17 : memref<128x128xf32, #tpu.memory_space<vmem>>) dst(%dma_wait3A_111 : memref<128x128xf32, #tpu.memory_space<vmem_shared>>)
      tpu.yield
    }) : () -> ()
    %add3A_73 = arith.constant 384 : i32
    %add3A_74 = arith.addi %mul3A_16, %add3A_73 : i32
    "tpu.region"() ({
      %run_scoped3A = tpu.sem_alloc : memref<!tpu.dma_semaphore, #tpu.memory_space<semaphore_mem>>
      %dma_start3A_104 = arith.constant 0 : i32
      %dma_start3A_105 = tpu.memref_slice %arg19[%add3A_74, %dma_start3A_104] : memref<10240x128xf32, #tpu.memory_space<vmem_shared>> -> memref<128x128xf32, #tpu.memory_space<vmem_shared>>
      %dma_start3A_106 = arith.constant 0 : i32
      %dma_start3A_107 = tpu.memref_slice %arg19[%add3A_74, %dma_start3A_106] : memref<10240x128xf32, #tpu.memory_space<vmem_shared>> -> memref<128x128xf32, #tpu.memory_space<vmem_shared>>
      tpu.enqueue_dma source(%arg17 : memref<128x128xf32, #tpu.memory_space<vmem>>) target(%dma_start3A_107 : memref<128x128xf32, #tpu.memory_space<vmem_shared>>) target_semaphore(%run_scoped3A : memref<!tpu.dma_semaphore, #tpu.memory_space<semaphore_mem>>)
      %dma_wait3A_108 = arith.constant 0 : i32
      %dma_wait3A_109 = tpu.memref_slice %arg19[%add3A_74, %dma_wait3A_108] : memref<10240x128xf32, #tpu.memory_space<vmem_shared>> -> memref<128x128xf32, #tpu.memory_space<vmem_shared>>
      %dma_wait3A_110 = arith.constant 0 : i32
      %dma_wait3A_111 = tpu.memref_slice %arg19[%add3A_74, %dma_wait3A_110] : memref<10240x128xf32, #tpu.memory_space<vmem_shared>> -> memref<128x128xf32, #tpu.memory_space<vmem_shared>>
      tpu.wait_dma2 semaphore(%run_scoped3A : memref<!tpu.dma_semaphore, #tpu.memory_space<semaphore_mem>>) src(%arg17 : memref<128x128xf32, #tpu.memory_space<vmem>>) dst(%dma_wait3A_111 : memref<128x128xf32, #tpu.memory_space<vmem_shared>>)
      tpu.yield
    }) : () -> ()
    %add3A_75 = arith.constant 512 : i32
    %add3A_76 = arith.addi %mul3A_16, %add3A_75 : i32
    "tpu.region"() ({
      %run_scoped3A = tpu.sem_alloc : memref<!tpu.dma_semaphore, #tpu.memory_space<semaphore_mem>>
      %dma_start3A_104 = arith.constant 0 : i32
      %dma_start3A_105 = tpu.memref_slice %arg19[%add3A_76, %dma_start3A_104] : memref<10240x128xf32, #tpu.memory_space<vmem_shared>> -> memref<128x128xf32, #tpu.memory_space<vmem_shared>>
      %dma_start3A_106 = arith.constant 0 : i32
      %dma_start3A_107 = tpu.memref_slice %arg19[%add3A_76, %dma_start3A_106] : memref<10240x128xf32, #tpu.memory_space<vmem_shared>> -> memref<128x128xf32, #tpu.memory_space<vmem_shared>>
      tpu.enqueue_dma source(%arg17 : memref<128x128xf32, #tpu.memory_space<vmem>>) target(%dma_start3A_107 : memref<128x128xf32, #tpu.memory_space<vmem_shared>>) target_semaphore(%run_scoped3A : memref<!tpu.dma_semaphore, #tpu.memory_space<semaphore_mem>>)
      %dma_wait3A_108 = arith.constant 0 : i32
      %dma_wait3A_109 = tpu.memref_slice %arg19[%add3A_76, %dma_wait3A_108] : memref<10240x128xf32, #tpu.memory_space<vmem_shared>> -> memref<128x128xf32, #tpu.memory_space<vmem_shared>>
      %dma_wait3A_110 = arith.constant 0 : i32
      %dma_wait3A_111 = tpu.memref_slice %arg19[%add3A_76, %dma_wait3A_110] : memref<10240x128xf32, #tpu.memory_space<vmem_shared>> -> memref<128x128xf32, #tpu.memory_space<vmem_shared>>
      tpu.wait_dma2 semaphore(%run_scoped3A : memref<!tpu.dma_semaphore, #tpu.memory_space<semaphore_mem>>) src(%arg17 : memref<128x128xf32, #tpu.memory_space<vmem>>) dst(%dma_wait3A_111 : memref<128x128xf32, #tpu.memory_space<vmem_shared>>)
      tpu.yield
    }) : () -> ()
    %barrier3A_77 = arith.constant 0 : index
    tpu.barrier barrier_id(%barrier3A_77)
    %add3A_78 = arith.constant 0 : i32
    %add3A_79 = arith.addi %add3A, %add3A_78 : i32
    %mul3A_80 = arith.constant 128 : i32
    %mul3A_81 = arith.muli %add3A_79, %mul3A_80 : i32
    "tpu.region"() ({
      %run_scoped3A = tpu.sem_alloc : memref<!tpu.dma_semaphore, #tpu.memory_space<semaphore_mem>>
      %dma_start3A_104 = tpu.memref_slice %arg4[%mul3A_81] : memref<8192xi32, #tpu.memory_space<hbm>> -> memref<128xi32, #tpu.memory_space<hbm>>
      %dma_start3A_105 = tpu.memref_slice %arg4[%mul3A_81] : memref<8192xi32, #tpu.memory_space<hbm>> -> memref<128xi32, #tpu.memory_space<hbm>>
      tpu.enqueue_dma source(%dma_start3A_105 : memref<128xi32, #tpu.memory_space<hbm>>) target(%arg13 : memref<128xi32, #tpu.memory_space<vmem>>) target_semaphore(%run_scoped3A : memref<!tpu.dma_semaphore, #tpu.memory_space<semaphore_mem>>)
      %dma_wait3A_106 = tpu.memref_slice %arg4[%mul3A_81] : memref<8192xi32, #tpu.memory_space<hbm>> -> memref<128xi32, #tpu.memory_space<hbm>>
      %dma_wait3A_107 = tpu.memref_slice %arg4[%mul3A_81] : memref<8192xi32, #tpu.memory_space<hbm>> -> memref<128xi32, #tpu.memory_space<hbm>>
      tpu.wait_dma2 semaphore(%run_scoped3A : memref<!tpu.dma_semaphore, #tpu.memory_space<semaphore_mem>>) src(%dma_wait3A_107 : memref<128xi32, #tpu.memory_space<hbm>>) dst(%arg13 : memref<128xi32, #tpu.memory_space<vmem>>)
      tpu.yield
    }) : () -> ()
    "tpu.region"() ({
      %run_scoped3A = tpu.sem_alloc : memref<!tpu.dma_semaphore, #tpu.memory_space<semaphore_mem>>
      %dma_start3A_104 = tpu.memref_slice %arg5[%mul3A_81] : memref<8192xi32, #tpu.memory_space<hbm>> -> memref<128xi32, #tpu.memory_space<hbm>>
      %dma_start3A_105 = tpu.memref_slice %arg5[%mul3A_81] : memref<8192xi32, #tpu.memory_space<hbm>> -> memref<128xi32, #tpu.memory_space<hbm>>
      tpu.enqueue_dma source(%dma_start3A_105 : memref<128xi32, #tpu.memory_space<hbm>>) target(%arg15 : memref<128xi32, #tpu.memory_space<vmem>>) target_semaphore(%run_scoped3A : memref<!tpu.dma_semaphore, #tpu.memory_space<semaphore_mem>>)
      %dma_wait3A_106 = tpu.memref_slice %arg5[%mul3A_81] : memref<8192xi32, #tpu.memory_space<hbm>> -> memref<128xi32, #tpu.memory_space<hbm>>
      %dma_wait3A_107 = tpu.memref_slice %arg5[%mul3A_81] : memref<8192xi32, #tpu.memory_space<hbm>> -> memref<128xi32, #tpu.memory_space<hbm>>
      tpu.wait_dma2 semaphore(%run_scoped3A : memref<!tpu.dma_semaphore, #tpu.memory_space<semaphore_mem>>) src(%dma_wait3A_107 : memref<128xi32, #tpu.memory_space<hbm>>) dst(%arg15 : memref<128xi32, #tpu.memory_space<vmem>>)
      tpu.yield
    }) : () -> ()
    %dma_start3A_82 = arith.constant 0 : i32
    %dma_start3A_83 = arith.constant 0 : i32
    %dma_start3A_84 = tpu.memref_slice %arg3[%dma_start3A_82, %dma_start3A_83] : memref<1024x128xf32, #tpu.memory_space<hbm>> -> memref<1024x128xf32, #tpu.memory_space<hbm>>
    tpu.enqueue_indirect_dma source(%dma_start3A_84 : memref<1024x128xf32, #tpu.memory_space<hbm>>) target(%arg17 : memref<128x128xf32, #tpu.memory_space<vmem>>) offsets(%arg13 : memref<128xi32, #tpu.memory_space<vmem>>) semaphore(%arg20 : memref<!tpu.dma_semaphore, #tpu.memory_space<semaphore_mem>>)
    %add3A_85 = arith.constant 32 : i32
    %add3A_86 = arith.addi %add3A, %add3A_85 : i32
    %mul3A_87 = arith.constant 128 : i32
    %mul3A_88 = arith.muli %add3A_86, %mul3A_87 : i32
    "tpu.region"() ({
      %run_scoped3A = tpu.sem_alloc : memref<!tpu.dma_semaphore, #tpu.memory_space<semaphore_mem>>
      %dma_start3A_104 = tpu.memref_slice %arg4[%mul3A_88] : memref<8192xi32, #tpu.memory_space<hbm>> -> memref<128xi32, #tpu.memory_space<hbm>>
      %dma_start3A_105 = tpu.memref_slice %arg4[%mul3A_88] : memref<8192xi32, #tpu.memory_space<hbm>> -> memref<128xi32, #tpu.memory_space<hbm>>
      tpu.enqueue_dma source(%dma_start3A_105 : memref<128xi32, #tpu.memory_space<hbm>>) target(%arg14 : memref<128xi32, #tpu.memory_space<vmem>>) target_semaphore(%run_scoped3A : memref<!tpu.dma_semaphore, #tpu.memory_space<semaphore_mem>>)
      %dma_wait3A_106 = tpu.memref_slice %arg4[%mul3A_88] : memref<8192xi32, #tpu.memory_space<hbm>> -> memref<128xi32, #tpu.memory_space<hbm>>
      %dma_wait3A_107 = tpu.memref_slice %arg4[%mul3A_88] : memref<8192xi32, #tpu.memory_space<hbm>> -> memref<128xi32, #tpu.memory_space<hbm>>
      tpu.wait_dma2 semaphore(%run_scoped3A : memref<!tpu.dma_semaphore, #tpu.memory_space<semaphore_mem>>) src(%dma_wait3A_107 : memref<128xi32, #tpu.memory_space<hbm>>) dst(%arg14 : memref<128xi32, #tpu.memory_space<vmem>>)
      tpu.yield
    }) : () -> ()
    "tpu.region"() ({
      %run_scoped3A = tpu.sem_alloc : memref<!tpu.dma_semaphore, #tpu.memory_space<semaphore_mem>>
      %dma_start3A_104 = tpu.memref_slice %arg5[%mul3A_88] : memref<8192xi32, #tpu.memory_space<hbm>> -> memref<128xi32, #tpu.memory_space<hbm>>
      %dma_start3A_105 = tpu.memref_slice %arg5[%mul3A_88] : memref<8192xi32, #tpu.memory_space<hbm>> -> memref<128xi32, #tpu.memory_space<hbm>>
      tpu.enqueue_dma source(%dma_start3A_105 : memref<128xi32, #tpu.memory_space<hbm>>) target(%arg16 : memref<128xi32, #tpu.memory_space<vmem>>) target_semaphore(%run_scoped3A : memref<!tpu.dma_semaphore, #tpu.memory_space<semaphore_mem>>)
      %dma_wait3A_106 = tpu.memref_slice %arg5[%mul3A_88] : memref<8192xi32, #tpu.memory_space<hbm>> -> memref<128xi32, #tpu.memory_space<hbm>>
      %dma_wait3A_107 = tpu.memref_slice %arg5[%mul3A_88] : memref<8192xi32, #tpu.memory_space<hbm>> -> memref<128xi32, #tpu.memory_space<hbm>>
      tpu.wait_dma2 semaphore(%run_scoped3A : memref<!tpu.dma_semaphore, #tpu.memory_space<semaphore_mem>>) src(%dma_wait3A_107 : memref<128xi32, #tpu.memory_space<hbm>>) dst(%arg16 : memref<128xi32, #tpu.memory_space<vmem>>)
      tpu.yield
    }) : () -> ()
    %dma_start3A_89 = arith.constant 0 : i32
    %dma_start3A_90 = arith.constant 0 : i32
    %dma_start3A_91 = tpu.memref_slice %arg3[%dma_start3A_89, %dma_start3A_90] : memref<1024x128xf32, #tpu.memory_space<hbm>> -> memref<1024x128xf32, #tpu.memory_space<hbm>>
    tpu.enqueue_indirect_dma source(%dma_start3A_91 : memref<1024x128xf32, #tpu.memory_space<hbm>>) target(%arg18 : memref<128x128xf32, #tpu.memory_space<vmem>>) offsets(%arg14 : memref<128xi32, #tpu.memory_space<vmem>>) semaphore(%arg21 : memref<!tpu.dma_semaphore, #tpu.memory_space<semaphore_mem>>)
    %scan3A_92 = arith.constant 0 : i32
    %scan3A_93 = arith.constant 0 : i32
    %scan3A_94 = arith.constant 0 : i32
    %scan3A_95 = arith.addi %scan3A_93, %scan3A_94 : i32
    %scan3A_96 = arith.constant 0 : i32
    %dma_wait3A_97 = arith.constant 0 : i32
    %dma_wait3A_98 = arith.constant 0 : i32
    %dma_wait3A_99 = tpu.memref_slice %arg3[%dma_wait3A_97, %dma_wait3A_98] : memref<1024x128xf32, #tpu.memory_space<hbm>> -> memref<1024x128xf32, #tpu.memory_space<hbm>>
    tpu.wait_indirect_dma semaphore(%arg20 : memref<!tpu.dma_semaphore, #tpu.memory_space<semaphore_mem>>) src(%dma_wait3A_99 : memref<1024x128xf32, #tpu.memory_space<hbm>>) dst(%arg17 : memref<128x128xf32, #tpu.memory_space<vmem>>)
    "tpu.region"() ({
      %run_scoped3A = tpu.sem_alloc : memref<!tpu.dma_semaphore, #tpu.memory_space<semaphore_mem>>
      %dma_start3A_104 = arith.constant 0 : i32
      %dma_start3A_105 = arith.constant 0 : i32
      %dma_start3A_106 = tpu.memref_slice %arg19[%dma_start3A_104, %dma_start3A_105] : memref<10240x128xf32, #tpu.memory_space<vmem_shared>> -> memref<10240x128xf32, #tpu.memory_space<vmem_shared>>
      tpu.enqueue_indirect_dma source(%arg17 : memref<128x128xf32, #tpu.memory_space<vmem>>) target(%dma_start3A_106 : memref<10240x128xf32, #tpu.memory_space<vmem_shared>>) offsets(%arg15 : memref<128xi32, #tpu.memory_space<vmem>>) semaphore(%run_scoped3A : memref<!tpu.dma_semaphore, #tpu.memory_space<semaphore_mem>>) {add = true}
      %dma_wait3A_107 = arith.constant 0 : i32
      %dma_wait3A_108 = arith.constant 0 : i32
      %dma_wait3A_109 = tpu.memref_slice %arg19[%dma_wait3A_107, %dma_wait3A_108] : memref<10240x128xf32, #tpu.memory_space<vmem_shared>> -> memref<10240x128xf32, #tpu.memory_space<vmem_shared>>
      tpu.wait_indirect_dma semaphore(%run_scoped3A : memref<!tpu.dma_semaphore, #tpu.memory_space<semaphore_mem>>) src(%arg17 : memref<128x128xf32, #tpu.memory_space<vmem>>) dst(%dma_wait3A_109 : memref<10240x128xf32, #tpu.memory_space<vmem_shared>>)
      tpu.yield
    }) : () -> ()
    %dma_wait3A_100 = arith.constant 0 : i32
    %dma_wait3A_101 = arith.constant 0 : i32
    %dma_wait3A_102 = tpu.memref_slice %arg3[%dma_wait3A_100, %dma_wait3A_101] : memref<1024x128xf32, #tpu.memory_space<hbm>> -> memref<1024x128xf32, #tpu.memory_space<hbm>>
    tpu.wait_indirect_dma semaphore(%arg21 : memref<!tpu.dma_semaphore, #tpu.memory_space<semaphore_mem>>) src(%dma_wait3A_102 : memref<1024x128xf32, #tpu.memory_space<hbm>>) dst(%arg18 : memref<128x128xf32, #tpu.memory_space<vmem>>)
    "tpu.region"() ({
      %run_scoped3A = tpu.sem_alloc : memref<!tpu.dma_semaphore, #tpu.memory_space<semaphore_mem>>
      %dma_start3A_104 = arith.constant 0 : i32
      %dma_start3A_105 = arith.constant 0 : i32
      %dma_start3A_106 = tpu.memref_slice %arg19[%dma_start3A_104, %dma_start3A_105] : memref<10240x128xf32, #tpu.memory_space<vmem_shared>> -> memref<10240x128xf32, #tpu.memory_space<vmem_shared>>
      tpu.enqueue_indirect_dma source(%arg18 : memref<128x128xf32, #tpu.memory_space<vmem>>) target(%dma_start3A_106 : memref<10240x128xf32, #tpu.memory_space<vmem_shared>>) offsets(%arg16 : memref<128xi32, #tpu.memory_space<vmem>>) semaphore(%run_scoped3A : memref<!tpu.dma_semaphore, #tpu.memory_space<semaphore_mem>>) {add = true}
      %dma_wait3A_107 = arith.constant 0 : i32
      %dma_wait3A_108 = arith.constant 0 : i32
      %dma_wait3A_109 = tpu.memref_slice %arg19[%dma_wait3A_107, %dma_wait3A_108] : memref<10240x128xf32, #tpu.memory_space<vmem_shared>> -> memref<10240x128xf32, #tpu.memory_space<vmem_shared>>
      tpu.wait_indirect_dma semaphore(%run_scoped3A : memref<!tpu.dma_semaphore, #tpu.memory_space<semaphore_mem>>) src(%arg18 : memref<128x128xf32, #tpu.memory_space<vmem>>) dst(%dma_wait3A_109 : memref<10240x128xf32, #tpu.memory_space<vmem_shared>>)
      tpu.yield
    }) : () -> ()
    %barrier3A_103 = arith.constant 0 : index
    tpu.barrier barrier_id(%barrier3A_103)
    "tpu.region"() ({
      %run_scoped3A = tpu.sem_alloc : memref<!tpu.dma_semaphore, #tpu.memory_space<semaphore_mem>>
      %dma_start3A_104 = arith.constant 0 : i32
      %dma_start3A_105 = tpu.memref_slice %arg10[%add3A_19, %dma_start3A_104] : memref<20480x128xf32, #tpu.memory_space<hbm>> -> memref<640x128xf32, #tpu.memory_space<hbm>>
      %dma_start3A_106 = arith.constant 0 : i32
      %dma_start3A_107 = tpu.memref_slice %arg19[%mul3A_16, %dma_start3A_106] : memref<10240x128xf32, #tpu.memory_space<vmem_shared>> -> memref<640x128xf32, #tpu.memory_space<vmem_shared>>
      tpu.enqueue_dma source(%dma_start3A_107 : memref<640x128xf32, #tpu.memory_space<vmem_shared>>) target(%dma_start3A_105 : memref<640x128xf32, #tpu.memory_space<hbm>>) target_semaphore(%run_scoped3A : memref<!tpu.dma_semaphore, #tpu.memory_space<semaphore_mem>>)
      %dma_wait3A_108 = arith.constant 0 : i32
      %dma_wait3A_109 = tpu.memref_slice %arg10[%add3A_19, %dma_wait3A_108] : memref<20480x128xf32, #tpu.memory_space<hbm>> -> memref<640x128xf32, #tpu.memory_space<hbm>>
      %dma_wait3A_110 = arith.constant 0 : i32
      %dma_wait3A_111 = tpu.memref_slice %arg19[%mul3A_16, %dma_wait3A_110] : memref<10240x128xf32, #tpu.memory_space<vmem_shared>> -> memref<640x128xf32, #tpu.memory_space<vmem_shared>>
      tpu.wait_dma2 semaphore(%run_scoped3A : memref<!tpu.dma_semaphore, #tpu.memory_space<semaphore_mem>>) src(%dma_wait3A_111 : memref<640x128xf32, #tpu.memory_space<vmem_shared>>) dst(%dma_wait3A_109 : memref<640x128xf32, #tpu.memory_space<hbm>>)
      tpu.yield
    }) : () -> ()
    return
  }
}

#map = affine_map<(d0, d1) -> (0, 0)>
module attributes {stable_mosaic.version = 14 : i64} {
  func.func @k(%arg0: i32, %arg1: i32, %arg2: memref<10240x128xf32, #tpu.memory_space<hbm>>, %arg3: memref<2560x128xi32, #tpu.memory_space<hbm>>, %arg4: memref<2560x128xi32, #tpu.memory_space<hbm>>, %arg5: memref<20480x128xf32, #tpu.memory_space<hbm>>, %arg6: memref<8x128xi32, #tpu.memory_space<vmem>>, %arg7: memref<8x128xi32, #tpu.memory_space<vmem>>, %arg8: memref<128x128xf32, #tpu.memory_space<vmem>>, %arg9: memref<128x128xf32, #tpu.memory_space<vmem>>, %arg10: memref<10240x128xf32, #tpu.memory_space<vmem_shared>>, %arg11: memref<!tpu.dma_semaphore, #tpu.memory_space<semaphore_mem>>, %arg12: memref<!tpu.dma_semaphore, #tpu.memory_space<semaphore_mem>>, %arg13: memref<!tpu.dma_semaphore, #tpu.memory_space<semaphore_mem>>, %arg14: memref<!tpu.dma_semaphore, #tpu.memory_space<semaphore_mem>>) attributes {dimension_semantics = [#tpu.dimension_semantics<core_parallel>, #tpu.dimension_semantics<subcore_parallel>], iteration_bounds = array<i64: 2, 16>, scalar_prefetch = 0 : i64, scratch_operands = 9 : i64, tpu.core_type = #tpu.core_type<sc_vector_subcore>, window_params = [{transform_indices = #map}, {transform_indices = #map}, {transform_indices = #map}, {transform_indices = #map}]} {
    %mul3A = arith.constant 2 : i32
    %mul3A_0 = arith.muli %arg1, %mul3A : i32
    %add3A = arith.addi %mul3A_0, %arg0 : i32
    %scan3A = arith.constant 0 : i32
    %scan3A_1 = arith.constant 0 : i32
    %scan3A_2 = arith.constant 1024 : i32
    %scan3A_3 = arith.addi %scan3A_1, %scan3A_2 : i32
    %scan3A_4 = arith.constant 1 : i32
    scf.for %scan3A_28 = %scan3A_1 to %scan3A_3 step %scan3A_4  : i32 {
      %broadcast_in_dim3A = arith.constant 0.000000e+00 : f32
      %broadcast_in_dim3A_29 = vector.broadcast %broadcast_in_dim3A : f32 to vector<16xf32>
      %jit3A = arith.constant 8 : i32
      %div3A = arith.divsi %scan3A_28, %jit3A : i32
      %sign3A = arith.constant 0 : i32
      %sign3A_30 = arith.cmpi sgt, %scan3A_28, %sign3A : i32
      %sign3A_31 = arith.extui %sign3A_30 : i1 to i32
      %sign3A_32 = arith.constant 0 : i32
      %sign3A_33 = arith.cmpi slt, %scan3A_28, %sign3A_32 : i32
      %sign3A_34 = arith.extui %sign3A_33 : i1 to i32
      %sign3A_35 = arith.subi %sign3A_31, %sign3A_34 : i32
      %sign3A_36 = arith.constant 0 : i32
      %sign3A_37 = arith.cmpi sgt, %jit3A, %sign3A_36 : i32
      %sign3A_38 = arith.extui %sign3A_37 : i1 to i32
      %sign3A_39 = arith.constant 0 : i32
      %sign3A_40 = arith.cmpi slt, %jit3A, %sign3A_39 : i32
      %sign3A_41 = arith.extui %sign3A_40 : i1 to i32
      %sign3A_42 = arith.subi %sign3A_38, %sign3A_41 : i32
      %ne3A = arith.cmpi ne, %sign3A_35, %sign3A_42 : i32
      %rem3A = arith.remsi %scan3A_28, %jit3A : i32
      %ne3A_43 = arith.constant 0 : i32
      %ne3A_44 = arith.cmpi ne, %rem3A, %ne3A_43 : i32
      %and3A = arith.andi %ne3A, %ne3A_44 : i1
      %sub3A = arith.constant 1 : i32
      %sub3A_45 = arith.subi %div3A, %sub3A : i32
      %select_n3A = arith.select %and3A, %sub3A_45, %div3A : i32
      %jit3A_46 = arith.constant 8 : i32
      %eq3A = arith.constant 0 : i32
      %eq3A_47 = arith.cmpi eq, %jit3A_46, %eq3A : i32
      %jit3A_48 = arith.constant 1 : i32
      %select_n3A_49 = arith.select %eq3A_47, %jit3A_48, %jit3A_46 : i32
      %rem3A_50 = arith.remsi %scan3A_28, %select_n3A_49 : i32
      %ne3A_51 = arith.constant 0 : i32
      %ne3A_52 = arith.cmpi ne, %rem3A_50, %ne3A_51 : i32
      %lt3A = arith.constant 0 : i32
      %lt3A_53 = arith.cmpi slt, %rem3A_50, %lt3A : i32
      %lt3A_54 = arith.constant 0 : i32
      %lt3A_55 = arith.cmpi slt, %select_n3A_49, %lt3A_54 : i32
      %ne3A_56 = arith.xori %lt3A_53, %lt3A_55 : i1
      %and3A_57 = arith.andi %ne3A_56, %ne3A_52 : i1
      %add3A_58 = arith.addi %rem3A_50, %select_n3A_49 : i32
      %select_n3A_59 = arith.select %and3A_57, %add3A_58, %rem3A_50 : i32
      %mul3A_60 = arith.constant 16 : i32
      %mul3A_61 = arith.muli %select_n3A_59, %mul3A_60 : i32
      %swap3A = arith.index_cast %select_n3A : i32 to index
      %swap3A_62 = arith.index_cast %mul3A_61 : i32 to index
      %swap3A_63 = tpu.vector_load %arg8[%swap3A, %swap3A_62] {strides = array<i32>} : memref<128x128xf32, #tpu.memory_space<vmem>>, vector<1x16xf32>,
      %swap3A_64 = vector.shape_cast %swap3A_63 : vector<1x16xf32> to vector<16xf32>
      %swap3A_65 = vector.shape_cast %broadcast_in_dim3A_29 : vector<16xf32> to vector<1x16xf32>
      tpu.vector_store %arg8[%swap3A, %swap3A_62], %swap3A_65 {strides = array<i32>} : memref<128x128xf32, #tpu.memory_space<vmem>>, vector<1x16xf32>,
    }
    %scan3A_5 = arith.constant 1024 : i32
    %mul3A_6 = arith.constant 640 : i32
    %mul3A_7 = arith.muli %arg1, %mul3A_6 : i32
    %add3A_8 = arith.constant 0 : i32
    %add3A_9 = arith.addi %mul3A_7, %add3A_8 : i32
    "tpu.region"() ({
      %run_scoped3A = tpu.sem_alloc : memref<!tpu.dma_semaphore, #tpu.memory_space<semaphore_mem>>
      %dma_start3A = arith.constant 0 : i32
      %dma_start3A_28 = tpu.memref_slice %arg10[%add3A_9, %dma_start3A] : memref<10240x128xf32, #tpu.memory_space<vmem_shared>> -> memref<128x128xf32, #tpu.memory_space<vmem_shared>>
      %dma_start3A_29 = arith.constant 0 : i32
      %dma_start3A_30 = tpu.memref_slice %arg10[%add3A_9, %dma_start3A_29] : memref<10240x128xf32, #tpu.memory_space<vmem_shared>> -> memref<128x128xf32, #tpu.memory_space<vmem_shared>>
      tpu.enqueue_dma source(%arg8 : memref<128x128xf32, #tpu.memory_space<vmem>>) target(%dma_start3A_30 : memref<128x128xf32, #tpu.memory_space<vmem_shared>>) target_semaphore(%run_scoped3A : memref<!tpu.dma_semaphore, #tpu.memory_space<semaphore_mem>>)
      %dma_wait3A = arith.constant 0 : i32
      %dma_wait3A_31 = tpu.memref_slice %arg10[%add3A_9, %dma_wait3A] : memref<10240x128xf32, #tpu.memory_space<vmem_shared>> -> memref<128x128xf32, #tpu.memory_space<vmem_shared>>
      %dma_wait3A_32 = arith.constant 0 : i32
      %dma_wait3A_33 = tpu.memref_slice %arg10[%add3A_9, %dma_wait3A_32] : memref<10240x128xf32, #tpu.memory_space<vmem_shared>> -> memref<128x128xf32, #tpu.memory_space<vmem_shared>>
      tpu.wait_dma2 semaphore(%run_scoped3A : memref<!tpu.dma_semaphore, #tpu.memory_space<semaphore_mem>>) src(%arg8 : memref<128x128xf32, #tpu.memory_space<vmem>>) dst(%dma_wait3A_33 : memref<128x128xf32, #tpu.memory_space<vmem_shared>>)
      tpu.yield
    }) : () -> ()
    %add3A_10 = arith.constant 128 : i32
    %add3A_11 = arith.addi %mul3A_7, %add3A_10 : i32
    "tpu.region"() ({
      %run_scoped3A = tpu.sem_alloc : memref<!tpu.dma_semaphore, #tpu.memory_space<semaphore_mem>>
      %dma_start3A = arith.constant 0 : i32
      %dma_start3A_28 = tpu.memref_slice %arg10[%add3A_11, %dma_start3A] : memref<10240x128xf32, #tpu.memory_space<vmem_shared>> -> memref<128x128xf32, #tpu.memory_space<vmem_shared>>
      %dma_start3A_29 = arith.constant 0 : i32
      %dma_start3A_30 = tpu.memref_slice %arg10[%add3A_11, %dma_start3A_29] : memref<10240x128xf32, #tpu.memory_space<vmem_shared>> -> memref<128x128xf32, #tpu.memory_space<vmem_shared>>
      tpu.enqueue_dma source(%arg8 : memref<128x128xf32, #tpu.memory_space<vmem>>) target(%dma_start3A_30 : memref<128x128xf32, #tpu.memory_space<vmem_shared>>) target_semaphore(%run_scoped3A : memref<!tpu.dma_semaphore, #tpu.memory_space<semaphore_mem>>)
      %dma_wait3A = arith.constant 0 : i32
      %dma_wait3A_31 = tpu.memref_slice %arg10[%add3A_11, %dma_wait3A] : memref<10240x128xf32, #tpu.memory_space<vmem_shared>> -> memref<128x128xf32, #tpu.memory_space<vmem_shared>>
      %dma_wait3A_32 = arith.constant 0 : i32
      %dma_wait3A_33 = tpu.memref_slice %arg10[%add3A_11, %dma_wait3A_32] : memref<10240x128xf32, #tpu.memory_space<vmem_shared>> -> memref<128x128xf32, #tpu.memory_space<vmem_shared>>
      tpu.wait_dma2 semaphore(%run_scoped3A : memref<!tpu.dma_semaphore, #tpu.memory_space<semaphore_mem>>) src(%arg8 : memref<128x128xf32, #tpu.memory_space<vmem>>) dst(%dma_wait3A_33 : memref<128x128xf32, #tpu.memory_space<vmem_shared>>)
      tpu.yield
    }) : () -> ()
    %add3A_12 = arith.constant 256 : i32
    %add3A_13 = arith.addi %mul3A_7, %add3A_12 : i32
    "tpu.region"() ({
      %run_scoped3A = tpu.sem_alloc : memref<!tpu.dma_semaphore, #tpu.memory_space<semaphore_mem>>
      %dma_start3A = arith.constant 0 : i32
      %dma_start3A_28 = tpu.memref_slice %arg10[%add3A_13, %dma_start3A] : memref<10240x128xf32, #tpu.memory_space<vmem_shared>> -> memref<128x128xf32, #tpu.memory_space<vmem_shared>>
      %dma_start3A_29 = arith.constant 0 : i32
      %dma_start3A_30 = tpu.memref_slice %arg10[%add3A_13, %dma_start3A_29] : memref<10240x128xf32, #tpu.memory_space<vmem_shared>> -> memref<128x128xf32, #tpu.memory_space<vmem_shared>>
      tpu.enqueue_dma source(%arg8 : memref<128x128xf32, #tpu.memory_space<vmem>>) target(%dma_start3A_30 : memref<128x128xf32, #tpu.memory_space<vmem_shared>>) target_semaphore(%run_scoped3A : memref<!tpu.dma_semaphore, #tpu.memory_space<semaphore_mem>>)
      %dma_wait3A = arith.constant 0 : i32
      %dma_wait3A_31 = tpu.memref_slice %arg10[%add3A_13, %dma_wait3A] : memref<10240x128xf32, #tpu.memory_space<vmem_shared>> -> memref<128x128xf32, #tpu.memory_space<vmem_shared>>
      %dma_wait3A_32 = arith.constant 0 : i32
      %dma_wait3A_33 = tpu.memref_slice %arg10[%add3A_13, %dma_wait3A_32] : memref<10240x128xf32, #tpu.memory_space<vmem_shared>> -> memref<128x128xf32, #tpu.memory_space<vmem_shared>>
      tpu.wait_dma2 semaphore(%run_scoped3A : memref<!tpu.dma_semaphore, #tpu.memory_space<semaphore_mem>>) src(%arg8 : memref<128x128xf32, #tpu.memory_space<vmem>>) dst(%dma_wait3A_33 : memref<128x128xf32, #tpu.memory_space<vmem_shared>>)
      tpu.yield
    }) : () -> ()
    %add3A_14 = arith.constant 384 : i32
    %add3A_15 = arith.addi %mul3A_7, %add3A_14 : i32
    "tpu.region"() ({
      %run_scoped3A = tpu.sem_alloc : memref<!tpu.dma_semaphore, #tpu.memory_space<semaphore_mem>>
      %dma_start3A = arith.constant 0 : i32
      %dma_start3A_28 = tpu.memref_slice %arg10[%add3A_15, %dma_start3A] : memref<10240x128xf32, #tpu.memory_space<vmem_shared>> -> memref<128x128xf32, #tpu.memory_space<vmem_shared>>
      %dma_start3A_29 = arith.constant 0 : i32
      %dma_start3A_30 = tpu.memref_slice %arg10[%add3A_15, %dma_start3A_29] : memref<10240x128xf32, #tpu.memory_space<vmem_shared>> -> memref<128x128xf32, #tpu.memory_space<vmem_shared>>
      tpu.enqueue_dma source(%arg8 : memref<128x128xf32, #tpu.memory_space<vmem>>) target(%dma_start3A_30 : memref<128x128xf32, #tpu.memory_space<vmem_shared>>) target_semaphore(%run_scoped3A : memref<!tpu.dma_semaphore, #tpu.memory_space<semaphore_mem>>)
      %dma_wait3A = arith.constant 0 : i32
      %dma_wait3A_31 = tpu.memref_slice %arg10[%add3A_15, %dma_wait3A] : memref<10240x128xf32, #tpu.memory_space<vmem_shared>> -> memref<128x128xf32, #tpu.memory_space<vmem_shared>>
      %dma_wait3A_32 = arith.constant 0 : i32
      %dma_wait3A_33 = tpu.memref_slice %arg10[%add3A_15, %dma_wait3A_32] : memref<10240x128xf32, #tpu.memory_space<vmem_shared>> -> memref<128x128xf32, #tpu.memory_space<vmem_shared>>
      tpu.wait_dma2 semaphore(%run_scoped3A : memref<!tpu.dma_semaphore, #tpu.memory_space<semaphore_mem>>) src(%arg8 : memref<128x128xf32, #tpu.memory_space<vmem>>) dst(%dma_wait3A_33 : memref<128x128xf32, #tpu.memory_space<vmem_shared>>)
      tpu.yield
    }) : () -> ()
    %add3A_16 = arith.constant 512 : i32
    %add3A_17 = arith.addi %mul3A_7, %add3A_16 : i32
    "tpu.region"() ({
      %run_scoped3A = tpu.sem_alloc : memref<!tpu.dma_semaphore, #tpu.memory_space<semaphore_mem>>
      %dma_start3A = arith.constant 0 : i32
      %dma_start3A_28 = tpu.memref_slice %arg10[%add3A_17, %dma_start3A] : memref<10240x128xf32, #tpu.memory_space<vmem_shared>> -> memref<128x128xf32, #tpu.memory_space<vmem_shared>>
      %dma_start3A_29 = arith.constant 0 : i32
      %dma_start3A_30 = tpu.memref_slice %arg10[%add3A_17, %dma_start3A_29] : memref<10240x128xf32, #tpu.memory_space<vmem_shared>> -> memref<128x128xf32, #tpu.memory_space<vmem_shared>>
      tpu.enqueue_dma source(%arg8 : memref<128x128xf32, #tpu.memory_space<vmem>>) target(%dma_start3A_30 : memref<128x128xf32, #tpu.memory_space<vmem_shared>>) target_semaphore(%run_scoped3A : memref<!tpu.dma_semaphore, #tpu.memory_space<semaphore_mem>>)
      %dma_wait3A = arith.constant 0 : i32
      %dma_wait3A_31 = tpu.memref_slice %arg10[%add3A_17, %dma_wait3A] : memref<10240x128xf32, #tpu.memory_space<vmem_shared>> -> memref<128x128xf32, #tpu.memory_space<vmem_shared>>
      %dma_wait3A_32 = arith.constant 0 : i32
      %dma_wait3A_33 = tpu.memref_slice %arg10[%add3A_17, %dma_wait3A_32] : memref<10240x128xf32, #tpu.memory_space<vmem_shared>> -> memref<128x128xf32, #tpu.memory_space<vmem_shared>>
      tpu.wait_dma2 semaphore(%run_scoped3A : memref<!tpu.dma_semaphore, #tpu.memory_space<semaphore_mem>>) src(%arg8 : memref<128x128xf32, #tpu.memory_space<vmem>>) dst(%dma_wait3A_33 : memref<128x128xf32, #tpu.memory_space<vmem_shared>>)
      tpu.yield
    }) : () -> ()
    %barrier3A = arith.constant 0 : index
    tpu.barrier barrier_id(%barrier3A)
    %scan3A_18 = arith.constant 0 : i32
    %scan3A_19 = arith.constant 0 : i32
    %scan3A_20 = arith.constant 10 : i32
    %scan3A_21 = arith.addi %scan3A_19, %scan3A_20 : i32
    %scan3A_22 = arith.constant 1 : i32
    scf.for %scan3A_28 = %scan3A_19 to %scan3A_21 step %scan3A_22  : i32 {
      %mul3A_29 = arith.constant 32 : i32
      %mul3A_30 = arith.muli %scan3A_28, %mul3A_29 : i32
      %add3A_31 = arith.addi %add3A, %mul3A_30 : i32
      %mul3A_32 = arith.constant 8 : i32
      %mul3A_33 = arith.muli %add3A_31, %mul3A_32 : i32
      "tpu.region"() ({
        %run_scoped3A = tpu.sem_alloc : memref<!tpu.dma_semaphore, #tpu.memory_space<semaphore_mem>>
        %dma_start3A_256 = arith.constant 0 : i32
        %dma_start3A_257 = tpu.memref_slice %arg3[%mul3A_33, %dma_start3A_256] : memref<2560x128xi32, #tpu.memory_space<hbm>> -> memref<8x128xi32, #tpu.memory_space<hbm>>
        %dma_start3A_258 = arith.constant 0 : i32
        %dma_start3A_259 = tpu.memref_slice %arg3[%mul3A_33, %dma_start3A_258] : memref<2560x128xi32, #tpu.memory_space<hbm>> -> memref<8x128xi32, #tpu.memory_space<hbm>>
        tpu.enqueue_dma source(%dma_start3A_259 : memref<8x128xi32, #tpu.memory_space<hbm>>) target(%arg6 : memref<8x128xi32, #tpu.memory_space<vmem>>) target_semaphore(%run_scoped3A : memref<!tpu.dma_semaphore, #tpu.memory_space<semaphore_mem>>)
        %dma_wait3A_260 = arith.constant 0 : i32
        %dma_wait3A_261 = tpu.memref_slice %arg3[%mul3A_33, %dma_wait3A_260] : memref<2560x128xi32, #tpu.memory_space<hbm>> -> memref<8x128xi32, #tpu.memory_space<hbm>>
        %dma_wait3A_262 = arith.constant 0 : i32
        %dma_wait3A_263 = tpu.memref_slice %arg3[%mul3A_33, %dma_wait3A_262] : memref<2560x128xi32, #tpu.memory_space<hbm>> -> memref<8x128xi32, #tpu.memory_space<hbm>>
        tpu.wait_dma2 semaphore(%run_scoped3A : memref<!tpu.dma_semaphore, #tpu.memory_space<semaphore_mem>>) src(%dma_wait3A_263 : memref<8x128xi32, #tpu.memory_space<hbm>>) dst(%arg6 : memref<8x128xi32, #tpu.memory_space<vmem>>)
        tpu.yield
      }) : () -> ()
      "tpu.region"() ({
        %run_scoped3A = tpu.sem_alloc : memref<!tpu.dma_semaphore, #tpu.memory_space<semaphore_mem>>
        %dma_start3A_256 = arith.constant 0 : i32
        %dma_start3A_257 = tpu.memref_slice %arg4[%mul3A_33, %dma_start3A_256] : memref<2560x128xi32, #tpu.memory_space<hbm>> -> memref<8x128xi32, #tpu.memory_space<hbm>>
        %dma_start3A_258 = arith.constant 0 : i32
        %dma_start3A_259 = tpu.memref_slice %arg4[%mul3A_33, %dma_start3A_258] : memref<2560x128xi32, #tpu.memory_space<hbm>> -> memref<8x128xi32, #tpu.memory_space<hbm>>
        tpu.enqueue_dma source(%dma_start3A_259 : memref<8x128xi32, #tpu.memory_space<hbm>>) target(%arg7 : memref<8x128xi32, #tpu.memory_space<vmem>>) target_semaphore(%run_scoped3A : memref<!tpu.dma_semaphore, #tpu.memory_space<semaphore_mem>>)
        %dma_wait3A_260 = arith.constant 0 : i32
        %dma_wait3A_261 = tpu.memref_slice %arg4[%mul3A_33, %dma_wait3A_260] : memref<2560x128xi32, #tpu.memory_space<hbm>> -> memref<8x128xi32, #tpu.memory_space<hbm>>
        %dma_wait3A_262 = arith.constant 0 : i32
        %dma_wait3A_263 = tpu.memref_slice %arg4[%mul3A_33, %dma_wait3A_262] : memref<2560x128xi32, #tpu.memory_space<hbm>> -> memref<8x128xi32, #tpu.memory_space<hbm>>
        tpu.wait_dma2 semaphore(%run_scoped3A : memref<!tpu.dma_semaphore, #tpu.memory_space<semaphore_mem>>) src(%dma_wait3A_263 : memref<8x128xi32, #tpu.memory_space<hbm>>) dst(%arg7 : memref<8x128xi32, #tpu.memory_space<vmem>>)
        tpu.yield
      }) : () -> ()
      %dma_start3A = arith.constant 0 : i32
      %dma_start3A_34 = arith.constant 0 : i32
      %dma_start3A_35 = tpu.memref_slice %arg6[%dma_start3A, %dma_start3A_34] : memref<8x128xi32, #tpu.memory_space<vmem>> -> memref<1x128xi32, #tpu.memory_space<vmem>>
      %dma_start3A_36 = tpu.memref_squeeze %dma_start3A_35 : memref<1x128xi32, #tpu.memory_space<vmem>> -> memref<128xi32, #tpu.memory_space<vmem>>
      %dma_start3A_37 = arith.constant 0 : i32
      %dma_start3A_38 = arith.constant 0 : i32
      %dma_start3A_39 = tpu.memref_slice %arg2[%dma_start3A_37, %dma_start3A_38] : memref<10240x128xf32, #tpu.memory_space<hbm>> -> memref<10240x128xf32, #tpu.memory_space<hbm>>
      tpu.enqueue_indirect_dma source(%dma_start3A_39 : memref<10240x128xf32, #tpu.memory_space<hbm>>) target(%arg8 : memref<128x128xf32, #tpu.memory_space<vmem>>) offsets(%dma_start3A_36 : memref<128xi32, #tpu.memory_space<vmem>>) semaphore(%arg11 : memref<!tpu.dma_semaphore, #tpu.memory_space<semaphore_mem>>)
      %dma_start3A_40 = arith.constant 1 : i32
      %dma_start3A_41 = arith.constant 0 : i32
      %dma_start3A_42 = tpu.memref_slice %arg6[%dma_start3A_40, %dma_start3A_41] : memref<8x128xi32, #tpu.memory_space<vmem>> -> memref<1x128xi32, #tpu.memory_space<vmem>>
      %dma_start3A_43 = tpu.memref_squeeze %dma_start3A_42 : memref<1x128xi32, #tpu.memory_space<vmem>> -> memref<128xi32, #tpu.memory_space<vmem>>
      %dma_start3A_44 = arith.constant 0 : i32
      %dma_start3A_45 = arith.constant 0 : i32
      %dma_start3A_46 = tpu.memref_slice %arg2[%dma_start3A_44, %dma_start3A_45] : memref<10240x128xf32, #tpu.memory_space<hbm>> -> memref<10240x128xf32, #tpu.memory_space<hbm>>
      tpu.enqueue_indirect_dma source(%dma_start3A_46 : memref<10240x128xf32, #tpu.memory_space<hbm>>) target(%arg9 : memref<128x128xf32, #tpu.memory_space<vmem>>) offsets(%dma_start3A_43 : memref<128xi32, #tpu.memory_space<vmem>>) semaphore(%arg12 : memref<!tpu.dma_semaphore, #tpu.memory_space<semaphore_mem>>)
      %dma_wait3A = arith.constant 0 : i32
      %dma_wait3A_47 = arith.constant 0 : i32
      %dma_wait3A_48 = tpu.memref_slice %arg6[%dma_wait3A, %dma_wait3A_47] : memref<8x128xi32, #tpu.memory_space<vmem>> -> memref<1x128xi32, #tpu.memory_space<vmem>>
      %dma_wait3A_49 = tpu.memref_squeeze %dma_wait3A_48 : memref<1x128xi32, #tpu.memory_space<vmem>> -> memref<128xi32, #tpu.memory_space<vmem>>
      %dma_wait3A_50 = arith.constant 0 : i32
      %dma_wait3A_51 = arith.constant 0 : i32
      %dma_wait3A_52 = tpu.memref_slice %arg2[%dma_wait3A_50, %dma_wait3A_51] : memref<10240x128xf32, #tpu.memory_space<hbm>> -> memref<10240x128xf32, #tpu.memory_space<hbm>>
      tpu.wait_indirect_dma semaphore(%arg11 : memref<!tpu.dma_semaphore, #tpu.memory_space<semaphore_mem>>) src(%dma_wait3A_52 : memref<10240x128xf32, #tpu.memory_space<hbm>>) dst(%arg8 : memref<128x128xf32, #tpu.memory_space<vmem>>)
      %dma_start3A_53 = arith.constant 0 : i32
      %dma_start3A_54 = arith.constant 0 : i32
      %dma_start3A_55 = tpu.memref_slice %arg7[%dma_start3A_53, %dma_start3A_54] : memref<8x128xi32, #tpu.memory_space<vmem>> -> memref<1x128xi32, #tpu.memory_space<vmem>>
      %dma_start3A_56 = tpu.memref_squeeze %dma_start3A_55 : memref<1x128xi32, #tpu.memory_space<vmem>> -> memref<128xi32, #tpu.memory_space<vmem>>
      %dma_start3A_57 = arith.constant 0 : i32
      %dma_start3A_58 = arith.constant 0 : i32
      %dma_start3A_59 = tpu.memref_slice %arg10[%dma_start3A_57, %dma_start3A_58] : memref<10240x128xf32, #tpu.memory_space<vmem_shared>> -> memref<10240x128xf32, #tpu.memory_space<vmem_shared>>
      tpu.enqueue_indirect_dma source(%arg8 : memref<128x128xf32, #tpu.memory_space<vmem>>) target(%dma_start3A_59 : memref<10240x128xf32, #tpu.memory_space<vmem_shared>>) offsets(%dma_start3A_56 : memref<128xi32, #tpu.memory_space<vmem>>) semaphore(%arg13 : memref<!tpu.dma_semaphore, #tpu.memory_space<semaphore_mem>>) {add = true}
      %dma_wait3A_60 = arith.constant 0 : i32
      %dma_wait3A_61 = arith.constant 0 : i32
      %dma_wait3A_62 = tpu.memref_slice %arg7[%dma_wait3A_60, %dma_wait3A_61] : memref<8x128xi32, #tpu.memory_space<vmem>> -> memref<1x128xi32, #tpu.memory_space<vmem>>
      %dma_wait3A_63 = tpu.memref_squeeze %dma_wait3A_62 : memref<1x128xi32, #tpu.memory_space<vmem>> -> memref<128xi32, #tpu.memory_space<vmem>>
      %dma_wait3A_64 = arith.constant 0 : i32
      %dma_wait3A_65 = arith.constant 0 : i32
      %dma_wait3A_66 = tpu.memref_slice %arg10[%dma_wait3A_64, %dma_wait3A_65] : memref<10240x128xf32, #tpu.memory_space<vmem_shared>> -> memref<10240x128xf32, #tpu.memory_space<vmem_shared>>
      tpu.wait_indirect_dma semaphore(%arg13 : memref<!tpu.dma_semaphore, #tpu.memory_space<semaphore_mem>>) src(%arg8 : memref<128x128xf32, #tpu.memory_space<vmem>>) dst(%dma_wait3A_66 : memref<10240x128xf32, #tpu.memory_space<vmem_shared>>)
      %dma_start3A_67 = arith.constant 2 : i32
      %dma_start3A_68 = arith.constant 0 : i32
      %dma_start3A_69 = tpu.memref_slice %arg6[%dma_start3A_67, %dma_start3A_68] : memref<8x128xi32, #tpu.memory_space<vmem>> -> memref<1x128xi32, #tpu.memory_space<vmem>>
      %dma_start3A_70 = tpu.memref_squeeze %dma_start3A_69 : memref<1x128xi32, #tpu.memory_space<vmem>> -> memref<128xi32, #tpu.memory_space<vmem>>
      %dma_start3A_71 = arith.constant 0 : i32
      %dma_start3A_72 = arith.constant 0 : i32
      %dma_start3A_73 = tpu.memref_slice %arg2[%dma_start3A_71, %dma_start3A_72] : memref<10240x128xf32, #tpu.memory_space<hbm>> -> memref<10240x128xf32, #tpu.memory_space<hbm>>
      tpu.enqueue_indirect_dma source(%dma_start3A_73 : memref<10240x128xf32, #tpu.memory_space<hbm>>) target(%arg8 : memref<128x128xf32, #tpu.memory_space<vmem>>) offsets(%dma_start3A_70 : memref<128xi32, #tpu.memory_space<vmem>>) semaphore(%arg11 : memref<!tpu.dma_semaphore, #tpu.memory_space<semaphore_mem>>)
      %dma_wait3A_74 = arith.constant 1 : i32
      %dma_wait3A_75 = arith.constant 0 : i32
      %dma_wait3A_76 = tpu.memref_slice %arg6[%dma_wait3A_74, %dma_wait3A_75] : memref<8x128xi32, #tpu.memory_space<vmem>> -> memref<1x128xi32, #tpu.memory_space<vmem>>
      %dma_wait3A_77 = tpu.memref_squeeze %dma_wait3A_76 : memref<1x128xi32, #tpu.memory_space<vmem>> -> memref<128xi32, #tpu.memory_space<vmem>>
      %dma_wait3A_78 = arith.constant 0 : i32
      %dma_wait3A_79 = arith.constant 0 : i32
      %dma_wait3A_80 = tpu.memref_slice %arg2[%dma_wait3A_78, %dma_wait3A_79] : memref<10240x128xf32, #tpu.memory_space<hbm>> -> memref<10240x128xf32, #tpu.memory_space<hbm>>
      tpu.wait_indirect_dma semaphore(%arg12 : memref<!tpu.dma_semaphore, #tpu.memory_space<semaphore_mem>>) src(%dma_wait3A_80 : memref<10240x128xf32, #tpu.memory_space<hbm>>) dst(%arg9 : memref<128x128xf32, #tpu.memory_space<vmem>>)
      %dma_start3A_81 = arith.constant 1 : i32
      %dma_start3A_82 = arith.constant 0 : i32
      %dma_start3A_83 = tpu.memref_slice %arg7[%dma_start3A_81, %dma_start3A_82] : memref<8x128xi32, #tpu.memory_space<vmem>> -> memref<1x128xi32, #tpu.memory_space<vmem>>
      %dma_start3A_84 = tpu.memref_squeeze %dma_start3A_83 : memref<1x128xi32, #tpu.memory_space<vmem>> -> memref<128xi32, #tpu.memory_space<vmem>>
      %dma_start3A_85 = arith.constant 0 : i32
      %dma_start3A_86 = arith.constant 0 : i32
      %dma_start3A_87 = tpu.memref_slice %arg10[%dma_start3A_85, %dma_start3A_86] : memref<10240x128xf32, #tpu.memory_space<vmem_shared>> -> memref<10240x128xf32, #tpu.memory_space<vmem_shared>>
      tpu.enqueue_indirect_dma source(%arg9 : memref<128x128xf32, #tpu.memory_space<vmem>>) target(%dma_start3A_87 : memref<10240x128xf32, #tpu.memory_space<vmem_shared>>) offsets(%dma_start3A_84 : memref<128xi32, #tpu.memory_space<vmem>>) semaphore(%arg14 : memref<!tpu.dma_semaphore, #tpu.memory_space<semaphore_mem>>) {add = true}
      %dma_wait3A_88 = arith.constant 1 : i32
      %dma_wait3A_89 = arith.constant 0 : i32
      %dma_wait3A_90 = tpu.memref_slice %arg7[%dma_wait3A_88, %dma_wait3A_89] : memref<8x128xi32, #tpu.memory_space<vmem>> -> memref<1x128xi32, #tpu.memory_space<vmem>>
      %dma_wait3A_91 = tpu.memref_squeeze %dma_wait3A_90 : memref<1x128xi32, #tpu.memory_space<vmem>> -> memref<128xi32, #tpu.memory_space<vmem>>
      %dma_wait3A_92 = arith.constant 0 : i32
      %dma_wait3A_93 = arith.constant 0 : i32
      %dma_wait3A_94 = tpu.memref_slice %arg10[%dma_wait3A_92, %dma_wait3A_93] : memref<10240x128xf32, #tpu.memory_space<vmem_shared>> -> memref<10240x128xf32, #tpu.memory_space<vmem_shared>>
      tpu.wait_indirect_dma semaphore(%arg14 : memref<!tpu.dma_semaphore, #tpu.memory_space<semaphore_mem>>) src(%arg9 : memref<128x128xf32, #tpu.memory_space<vmem>>) dst(%dma_wait3A_94 : memref<10240x128xf32, #tpu.memory_space<vmem_shared>>)
      %dma_start3A_95 = arith.constant 3 : i32
      %dma_start3A_96 = arith.constant 0 : i32
      %dma_start3A_97 = tpu.memref_slice %arg6[%dma_start3A_95, %dma_start3A_96] : memref<8x128xi32, #tpu.memory_space<vmem>> -> memref<1x128xi32, #tpu.memory_space<vmem>>
      %dma_start3A_98 = tpu.memref_squeeze %dma_start3A_97 : memref<1x128xi32, #tpu.memory_space<vmem>> -> memref<128xi32, #tpu.memory_space<vmem>>
      %dma_start3A_99 = arith.constant 0 : i32
      %dma_start3A_100 = arith.constant 0 : i32
      %dma_start3A_101 = tpu.memref_slice %arg2[%dma_start3A_99, %dma_start3A_100] : memref<10240x128xf32, #tpu.memory_space<hbm>> -> memref<10240x128xf32, #tpu.memory_space<hbm>>
      tpu.enqueue_indirect_dma source(%dma_start3A_101 : memref<10240x128xf32, #tpu.memory_space<hbm>>) target(%arg9 : memref<128x128xf32, #tpu.memory_space<vmem>>) offsets(%dma_start3A_98 : memref<128xi32, #tpu.memory_space<vmem>>) semaphore(%arg12 : memref<!tpu.dma_semaphore, #tpu.memory_space<semaphore_mem>>)
      %dma_wait3A_102 = arith.constant 2 : i32
      %dma_wait3A_103 = arith.constant 0 : i32
      %dma_wait3A_104 = tpu.memref_slice %arg6[%dma_wait3A_102, %dma_wait3A_103] : memref<8x128xi32, #tpu.memory_space<vmem>> -> memref<1x128xi32, #tpu.memory_space<vmem>>
      %dma_wait3A_105 = tpu.memref_squeeze %dma_wait3A_104 : memref<1x128xi32, #tpu.memory_space<vmem>> -> memref<128xi32, #tpu.memory_space<vmem>>
      %dma_wait3A_106 = arith.constant 0 : i32
      %dma_wait3A_107 = arith.constant 0 : i32
      %dma_wait3A_108 = tpu.memref_slice %arg2[%dma_wait3A_106, %dma_wait3A_107] : memref<10240x128xf32, #tpu.memory_space<hbm>> -> memref<10240x128xf32, #tpu.memory_space<hbm>>
      tpu.wait_indirect_dma semaphore(%arg11 : memref<!tpu.dma_semaphore, #tpu.memory_space<semaphore_mem>>) src(%dma_wait3A_108 : memref<10240x128xf32, #tpu.memory_space<hbm>>) dst(%arg8 : memref<128x128xf32, #tpu.memory_space<vmem>>)
      %dma_start3A_109 = arith.constant 2 : i32
      %dma_start3A_110 = arith.constant 0 : i32
      %dma_start3A_111 = tpu.memref_slice %arg7[%dma_start3A_109, %dma_start3A_110] : memref<8x128xi32, #tpu.memory_space<vmem>> -> memref<1x128xi32, #tpu.memory_space<vmem>>
      %dma_start3A_112 = tpu.memref_squeeze %dma_start3A_111 : memref<1x128xi32, #tpu.memory_space<vmem>> -> memref<128xi32, #tpu.memory_space<vmem>>
      %dma_start3A_113 = arith.constant 0 : i32
      %dma_start3A_114 = arith.constant 0 : i32
      %dma_start3A_115 = tpu.memref_slice %arg10[%dma_start3A_113, %dma_start3A_114] : memref<10240x128xf32, #tpu.memory_space<vmem_shared>> -> memref<10240x128xf32, #tpu.memory_space<vmem_shared>>
      tpu.enqueue_indirect_dma source(%arg8 : memref<128x128xf32, #tpu.memory_space<vmem>>) target(%dma_start3A_115 : memref<10240x128xf32, #tpu.memory_space<vmem_shared>>) offsets(%dma_start3A_112 : memref<128xi32, #tpu.memory_space<vmem>>) semaphore(%arg13 : memref<!tpu.dma_semaphore, #tpu.memory_space<semaphore_mem>>) {add = true}
      %dma_wait3A_116 = arith.constant 2 : i32
      %dma_wait3A_117 = arith.constant 0 : i32
      %dma_wait3A_118 = tpu.memref_slice %arg7[%dma_wait3A_116, %dma_wait3A_117] : memref<8x128xi32, #tpu.memory_space<vmem>> -> memref<1x128xi32, #tpu.memory_space<vmem>>
      %dma_wait3A_119 = tpu.memref_squeeze %dma_wait3A_118 : memref<1x128xi32, #tpu.memory_space<vmem>> -> memref<128xi32, #tpu.memory_space<vmem>>
      %dma_wait3A_120 = arith.constant 0 : i32
      %dma_wait3A_121 = arith.constant 0 : i32
      %dma_wait3A_122 = tpu.memref_slice %arg10[%dma_wait3A_120, %dma_wait3A_121] : memref<10240x128xf32, #tpu.memory_space<vmem_shared>> -> memref<10240x128xf32, #tpu.memory_space<vmem_shared>>
      tpu.wait_indirect_dma semaphore(%arg13 : memref<!tpu.dma_semaphore, #tpu.memory_space<semaphore_mem>>) src(%arg8 : memref<128x128xf32, #tpu.memory_space<vmem>>) dst(%dma_wait3A_122 : memref<10240x128xf32, #tpu.memory_space<vmem_shared>>)
      %dma_start3A_123 = arith.constant 4 : i32
      %dma_start3A_124 = arith.constant 0 : i32
      %dma_start3A_125 = tpu.memref_slice %arg6[%dma_start3A_123, %dma_start3A_124] : memref<8x128xi32, #tpu.memory_space<vmem>> -> memref<1x128xi32, #tpu.memory_space<vmem>>
      %dma_start3A_126 = tpu.memref_squeeze %dma_start3A_125 : memref<1x128xi32, #tpu.memory_space<vmem>> -> memref<128xi32, #tpu.memory_space<vmem>>
      %dma_start3A_127 = arith.constant 0 : i32
      %dma_start3A_128 = arith.constant 0 : i32
      %dma_start3A_129 = tpu.memref_slice %arg2[%dma_start3A_127, %dma_start3A_128] : memref<10240x128xf32, #tpu.memory_space<hbm>> -> memref<10240x128xf32, #tpu.memory_space<hbm>>
      tpu.enqueue_indirect_dma source(%dma_start3A_129 : memref<10240x128xf32, #tpu.memory_space<hbm>>) target(%arg8 : memref<128x128xf32, #tpu.memory_space<vmem>>) offsets(%dma_start3A_126 : memref<128xi32, #tpu.memory_space<vmem>>) semaphore(%arg11 : memref<!tpu.dma_semaphore, #tpu.memory_space<semaphore_mem>>)
      %dma_wait3A_130 = arith.constant 3 : i32
      %dma_wait3A_131 = arith.constant 0 : i32
      %dma_wait3A_132 = tpu.memref_slice %arg6[%dma_wait3A_130, %dma_wait3A_131] : memref<8x128xi32, #tpu.memory_space<vmem>> -> memref<1x128xi32, #tpu.memory_space<vmem>>
      %dma_wait3A_133 = tpu.memref_squeeze %dma_wait3A_132 : memref<1x128xi32, #tpu.memory_space<vmem>> -> memref<128xi32, #tpu.memory_space<vmem>>
      %dma_wait3A_134 = arith.constant 0 : i32
      %dma_wait3A_135 = arith.constant 0 : i32
      %dma_wait3A_136 = tpu.memref_slice %arg2[%dma_wait3A_134, %dma_wait3A_135] : memref<10240x128xf32, #tpu.memory_space<hbm>> -> memref<10240x128xf32, #tpu.memory_space<hbm>>
      tpu.wait_indirect_dma semaphore(%arg12 : memref<!tpu.dma_semaphore, #tpu.memory_space<semaphore_mem>>) src(%dma_wait3A_136 : memref<10240x128xf32, #tpu.memory_space<hbm>>) dst(%arg9 : memref<128x128xf32, #tpu.memory_space<vmem>>)
      %dma_start3A_137 = arith.constant 3 : i32
      %dma_start3A_138 = arith.constant 0 : i32
      %dma_start3A_139 = tpu.memref_slice %arg7[%dma_start3A_137, %dma_start3A_138] : memref<8x128xi32, #tpu.memory_space<vmem>> -> memref<1x128xi32, #tpu.memory_space<vmem>>
      %dma_start3A_140 = tpu.memref_squeeze %dma_start3A_139 : memref<1x128xi32, #tpu.memory_space<vmem>> -> memref<128xi32, #tpu.memory_space<vmem>>
      %dma_start3A_141 = arith.constant 0 : i32
      %dma_start3A_142 = arith.constant 0 : i32
      %dma_start3A_143 = tpu.memref_slice %arg10[%dma_start3A_141, %dma_start3A_142] : memref<10240x128xf32, #tpu.memory_space<vmem_shared>> -> memref<10240x128xf32, #tpu.memory_space<vmem_shared>>
      tpu.enqueue_indirect_dma source(%arg9 : memref<128x128xf32, #tpu.memory_space<vmem>>) target(%dma_start3A_143 : memref<10240x128xf32, #tpu.memory_space<vmem_shared>>) offsets(%dma_start3A_140 : memref<128xi32, #tpu.memory_space<vmem>>) semaphore(%arg14 : memref<!tpu.dma_semaphore, #tpu.memory_space<semaphore_mem>>) {add = true}
      %dma_wait3A_144 = arith.constant 3 : i32
      %dma_wait3A_145 = arith.constant 0 : i32
      %dma_wait3A_146 = tpu.memref_slice %arg7[%dma_wait3A_144, %dma_wait3A_145] : memref<8x128xi32, #tpu.memory_space<vmem>> -> memref<1x128xi32, #tpu.memory_space<vmem>>
      %dma_wait3A_147 = tpu.memref_squeeze %dma_wait3A_146 : memref<1x128xi32, #tpu.memory_space<vmem>> -> memref<128xi32, #tpu.memory_space<vmem>>
      %dma_wait3A_148 = arith.constant 0 : i32
      %dma_wait3A_149 = arith.constant 0 : i32
      %dma_wait3A_150 = tpu.memref_slice %arg10[%dma_wait3A_148, %dma_wait3A_149] : memref<10240x128xf32, #tpu.memory_space<vmem_shared>> -> memref<10240x128xf32, #tpu.memory_space<vmem_shared>>
      tpu.wait_indirect_dma semaphore(%arg14 : memref<!tpu.dma_semaphore, #tpu.memory_space<semaphore_mem>>) src(%arg9 : memref<128x128xf32, #tpu.memory_space<vmem>>) dst(%dma_wait3A_150 : memref<10240x128xf32, #tpu.memory_space<vmem_shared>>)
      %dma_start3A_151 = arith.constant 5 : i32
      %dma_start3A_152 = arith.constant 0 : i32
      %dma_start3A_153 = tpu.memref_slice %arg6[%dma_start3A_151, %dma_start3A_152] : memref<8x128xi32, #tpu.memory_space<vmem>> -> memref<1x128xi32, #tpu.memory_space<vmem>>
      %dma_start3A_154 = tpu.memref_squeeze %dma_start3A_153 : memref<1x128xi32, #tpu.memory_space<vmem>> -> memref<128xi32, #tpu.memory_space<vmem>>
      %dma_start3A_155 = arith.constant 0 : i32
      %dma_start3A_156 = arith.constant 0 : i32
      %dma_start3A_157 = tpu.memref_slice %arg2[%dma_start3A_155, %dma_start3A_156] : memref<10240x128xf32, #tpu.memory_space<hbm>> -> memref<10240x128xf32, #tpu.memory_space<hbm>>
      tpu.enqueue_indirect_dma source(%dma_start3A_157 : memref<10240x128xf32, #tpu.memory_space<hbm>>) target(%arg9 : memref<128x128xf32, #tpu.memory_space<vmem>>) offsets(%dma_start3A_154 : memref<128xi32, #tpu.memory_space<vmem>>) semaphore(%arg12 : memref<!tpu.dma_semaphore, #tpu.memory_space<semaphore_mem>>)
      %dma_wait3A_158 = arith.constant 4 : i32
      %dma_wait3A_159 = arith.constant 0 : i32
      %dma_wait3A_160 = tpu.memref_slice %arg6[%dma_wait3A_158, %dma_wait3A_159] : memref<8x128xi32, #tpu.memory_space<vmem>> -> memref<1x128xi32, #tpu.memory_space<vmem>>
      %dma_wait3A_161 = tpu.memref_squeeze %dma_wait3A_160 : memref<1x128xi32, #tpu.memory_space<vmem>> -> memref<128xi32, #tpu.memory_space<vmem>>
      %dma_wait3A_162 = arith.constant 0 : i32
      %dma_wait3A_163 = arith.constant 0 : i32
      %dma_wait3A_164 = tpu.memref_slice %arg2[%dma_wait3A_162, %dma_wait3A_163] : memref<10240x128xf32, #tpu.memory_space<hbm>> -> memref<10240x128xf32, #tpu.memory_space<hbm>>
      tpu.wait_indirect_dma semaphore(%arg11 : memref<!tpu.dma_semaphore, #tpu.memory_space<semaphore_mem>>) src(%dma_wait3A_164 : memref<10240x128xf32, #tpu.memory_space<hbm>>) dst(%arg8 : memref<128x128xf32, #tpu.memory_space<vmem>>)
      %dma_start3A_165 = arith.constant 4 : i32
      %dma_start3A_166 = arith.constant 0 : i32
      %dma_start3A_167 = tpu.memref_slice %arg7[%dma_start3A_165, %dma_start3A_166] : memref<8x128xi32, #tpu.memory_space<vmem>> -> memref<1x128xi32, #tpu.memory_space<vmem>>
      %dma_start3A_168 = tpu.memref_squeeze %dma_start3A_167 : memref<1x128xi32, #tpu.memory_space<vmem>> -> memref<128xi32, #tpu.memory_space<vmem>>
      %dma_start3A_169 = arith.constant 0 : i32
      %dma_start3A_170 = arith.constant 0 : i32
      %dma_start3A_171 = tpu.memref_slice %arg10[%dma_start3A_169, %dma_start3A_170] : memref<10240x128xf32, #tpu.memory_space<vmem_shared>> -> memref<10240x128xf32, #tpu.memory_space<vmem_shared>>
      tpu.enqueue_indirect_dma source(%arg8 : memref<128x128xf32, #tpu.memory_space<vmem>>) target(%dma_start3A_171 : memref<10240x128xf32, #tpu.memory_space<vmem_shared>>) offsets(%dma_start3A_168 : memref<128xi32, #tpu.memory_space<vmem>>) semaphore(%arg13 : memref<!tpu.dma_semaphore, #tpu.memory_space<semaphore_mem>>) {add = true}
      %dma_wait3A_172 = arith.constant 4 : i32
      %dma_wait3A_173 = arith.constant 0 : i32
      %dma_wait3A_174 = tpu.memref_slice %arg7[%dma_wait3A_172, %dma_wait3A_173] : memref<8x128xi32, #tpu.memory_space<vmem>> -> memref<1x128xi32, #tpu.memory_space<vmem>>
      %dma_wait3A_175 = tpu.memref_squeeze %dma_wait3A_174 : memref<1x128xi32, #tpu.memory_space<vmem>> -> memref<128xi32, #tpu.memory_space<vmem>>
      %dma_wait3A_176 = arith.constant 0 : i32
      %dma_wait3A_177 = arith.constant 0 : i32
      %dma_wait3A_178 = tpu.memref_slice %arg10[%dma_wait3A_176, %dma_wait3A_177] : memref<10240x128xf32, #tpu.memory_space<vmem_shared>> -> memref<10240x128xf32, #tpu.memory_space<vmem_shared>>
      tpu.wait_indirect_dma semaphore(%arg13 : memref<!tpu.dma_semaphore, #tpu.memory_space<semaphore_mem>>) src(%arg8 : memref<128x128xf32, #tpu.memory_space<vmem>>) dst(%dma_wait3A_178 : memref<10240x128xf32, #tpu.memory_space<vmem_shared>>)
      %dma_start3A_179 = arith.constant 6 : i32
      %dma_start3A_180 = arith.constant 0 : i32
      %dma_start3A_181 = tpu.memref_slice %arg6[%dma_start3A_179, %dma_start3A_180] : memref<8x128xi32, #tpu.memory_space<vmem>> -> memref<1x128xi32, #tpu.memory_space<vmem>>
      %dma_start3A_182 = tpu.memref_squeeze %dma_start3A_181 : memref<1x128xi32, #tpu.memory_space<vmem>> -> memref<128xi32, #tpu.memory_space<vmem>>
      %dma_start3A_183 = arith.constant 0 : i32
      %dma_start3A_184 = arith.constant 0 : i32
      %dma_start3A_185 = tpu.memref_slice %arg2[%dma_start3A_183, %dma_start3A_184] : memref<10240x128xf32, #tpu.memory_space<hbm>> -> memref<10240x128xf32, #tpu.memory_space<hbm>>
      tpu.enqueue_indirect_dma source(%dma_start3A_185 : memref<10240x128xf32, #tpu.memory_space<hbm>>) target(%arg8 : memref<128x128xf32, #tpu.memory_space<vmem>>) offsets(%dma_start3A_182 : memref<128xi32, #tpu.memory_space<vmem>>) semaphore(%arg11 : memref<!tpu.dma_semaphore, #tpu.memory_space<semaphore_mem>>)
      %dma_wait3A_186 = arith.constant 5 : i32
      %dma_wait3A_187 = arith.constant 0 : i32
      %dma_wait3A_188 = tpu.memref_slice %arg6[%dma_wait3A_186, %dma_wait3A_187] : memref<8x128xi32, #tpu.memory_space<vmem>> -> memref<1x128xi32, #tpu.memory_space<vmem>>
      %dma_wait3A_189 = tpu.memref_squeeze %dma_wait3A_188 : memref<1x128xi32, #tpu.memory_space<vmem>> -> memref<128xi32, #tpu.memory_space<vmem>>
      %dma_wait3A_190 = arith.constant 0 : i32
      %dma_wait3A_191 = arith.constant 0 : i32
      %dma_wait3A_192 = tpu.memref_slice %arg2[%dma_wait3A_190, %dma_wait3A_191] : memref<10240x128xf32, #tpu.memory_space<hbm>> -> memref<10240x128xf32, #tpu.memory_space<hbm>>
      tpu.wait_indirect_dma semaphore(%arg12 : memref<!tpu.dma_semaphore, #tpu.memory_space<semaphore_mem>>) src(%dma_wait3A_192 : memref<10240x128xf32, #tpu.memory_space<hbm>>) dst(%arg9 : memref<128x128xf32, #tpu.memory_space<vmem>>)
      %dma_start3A_193 = arith.constant 5 : i32
      %dma_start3A_194 = arith.constant 0 : i32
      %dma_start3A_195 = tpu.memref_slice %arg7[%dma_start3A_193, %dma_start3A_194] : memref<8x128xi32, #tpu.memory_space<vmem>> -> memref<1x128xi32, #tpu.memory_space<vmem>>
      %dma_start3A_196 = tpu.memref_squeeze %dma_start3A_195 : memref<1x128xi32, #tpu.memory_space<vmem>> -> memref<128xi32, #tpu.memory_space<vmem>>
      %dma_start3A_197 = arith.constant 0 : i32
      %dma_start3A_198 = arith.constant 0 : i32
      %dma_start3A_199 = tpu.memref_slice %arg10[%dma_start3A_197, %dma_start3A_198] : memref<10240x128xf32, #tpu.memory_space<vmem_shared>> -> memref<10240x128xf32, #tpu.memory_space<vmem_shared>>
      tpu.enqueue_indirect_dma source(%arg9 : memref<128x128xf32, #tpu.memory_space<vmem>>) target(%dma_start3A_199 : memref<10240x128xf32, #tpu.memory_space<vmem_shared>>) offsets(%dma_start3A_196 : memref<128xi32, #tpu.memory_space<vmem>>) semaphore(%arg14 : memref<!tpu.dma_semaphore, #tpu.memory_space<semaphore_mem>>) {add = true}
      %dma_wait3A_200 = arith.constant 5 : i32
      %dma_wait3A_201 = arith.constant 0 : i32
      %dma_wait3A_202 = tpu.memref_slice %arg7[%dma_wait3A_200, %dma_wait3A_201] : memref<8x128xi32, #tpu.memory_space<vmem>> -> memref<1x128xi32, #tpu.memory_space<vmem>>
      %dma_wait3A_203 = tpu.memref_squeeze %dma_wait3A_202 : memref<1x128xi32, #tpu.memory_space<vmem>> -> memref<128xi32, #tpu.memory_space<vmem>>
      %dma_wait3A_204 = arith.constant 0 : i32
      %dma_wait3A_205 = arith.constant 0 : i32
      %dma_wait3A_206 = tpu.memref_slice %arg10[%dma_wait3A_204, %dma_wait3A_205] : memref<10240x128xf32, #tpu.memory_space<vmem_shared>> -> memref<10240x128xf32, #tpu.memory_space<vmem_shared>>
      tpu.wait_indirect_dma semaphore(%arg14 : memref<!tpu.dma_semaphore, #tpu.memory_space<semaphore_mem>>) src(%arg9 : memref<128x128xf32, #tpu.memory_space<vmem>>) dst(%dma_wait3A_206 : memref<10240x128xf32, #tpu.memory_space<vmem_shared>>)
      %dma_start3A_207 = arith.constant 7 : i32
      %dma_start3A_208 = arith.constant 0 : i32
      %dma_start3A_209 = tpu.memref_slice %arg6[%dma_start3A_207, %dma_start3A_208] : memref<8x128xi32, #tpu.memory_space<vmem>> -> memref<1x128xi32, #tpu.memory_space<vmem>>
      %dma_start3A_210 = tpu.memref_squeeze %dma_start3A_209 : memref<1x128xi32, #tpu.memory_space<vmem>> -> memref<128xi32, #tpu.memory_space<vmem>>
      %dma_start3A_211 = arith.constant 0 : i32
      %dma_start3A_212 = arith.constant 0 : i32
      %dma_start3A_213 = tpu.memref_slice %arg2[%dma_start3A_211, %dma_start3A_212] : memref<10240x128xf32, #tpu.memory_space<hbm>> -> memref<10240x128xf32, #tpu.memory_space<hbm>>
      tpu.enqueue_indirect_dma source(%dma_start3A_213 : memref<10240x128xf32, #tpu.memory_space<hbm>>) target(%arg9 : memref<128x128xf32, #tpu.memory_space<vmem>>) offsets(%dma_start3A_210 : memref<128xi32, #tpu.memory_space<vmem>>) semaphore(%arg12 : memref<!tpu.dma_semaphore, #tpu.memory_space<semaphore_mem>>)
      %dma_wait3A_214 = arith.constant 6 : i32
      %dma_wait3A_215 = arith.constant 0 : i32
      %dma_wait3A_216 = tpu.memref_slice %arg6[%dma_wait3A_214, %dma_wait3A_215] : memref<8x128xi32, #tpu.memory_space<vmem>> -> memref<1x128xi32, #tpu.memory_space<vmem>>
      %dma_wait3A_217 = tpu.memref_squeeze %dma_wait3A_216 : memref<1x128xi32, #tpu.memory_space<vmem>> -> memref<128xi32, #tpu.memory_space<vmem>>
      %dma_wait3A_218 = arith.constant 0 : i32
      %dma_wait3A_219 = arith.constant 0 : i32
      %dma_wait3A_220 = tpu.memref_slice %arg2[%dma_wait3A_218, %dma_wait3A_219] : memref<10240x128xf32, #tpu.memory_space<hbm>> -> memref<10240x128xf32, #tpu.memory_space<hbm>>
      tpu.wait_indirect_dma semaphore(%arg11 : memref<!tpu.dma_semaphore, #tpu.memory_space<semaphore_mem>>) src(%dma_wait3A_220 : memref<10240x128xf32, #tpu.memory_space<hbm>>) dst(%arg8 : memref<128x128xf32, #tpu.memory_space<vmem>>)
      %dma_start3A_221 = arith.constant 6 : i32
      %dma_start3A_222 = arith.constant 0 : i32
      %dma_start3A_223 = tpu.memref_slice %arg7[%dma_start3A_221, %dma_start3A_222] : memref<8x128xi32, #tpu.memory_space<vmem>> -> memref<1x128xi32, #tpu.memory_space<vmem>>
      %dma_start3A_224 = tpu.memref_squeeze %dma_start3A_223 : memref<1x128xi32, #tpu.memory_space<vmem>> -> memref<128xi32, #tpu.memory_space<vmem>>
      %dma_start3A_225 = arith.constant 0 : i32
      %dma_start3A_226 = arith.constant 0 : i32
      %dma_start3A_227 = tpu.memref_slice %arg10[%dma_start3A_225, %dma_start3A_226] : memref<10240x128xf32, #tpu.memory_space<vmem_shared>> -> memref<10240x128xf32, #tpu.memory_space<vmem_shared>>
      tpu.enqueue_indirect_dma source(%arg8 : memref<128x128xf32, #tpu.memory_space<vmem>>) target(%dma_start3A_227 : memref<10240x128xf32, #tpu.memory_space<vmem_shared>>) offsets(%dma_start3A_224 : memref<128xi32, #tpu.memory_space<vmem>>) semaphore(%arg13 : memref<!tpu.dma_semaphore, #tpu.memory_space<semaphore_mem>>) {add = true}
      %dma_wait3A_228 = arith.constant 7 : i32
      %dma_wait3A_229 = arith.constant 0 : i32
      %dma_wait3A_230 = tpu.memref_slice %arg6[%dma_wait3A_228, %dma_wait3A_229] : memref<8x128xi32, #tpu.memory_space<vmem>> -> memref<1x128xi32, #tpu.memory_space<vmem>>
      %dma_wait3A_231 = tpu.memref_squeeze %dma_wait3A_230 : memref<1x128xi32, #tpu.memory_space<vmem>> -> memref<128xi32, #tpu.memory_space<vmem>>
      %dma_wait3A_232 = arith.constant 0 : i32
      %dma_wait3A_233 = arith.constant 0 : i32
      %dma_wait3A_234 = tpu.memref_slice %arg2[%dma_wait3A_232, %dma_wait3A_233] : memref<10240x128xf32, #tpu.memory_space<hbm>> -> memref<10240x128xf32, #tpu.memory_space<hbm>>
      tpu.wait_indirect_dma semaphore(%arg12 : memref<!tpu.dma_semaphore, #tpu.memory_space<semaphore_mem>>) src(%dma_wait3A_234 : memref<10240x128xf32, #tpu.memory_space<hbm>>) dst(%arg9 : memref<128x128xf32, #tpu.memory_space<vmem>>)
      %dma_start3A_235 = arith.constant 7 : i32
      %dma_start3A_236 = arith.constant 0 : i32
      %dma_start3A_237 = tpu.memref_slice %arg7[%dma_start3A_235, %dma_start3A_236] : memref<8x128xi32, #tpu.memory_space<vmem>> -> memref<1x128xi32, #tpu.memory_space<vmem>>
      %dma_start3A_238 = tpu.memref_squeeze %dma_start3A_237 : memref<1x128xi32, #tpu.memory_space<vmem>> -> memref<128xi32, #tpu.memory_space<vmem>>
      %dma_start3A_239 = arith.constant 0 : i32
      %dma_start3A_240 = arith.constant 0 : i32
      %dma_start3A_241 = tpu.memref_slice %arg10[%dma_start3A_239, %dma_start3A_240] : memref<10240x128xf32, #tpu.memory_space<vmem_shared>> -> memref<10240x128xf32, #tpu.memory_space<vmem_shared>>
      tpu.enqueue_indirect_dma source(%arg9 : memref<128x128xf32, #tpu.memory_space<vmem>>) target(%dma_start3A_241 : memref<10240x128xf32, #tpu.memory_space<vmem_shared>>) offsets(%dma_start3A_238 : memref<128xi32, #tpu.memory_space<vmem>>) semaphore(%arg14 : memref<!tpu.dma_semaphore, #tpu.memory_space<semaphore_mem>>) {add = true}
      %dma_wait3A_242 = arith.constant 6 : i32
      %dma_wait3A_243 = arith.constant 0 : i32
      %dma_wait3A_244 = tpu.memref_slice %arg7[%dma_wait3A_242, %dma_wait3A_243] : memref<8x128xi32, #tpu.memory_space<vmem>> -> memref<1x128xi32, #tpu.memory_space<vmem>>
      %dma_wait3A_245 = tpu.memref_squeeze %dma_wait3A_244 : memref<1x128xi32, #tpu.memory_space<vmem>> -> memref<128xi32, #tpu.memory_space<vmem>>
      %dma_wait3A_246 = arith.constant 0 : i32
      %dma_wait3A_247 = arith.constant 0 : i32
      %dma_wait3A_248 = tpu.memref_slice %arg10[%dma_wait3A_246, %dma_wait3A_247] : memref<10240x128xf32, #tpu.memory_space<vmem_shared>> -> memref<10240x128xf32, #tpu.memory_space<vmem_shared>>
      tpu.wait_indirect_dma semaphore(%arg13 : memref<!tpu.dma_semaphore, #tpu.memory_space<semaphore_mem>>) src(%arg8 : memref<128x128xf32, #tpu.memory_space<vmem>>) dst(%dma_wait3A_248 : memref<10240x128xf32, #tpu.memory_space<vmem_shared>>)
      %dma_wait3A_249 = arith.constant 7 : i32
      %dma_wait3A_250 = arith.constant 0 : i32
      %dma_wait3A_251 = tpu.memref_slice %arg7[%dma_wait3A_249, %dma_wait3A_250] : memref<8x128xi32, #tpu.memory_space<vmem>> -> memref<1x128xi32, #tpu.memory_space<vmem>>
      %dma_wait3A_252 = tpu.memref_squeeze %dma_wait3A_251 : memref<1x128xi32, #tpu.memory_space<vmem>> -> memref<128xi32, #tpu.memory_space<vmem>>
      %dma_wait3A_253 = arith.constant 0 : i32
      %dma_wait3A_254 = arith.constant 0 : i32
      %dma_wait3A_255 = tpu.memref_slice %arg10[%dma_wait3A_253, %dma_wait3A_254] : memref<10240x128xf32, #tpu.memory_space<vmem_shared>> -> memref<10240x128xf32, #tpu.memory_space<vmem_shared>>
      tpu.wait_indirect_dma semaphore(%arg14 : memref<!tpu.dma_semaphore, #tpu.memory_space<semaphore_mem>>) src(%arg9 : memref<128x128xf32, #tpu.memory_space<vmem>>) dst(%dma_wait3A_255 : memref<10240x128xf32, #tpu.memory_space<vmem_shared>>)
    }
    %scan3A_23 = arith.constant 10 : i32
    %barrier3A_24 = arith.constant 0 : index
    tpu.barrier barrier_id(%barrier3A_24)
    %mul3A_25 = arith.constant 10240 : i32
    %mul3A_26 = arith.muli %arg0, %mul3A_25 : i32
    %add3A_27 = arith.addi %mul3A_26, %mul3A_7 : i32
    "tpu.region"() ({
      %run_scoped3A = tpu.sem_alloc : memref<!tpu.dma_semaphore, #tpu.memory_space<semaphore_mem>>
      %dma_start3A = arith.constant 0 : i32
      %dma_start3A_28 = tpu.memref_slice %arg5[%add3A_27, %dma_start3A] : memref<20480x128xf32, #tpu.memory_space<hbm>> -> memref<640x128xf32, #tpu.memory_space<hbm>>
      %dma_start3A_29 = arith.constant 0 : i32
      %dma_start3A_30 = tpu.memref_slice %arg10[%mul3A_7, %dma_start3A_29] : memref<10240x128xf32, #tpu.memory_space<vmem_shared>> -> memref<640x128xf32, #tpu.memory_space<vmem_shared>>
      tpu.enqueue_dma source(%dma_start3A_30 : memref<640x128xf32, #tpu.memory_space<vmem_shared>>) target(%dma_start3A_28 : memref<640x128xf32, #tpu.memory_space<hbm>>) target_semaphore(%run_scoped3A : memref<!tpu.dma_semaphore, #tpu.memory_space<semaphore_mem>>)
      %dma_wait3A = arith.constant 0 : i32
      %dma_wait3A_31 = tpu.memref_slice %arg5[%add3A_27, %dma_wait3A] : memref<20480x128xf32, #tpu.memory_space<hbm>> -> memref<640x128xf32, #tpu.memory_space<hbm>>
      %dma_wait3A_32 = arith.constant 0 : i32
      %dma_wait3A_33 = tpu.memref_slice %arg10[%mul3A_7, %dma_wait3A_32] : memref<10240x128xf32, #tpu.memory_space<vmem_shared>> -> memref<640x128xf32, #tpu.memory_space<vmem_shared>>
      tpu.wait_dma2 semaphore(%run_scoped3A : memref<!tpu.dma_semaphore, #tpu.memory_space<semaphore_mem>>) src(%dma_wait3A_33 : memref<640x128xf32, #tpu.memory_space<vmem_shared>>) dst(%dma_wait3A_31 : memref<640x128xf32, #tpu.memory_space<hbm>>)
      tpu.yield
    }) : () -> ()
    return
  }
}

module attributes {stable_mosaic.version = 14 : i64} {
  func.func @_gen_body(%arg0: i32, %arg1: memref<256x128xf32, #tpu.memory_space<vmem>>, %arg2: memref<256x128xf32, #tpu.memory_space<vmem>>, %arg3: memref<256x1xf32, #tpu.memory_space<vmem>>, %arg4: memref<256x1xf32, #tpu.memory_space<vmem>>, %arg5: memref<256x128xf32, #tpu.memory_space<vmem>>, %arg6: memref<128x256xf32, #tpu.memory_space<vmem>>, %arg7: memref<1x256xf32, #tpu.memory_space<vmem>>, %arg8: memref<128x256xf32, #tpu.memory_space<vmem>>, %arg9: memref<256x256xf32, #tpu.memory_space<vmem>>, %arg10: memref<1x256xf32, #tpu.memory_space<vmem>>, %arg11: memref<256x128xf32, #tpu.memory_space<vmem>>, %arg12: memref<1x128xf32, #tpu.memory_space<vmem>>, %arg13: memref<256x128xf32, #tpu.memory_space<vmem>>) attributes {dimension_semantics = [#tpu.dimension_semantics<arbitrary>], iteration_bounds = array<i64: 40>, scalar_prefetch = 0 : i64, scratch_operands = 0 : i64, tpu.core_type = #tpu.core_type<tc>, window_params = [{transform_indices = @transform_0, window_bounds = array<i64: 256, 128>}, {transform_indices = @transform_1, window_bounds = array<i64: 256, 128>}, {transform_indices = @transform_2, window_bounds = array<i64: 256, 1>}, {transform_indices = @transform_3, window_bounds = array<i64: 256, 1>}, {transform_indices = @transform_4, window_bounds = array<i64: 256, 128>}, {pipeline_mode = #tpu.pipeline_mode<synchronous>, transform_indices = @transform_5, window_bounds = array<i64: 128, 256>}, {pipeline_mode = #tpu.pipeline_mode<synchronous>, transform_indices = @transform_6, window_bounds = array<i64: 1, 256>}, {pipeline_mode = #tpu.pipeline_mode<synchronous>, transform_indices = @transform_7, window_bounds = array<i64: 128, 256>}, {pipeline_mode = #tpu.pipeline_mode<synchronous>, transform_indices = @transform_8, window_bounds = array<i64: 256, 256>}, {pipeline_mode = #tpu.pipeline_mode<synchronous>, transform_indices = @transform_9, window_bounds = array<i64: 1, 256>}, {pipeline_mode = #tpu.pipeline_mode<synchronous>, transform_indices = @transform_10, window_bounds = array<i64: 256, 128>}, {pipeline_mode = #tpu.pipeline_mode<synchronous>, transform_indices = @transform_11, window_bounds = array<i64: 1, 128>}, {transform_indices = @transform_12, window_bounds = array<i64: 256, 128>}]} {
    %get3A = arith.constant 0 : index
    %get3A_0 = arith.constant 0 : index
    %get3A_1 = vector.load %arg3[%get3A, %get3A_0] : memref<256x1xf32, #tpu.memory_space<vmem>>, vector<256x1xf32>
    %get3A_2 = arith.constant 0 : index
    %get3A_3 = arith.constant 0 : index
    %get3A_4 = vector.load %arg4[%get3A_2, %get3A_3] : memref<256x1xf32, #tpu.memory_space<vmem>>, vector<256x1xf32>
    %add3A = arith.addf %get3A_1, %get3A_4 : vector<256x1xf32>
    %get3A_5 = arith.constant 0 : index
    %get3A_6 = arith.constant 0 : index
    %get3A_7 = vector.load %arg1[%get3A_5, %get3A_6] : memref<256x128xf32, #tpu.memory_space<vmem>>, vector<256x128xf32>
    %get3A_8 = arith.constant 0 : index
    %get3A_9 = arith.constant 0 : index
    %get3A_10 = vector.load %arg2[%get3A_8, %get3A_9] : memref<256x128xf32, #tpu.memory_space<vmem>>, vector<256x128xf32>
    %add3A_11 = arith.addf %get3A_7, %get3A_10 : vector<256x128xf32>
    %max3A = arith.constant 1.000000e+00 : f32
    %max3A_12 = vector.broadcast %max3A : f32 to vector<256x1xf32>
    %max3A_13 = arith.maximumf %add3A, %max3A_12 : vector<256x1xf32>
    %div3A = vector.broadcast %max3A_13 : vector<256x1xf32> to vector<256x128xf32>
    %div3A_14 = arith.divf %add3A_11, %div3A : vector<256x128xf32>
    %get3A_15 = arith.constant 0 : index
    %get3A_16 = arith.constant 0 : index
    %get3A_17 = vector.load %arg6[%get3A_15, %get3A_16] : memref<128x256xf32, #tpu.memory_space<vmem>>, vector<128x256xf32>
    %dot_general3A = arith.constant dense<0.000000e+00> : vector<256x256xf32>
    %dot_general3A_18 = tpu.matmul %div3A_14, %get3A_17, %dot_general3A {dimension_numbers = #tpu.dot_dimension_numbers<[1], [0], [0], [1], [0, 0, 1, 1], [], []>, transpose_lhs_hint = false} : vector<256x128xf32>, vector<128x256xf32>, vector<256x256xf32> -> vector<256x256xf32>
    %get3A_19 = arith.constant 0 : index
    %get3A_20 = arith.constant 0 : index
    %get3A_21 = vector.load %arg7[%get3A_19, %get3A_20] : memref<1x256xf32, #tpu.memory_space<vmem>>, vector<1x256xf32>
    %add3A_22 = vector.broadcast %get3A_21 : vector<1x256xf32> to vector<256x256xf32>
    %add3A_23 = arith.addf %dot_general3A_18, %add3A_22 : vector<256x256xf32>
    %get3A_24 = arith.constant 0 : index
    %get3A_25 = arith.constant 0 : index
    %get3A_26 = vector.load %arg5[%get3A_24, %get3A_25] : memref<256x128xf32, #tpu.memory_space<vmem>>, vector<256x128xf32>
    %get3A_27 = arith.constant 0 : index
    %get3A_28 = arith.constant 0 : index
    %get3A_29 = vector.load %arg8[%get3A_27, %get3A_28] : memref<128x256xf32, #tpu.memory_space<vmem>>, vector<128x256xf32>
    %dot_general3A_30 = arith.constant dense<0.000000e+00> : vector<256x256xf32>
    %dot_general3A_31 = tpu.matmul %get3A_26, %get3A_29, %dot_general3A_30 {dimension_numbers = #tpu.dot_dimension_numbers<[1], [0], [0], [1], [0, 0, 1, 1], [], []>, transpose_lhs_hint = false} : vector<256x128xf32>, vector<128x256xf32>, vector<256x256xf32> -> vector<256x256xf32>
    %add3A_32 = arith.addf %add3A_23, %dot_general3A_31 : vector<256x256xf32>
    %max3A_33 = arith.constant 0.000000e+00 : f32
    %max3A_34 = vector.broadcast %max3A_33 : f32 to vector<256x256xf32>
    %max3A_35 = arith.maximumf %add3A_32, %max3A_34 : vector<256x256xf32>
    %get3A_36 = arith.constant 0 : index
    %get3A_37 = arith.constant 0 : index
    %get3A_38 = vector.load %arg9[%get3A_36, %get3A_37] : memref<256x256xf32, #tpu.memory_space<vmem>>, vector<256x256xf32>
    %dot_general3A_39 = arith.constant dense<0.000000e+00> : vector<256x256xf32>
    %dot_general3A_40 = tpu.matmul %max3A_35, %get3A_38, %dot_general3A_39 {dimension_numbers = #tpu.dot_dimension_numbers<[1], [0], [0], [1], [0, 0, 1, 1], [], []>, transpose_lhs_hint = false} : vector<256x256xf32>, vector<256x256xf32>, vector<256x256xf32> -> vector<256x256xf32>
    %get3A_41 = arith.constant 0 : index
    %get3A_42 = arith.constant 0 : index
    %get3A_43 = vector.load %arg10[%get3A_41, %get3A_42] : memref<1x256xf32, #tpu.memory_space<vmem>>, vector<1x256xf32>
    %add3A_44 = vector.broadcast %get3A_43 : vector<1x256xf32> to vector<256x256xf32>
    %add3A_45 = arith.addf %dot_general3A_40, %add3A_44 : vector<256x256xf32>
    %max3A_46 = arith.constant 0.000000e+00 : f32
    %max3A_47 = vector.broadcast %max3A_46 : f32 to vector<256x256xf32>
    %max3A_48 = arith.maximumf %add3A_45, %max3A_47 : vector<256x256xf32>
    %get3A_49 = arith.constant 0 : index
    %get3A_50 = arith.constant 0 : index
    %get3A_51 = vector.load %arg11[%get3A_49, %get3A_50] : memref<256x128xf32, #tpu.memory_space<vmem>>, vector<256x128xf32>
    %dot_general3A_52 = arith.constant dense<0.000000e+00> : vector<256x128xf32>
    %dot_general3A_53 = tpu.matmul %max3A_48, %get3A_51, %dot_general3A_52 {dimension_numbers = #tpu.dot_dimension_numbers<[1], [0], [0], [1], [0, 0, 1, 1], [], []>, transpose_lhs_hint = false} : vector<256x256xf32>, vector<256x128xf32>, vector<256x128xf32> -> vector<256x128xf32>
    %get3A_54 = arith.constant 0 : index
    %get3A_55 = arith.constant 0 : index
    %get3A_56 = vector.load %arg12[%get3A_54, %get3A_55] : memref<1x128xf32, #tpu.memory_space<vmem>>, vector<1x128xf32>
    %add3A_57 = vector.broadcast %get3A_56 : vector<1x128xf32> to vector<256x128xf32>
    %add3A_58 = arith.addf %dot_general3A_53, %add3A_57 : vector<256x128xf32>
    %swap3A = arith.constant 0 : index
    %swap3A_59 = arith.constant 0 : index
    %swap3A_60 = vector.load %arg13[%swap3A, %swap3A_59] : memref<256x128xf32, #tpu.memory_space<vmem>>, vector<256x128xf32>
    tpu.vector_store %arg13[%swap3A, %swap3A_59], %add3A_58 {strides = array<i32>} : memref<256x128xf32, #tpu.memory_space<vmem>>, vector<256x128xf32>,
    return
  }
  func.func @transform_0(%arg0: i32) -> (i32, i32) {
    %c0_i32 = arith.constant 0 : i32
    %c0_i32_0 = arith.constant 0 : i32
    return %arg0, %c0_i32 : i32, i32
  }
  func.func @transform_1(%arg0: i32) -> (i32, i32) {
    %add3A = arith.constant 40 : i32
    %add3A_0 = arith.addi %arg0, %add3A : i32
    %c0_i32 = arith.constant 0 : i32
    %c0_i32_1 = arith.constant 0 : i32
    return %add3A_0, %c0_i32 : i32, i32
  }
  func.func @transform_2(%arg0: i32) -> (i32, i32) {
    %c0_i32 = arith.constant 0 : i32
    %c0_i32_0 = arith.constant 0 : i32
    return %arg0, %c0_i32 : i32, i32
  }
  func.func @transform_3(%arg0: i32) -> (i32, i32) {
    %add3A = arith.constant 40 : i32
    %add3A_0 = arith.addi %arg0, %add3A : i32
    %c0_i32 = arith.constant 0 : i32
    %c0_i32_1 = arith.constant 0 : i32
    return %add3A_0, %c0_i32 : i32, i32
  }
  func.func @transform_4(%arg0: i32) -> (i32, i32) {
    %c0_i32 = arith.constant 0 : i32
    %c0_i32_0 = arith.constant 0 : i32
    return %arg0, %c0_i32 : i32, i32
  }
  func.func @transform_5(%arg0: i32) -> (i32, i32) {
    %c0_i32 = arith.constant 0 : i32
    %c0_i32_0 = arith.constant 0 : i32
    %c0_i32_1 = arith.constant 0 : i32
    return %c0_i32, %c0_i32_0 : i32, i32
  }
  func.func @transform_6(%arg0: i32) -> (i32, i32) {
    %c0_i32 = arith.constant 0 : i32
    %c0_i32_0 = arith.constant 0 : i32
    %c0_i32_1 = arith.constant 0 : i32
    return %c0_i32, %c0_i32_0 : i32, i32
  }
  func.func @transform_7(%arg0: i32) -> (i32, i32) {
    %c0_i32 = arith.constant 0 : i32
    %c0_i32_0 = arith.constant 0 : i32
    %c0_i32_1 = arith.constant 0 : i32
    return %c0_i32, %c0_i32_0 : i32, i32
  }
  func.func @transform_8(%arg0: i32) -> (i32, i32) {
    %c0_i32 = arith.constant 0 : i32
    %c0_i32_0 = arith.constant 0 : i32
    %c0_i32_1 = arith.constant 0 : i32
    return %c0_i32, %c0_i32_0 : i32, i32
  }
  func.func @transform_9(%arg0: i32) -> (i32, i32) {
    %c0_i32 = arith.constant 0 : i32
    %c0_i32_0 = arith.constant 0 : i32
    %c0_i32_1 = arith.constant 0 : i32
    return %c0_i32, %c0_i32_0 : i32, i32
  }
  func.func @transform_10(%arg0: i32) -> (i32, i32) {
    %c0_i32 = arith.constant 0 : i32
    %c0_i32_0 = arith.constant 0 : i32
    %c0_i32_1 = arith.constant 0 : i32
    return %c0_i32, %c0_i32_0 : i32, i32
  }
  func.func @transform_11(%arg0: i32) -> (i32, i32) {
    %c0_i32 = arith.constant 0 : i32
    %c0_i32_0 = arith.constant 0 : i32
    %c0_i32_1 = arith.constant 0 : i32
    return %c0_i32, %c0_i32_0 : i32, i32
  }
  func.func @transform_12(%arg0: i32) -> (i32, i32) {
    %c0_i32 = arith.constant 0 : i32
    %c0_i32_0 = arith.constant 0 : i32
    return %arg0, %c0_i32 : i32, i32
  }
}

module attributes {stable_mosaic.version = 14 : i64} {
  func.func @_new1_body(%arg0: i32, %arg1: memref<256x128xf32, #tpu.memory_space<vmem>>, %arg2: memref<256x128xf32, #tpu.memory_space<vmem>>, %arg3: memref<128x256xf32, #tpu.memory_space<vmem>>, %arg4: memref<1x256xf32, #tpu.memory_space<vmem>>, %arg5: memref<128x256xf32, #tpu.memory_space<vmem>>, %arg6: memref<256x128xf32, #tpu.memory_space<vmem>>, %arg7: memref<256x128xf32, #tpu.memory_space<vmem>>) attributes {dimension_semantics = [#tpu.dimension_semantics<arbitrary>], iteration_bounds = array<i64: 4>, scalar_prefetch = 0 : i64, scratch_operands = 0 : i64, tpu.core_type = #tpu.core_type<tc>, window_params = [{transform_indices = @transform_0, window_bounds = array<i64: 256, 128>}, {transform_indices = @transform_1, window_bounds = array<i64: 256, 128>}, {pipeline_mode = #tpu.pipeline_mode<synchronous>, transform_indices = @transform_2, window_bounds = array<i64: 128, 256>}, {pipeline_mode = #tpu.pipeline_mode<synchronous>, transform_indices = @transform_3, window_bounds = array<i64: 1, 256>}, {pipeline_mode = #tpu.pipeline_mode<synchronous>, transform_indices = @transform_4, window_bounds = array<i64: 128, 256>}, {transform_indices = @transform_5, window_bounds = array<i64: 256, 128>}, {transform_indices = @transform_6, window_bounds = array<i64: 256, 128>}]} {
    %get3A = arith.constant 0 : index
    %get3A_0 = arith.constant 0 : index
    %get3A_1 = vector.load %arg1[%get3A, %get3A_0] : memref<256x128xf32, #tpu.memory_space<vmem>>, vector<256x128xf32>
    %get3A_2 = arith.constant 0 : index
    %get3A_3 = arith.constant 0 : index
    %get3A_4 = vector.load %arg3[%get3A_2, %get3A_3] : memref<128x256xf32, #tpu.memory_space<vmem>>, vector<128x256xf32>
    %dot_general3A = arith.constant dense<0.000000e+00> : vector<256x256xf32>
    %dot_general3A_5 = tpu.matmul %get3A_1, %get3A_4, %dot_general3A {dimension_numbers = #tpu.dot_dimension_numbers<[1], [0], [0], [1], [0, 0, 1, 1], [], []>, transpose_lhs_hint = false} : vector<256x128xf32>, vector<128x256xf32>, vector<256x256xf32> -> vector<256x256xf32>
    %get3A_6 = arith.constant 0 : index
    %get3A_7 = arith.constant 0 : index
    %get3A_8 = vector.load %arg4[%get3A_6, %get3A_7] : memref<1x256xf32, #tpu.memory_space<vmem>>, vector<1x256xf32>
    %add3A = vector.broadcast %get3A_8 : vector<1x256xf32> to vector<256x256xf32>
    %add3A_9 = arith.addf %dot_general3A_5, %add3A : vector<256x256xf32>
    %get3A_10 = arith.constant 0 : index
    %get3A_11 = arith.constant 0 : index
    %get3A_12 = vector.load %arg2[%get3A_10, %get3A_11] : memref<256x128xf32, #tpu.memory_space<vmem>>, vector<256x128xf32>
    %get3A_13 = arith.constant 0 : index
    %get3A_14 = arith.constant 0 : index
    %get3A_15 = vector.load %arg5[%get3A_13, %get3A_14] : memref<128x256xf32, #tpu.memory_space<vmem>>, vector<128x256xf32>
    %dot_general3A_16 = arith.constant dense<0.000000e+00> : vector<256x256xf32>
    %dot_general3A_17 = tpu.matmul %get3A_12, %get3A_15, %dot_general3A_16 {dimension_numbers = #tpu.dot_dimension_numbers<[1], [0], [0], [1], [0, 0, 1, 1], [], []>, transpose_lhs_hint = false} : vector<256x128xf32>, vector<128x256xf32>, vector<256x256xf32> -> vector<256x256xf32>
    %add3A_18 = arith.addf %add3A_9, %dot_general3A_17 : vector<256x256xf32>
    %max3A = arith.constant 0.000000e+00 : f32
    %max3A_19 = vector.broadcast %max3A : f32 to vector<256x256xf32>
    %max3A_20 = arith.maximumf %add3A_18, %max3A_19 : vector<256x256xf32>
    %slice3A = vector.extract_strided_slice %max3A_20 {offsets = [0, 0], sizes = [256, 128], strides = [1, 1]} : vector<256x256xf32> to vector<256x128xf32>
    %swap3A = arith.constant 0 : index
    %swap3A_21 = arith.constant 0 : index
    %swap3A_22 = vector.load %arg6[%swap3A, %swap3A_21] : memref<256x128xf32, #tpu.memory_space<vmem>>, vector<256x128xf32>
    tpu.vector_store %arg6[%swap3A, %swap3A_21], %slice3A {strides = array<i32>} : memref<256x128xf32, #tpu.memory_space<vmem>>, vector<256x128xf32>,
    %slice3A_23 = vector.extract_strided_slice %max3A_20 {offsets = [0, 128], sizes = [256, 128], strides = [1, 1]} : vector<256x256xf32> to vector<256x128xf32>
    %swap3A_24 = arith.constant 0 : index
    %swap3A_25 = arith.constant 0 : index
    %swap3A_26 = vector.load %arg7[%swap3A_24, %swap3A_25] : memref<256x128xf32, #tpu.memory_space<vmem>>, vector<256x128xf32>
    tpu.vector_store %arg7[%swap3A_24, %swap3A_25], %slice3A_23 {strides = array<i32>} : memref<256x128xf32, #tpu.memory_space<vmem>>, vector<256x128xf32>,
    return
  }
  func.func @transform_0(%arg0: i32) -> (i32, i32) {
    %c0_i32 = arith.constant 0 : i32
    %c0_i32_0 = arith.constant 0 : i32
    return %arg0, %c0_i32 : i32, i32
  }
  func.func @transform_1(%arg0: i32) -> (i32, i32) {
    %c0_i32 = arith.constant 0 : i32
    %c0_i32_0 = arith.constant 0 : i32
    return %arg0, %c0_i32 : i32, i32
  }
  func.func @transform_2(%arg0: i32) -> (i32, i32) {
    %c0_i32 = arith.constant 0 : i32
    %c0_i32_0 = arith.constant 0 : i32
    %c0_i32_1 = arith.constant 0 : i32
    return %c0_i32, %c0_i32_0 : i32, i32
  }
  func.func @transform_3(%arg0: i32) -> (i32, i32) {
    %c0_i32 = arith.constant 0 : i32
    %c0_i32_0 = arith.constant 0 : i32
    %c0_i32_1 = arith.constant 0 : i32
    return %c0_i32, %c0_i32_0 : i32, i32
  }
  func.func @transform_4(%arg0: i32) -> (i32, i32) {
    %c0_i32 = arith.constant 0 : i32
    %c0_i32_0 = arith.constant 0 : i32
    %c0_i32_1 = arith.constant 0 : i32
    return %c0_i32, %c0_i32_0 : i32, i32
  }
  func.func @transform_5(%arg0: i32) -> (i32, i32) {
    %c0_i32 = arith.constant 0 : i32
    %c0_i32_0 = arith.constant 0 : i32
    return %arg0, %c0_i32 : i32, i32
  }
  func.func @transform_6(%arg0: i32) -> (i32, i32) {
    %c0_i32 = arith.constant 0 : i32
    %c0_i32_0 = arith.constant 0 : i32
    return %arg0, %c0_i32 : i32, i32
  }
}

module attributes {stable_mosaic.version = 14 : i64} {
  func.func @_conv1_body(%arg0: i32, %arg1: memref<256x128xf32, #tpu.memory_space<vmem>>, %arg2: memref<256x128xf32, #tpu.memory_space<vmem>>, %arg3: memref<256x128xf32, #tpu.memory_space<vmem>>, %arg4: memref<256x128xf32, #tpu.memory_space<vmem>>, %arg5: memref<256x1xf32, #tpu.memory_space<vmem>>, %arg6: memref<256x1xf32, #tpu.memory_space<vmem>>, %arg7: memref<256x1xf32, #tpu.memory_space<vmem>>, %arg8: memref<256x1xf32, #tpu.memory_space<vmem>>, %arg9: memref<256x128xf32, #tpu.memory_space<vmem>>, %arg10: memref<128x256xf32, #tpu.memory_space<vmem>>, %arg11: memref<1x256xf32, #tpu.memory_space<vmem>>, %arg12: memref<128x256xf32, #tpu.memory_space<vmem>>, %arg13: memref<256x128xf32, #tpu.memory_space<vmem>>, %arg14: memref<256x128xf32, #tpu.memory_space<vmem>>, %arg15: memref<256x1xf32, #tpu.memory_space<vmem>>) attributes {dimension_semantics = [#tpu.dimension_semantics<arbitrary>], iteration_bounds = array<i64: 40>, scalar_prefetch = 0 : i64, scratch_operands = 0 : i64, tpu.core_type = #tpu.core_type<tc>, window_params = [{transform_indices = @transform_0, window_bounds = array<i64: 256, 128>}, {transform_indices = @transform_1, window_bounds = array<i64: 256, 128>}, {transform_indices = @transform_2, window_bounds = array<i64: 256, 128>}, {transform_indices = @transform_3, window_bounds = array<i64: 256, 128>}, {transform_indices = @transform_4, window_bounds = array<i64: 256, 1>}, {transform_indices = @transform_5, window_bounds = array<i64: 256, 1>}, {transform_indices = @transform_6, window_bounds = array<i64: 256, 1>}, {transform_indices = @transform_7, window_bounds = array<i64: 256, 1>}, {transform_indices = @transform_8, window_bounds = array<i64: 256, 128>}, {pipeline_mode = #tpu.pipeline_mode<synchronous>, transform_indices = @transform_9, window_bounds = array<i64: 128, 256>}, {pipeline_mode = #tpu.pipeline_mode<synchronous>, transform_indices = @transform_10, window_bounds = array<i64: 1, 256>}, {pipeline_mode = #tpu.pipeline_mode<synchronous>, transform_indices = @transform_11, window_bounds = array<i64: 128, 256>}, {transform_indices = @transform_12, window_bounds = array<i64: 256, 128>}, {transform_indices = @transform_13, window_bounds = array<i64: 256, 128>}, {transform_indices = @transform_14, window_bounds = array<i64: 256, 1>}]} {
    %get3A = arith.constant 0 : index
    %get3A_0 = arith.constant 0 : index
    %get3A_1 = vector.load %arg5[%get3A, %get3A_0] : memref<256x1xf32, #tpu.memory_space<vmem>>, vector<256x1xf32>
    %get3A_2 = arith.constant 0 : index
    %get3A_3 = arith.constant 0 : index
    %get3A_4 = vector.load %arg6[%get3A_2, %get3A_3] : memref<256x1xf32, #tpu.memory_space<vmem>>, vector<256x1xf32>
    %add3A = arith.addf %get3A_1, %get3A_4 : vector<256x1xf32>
    %get3A_5 = arith.constant 0 : index
    %get3A_6 = arith.constant 0 : index
    %get3A_7 = vector.load %arg7[%get3A_5, %get3A_6] : memref<256x1xf32, #tpu.memory_space<vmem>>, vector<256x1xf32>
    %add3A_8 = arith.addf %add3A, %get3A_7 : vector<256x1xf32>
    %get3A_9 = arith.constant 0 : index
    %get3A_10 = arith.constant 0 : index
    %get3A_11 = vector.load %arg8[%get3A_9, %get3A_10] : memref<256x1xf32, #tpu.memory_space<vmem>>, vector<256x1xf32>
    %add3A_12 = arith.addf %add3A_8, %get3A_11 : vector<256x1xf32>
    %max3A = arith.constant 1.000000e+00 : f32
    %max3A_13 = vector.broadcast %max3A : f32 to vector<256x1xf32>
    %max3A_14 = arith.maximumf %add3A_12, %max3A_13 : vector<256x1xf32>
    %div3A = arith.constant 1.000000e+00 : f32
    %div3A_15 = vector.broadcast %div3A : f32 to vector<256x1xf32>
    %div3A_16 = arith.divf %div3A_15, %max3A_14 : vector<256x1xf32>
    %get3A_17 = arith.constant 0 : index
    %get3A_18 = arith.constant 0 : index
    %get3A_19 = vector.load %arg1[%get3A_17, %get3A_18] : memref<256x128xf32, #tpu.memory_space<vmem>>, vector<256x128xf32>
    %get3A_20 = arith.constant 0 : index
    %get3A_21 = arith.constant 0 : index
    %get3A_22 = vector.load %arg2[%get3A_20, %get3A_21] : memref<256x128xf32, #tpu.memory_space<vmem>>, vector<256x128xf32>
    %add3A_23 = arith.addf %get3A_19, %get3A_22 : vector<256x128xf32>
    %get3A_24 = arith.constant 0 : index
    %get3A_25 = arith.constant 0 : index
    %get3A_26 = vector.load %arg3[%get3A_24, %get3A_25] : memref<256x128xf32, #tpu.memory_space<vmem>>, vector<256x128xf32>
    %add3A_27 = arith.addf %add3A_23, %get3A_26 : vector<256x128xf32>
    %get3A_28 = arith.constant 0 : index
    %get3A_29 = arith.constant 0 : index
    %get3A_30 = vector.load %arg4[%get3A_28, %get3A_29] : memref<256x128xf32, #tpu.memory_space<vmem>>, vector<256x128xf32>
    %add3A_31 = arith.addf %add3A_27, %get3A_30 : vector<256x128xf32>
    %mul3A = vector.broadcast %div3A_16 : vector<256x1xf32> to vector<256x128xf32>
    %mul3A_32 = arith.mulf %add3A_31, %mul3A : vector<256x128xf32>
    %get3A_33 = arith.constant 0 : index
    %get3A_34 = arith.constant 0 : index
    %get3A_35 = vector.load %arg10[%get3A_33, %get3A_34] : memref<128x256xf32, #tpu.memory_space<vmem>>, vector<128x256xf32>
    %dot_general3A = arith.constant dense<0.000000e+00> : vector<256x256xf32>
    %dot_general3A_36 = tpu.matmul %mul3A_32, %get3A_35, %dot_general3A {dimension_numbers = #tpu.dot_dimension_numbers<[1], [0], [0], [1], [0, 0, 1, 1], [], []>, transpose_lhs_hint = false} : vector<256x128xf32>, vector<128x256xf32>, vector<256x256xf32> -> vector<256x256xf32>
    %get3A_37 = arith.constant 0 : index
    %get3A_38 = arith.constant 0 : index
    %get3A_39 = vector.load %arg11[%get3A_37, %get3A_38] : memref<1x256xf32, #tpu.memory_space<vmem>>, vector<1x256xf32>
    %add3A_40 = vector.broadcast %get3A_39 : vector<1x256xf32> to vector<256x256xf32>
    %add3A_41 = arith.addf %dot_general3A_36, %add3A_40 : vector<256x256xf32>
    %get3A_42 = arith.constant 0 : index
    %get3A_43 = arith.constant 0 : index
    %get3A_44 = vector.load %arg9[%get3A_42, %get3A_43] : memref<256x128xf32, #tpu.memory_space<vmem>>, vector<256x128xf32>
    %get3A_45 = arith.constant 0 : index
    %get3A_46 = arith.constant 0 : index
    %get3A_47 = vector.load %arg12[%get3A_45, %get3A_46] : memref<128x256xf32, #tpu.memory_space<vmem>>, vector<128x256xf32>
    %dot_general3A_48 = arith.constant dense<0.000000e+00> : vector<256x256xf32>
    %dot_general3A_49 = tpu.matmul %get3A_44, %get3A_47, %dot_general3A_48 {dimension_numbers = #tpu.dot_dimension_numbers<[1], [0], [0], [1], [0, 0, 1, 1], [], []>, transpose_lhs_hint = false} : vector<256x128xf32>, vector<128x256xf32>, vector<256x256xf32> -> vector<256x256xf32>
    %add3A_50 = arith.addf %add3A_41, %dot_general3A_49 : vector<256x256xf32>
    %max3A_51 = arith.constant 0.000000e+00 : f32
    %max3A_52 = vector.broadcast %max3A_51 : f32 to vector<256x256xf32>
    %max3A_53 = arith.maximumf %add3A_50, %max3A_52 : vector<256x256xf32>
    %slice3A = vector.extract_strided_slice %max3A_53 {offsets = [0, 0], sizes = [256, 128], strides = [1, 1]} : vector<256x256xf32> to vector<256x128xf32>
    %swap3A = arith.constant 0 : index
    %swap3A_54 = arith.constant 0 : index
    %swap3A_55 = vector.load %arg13[%swap3A, %swap3A_54] : memref<256x128xf32, #tpu.memory_space<vmem>>, vector<256x128xf32>
    tpu.vector_store %arg13[%swap3A, %swap3A_54], %slice3A {strides = array<i32>} : memref<256x128xf32, #tpu.memory_space<vmem>>, vector<256x128xf32>,
    %slice3A_56 = vector.extract_strided_slice %max3A_53 {offsets = [0, 128], sizes = [256, 128], strides = [1, 1]} : vector<256x256xf32> to vector<256x128xf32>
    %swap3A_57 = arith.constant 0 : index
    %swap3A_58 = arith.constant 0 : index
    %swap3A_59 = vector.load %arg14[%swap3A_57, %swap3A_58] : memref<256x128xf32, #tpu.memory_space<vmem>>, vector<256x128xf32>
    tpu.vector_store %arg14[%swap3A_57, %swap3A_58], %slice3A_56 {strides = array<i32>} : memref<256x128xf32, #tpu.memory_space<vmem>>, vector<256x128xf32>,
    %swap3A_60 = arith.constant 0 : index
    %swap3A_61 = arith.constant 0 : index
    %swap3A_62 = vector.load %arg15[%swap3A_60, %swap3A_61] : memref<256x1xf32, #tpu.memory_space<vmem>>, vector<256x1xf32>
    tpu.vector_store %arg15[%swap3A_60, %swap3A_61], %div3A_16 {strides = array<i32>} : memref<256x1xf32, #tpu.memory_space<vmem>>, vector<256x1xf32>,
    return
  }
  func.func @transform_0(%arg0: i32) -> (i32, i32) {
    %c0_i32 = arith.constant 0 : i32
    %c0_i32_0 = arith.constant 0 : i32
    return %arg0, %c0_i32 : i32, i32
  }
  func.func @transform_1(%arg0: i32) -> (i32, i32) {
    %add3A = arith.constant 40 : i32
    %add3A_0 = arith.addi %arg0, %add3A : i32
    %c0_i32 = arith.constant 0 : i32
    %c0_i32_1 = arith.constant 0 : i32
    return %add3A_0, %c0_i32 : i32, i32
  }
  func.func @transform_2(%arg0: i32) -> (i32, i32) {
    %c0_i32 = arith.constant 0 : i32
    %c0_i32_0 = arith.constant 0 : i32
    return %arg0, %c0_i32 : i32, i32
  }
  func.func @transform_3(%arg0: i32) -> (i32, i32) {
    %add3A = arith.constant 40 : i32
    %add3A_0 = arith.addi %arg0, %add3A : i32
    %c0_i32 = arith.constant 0 : i32
    %c0_i32_1 = arith.constant 0 : i32
    return %add3A_0, %c0_i32 : i32, i32
  }
  func.func @transform_4(%arg0: i32) -> (i32, i32) {
    %c0_i32 = arith.constant 0 : i32
    %c0_i32_0 = arith.constant 0 : i32
    return %arg0, %c0_i32 : i32, i32
  }
  func.func @transform_5(%arg0: i32) -> (i32, i32) {
    %add3A = arith.constant 40 : i32
    %add3A_0 = arith.addi %arg0, %add3A : i32
    %c0_i32 = arith.constant 0 : i32
    %c0_i32_1 = arith.constant 0 : i32
    return %add3A_0, %c0_i32 : i32, i32
  }
  func.func @transform_6(%arg0: i32) -> (i32, i32) {
    %c0_i32 = arith.constant 0 : i32
    %c0_i32_0 = arith.constant 0 : i32
    return %arg0, %c0_i32 : i32, i32
  }
  func.func @transform_7(%arg0: i32) -> (i32, i32) {
    %add3A = arith.constant 40 : i32
    %add3A_0 = arith.addi %arg0, %add3A : i32
    %c0_i32 = arith.constant 0 : i32
    %c0_i32_1 = arith.constant 0 : i32
    return %add3A_0, %c0_i32 : i32, i32
  }
  func.func @transform_8(%arg0: i32) -> (i32, i32) {
    %c0_i32 = arith.constant 0 : i32
    %c0_i32_0 = arith.constant 0 : i32
    return %arg0, %c0_i32 : i32, i32
  }
  func.func @transform_9(%arg0: i32) -> (i32, i32) {
    %c0_i32 = arith.constant 0 : i32
    %c0_i32_0 = arith.constant 0 : i32
    %c0_i32_1 = arith.constant 0 : i32
    return %c0_i32, %c0_i32_0 : i32, i32
  }
  func.func @transform_10(%arg0: i32) -> (i32, i32) {
    %c0_i32 = arith.constant 0 : i32
    %c0_i32_0 = arith.constant 0 : i32
    %c0_i32_1 = arith.constant 0 : i32
    return %c0_i32, %c0_i32_0 : i32, i32
  }
  func.func @transform_11(%arg0: i32) -> (i32, i32) {
    %c0_i32 = arith.constant 0 : i32
    %c0_i32_0 = arith.constant 0 : i32
    %c0_i32_1 = arith.constant 0 : i32
    return %c0_i32, %c0_i32_0 : i32, i32
  }
  func.func @transform_12(%arg0: i32) -> (i32, i32) {
    %c0_i32 = arith.constant 0 : i32
    %c0_i32_0 = arith.constant 0 : i32
    return %arg0, %c0_i32 : i32, i32
  }
  func.func @transform_13(%arg0: i32) -> (i32, i32) {
    %c0_i32 = arith.constant 0 : i32
    %c0_i32_0 = arith.constant 0 : i32
    return %arg0, %c0_i32 : i32, i32
  }
  func.func @transform_14(%arg0: i32) -> (i32, i32) {
    %c0_i32 = arith.constant 0 : i32
    %c0_i32_0 = arith.constant 0 : i32
    return %arg0, %c0_i32 : i32, i32
  }
}

module attributes {stable_mosaic.version = 14 : i64} {
  func.func @_new2_body(%arg0: i32, %arg1: memref<256x128xf32, #tpu.memory_space<vmem>>, %arg2: memref<256x128xf32, #tpu.memory_space<vmem>>, %arg3: memref<256x128xf32, #tpu.memory_space<vmem>>, %arg4: memref<256x128xf32, #tpu.memory_space<vmem>>, %arg5: memref<256x256xf32, #tpu.memory_space<vmem>>, %arg6: memref<1x256xf32, #tpu.memory_space<vmem>>, %arg7: memref<256x256xf32, #tpu.memory_space<vmem>>, %arg8: memref<256x64xf32, #tpu.memory_space<vmem>>, %arg9: memref<1x64xf32, #tpu.memory_space<vmem>>, %arg10: memref<256x64xf32, #tpu.memory_space<vmem>>) attributes {dimension_semantics = [#tpu.dimension_semantics<arbitrary>], iteration_bounds = array<i64: 4>, scalar_prefetch = 0 : i64, scratch_operands = 0 : i64, tpu.core_type = #tpu.core_type<tc>, window_params = [{transform_indices = @transform_0, window_bounds = array<i64: 256, 128>}, {transform_indices = @transform_1, window_bounds = array<i64: 256, 128>}, {transform_indices = @transform_2, window_bounds = array<i64: 256, 128>}, {transform_indices = @transform_3, window_bounds = array<i64: 256, 128>}, {pipeline_mode = #tpu.pipeline_mode<synchronous>, transform_indices = @transform_4, window_bounds = array<i64: 256, 256>}, {pipeline_mode = #tpu.pipeline_mode<synchronous>, transform_indices = @transform_5, window_bounds = array<i64: 1, 256>}, {pipeline_mode = #tpu.pipeline_mode<synchronous>, transform_indices = @transform_6, window_bounds = array<i64: 256, 256>}, {pipeline_mode = #tpu.pipeline_mode<synchronous>, transform_indices = @transform_7, window_bounds = array<i64: 256, 64>}, {pipeline_mode = #tpu.pipeline_mode<synchronous>, transform_indices = @transform_8, window_bounds = array<i64: 1, 64>}, {transform_indices = @transform_9, window_bounds = array<i64: 256, 64>}]} {
    %get3A = arith.constant 0 : index
    %get3A_0 = arith.constant 0 : index
    %get3A_1 = vector.load %arg5[%get3A, %get3A_0] : memref<256x256xf32, #tpu.memory_space<vmem>>, vector<256x256xf32>
    %get3A_2 = arith.constant 0 : index
    %get3A_3 = arith.constant 0 : index
    %get3A_4 = vector.load %arg7[%get3A_2, %get3A_3] : memref<256x256xf32, #tpu.memory_space<vmem>>, vector<256x256xf32>
    %get3A_5 = arith.constant 0 : index
    %get3A_6 = arith.constant 0 : index
    %get3A_7 = vector.load %arg1[%get3A_5, %get3A_6] : memref<256x128xf32, #tpu.memory_space<vmem>>, vector<256x128xf32>
    %slice3A = vector.extract_strided_slice %get3A_1 {offsets = [0, 0], sizes = [128, 256], strides = [1, 1]} : vector<256x256xf32> to vector<128x256xf32>
    %dot_general3A = arith.constant dense<0.000000e+00> : vector<256x256xf32>
    %dot_general3A_8 = tpu.matmul %get3A_7, %slice3A, %dot_general3A {dimension_numbers = #tpu.dot_dimension_numbers<[1], [0], [0], [1], [0, 0, 1, 1], [], []>, transpose_lhs_hint = false} : vector<256x128xf32>, vector<128x256xf32>, vector<256x256xf32> -> vector<256x256xf32>
    %get3A_9 = arith.constant 0 : index
    %get3A_10 = arith.constant 0 : index
    %get3A_11 = vector.load %arg2[%get3A_9, %get3A_10] : memref<256x128xf32, #tpu.memory_space<vmem>>, vector<256x128xf32>
    %slice3A_12 = vector.extract_strided_slice %get3A_1 {offsets = [128, 0], sizes = [128, 256], strides = [1, 1]} : vector<256x256xf32> to vector<128x256xf32>
    %dot_general3A_13 = arith.constant dense<0.000000e+00> : vector<256x256xf32>
    %dot_general3A_14 = tpu.matmul %get3A_11, %slice3A_12, %dot_general3A_13 {dimension_numbers = #tpu.dot_dimension_numbers<[1], [0], [0], [1], [0, 0, 1, 1], [], []>, transpose_lhs_hint = false} : vector<256x128xf32>, vector<128x256xf32>, vector<256x256xf32> -> vector<256x256xf32>
    %add3A = arith.addf %dot_general3A_8, %dot_general3A_14 : vector<256x256xf32>
    %get3A_15 = arith.constant 0 : index
    %get3A_16 = arith.constant 0 : index
    %get3A_17 = vector.load %arg6[%get3A_15, %get3A_16] : memref<1x256xf32, #tpu.memory_space<vmem>>, vector<1x256xf32>
    %add3A_18 = vector.broadcast %get3A_17 : vector<1x256xf32> to vector<256x256xf32>
    %add3A_19 = arith.addf %add3A, %add3A_18 : vector<256x256xf32>
    %get3A_20 = arith.constant 0 : index
    %get3A_21 = arith.constant 0 : index
    %get3A_22 = vector.load %arg3[%get3A_20, %get3A_21] : memref<256x128xf32, #tpu.memory_space<vmem>>, vector<256x128xf32>
    %slice3A_23 = vector.extract_strided_slice %get3A_4 {offsets = [0, 0], sizes = [128, 256], strides = [1, 1]} : vector<256x256xf32> to vector<128x256xf32>
    %dot_general3A_24 = arith.constant dense<0.000000e+00> : vector<256x256xf32>
    %dot_general3A_25 = tpu.matmul %get3A_22, %slice3A_23, %dot_general3A_24 {dimension_numbers = #tpu.dot_dimension_numbers<[1], [0], [0], [1], [0, 0, 1, 1], [], []>, transpose_lhs_hint = false} : vector<256x128xf32>, vector<128x256xf32>, vector<256x256xf32> -> vector<256x256xf32>
    %add3A_26 = arith.addf %add3A_19, %dot_general3A_25 : vector<256x256xf32>
    %get3A_27 = arith.constant 0 : index
    %get3A_28 = arith.constant 0 : index
    %get3A_29 = vector.load %arg4[%get3A_27, %get3A_28] : memref<256x128xf32, #tpu.memory_space<vmem>>, vector<256x128xf32>
    %slice3A_30 = vector.extract_strided_slice %get3A_4 {offsets = [128, 0], sizes = [128, 256], strides = [1, 1]} : vector<256x256xf32> to vector<128x256xf32>
    %dot_general3A_31 = arith.constant dense<0.000000e+00> : vector<256x256xf32>
    %dot_general3A_32 = tpu.matmul %get3A_29, %slice3A_30, %dot_general3A_31 {dimension_numbers = #tpu.dot_dimension_numbers<[1], [0], [0], [1], [0, 0, 1, 1], [], []>, transpose_lhs_hint = false} : vector<256x128xf32>, vector<128x256xf32>, vector<256x256xf32> -> vector<256x256xf32>
    %add3A_33 = arith.addf %add3A_26, %dot_general3A_32 : vector<256x256xf32>
    %max3A = arith.constant 0.000000e+00 : f32
    %max3A_34 = vector.broadcast %max3A : f32 to vector<256x256xf32>
    %max3A_35 = arith.maximumf %add3A_33, %max3A_34 : vector<256x256xf32>
    %get3A_36 = arith.constant 0 : index
    %get3A_37 = arith.constant 0 : index
    %get3A_38 = vector.load %arg8[%get3A_36, %get3A_37] : memref<256x64xf32, #tpu.memory_space<vmem>>, vector<256x64xf32>
    %dot_general3A_39 = arith.constant dense<0.000000e+00> : vector<256x64xf32>
    %dot_general3A_40 = tpu.matmul %max3A_35, %get3A_38, %dot_general3A_39 {dimension_numbers = #tpu.dot_dimension_numbers<[1], [0], [0], [1], [0, 0, 1, 1], [], []>, transpose_lhs_hint = false} : vector<256x256xf32>, vector<256x64xf32>, vector<256x64xf32> -> vector<256x64xf32>
    %get3A_41 = arith.constant 0 : index
    %get3A_42 = arith.constant 0 : index
    %get3A_43 = vector.load %arg9[%get3A_41, %get3A_42] : memref<1x64xf32, #tpu.memory_space<vmem>>, vector<1x64xf32>
    %add3A_44 = vector.broadcast %get3A_43 : vector<1x64xf32> to vector<256x64xf32>
    %add3A_45 = arith.addf %dot_general3A_40, %add3A_44 : vector<256x64xf32>
    %swap3A = arith.constant 0 : index
    %swap3A_46 = arith.constant 0 : index
    %swap3A_47 = vector.load %arg10[%swap3A, %swap3A_46] : memref<256x64xf32, #tpu.memory_space<vmem>>, vector<256x64xf32>
    tpu.vector_store %arg10[%swap3A, %swap3A_46], %add3A_45 {strides = array<i32>} : memref<256x64xf32, #tpu.memory_space<vmem>>, vector<256x64xf32>,
    return
  }
  func.func @transform_0(%arg0: i32) -> (i32, i32) {
    %c0_i32 = arith.constant 0 : i32
    %c0_i32_0 = arith.constant 0 : i32
    return %arg0, %c0_i32 : i32, i32
  }
  func.func @transform_1(%arg0: i32) -> (i32, i32) {
    %c0_i32 = arith.constant 0 : i32
    %c0_i32_0 = arith.constant 0 : i32
    return %arg0, %c0_i32 : i32, i32
  }
  func.func @transform_2(%arg0: i32) -> (i32, i32) {
    %c0_i32 = arith.constant 0 : i32
    %c0_i32_0 = arith.constant 0 : i32
    return %arg0, %c0_i32 : i32, i32
  }
  func.func @transform_3(%arg0: i32) -> (i32, i32) {
    %c0_i32 = arith.constant 0 : i32
    %c0_i32_0 = arith.constant 0 : i32
    return %arg0, %c0_i32 : i32, i32
  }
  func.func @transform_4(%arg0: i32) -> (i32, i32) {
    %c0_i32 = arith.constant 0 : i32
    %c0_i32_0 = arith.constant 0 : i32
    %c0_i32_1 = arith.constant 0 : i32
    return %c0_i32, %c0_i32_0 : i32, i32
  }
  func.func @transform_5(%arg0: i32) -> (i32, i32) {
    %c0_i32 = arith.constant 0 : i32
    %c0_i32_0 = arith.constant 0 : i32
    %c0_i32_1 = arith.constant 0 : i32
    return %c0_i32, %c0_i32_0 : i32, i32
  }
  func.func @transform_6(%arg0: i32) -> (i32, i32) {
    %c0_i32 = arith.constant 0 : i32
    %c0_i32_0 = arith.constant 0 : i32
    %c0_i32_1 = arith.constant 0 : i32
    return %c0_i32, %c0_i32_0 : i32, i32
  }
  func.func @transform_7(%arg0: i32) -> (i32, i32) {
    %c0_i32 = arith.constant 0 : i32
    %c0_i32_0 = arith.constant 0 : i32
    %c0_i32_1 = arith.constant 0 : i32
    return %c0_i32, %c0_i32_0 : i32, i32
  }
  func.func @transform_8(%arg0: i32) -> (i32, i32) {
    %c0_i32 = arith.constant 0 : i32
    %c0_i32_0 = arith.constant 0 : i32
    %c0_i32_1 = arith.constant 0 : i32
    return %c0_i32, %c0_i32_0 : i32, i32
  }
  func.func @transform_9(%arg0: i32) -> (i32, i32) {
    %c0_i32 = arith.constant 0 : i32
    %c0_i32_0 = arith.constant 0 : i32
    return %arg0, %c0_i32 : i32, i32
  }
}

module attributes {stable_mosaic.version = 14 : i64} {
  func.func @_conv2_body(%arg0: i32, %arg1: memref<256x128xf32, #tpu.memory_space<vmem>>, %arg2: memref<256x128xf32, #tpu.memory_space<vmem>>, %arg3: memref<256x128xf32, #tpu.memory_space<vmem>>, %arg4: memref<256x128xf32, #tpu.memory_space<vmem>>, %arg5: memref<256x128xf32, #tpu.memory_space<vmem>>, %arg6: memref<256x128xf32, #tpu.memory_space<vmem>>, %arg7: memref<256x128xf32, #tpu.memory_space<vmem>>, %arg8: memref<256x128xf32, #tpu.memory_space<vmem>>, %arg9: memref<256x1xf32, #tpu.memory_space<vmem>>, %arg10: memref<256x128xf32, #tpu.memory_space<vmem>>, %arg11: memref<256x128xf32, #tpu.memory_space<vmem>>, %arg12: memref<256x256xf32, #tpu.memory_space<vmem>>, %arg13: memref<1x256xf32, #tpu.memory_space<vmem>>, %arg14: memref<256x256xf32, #tpu.memory_space<vmem>>, %arg15: memref<256x64xf32, #tpu.memory_space<vmem>>, %arg16: memref<1x64xf32, #tpu.memory_space<vmem>>, %arg17: memref<256x64xf32, #tpu.memory_space<vmem>>) attributes {dimension_semantics = [#tpu.dimension_semantics<arbitrary>], iteration_bounds = array<i64: 40>, scalar_prefetch = 0 : i64, scratch_operands = 0 : i64, tpu.core_type = #tpu.core_type<tc>, window_params = [{transform_indices = @transform_0, window_bounds = array<i64: 256, 128>}, {transform_indices = @transform_1, window_bounds = array<i64: 256, 128>}, {transform_indices = @transform_2, window_bounds = array<i64: 256, 128>}, {transform_indices = @transform_3, window_bounds = array<i64: 256, 128>}, {transform_indices = @transform_4, window_bounds = array<i64: 256, 128>}, {transform_indices = @transform_5, window_bounds = array<i64: 256, 128>}, {transform_indices = @transform_6, window_bounds = array<i64: 256, 128>}, {transform_indices = @transform_7, window_bounds = array<i64: 256, 128>}, {transform_indices = @transform_8, window_bounds = array<i64: 256, 1>}, {transform_indices = @transform_9, window_bounds = array<i64: 256, 128>}, {transform_indices = @transform_10, window_bounds = array<i64: 256, 128>}, {pipeline_mode = #tpu.pipeline_mode<synchronous>, transform_indices = @transform_11, window_bounds = array<i64: 256, 256>}, {pipeline_mode = #tpu.pipeline_mode<synchronous>, transform_indices = @transform_12, window_bounds = array<i64: 1, 256>}, {pipeline_mode = #tpu.pipeline_mode<synchronous>, transform_indices = @transform_13, window_bounds = array<i64: 256, 256>}, {pipeline_mode = #tpu.pipeline_mode<synchronous>, transform_indices = @transform_14, window_bounds = array<i64: 256, 64>}, {pipeline_mode = #tpu.pipeline_mode<synchronous>, transform_indices = @transform_15, window_bounds = array<i64: 1, 64>}, {transform_indices = @transform_16, window_bounds = array<i64: 256, 64>}]} {
    %get3A = arith.constant 0 : index
    %get3A_0 = arith.constant 0 : index
    %get3A_1 = vector.load %arg9[%get3A, %get3A_0] : memref<256x1xf32, #tpu.memory_space<vmem>>, vector<256x1xf32>
    %get3A_2 = arith.constant 0 : index
    %get3A_3 = arith.constant 0 : index
    %get3A_4 = vector.load %arg1[%get3A_2, %get3A_3] : memref<256x128xf32, #tpu.memory_space<vmem>>, vector<256x128xf32>
    %get3A_5 = arith.constant 0 : index
    %get3A_6 = arith.constant 0 : index
    %get3A_7 = vector.load %arg2[%get3A_5, %get3A_6] : memref<256x128xf32, #tpu.memory_space<vmem>>, vector<256x128xf32>
    %add3A = arith.addf %get3A_4, %get3A_7 : vector<256x128xf32>
    %get3A_8 = arith.constant 0 : index
    %get3A_9 = arith.constant 0 : index
    %get3A_10 = vector.load %arg5[%get3A_8, %get3A_9] : memref<256x128xf32, #tpu.memory_space<vmem>>, vector<256x128xf32>
    %add3A_11 = arith.addf %add3A, %get3A_10 : vector<256x128xf32>
    %get3A_12 = arith.constant 0 : index
    %get3A_13 = arith.constant 0 : index
    %get3A_14 = vector.load %arg6[%get3A_12, %get3A_13] : memref<256x128xf32, #tpu.memory_space<vmem>>, vector<256x128xf32>
    %add3A_15 = arith.addf %add3A_11, %get3A_14 : vector<256x128xf32>
    %mul3A = vector.broadcast %get3A_1 : vector<256x1xf32> to vector<256x128xf32>
    %mul3A_16 = arith.mulf %add3A_15, %mul3A : vector<256x128xf32>
    %get3A_17 = arith.constant 0 : index
    %get3A_18 = arith.constant 0 : index
    %get3A_19 = vector.load %arg3[%get3A_17, %get3A_18] : memref<256x128xf32, #tpu.memory_space<vmem>>, vector<256x128xf32>
    %get3A_20 = arith.constant 0 : index
    %get3A_21 = arith.constant 0 : index
    %get3A_22 = vector.load %arg4[%get3A_20, %get3A_21] : memref<256x128xf32, #tpu.memory_space<vmem>>, vector<256x128xf32>
    %add3A_23 = arith.addf %get3A_19, %get3A_22 : vector<256x128xf32>
    %get3A_24 = arith.constant 0 : index
    %get3A_25 = arith.constant 0 : index
    %get3A_26 = vector.load %arg7[%get3A_24, %get3A_25] : memref<256x128xf32, #tpu.memory_space<vmem>>, vector<256x128xf32>
    %add3A_27 = arith.addf %add3A_23, %get3A_26 : vector<256x128xf32>
    %get3A_28 = arith.constant 0 : index
    %get3A_29 = arith.constant 0 : index
    %get3A_30 = vector.load %arg8[%get3A_28, %get3A_29] : memref<256x128xf32, #tpu.memory_space<vmem>>, vector<256x128xf32>
    %add3A_31 = arith.addf %add3A_27, %get3A_30 : vector<256x128xf32>
    %mul3A_32 = vector.broadcast %get3A_1 : vector<256x1xf32> to vector<256x128xf32>
    %mul3A_33 = arith.mulf %add3A_31, %mul3A_32 : vector<256x128xf32>
    %get3A_34 = arith.constant 0 : index
    %get3A_35 = arith.constant 0 : index
    %get3A_36 = vector.load %arg12[%get3A_34, %get3A_35] : memref<256x256xf32, #tpu.memory_space<vmem>>, vector<256x256xf32>
    %get3A_37 = arith.constant 0 : index
    %get3A_38 = arith.constant 0 : index
    %get3A_39 = vector.load %arg14[%get3A_37, %get3A_38] : memref<256x256xf32, #tpu.memory_space<vmem>>, vector<256x256xf32>
    %slice3A = vector.extract_strided_slice %get3A_36 {offsets = [0, 0], sizes = [128, 256], strides = [1, 1]} : vector<256x256xf32> to vector<128x256xf32>
    %dot_general3A = arith.constant dense<0.000000e+00> : vector<256x256xf32>
    %dot_general3A_40 = tpu.matmul %mul3A_16, %slice3A, %dot_general3A {dimension_numbers = #tpu.dot_dimension_numbers<[1], [0], [0], [1], [0, 0, 1, 1], [], []>, transpose_lhs_hint = false} : vector<256x128xf32>, vector<128x256xf32>, vector<256x256xf32> -> vector<256x256xf32>
    %slice3A_41 = vector.extract_strided_slice %get3A_36 {offsets = [128, 0], sizes = [128, 256], strides = [1, 1]} : vector<256x256xf32> to vector<128x256xf32>
    %dot_general3A_42 = arith.constant dense<0.000000e+00> : vector<256x256xf32>
    %dot_general3A_43 = tpu.matmul %mul3A_33, %slice3A_41, %dot_general3A_42 {dimension_numbers = #tpu.dot_dimension_numbers<[1], [0], [0], [1], [0, 0, 1, 1], [], []>, transpose_lhs_hint = false} : vector<256x128xf32>, vector<128x256xf32>, vector<256x256xf32> -> vector<256x256xf32>
    %add3A_44 = arith.addf %dot_general3A_40, %dot_general3A_43 : vector<256x256xf32>
    %get3A_45 = arith.constant 0 : index
    %get3A_46 = arith.constant 0 : index
    %get3A_47 = vector.load %arg13[%get3A_45, %get3A_46] : memref<1x256xf32, #tpu.memory_space<vmem>>, vector<1x256xf32>
    %add3A_48 = vector.broadcast %get3A_47 : vector<1x256xf32> to vector<256x256xf32>
    %add3A_49 = arith.addf %add3A_44, %add3A_48 : vector<256x256xf32>
    %get3A_50 = arith.constant 0 : index
    %get3A_51 = arith.constant 0 : index
    %get3A_52 = vector.load %arg10[%get3A_50, %get3A_51] : memref<256x128xf32, #tpu.memory_space<vmem>>, vector<256x128xf32>
    %slice3A_53 = vector.extract_strided_slice %get3A_39 {offsets = [0, 0], sizes = [128, 256], strides = [1, 1]} : vector<256x256xf32> to vector<128x256xf32>
    %dot_general3A_54 = arith.constant dense<0.000000e+00> : vector<256x256xf32>
    %dot_general3A_55 = tpu.matmul %get3A_52, %slice3A_53, %dot_general3A_54 {dimension_numbers = #tpu.dot_dimension_numbers<[1], [0], [0], [1], [0, 0, 1, 1], [], []>, transpose_lhs_hint = false} : vector<256x128xf32>, vector<128x256xf32>, vector<256x256xf32> -> vector<256x256xf32>
    %add3A_56 = arith.addf %add3A_49, %dot_general3A_55 : vector<256x256xf32>
    %get3A_57 = arith.constant 0 : index
    %get3A_58 = arith.constant 0 : index
    %get3A_59 = vector.load %arg11[%get3A_57, %get3A_58] : memref<256x128xf32, #tpu.memory_space<vmem>>, vector<256x128xf32>
    %slice3A_60 = vector.extract_strided_slice %get3A_39 {offsets = [128, 0], sizes = [128, 256], strides = [1, 1]} : vector<256x256xf32> to vector<128x256xf32>
    %dot_general3A_61 = arith.constant dense<0.000000e+00> : vector<256x256xf32>
    %dot_general3A_62 = tpu.matmul %get3A_59, %slice3A_60, %dot_general3A_61 {dimension_numbers = #tpu.dot_dimension_numbers<[1], [0], [0], [1], [0, 0, 1, 1], [], []>, transpose_lhs_hint = false} : vector<256x128xf32>, vector<128x256xf32>, vector<256x256xf32> -> vector<256x256xf32>
    %add3A_63 = arith.addf %add3A_56, %dot_general3A_62 : vector<256x256xf32>
    %max3A = arith.constant 0.000000e+00 : f32
    %max3A_64 = vector.broadcast %max3A : f32 to vector<256x256xf32>
    %max3A_65 = arith.maximumf %add3A_63, %max3A_64 : vector<256x256xf32>
    %get3A_66 = arith.constant 0 : index
    %get3A_67 = arith.constant 0 : index
    %get3A_68 = vector.load %arg15[%get3A_66, %get3A_67] : memref<256x64xf32, #tpu.memory_space<vmem>>, vector<256x64xf32>
    %dot_general3A_69 = arith.constant dense<0.000000e+00> : vector<256x64xf32>
    %dot_general3A_70 = tpu.matmul %max3A_65, %get3A_68, %dot_general3A_69 {dimension_numbers = #tpu.dot_dimension_numbers<[1], [0], [0], [1], [0, 0, 1, 1], [], []>, transpose_lhs_hint = false} : vector<256x256xf32>, vector<256x64xf32>, vector<256x64xf32> -> vector<256x64xf32>
    %get3A_71 = arith.constant 0 : index
    %get3A_72 = arith.constant 0 : index
    %get3A_73 = vector.load %arg16[%get3A_71, %get3A_72] : memref<1x64xf32, #tpu.memory_space<vmem>>, vector<1x64xf32>
    %add3A_74 = vector.broadcast %get3A_73 : vector<1x64xf32> to vector<256x64xf32>
    %add3A_75 = arith.addf %dot_general3A_70, %add3A_74 : vector<256x64xf32>
    %swap3A = arith.constant 0 : index
    %swap3A_76 = arith.constant 0 : index
    %swap3A_77 = vector.load %arg17[%swap3A, %swap3A_76] : memref<256x64xf32, #tpu.memory_space<vmem>>, vector<256x64xf32>
    tpu.vector_store %arg17[%swap3A, %swap3A_76], %add3A_75 {strides = array<i32>} : memref<256x64xf32, #tpu.memory_space<vmem>>, vector<256x64xf32>,
    return
  }
  func.func @transform_0(%arg0: i32) -> (i32, i32) {
    %c0_i32 = arith.constant 0 : i32
    %c0_i32_0 = arith.constant 0 : i32
    return %arg0, %c0_i32 : i32, i32
  }
  func.func @transform_1(%arg0: i32) -> (i32, i32) {
    %add3A = arith.constant 40 : i32
    %add3A_0 = arith.addi %arg0, %add3A : i32
    %c0_i32 = arith.constant 0 : i32
    %c0_i32_1 = arith.constant 0 : i32
    return %add3A_0, %c0_i32 : i32, i32
  }
  func.func @transform_2(%arg0: i32) -> (i32, i32) {
    %c0_i32 = arith.constant 0 : i32
    %c0_i32_0 = arith.constant 0 : i32
    return %arg0, %c0_i32 : i32, i32
  }
  func.func @transform_3(%arg0: i32) -> (i32, i32) {
    %add3A = arith.constant 40 : i32
    %add3A_0 = arith.addi %arg0, %add3A : i32
    %c0_i32 = arith.constant 0 : i32
    %c0_i32_1 = arith.constant 0 : i32
    return %add3A_0, %c0_i32 : i32, i32
  }
  func.func @transform_4(%arg0: i32) -> (i32, i32) {
    %c0_i32 = arith.constant 0 : i32
    %c0_i32_0 = arith.constant 0 : i32
    return %arg0, %c0_i32 : i32, i32
  }
  func.func @transform_5(%arg0: i32) -> (i32, i32) {
    %add3A = arith.constant 40 : i32
    %add3A_0 = arith.addi %arg0, %add3A : i32
    %c0_i32 = arith.constant 0 : i32
    %c0_i32_1 = arith.constant 0 : i32
    return %add3A_0, %c0_i32 : i32, i32
  }
  func.func @transform_6(%arg0: i32) -> (i32, i32) {
    %c0_i32 = arith.constant 0 : i32
    %c0_i32_0 = arith.constant 0 : i32
    return %arg0, %c0_i32 : i32, i32
  }
  func.func @transform_7(%arg0: i32) -> (i32, i32) {
    %add3A = arith.constant 40 : i32
    %add3A_0 = arith.addi %arg0, %add3A : i32
    %c0_i32 = arith.constant 0 : i32
    %c0_i32_1 = arith.constant 0 : i32
    return %add3A_0, %c0_i32 : i32, i32
  }
  func.func @transform_8(%arg0: i32) -> (i32, i32) {
    %c0_i32 = arith.constant 0 : i32
    %c0_i32_0 = arith.constant 0 : i32
    return %arg0, %c0_i32 : i32, i32
  }
  func.func @transform_9(%arg0: i32) -> (i32, i32) {
    %c0_i32 = arith.constant 0 : i32
    %c0_i32_0 = arith.constant 0 : i32
    return %arg0, %c0_i32 : i32, i32
  }
  func.func @transform_10(%arg0: i32) -> (i32, i32) {
    %c0_i32 = arith.constant 0 : i32
    %c0_i32_0 = arith.constant 0 : i32
    return %arg0, %c0_i32 : i32, i32
  }
  func.func @transform_11(%arg0: i32) -> (i32, i32) {
    %c0_i32 = arith.constant 0 : i32
    %c0_i32_0 = arith.constant 0 : i32
    %c0_i32_1 = arith.constant 0 : i32
    return %c0_i32, %c0_i32_0 : i32, i32
  }
  func.func @transform_12(%arg0: i32) -> (i32, i32) {
    %c0_i32 = arith.constant 0 : i32
    %c0_i32_0 = arith.constant 0 : i32
    %c0_i32_1 = arith.constant 0 : i32
    return %c0_i32, %c0_i32_0 : i32, i32
  }
  func.func @transform_13(%arg0: i32) -> (i32, i32) {
    %c0_i32 = arith.constant 0 : i32
    %c0_i32_0 = arith.constant 0 : i32
    %c0_i32_1 = arith.constant 0 : i32
    return %c0_i32, %c0_i32_0 : i32, i32
  }
  func.func @transform_14(%arg0: i32) -> (i32, i32) {
    %c0_i32 = arith.constant 0 : i32
    %c0_i32_0 = arith.constant 0 : i32
    %c0_i32_1 = arith.constant 0 : i32
    return %c0_i32, %c0_i32_0 : i32, i32
  }
  func.func @transform_15(%arg0: i32) -> (i32, i32) {
    %c0_i32 = arith.constant 0 : i32
    %c0_i32_0 = arith.constant 0 : i32
    %c0_i32_1 = arith.constant 0 : i32
    return %c0_i32, %c0_i32_0 : i32, i32
  }
  func.func @transform_16(%arg0: i32) -> (i32, i32) {
    %c0_i32 = arith.constant 0 : i32
    %c0_i32_0 = arith.constant 0 : i32
    return %arg0, %c0_i32 : i32, i32
  }
}

</mosaic_0001>

<sc_bundles>
// kernel: kernel.12.cloned.1.call-start
scs
__scs_entry_jumppad:
0x0: {  	(pc) =	sbr.rel $0x88, $3  }
0x1: {  	(tag) =	ssettag $0x0;
	lr =	simm.s32 $0x1  }
0x2: {  	[smem:$0x3F8F] =	sst lr;
	_ =	strace $0xD0000000  }
0x3: {  	_ = 	snop  }
0x4: {  	_ = 	snop  }
0x5: {  	_ = 	snop  }
0x6: {  	_ = 	snop  }
0x7: {  	_ = 	snop  }
__scs_overlays_trampoline_lowered:
0x8: {  	[smem:$0x3F9E] =	sst s0  }
0x9: {  	[smem:$0x3F9F] =	sst s1  }
0xa: {  	[smem:$0x3FA0] =	sst s2  }
0xb: {  	[smem:$0x3FA1] =	sst s3  }
0xc: {  	[smem:$0x3FA2] =	sst s4  }
0xd: {  	[smem:$0x3FA3] =	sst s5  }
0xe: {  	[smem:$0x3FA4] =	sst s6  }
0xf: {  	[smem:$0x3FA5] =	sst s7  }
0x10: {  	[smem:$0x3FA6] =	sst s8  }
0x11: {  	[smem:$0x3FA7] =	sst s9;
	s0 =	simm.s32 @!p0 $0x0  }
0x12: {  	s1 =	sld [smem:$0x3F8D];
	s0 =	simm.s32 @p0 $0x1  }
0x13: {  	[smem:$0x3FA8] =	sst s0;
	s0 =	simm.s32 @!p1 $0x0  }
0x14: {  	s2 =	sld [smem:$0x3F8C];
	s0 =	simm.s32 @p1 $0x1  }
0x15: {  	[smem:$0x3FA9] =	sst s0;
	s0 =	simm.s32 @!p2 $0x0  }
0x16: {  	s3 =	sld [smem:$0x3FDB];
	s0 =	simm.s32 @p2 $0x1  }
0x17: {  	s4 =	simm.s32 $0x1BF5;
	[smem:$0x3FAB] =	sst s0  }
0x18: {  	s0 =	sld [smem:$0x3F8E];
	_ =	swait.ge [sflag:s4], $0x0  }
0x19: {  	s7 =	sld [smem:$0x3F8F]  }
0x1a: {  	s8 =	sadd.s32 $0xFFFFE003, lr  }
0x1b: {  	s9 =	sadd.s32 $0xFFFFFEF7, lr;
	s5 =	simm.s32 $0xFFFFFFFF;
	p2 =	slt.u32 s8, $0xFFFFF086  }
0x1c: {  	p1 =	slt.u32 s9, $0xF7A;
	s5 =	simm.s32 @!p2 $0x0  }
0x1d: {  	s5 =	simm.s32 @p1 $0x1;
	p0 =	seq.s32 s7, s2  }
0x1e: {  	s7 =	smul.u32 @!p0 $0xF7A, s2;
	p2 =	seq.s32 @!p0 s5, $0x0  }
0x1f: {  	s9 =	smul.u32 $0xF7A, s1;
	s8 =	simm.s32 @!p0 $0x1BF5;
	p2 =	por !p2, p0  }
0x20: {  	[sflag:s8] =	ssyncset.s32 @!p0 $0xFFFFF086;
	s6 =	sadd.s32 @!p0 s3, s7;
	s7 =	simm.s32 @!p0 $0x108  }
0x21: {  	s3 =	sadd.s32 s3, s9;
	s6 =	sadd.s32 @!p0 $0x88, s6;
	s7 =	simm.s32 @p2 $0x1082  }
0x22: {  	[simem:s7], [sflag:s8] =	dma.local @!p0 [hbm:s6], $0xF7A  }
0x23: {  	s9 =	sor.u32 $0xD0000000, s2;
	s6 =	simm.s32 $0x108;
	_ =	swait.ge @!p0 [sflag:s8], $0x0  }
0x24: {  	s3 =	sadd.s32 $0x88, s3;
	s6 =	simm.s32 @!p1 $0x1082;
	[sflag:s4] =	ssyncset.s32 $0xFFFFF086  }
0x25: {  	[simem:s6], [sflag:s4] =	dma.local [hbm:s3], $0xF7A  }
0x26: {  	[smem:$0x3F8F] =	sst s1;
	(tag) =	ssettag s2;
	_ =	strace s9  }
0x27: {  	s1 =	sld [smem:$0x3F9F]  }
0x28: {  	s2 =	sld [smem:$0x3FA0]  }
0x29: {  	s4 =	sld [smem:$0x3FA2]  }
0x2a: {  	p0 =	seq.s32 s5, $0x0;
	s5 =	sld [smem:$0x3FA3]  }
0x2b: {  	s6 =	sld [smem:$0x3FA4]  }
0x2c: {  	s7 =	sld [smem:$0x3FA5]  }
0x2d: {  	s3 =	simm.s32 $0x108;
	s8 =	sld [smem:$0x3FA6]  }
0x2e: {  	s3 =	simm.s32 @!p0 $0x1082;
	s9 =	sld [smem:$0x3FA7]  }
0x2f: {  	lr =	sadd.s32 s0, s3;
	s0 =	sld [smem:$0x3F9E]  }
0x30: {  	s3 =	sld [smem:$0x3FA1]  }
0x31: {  	[smem:$0x3FAA] =	sst s10  }
0x32: {  	s10 =	sld [smem:$0x3FA8];
	_ =	sdelay $0x3  }
0x33: {  	p0 =	seq.s32 s10, $0x1;
	s10 =	sld [smem:$0x3FAA];
	_ =	sdelay $0x3  }
0x34: {  	[smem:$0x3FAA] =	sst s10  }
0x35: {  	s10 =	sld [smem:$0x3FA9];
	_ =	sdelay $0x3  }
0x36: {  	p1 =	seq.s32 s10, $0x1;
	s10 =	sld [smem:$0x3FAA];
	_ =	sdelay $0x3  }
0x37: {  	[smem:$0x3FAA] =	sst s10  }
0x38: {  	s10 =	sld [smem:$0x3FAB]  }
0x39: {  	_ = 	snop;
	(pc) =	sbr.ind lr, $3  }
0x3a: {  	_ = 	snop  }
0x3b: {  	_ = 	snop  }
0x3c: {  	p2 =	seq.s32 s10, $0x1;
	s10 =	sld [smem:$0x3FAA]  }
0x3d: {  	_ =	shalt  }
0x3e: {  	_ =	shalt  }
0x3f: {  	_ =	shalt  }
0x40: {  	_ =	shalt  }
0x41: {  	_ =	shalt  }
0x42: {  	_ =	shalt  }
0x43: {  	_ =	shalt  }
0x44: {  	_ =	shalt  }
0x45: {  	_ =	shalt  }
0x46: {  	_ =	shalt  }
0x47: {  	_ =	shalt  }
0x48: {  	_ =	shalt  }
0x49: {  	_ =	shalt  }
0x4a: {  	_ =	shalt  }
0x4b: {  	_ =	shalt  }
0x4c: {  	_ =	shalt  }
0x4d: {  	_ =	shalt  }
0x4e: {  	_ =	shalt  }
0x4f: {  	_ =	shalt  }
0x50: {  	_ =	shalt  }
0x51: {  	_ =	shalt  }
0x52: {  	_ =	shalt  }
0x53: {  	_ =	shalt  }
0x54: {  	_ =	shalt  }
0x55: {  	_ =	shalt  }
0x56: {  	_ =	shalt  }
0x57: {  	_ =	shalt  }
0x58: {  	_ =	shalt  }
0x59: {  	_ =	shalt  }
0x5a: {  	_ =	shalt  }
0x5b: {  	_ =	shalt  }
0x5c: {  	_ =	shalt  }
0x5d: {  	_ =	shalt  }
0x5e: {  	_ =	shalt  }
0x5f: {  	_ =	shalt  }
0x60: {  	_ =	shalt  }
0x61: {  	_ =	shalt  }
0x62: {  	_ =	shalt  }
0x63: {  	_ =	shalt  }
0x64: {  	_ =	shalt  }
0x65: {  	_ =	shalt  }
0x66: {  	_ =	shalt  }
0x67: {  	_ =	shalt  }
0x68: {  	_ =	shalt  }
0x69: {  	_ =	shalt  }
0x6a: {  	_ =	shalt  }
0x6b: {  	_ =	shalt  }
0x6c: {  	_ =	shalt  }
0x6d: {  	_ =	shalt  }
0x6e: {  	_ =	shalt  }
0x6f: {  	_ =	shalt  }
0x70: {  	_ =	shalt  }
0x71: {  	_ =	shalt  }
0x72: {  	_ =	shalt  }
0x73: {  	_ =	shalt  }
0x74: {  	_ =	shalt  }
0x75: {  	_ =	shalt  }
0x76: {  	_ =	shalt  }
0x77: {  	_ =	shalt  }
0x78: {  	_ =	shalt  }
0x79: {  	_ =	shalt  }
0x7a: {  	_ =	shalt  }
0x7b: {  	_ =	shalt  }
0x7c: {  	_ =	shalt  }
0x7d: {  	_ =	shalt  }
0x7e: {  	_ =	shalt  }
0x7f: {  	_ =	shalt  }
0x80: {  	_ =	shalt  }
0x81: {  	_ =	shalt  }
0x82: {  	_ =	shalt  }
0x83: {  	_ =	shalt  }
0x84: {  	_ =	shalt  }
0x85: {  	_ =	shalt  }
0x86: {  	_ =	shalt  }
0x87: {  	_ =	shalt  }
.Lfunc_end0:
.L_simem_size_0:
called_computation_lowered:
.L_overlay_start_0:
0x88: {  	s2 =	sld [smem:$0x3FD9]  }
0x89: {  	s3 =	sld [smem:$0x3FFE];
	_ =	sdelay $0x1  }
0x8a: {  	s1 =	srdreg.scid  }
0x8b: {  	s0 =	sand.u32 $0x1, s1  }
0x8c: {  	s17 =	sshll.u32 s0, $0xA;
	s2 =	sadd.s32 s3, s2  }
0x8d: {  	s2 =	sadd.s32 s2, s17  }
0x8e: {  	[smem:$0x3FB6] =	sst s2  }
0x8f: {  	_ = 	snop  }
0x90: {  	s2 =	sld [smem:$0x3FD0];
	(tm) =	ssettm $0x1  }
0x91: {  	s18 =	sld [smem:$0x3FFB];
	_ =	sdelay $0x3  }
0x92: {  	_ =	strace s18  }
0x93: {  	s3 =	sld [smem:$0x3FFC];
	_ =	sdelay $0x3  }
0x94: {  	_ =	strace s3  }
0x95: {  	s3 =	sld [smem:$0x3FFD];
	_ =	sdelay $0x3  }
0x96: {  	_ =	strace s3  }
0x97: {  	_ =	strace $0x8FFFFFFF  }
0x98: {  	s19 =	sld [smem:$0x3FDB];
	_ =	sdelay $0x1  }
0x99: {  	s4 =	simm.s32 $_scs_section_size  }
0x9a: {  	s5 =	simm.s32 $_size__tile_overlayer_lowered;
	s6 =	simm.s32 $_tile_overlayer_lowered  }
0x9b: {  	s22 =	simm.s32 $0x1BFF;
	s21 =	sshll.u32 s6, $0x1;
	s3 =	sadd.s32 s4, s19  }
0x9c: {  	s7 =	simm.s32 $0x0;
	s20 =	sshll.u32 s5, $0x1;
	s5 =	sadd.s32 s21, s3  }
0x9d: {  	[timem:s7], [sflag:s22] =	dma.local [hbm:s5], s20  }
0x9e: {  	_ =	swait.ge [sflag:s22], s20  }
0x9f: {  	s4 =	ssub.s32 $0x0, s20;
	[sflag:s22] =	ssyncset.done $0x0  }
0xa0: {  	[sflag:s22] =	ssyncadd.s32 s4;
	_ =	sdelay $0x1  }
0xa1: {  	s23 =	simm.s32 $0x1B8B  }
0xa2: {  	_ =	swait.ge [sflag:s23], $0x1  }
0xa3: {  	[sflag:s23] =	ssyncset.done $0x0  }
0xa4: {  	s25 =	simm.s32 $0x1B8E;
	s24 =	sld [smem:$0x3FFE];
	[sflag:s23] =	ssyncadd.s32 $0xFFFFFFFF  }
0xa5: {  	s26 =	simm.s32 $execute0_lowered;
	[smem:$0x3FD2] =	sst s25  }
0xa6: {  	s5 =	sshll.u32 s26, $0x1;
	_ =	strace $0x80000046;
	[dreg:$0x1] =	wrdreg $0xFFFFFFFF  }
0xa7: {  	s28 =	simm.s32 $_size_execute0_lowered;
	s3 =	sadd.s32 s3, s5;
	[dreg:$0x0] =	wrdreg $0x0  }
0xa8: {  	s5 =	sshll.u32 s28, $0x1;
	[dreg:$0x2] =	wrdreg s3  }
0xa9: {  	[dreg:$0x3] =	wrdreg s5  }
0xaa: {  	[dreg:$0x4] =	wrdreg $0xC0  }
0xab: {  	_ =	task [dreg:s7], $0x5FFFF  }
0xac: {  	[dreg:$0x1] =	wrdreg $0xFFFFFFFF  }
0xad: {  	[dreg:$0x0] =	wrdreg $0x60  }
0xae: {  	[dreg:$0x2] =	wrdreg s24  }
0xaf: {  	[dreg:$0x3] =	wrdreg s2  }
0xb0: {  	[dreg:$0x4] =	wrdreg $0x88000  }
0xb1: {  	[dreg:$0x5] =	wrdreg $0x1C8800  }
0xb2: {  	[dreg:$0x6] =	wrdreg $0x9  }
0xb3: {  	_ =	task.clear_ibuf [dreg:s7], $0x7FFFF;
	_ =	strace $0x90000046  }
0xb4: {  	s29 =	simm.s32 $0x9;
	_ =	strace $0x80000048  }
0xb5: {  	_ =	swait.ge [sflag:s29], $0x1  }
0xb6: {  	[sflag:s29] =	ssyncadd.s32 $0xFFFFFFFF  }
0xb7: {  	_ =	strace $0x90000048  }
0xb8: {  	_ =	sfence  }
0xb9: {  	s30 =	sld [smem:$0x0];
	_ =	sdelay $0x2  }
0xba: {  	s31 =	sshll.u32 s1, $0xD;
	s1 =	sshrl.u32 s1, $0x2  }
0xbb: {  	s3 =	sand.u32 $0x4000, s31;
	s1 =	sadd.s32 s1, s30  }
0xbc: {  	s0 =	sor.u32 s3, s0;
	s1 =	sshll.u32 s1, $0x11  }
0xbd: {  	s0 =	sor.u32 s1, s0  }
0xbe: {  	s0 =	sadd.s32 $0x8F2B, s0  }
0xbf: {  	[sflag:s0] =	ssyncadd.remote.s32 $0x1  }
0xc0: {  	_ =	sfence.sel $0xFFFF  }
0xc1: {  	[dreg:$0x0] =	wrdreg $0xFFFFFFFF;
	(pc) =	sbr.abs _section_cstart, $3  }
0xc2: {  	[dreg:$0x1] =	wrdreg $0xFFFFFFFF  }
0xc3: {  	_ =	task.clear_ibuf [dreg:s7], $0x2FFFF;
	_ =	strace $0x9FFFFFFF  }
0xc4: {  	(tm) =	ssettm $0x7FFFFFFF  }
0xc5: {  	_ =	shalt  }
tec
execute0_lowered:
.L_overlay_start_1:
0x0: {  	(tag) =	ssettag $0x1  }
0x1: {  	s0 =	rddreg [dreg:$0x0]  }
0x2: {  	s1 =	rddreg [dreg:$0x1]  }
0x3: {  	s2 =	rddreg [dreg:$0x2];
	s13 =	stileid.u32  }
0x4: {  	s4 =	srdreg.scid;
	s3 =	rddreg [dreg:$0x3]  }
0x5: {  	s28 =	simm.s32 $0x100;
	s29 =	simm.s32 $0x2;
	s30 =	simm.s32 $0x480  }
0x6: {  	s31 =	simm.s32 $0x4;
	s6 =	sand.u32 $0x1, s4;
	s7 =	smul.u32 $0x280, s13  }
0x7: {  	s4 =	simm.s32 $0x0;
	s8 =	sshll.u32 s13, $0x8;
	s13 =	smul.u32 $0x50000, s13  }
0x8: {  	s5 =	smul.u32 $0x2800, s6;
	[smem:$0x7FF] =	sst s4;
	s10 =	sadd.s32 s8, s0  }
0x9: {  	s12 =	ssub.s32 $0x2, s6;
	s6 =	sshll.u32 s6, $0x7;
	s1 =	sadd.s32 s8, s1  }
0xa: {  	s8 =	simm.s32 $0x200;
	_ =	strace $0x80000047;
	s15 =	sshrl.u32 s12, $0x1  }
0xb: {  	s16 =	sshrl.u32 s13, $0x2;
	s17 =	sadd.s32 $0x80, s7;
	s14 =	sadd.s32 $0x100, s7  }
0xc: {  	s20 =	sadd.s32 $0x180, s7;
	s1 =	sadd.s32 s6, s1;
	s6 =	sadd.s32 s6, s10  }
0xd: {  	s10 =	simm.s32 $0x280;
	s9 =	sadd.s32 s7, s5;
	s5 =	sadd.s32 $0x7A00, s0  }
0xe: {  	s18 =	sshll.u32 s17, $0x7;
	s19 =	sshll.u32 s14, $0x7;
	s13 =	sadd.s32 s17, s3  }
0xf: {  	s21 =	sadd.s32 s14, s3;
	s22 =	sshll.u32 s20, $0x7;
	[dreg:$0x5] =	wrdreg s1  }
0x10: {  	s25 =	sadd.s32 $0x2FA00, s6;
	s1 =	simm.s32 $0x180;
	[dreg:$0xa] =	wrdreg s13  }
0x11: {  	s14 =	simm.s32 $0x380;
	s11 =	sshll.u32 s9, $0x4;
	[dreg:$0xc] =	wrdreg s21  }
0x12: {  	s9 =	sshrl.u32 s9, $0x3;
	s13 =	sadd.s32 s22, s2;
	[dreg:$0x6] =	wrdreg s25  }
0x13: {  	s21 =	simm.s32 $0x400;
	s22 =	simm.s32 $0x80;
	s25 =	simm.s32 $0x1C800  }
0x14: {  	s11 =	sadd.s32 s11, s0;
	s0 =	sadd.s32 s9, s0;
	s9 =	ssub.s32 s12, s15  }
0x15: {  	s12 =	sadd.s32 s16, s2;
	s15 =	sadd.s32 s7, s3;
	[dreg:$0xd] =	wrdreg s13  }
0x16: {  	s7 =	sadd.s32 $0x200, s7;
	s13 =	simm.s32 $0x680;
	[dreg:$0x7] =	wrdreg s12  }
0x17: {  	s16 =	simm.s32 $0x780;
	[dreg:$0x8] =	wrdreg s15;
	s12 =	sadd.s32 s18, s2  }
0x18: {  	s23 =	sshll.u32 s7, $0x7;
	s7 =	sadd.s32 s7, s3;
	[dreg:$0x9] =	wrdreg s12  }
0x19: {  	s24 =	sadd.s32 $0x3A400, s11;
	s0 =	sadd.s32 $0x39A00, s0;
	[dreg:$0x10] =	wrdreg s7  }
0x1a: {  	s26 =	smax.u32 s9, $0x1;
	s9 =	simm.s32 $0x580;
	[dreg:$0x11] =	wrdreg s24  }
0x1b: {  	s11 =	simm.s32 $0x600;
	s15 =	simm.s32 $0x700;
	[dreg:$0x12] =	wrdreg s0  }
0x1c: {  	s12 =	sadd.s32 s19, s2;
	[dreg:$0x13] =	wrdreg s26;
	s19 =	simm.s32 $0x800  }
0x1d: {  	s24 =	simm.s32 $0x1;
	s26 =	simm.s32 $0x3;
	s0 =	simm.s32 $0x500  }
0x1e: {  	s7 =	simm.s32 $0x0;
	[dreg:$0xb] =	wrdreg s12;
	s12 =	sadd.s32 s20, s3  }
0x1f: {  	s20 =	simm.s32 $0x5;
	[dreg:$0xe] =	wrdreg s12;
	s12 =	sadd.s32 s23, s2  }
0x20: {  	v0 =	vimm.f32 $0.0e+00;
	v1 =	vimm.f32 $1.000000000e+00;
	s23 =	simm.s32 $0x4800;
	[dreg:$0xf] =	wrdreg s12;
	s12 =	simm.s32 $0x300  }
.LBB2_1:
0x21: {  	s6 =	sand.u32 $0xFE00, s4  }
0x22: {  	[dreg:$0x14] =	wrdreg s7;
	s17 =	sand.u32 $0x70, s4;
	s18 =	sshrl.u32 s6, $0x2  }
0x23: {  	s6 =	simm.s32 $0x40;
	s7 =	sor.u32 s17, s18;
	s18 =	simm.s32 $0x0  }
.LBB2_2:
0x24: {  	p0 =	sne.s32 s6, $0xFFC0  }
0x25: {  	[tilespmem:s7+$0x800] =	vst v0;
	s18 =	sadd.s32 $0x10, s18;
	s7 =	smov.u32 s6;
	s6 =	sadd.s32 $0x40, s6  }
.Ltmp0:
0x26: {  	(pc) =	sbr.rel @p0 .LBB2_2-.Ltmp0, $4  }
0x27: {  	_ = 	snop  }
0x28: {  	s7 =	sand.u32 $0xFE00, s7  }
0x29: {  	s17 =	sand.u32 $0x70, s18;
	s7 =	sshrl.u32 s7, $0x2  }
0x2a: {  	s7 =	sor.u32 s17, s7  }
0x2b: {  	[tilespmem:s7+$0x800] =	vst v0;
	s6 =	rddreg [dreg:$0x7]  }
0x2c: {  	[spmem:s6] =	stream.linear.scatter [tilespmem:s19], [sflag:$0x5], $0x4000, $0x38;
	[tilespmem:$0x1CB00] =	vst v63  }
0x2d: {  	_ =	swait.ge [sflag:s20], $0x4000  }
0x2e: {  	[sflag:s20] =	ssyncset.done $0x0  }
0x2f: {  	s17 =	rddreg [dreg:$0x8];
	[sflag:s20] =	ssyncadd.s32 $0xFFFFC000  }
0x30: {  	[spmem:s17] =	stream.linear.scatter [tilespmem:s19], [sflag:$0x5], $0x80, $0x38;
	[tilespmem:$0x1CB00] =	vst v63  }
0x31: {  	_ =	swait.ge [sflag:s20], $0x80  }
0x32: {  	[sflag:s20] =	ssyncset.done $0x0  }
0x33: {  	s18 =	rddreg [dreg:$0x9];
	[sflag:s20] =	ssyncadd.s32 $0xFFFFFF80  }
0x34: {  	[spmem:s18] =	stream.linear.scatter [tilespmem:s19], [sflag:$0x5], $0x4000, $0x38;
	[tilespmem:$0x1CB00] =	vst v63  }
0x35: {  	_ =	swait.ge [sflag:s20], $0x4000  }
0x36: {  	[sflag:s20] =	ssyncset.done $0x0  }
0x37: {  	s7 =	rddreg [dreg:$0xa];
	[sflag:s20] =	ssyncadd.s32 $0xFFFFC000  }
0x38: {  	[spmem:s7] =	stream.linear.scatter [tilespmem:s19], [sflag:$0x5], $0x80, $0x38;
	[tilespmem:$0x1CB00] =	vst v63  }
0x39: {  	_ =	swait.ge [sflag:s20], $0x80  }
0x3a: {  	[sflag:s20] =	ssyncset.done $0x0  }
0x3b: {  	s17 =	rddreg [dreg:$0xb];
	[sflag:s20] =	ssyncadd.s32 $0xFFFFFF80  }
0x3c: {  	[spmem:s17] =	stream.linear.scatter [tilespmem:s19], [sflag:$0x5], $0x4000, $0x38;
	[tilespmem:$0x1CB00] =	vst v63  }
0x3d: {  	_ =	swait.ge [sflag:s20], $0x4000  }
0x3e: {  	[sflag:s20] =	ssyncset.done $0x0  }
0x3f: {  	s18 =	rddreg [dreg:$0xc];
	[sflag:s20] =	ssyncadd.s32 $0xFFFFC000  }
0x40: {  	[spmem:s18] =	stream.linear.scatter [tilespmem:s19], [sflag:$0x5], $0x80, $0x38;
	[tilespmem:$0x1CB00] =	vst v63  }
0x41: {  	_ =	swait.ge [sflag:s20], $0x80  }
0x42: {  	[sflag:s20] =	ssyncset.done $0x0  }
0x43: {  	s7 =	rddreg [dreg:$0xd];
	[sflag:s20] =	ssyncadd.s32 $0xFFFFFF80  }
0x44: {  	[spmem:s7] =	stream.linear.scatter [tilespmem:s19], [sflag:$0x5], $0x4000, $0x38;
	[tilespmem:$0x1CB00] =	vst v63  }
0x45: {  	_ =	swait.ge [sflag:s20], $0x4000  }
0x46: {  	[sflag:s20] =	ssyncset.done $0x0  }
0x47: {  	s17 =	rddreg [dreg:$0xe];
	[sflag:s20] =	ssyncadd.s32 $0xFFFFC000  }
0x48: {  	[spmem:s17] =	stream.linear.scatter [tilespmem:s19], [sflag:$0x5], $0x80, $0x38;
	[tilespmem:$0x1CB00] =	vst v63  }
0x49: {  	_ =	swait.ge [sflag:s20], $0x80  }
0x4a: {  	[sflag:s20] =	ssyncset.done $0x0  }
0x4b: {  	s18 =	rddreg [dreg:$0xf];
	[sflag:s20] =	ssyncadd.s32 $0xFFFFFF80  }
0x4c: {  	[spmem:s18] =	stream.linear.scatter [tilespmem:s19], [sflag:$0x5], $0x4000, $0x38;
	[tilespmem:$0x1CB00] =	vst v63  }
0x4d: {  	_ =	swait.ge [sflag:s20], $0x4000  }
0x4e: {  	[sflag:s20] =	ssyncset.done $0x0  }
0x4f: {  	s7 =	rddreg [dreg:$0x10];
	[sflag:s20] =	ssyncadd.s32 $0xFFFFC000  }
0x50: {  	[spmem:s7] =	stream.linear.scatter [tilespmem:s19], [sflag:$0x5], $0x80, $0x38;
	[tilespmem:$0x1CB00] =	vst v63  }
0x51: {  	_ =	swait.ge [sflag:s20], $0x80  }
0x52: {  	[sflag:s20] =	ssyncset.done $0x0  }
0x53: {  	[sflag:s20] =	ssyncadd.s32 $0xFFFFFF80  }
0x54: {  	[tilespmem:$0x1C800] =	vst v1  }
0x55: {  	[tilespmem:$0x1C810] =	vst v1  }
0x56: {  	[tilespmem:$0x1C820] =	vst v1  }
0x57: {  	[tilespmem:$0x1C830] =	vst v1  }
0x58: {  	[tilespmem:$0x1C840] =	vst v1  }
0x59: {  	[tilespmem:$0x1C850] =	vst v1  }
0x5a: {  	[tilespmem:$0x1C860] =	vst v1  }
0x5b: {  	[tilespmem:$0x1C870] =	vst v1  }
0x5c: {  	[bflag:$0x0] =	sbarrier.arrive $0xFFFF  }
0x5d: {  	s17 =	rddreg [dreg:$0x5]  }
0x5e: {  	s6 =	sadd.s32 $0x0, s17  }
0x5f: {  	[tilespmem:s4], [sflag:$0x5] =	stream.linear.gather [hbm4b:s6+s4], $0x400, $0x38;
	[tilespmem:$0x1CB00] =	vst v63  }
0x60: {  	_ =	swait.ge [sflag:s20], $0x400  }
0x61: {  	s18 =	rddreg [dreg:$0x6];
	[sflag:s20] =	ssyncset.done $0x0  }
0x62: {  	[sflag:s20] =	ssyncadd.s32 $0xFFFFFC00;
	s6 =	sadd.s32 $0x0, s18  }
0x63: {  	[tilespmem:s21], [sflag:$0x5] =	stream.linear.gather [hbm4b:s6+s4], $0x400, $0x38;
	[tilespmem:$0x1CB00] =	vst v63  }
0x64: {  	_ =	swait.ge [sflag:s20], $0x400  }
0x65: {  	[sflag:s20] =	ssyncset.done $0x0  }
0x66: {  	[sflag:s20] =	ssyncadd.s32 $0xFFFFFC00  }
0x67: {  	[tilespmem:s19], [sflag:$0x1] =	stream.indirect.gather [hbm4b:s5+s22], $0x80, s4, s22, $0xb8;
	[tilespmem:$0x1CB00] =	vst v63  }
0x68: {  	_ = 	snop  }
0x69: {  	[tilespmem:s23], [sflag:$0x2] =	stream.indirect.gather [hbm4b:s5+s22], $0x80, s22, s22, $0xb8;
	[tilespmem:$0x1CB00] =	vst v63  }
0x6a: {  	_ =	swait.ge [sflag:s24], $0x4000  }
0x6b: {  	[sflag:s24] =	ssyncset.done $0x0  }
0x6c: {  	[sflag:s24] =	ssyncadd.s32 $0xFFFFC000  }
0x6d: {  	[spmem:s2] =	stream.indirect.scatter.add.f32 [tilespmem:s19], [sflag:$0x3], $0x80, s21, s22, $0xb8;
	[tilespmem:$0x1CB00] =	vst v63  }
0x6e: {  	_ = 	snop  }
0x6f: {  	[spmem:s3] =	stream.indirect.scatter.add.f32 [tilespmem:s25], [sflag:$0x5], $0x1, s21, s22, $0xb8;
	[tilespmem:$0x1CB00] =	vst v63  }
0x70: {  	_ =	swait.ge [sflag:s20], $0x80  }
0x71: {  	[sflag:s20] =	ssyncset.done $0x0  }
0x72: {  	[sflag:s20] =	ssyncadd.s32 $0xFFFFFF80  }
0x73: {  	_ =	swait.ge [sflag:s26], $0x4000  }
0x74: {  	[sflag:s26] =	ssyncset.done $0x0  }
0x75: {  	[sflag:s26] =	ssyncadd.s32 $0xFFFFC000  }
0x76: {  	[tilespmem:s19], [sflag:$0x1] =	stream.indirect.gather [hbm4b:s5+s22], $0x80, s28, s22, $0xb8;
	[tilespmem:$0x1CB00] =	vst v63  }
0x77: {  	_ =	swait.ge [sflag:s29], $0x4000  }
0x78: {  	[sflag:s29] =	ssyncset.done $0x0  }
0x79: {  	[sflag:s29] =	ssyncadd.s32 $0xFFFFC000  }
0x7a: {  	[spmem:s2] =	stream.indirect.scatter.add.f32 [tilespmem:s23], [sflag:$0x4], $0x80, s30, s22, $0xb8;
	[tilespmem:$0x1CB00] =	vst v63  }
0x7b: {  	_ = 	snop  }
0x7c: {  	[spmem:s3] =	stream.indirect.scatter.add.f32 [tilespmem:s25], [sflag:$0x5], $0x1, s30, s22, $0xb8;
	[tilespmem:$0x1CB00] =	vst v63  }
0x7d: {  	_ =	swait.ge [sflag:s20], $0x80  }
0x7e: {  	[sflag:s20] =	ssyncset.done $0x0  }
0x7f: {  	[sflag:s20] =	ssyncadd.s32 $0xFFFFFF80  }
0x80: {  	_ =	swait.ge [sflag:s31], $0x4000  }
0x81: {  	[sflag:s31] =	ssyncset.done $0x0  }
0x82: {  	[sflag:s31] =	ssyncadd.s32 $0xFFFFC000  }
0x83: {  	[tilespmem:s23], [sflag:$0x2] =	stream.indirect.gather [hbm4b:s5+s22], $0x80, s1, s22, $0xb8;
	[tilespmem:$0x1CB00] =	vst v63  }
0x84: {  	_ =	swait.ge [sflag:s24], $0x4000  }
0x85: {  	[sflag:s24] =	ssyncset.done $0x0  }
0x86: {  	[sflag:s24] =	ssyncadd.s32 $0xFFFFC000  }
0x87: {  	[spmem:s2] =	stream.indirect.scatter.add.f32 [tilespmem:s19], [sflag:$0x3], $0x80, s0, s22, $0xb8;
	[tilespmem:$0x1CB00] =	vst v63  }
0x88: {  	_ = 	snop  }
0x89: {  	[spmem:s3] =	stream.indirect.scatter.add.f32 [tilespmem:s25], [sflag:$0x5], $0x1, s0, s22, $0xb8;
	[tilespmem:$0x1CB00] =	vst v63  }
0x8a: {  	_ =	swait.ge [sflag:s20], $0x80  }
0x8b: {  	[sflag:s20] =	ssyncset.done $0x0  }
0x8c: {  	[sflag:s20] =	ssyncadd.s32 $0xFFFFFF80  }
0x8d: {  	_ =	swait.ge [sflag:s26], $0x4000  }
0x8e: {  	[sflag:s26] =	ssyncset.done $0x0  }
0x8f: {  	[sflag:s26] =	ssyncadd.s32 $0xFFFFC000  }
0x90: {  	[tilespmem:s19], [sflag:$0x1] =	stream.indirect.gather [hbm4b:s5+s22], $0x80, s8, s22, $0xb8;
	[tilespmem:$0x1CB00] =	vst v63  }
0x91: {  	_ =	swait.ge [sflag:s29], $0x4000  }
0x92: {  	[sflag:s29] =	ssyncset.done $0x0  }
0x93: {  	[sflag:s29] =	ssyncadd.s32 $0xFFFFC000  }
0x94: {  	[spmem:s2] =	stream.indirect.scatter.add.f32 [tilespmem:s23], [sflag:$0x4], $0x80, s9, s22, $0xb8;
	[tilespmem:$0x1CB00] =	vst v63  }
0x95: {  	_ = 	snop  }
0x96: {  	[spmem:s3] =	stream.indirect.scatter.add.f32 [tilespmem:s25], [sflag:$0x5], $0x1, s9, s22, $0xb8;
	[tilespmem:$0x1CB00] =	vst v63  }
0x97: {  	_ =	swait.ge [sflag:s20], $0x80  }
0x98: {  	[sflag:s20] =	ssyncset.done $0x0  }
0x99: {  	[sflag:s20] =	ssyncadd.s32 $0xFFFFFF80  }
0x9a: {  	_ =	swait.ge [sflag:s31], $0x4000  }
0x9b: {  	[sflag:s31] =	ssyncset.done $0x0  }
0x9c: {  	[sflag:s31] =	ssyncadd.s32 $0xFFFFC000  }
0x9d: {  	[tilespmem:s23], [sflag:$0x2] =	stream.indirect.gather [hbm4b:s5+s22], $0x80, s10, s22, $0xb8;
	[tilespmem:$0x1CB00] =	vst v63  }
0x9e: {  	_ =	swait.ge [sflag:s24], $0x4000  }
0x9f: {  	[sflag:s24] =	ssyncset.done $0x0  }
0xa0: {  	[sflag:s24] =	ssyncadd.s32 $0xFFFFC000  }
0xa1: {  	[spmem:s2] =	stream.indirect.scatter.add.f32 [tilespmem:s19], [sflag:$0x3], $0x80, s11, s22, $0xb8;
	[tilespmem:$0x1CB00] =	vst v63  }
0xa2: {  	_ = 	snop  }
0xa3: {  	[spmem:s3] =	stream.indirect.scatter.add.f32 [tilespmem:s25], [sflag:$0x5], $0x1, s11, s22, $0xb8;
	[tilespmem:$0x1CB00] =	vst v63  }
0xa4: {  	_ =	swait.ge [sflag:s20], $0x80  }
0xa5: {  	[sflag:s20] =	ssyncset.done $0x0  }
0xa6: {  	[sflag:s20] =	ssyncadd.s32 $0xFFFFFF80  }
0xa7: {  	_ =	swait.ge [sflag:s26], $0x4000  }
0xa8: {  	[sflag:s26] =	ssyncset.done $0x0  }
0xa9: {  	[sflag:s26] =	ssyncadd.s32 $0xFFFFC000  }
0xaa: {  	[tilespmem:s19], [sflag:$0x1] =	stream.indirect.gather [hbm4b:s5+s22], $0x80, s12, s22, $0xb8;
	[tilespmem:$0x1CB00] =	vst v63  }
0xab: {  	_ =	swait.ge [sflag:s29], $0x4000  }
0xac: {  	[sflag:s29] =	ssyncset.done $0x0  }
0xad: {  	[sflag:s29] =	ssyncadd.s32 $0xFFFFC000  }
0xae: {  	[spmem:s2] =	stream.indirect.scatter.add.f32 [tilespmem:s23], [sflag:$0x4], $0x80, s13, s22, $0xb8;
	[tilespmem:$0x1CB00] =	vst v63  }
0xaf: {  	_ = 	snop  }
0xb0: {  	[spmem:s3] =	stream.indirect.scatter.add.f32 [tilespmem:s25], [sflag:$0x5], $0x1, s13, s22, $0xb8;
	[tilespmem:$0x1CB00] =	vst v63  }
0xb1: {  	_ =	swait.ge [sflag:s20], $0x80  }
0xb2: {  	[sflag:s20] =	ssyncset.done $0x0  }
0xb3: {  	[sflag:s20] =	ssyncadd.s32 $0xFFFFFF80  }
0xb4: {  	_ =	swait.ge [sflag:s31], $0x4000  }
0xb5: {  	[sflag:s31] =	ssyncset.done $0x0  }
0xb6: {  	[sflag:s31] =	ssyncadd.s32 $0xFFFFC000  }
0xb7: {  	[tilespmem:s23], [sflag:$0x2] =	stream.indirect.gather [hbm4b:s5+s22], $0x80, s14, s22, $0xb8;
	[tilespmem:$0x1CB00] =	vst v63  }
0xb8: {  	_ =	swait.ge [sflag:s24], $0x4000  }
0xb9: {  	[sflag:s24] =	ssyncset.done $0x0  }
0xba: {  	[sflag:s24] =	ssyncadd.s32 $0xFFFFC000  }
0xbb: {  	[spmem:s2] =	stream.indirect.scatter.add.f32 [tilespmem:s19], [sflag:$0x3], $0x80, s15, s22, $0xb8;
	[tilespmem:$0x1CB00] =	vst v63  }
0xbc: {  	_ = 	snop  }
0xbd: {  	[spmem:s3] =	stream.indirect.scatter.add.f32 [tilespmem:s25], [sflag:$0x5], $0x1, s15, s22, $0xb8;
	[tilespmem:$0x1CB00] =	vst v63  }
0xbe: {  	_ =	swait.ge [sflag:s20], $0x80  }
0xbf: {  	[sflag:s20] =	ssyncset.done $0x0  }
0xc0: {  	[sflag:s20] =	ssyncadd.s32 $0xFFFFFF80  }
0xc1: {  	_ =	swait.ge [sflag:s29], $0x4000  }
0xc2: {  	[sflag:s29] =	ssyncset.done $0x0  }
0xc3: {  	[sflag:s29] =	ssyncadd.s32 $0xFFFFC000  }
0xc4: {  	[spmem:s2] =	stream.indirect.scatter.add.f32 [tilespmem:s23], [sflag:$0x4], $0x80, s16, s22, $0xb8;
	[tilespmem:$0x1CB00] =	vst v63  }
0xc5: {  	_ = 	snop  }
0xc6: {  	[spmem:s3] =	stream.indirect.scatter.add.f32 [tilespmem:s25], [sflag:$0x5], $0x1, s16, s22, $0xb8;
	[tilespmem:$0x1CB00] =	vst v63  }
0xc7: {  	_ =	swait.ge [sflag:s20], $0x80  }
0xc8: {  	[sflag:s20] =	ssyncset.done $0x0  }
0xc9: {  	[sflag:s20] =	ssyncadd.s32 $0xFFFFFF80  }
0xca: {  	_ =	swait.ge [sflag:s26], $0x4000  }
0xcb: {  	[sflag:s26] =	ssyncset.done $0x0  }
0xcc: {  	[sflag:s26] =	ssyncadd.s32 $0xFFFFC000  }
0xcd: {  	s18 =	simm.s32 $0x1000;
	_ =	swait.ge [sflag:s31], $0x4000  }
0xce: {  	s6 =	simm.s32 $0x2000;
	s7 =	rddreg [dreg:$0x5];
	[sflag:s31] =	ssyncset.done $0x0  }
.LBB2_4:
0xcf: {  	[sflag:s31] =	ssyncadd.s32 $0xFFFFC000;
	s7 =	sadd.s32 s18, s7  }
0xd0: {  	[tilespmem:s4], [sflag:$0x5] =	stream.linear.gather [hbm4b:s7+s4], $0x400, $0x38;
	[tilespmem:$0x1CB00] =	vst v63  }
0xd1: {  	_ =	swait.ge [sflag:s20], $0x400  }
0xd2: {  	s7 =	rddreg [dreg:$0x6];
	[sflag:s20] =	ssyncset.done $0x0  }
0xd3: {  	[sflag:s20] =	ssyncadd.s32 $0xFFFFFC00;
	s7 =	sadd.s32 s18, s7  }
0xd4: {  	[tilespmem:s21], [sflag:$0x5] =	stream.linear.gather [hbm4b:s7+s4], $0x400, $0x38;
	[tilespmem:$0x1CB00] =	vst v63  }
0xd5: {  	_ =	swait.ge [sflag:s20], $0x400  }
0xd6: {  	[sflag:s20] =	ssyncset.done $0x0  }
0xd7: {  	[sflag:s20] =	ssyncadd.s32 $0xFFFFFC00  }
0xd8: {  	[tilespmem:s19], [sflag:$0x1] =	stream.indirect.gather [hbm4b:s5+s22], $0x80, s4, s22, $0xb8;
	[tilespmem:$0x1CB00] =	vst v63  }
0xd9: {  	_ = 	snop  }
0xda: {  	[tilespmem:s23], [sflag:$0x2] =	stream.indirect.gather [hbm4b:s5+s22], $0x80, s22, s22, $0xb8;
	[tilespmem:$0x1CB00] =	vst v63  }
0xdb: {  	_ =	swait.ge [sflag:s24], $0x4000  }
0xdc: {  	[sflag:s24] =	ssyncset.done $0x0  }
0xdd: {  	[sflag:s24] =	ssyncadd.s32 $0xFFFFC000  }
0xde: {  	[spmem:s2] =	stream.indirect.scatter.add.f32 [tilespmem:s19], [sflag:$0x3], $0x80, s21, s22, $0xb8;
	[tilespmem:$0x1CB00] =	vst v63  }
0xdf: {  	_ = 	snop  }
0xe0: {  	[spmem:s3] =	stream.indirect.scatter.add.f32 [tilespmem:s25], [sflag:$0x5], $0x1, s21, s22, $0xb8;
	[tilespmem:$0x1CB00] =	vst v63  }
0xe1: {  	_ =	swait.ge [sflag:s20], $0x80  }
0xe2: {  	[sflag:s20] =	ssyncset.done $0x0  }
0xe3: {  	[sflag:s20] =	ssyncadd.s32 $0xFFFFFF80  }
0xe4: {  	_ =	swait.ge [sflag:s26], $0x4000  }
0xe5: {  	[sflag:s26] =	ssyncset.done $0x0  }
0xe6: {  	[sflag:s26] =	ssyncadd.s32 $0xFFFFC000  }
0xe7: {  	[tilespmem:s19], [sflag:$0x1] =	stream.indirect.gather [hbm4b:s5+s22], $0x80, s28, s22, $0xb8;
	[tilespmem:$0x1CB00] =	vst v63  }
0xe8: {  	_ =	swait.ge [sflag:s29], $0x4000  }
0xe9: {  	[sflag:s29] =	ssyncset.done $0x0  }
0xea: {  	[sflag:s29] =	ssyncadd.s32 $0xFFFFC000  }
0xeb: {  	[spmem:s2] =	stream.indirect.scatter.add.f32 [tilespmem:s23], [sflag:$0x4], $0x80, s30, s22, $0xb8;
	[tilespmem:$0x1CB00] =	vst v63  }
0xec: {  	_ = 	snop  }
0xed: {  	[spmem:s3] =	stream.indirect.scatter.add.f32 [tilespmem:s25], [sflag:$0x5], $0x1, s30, s22, $0xb8;
	[tilespmem:$0x1CB00] =	vst v63  }
0xee: {  	_ =	swait.ge [sflag:s20], $0x80  }
0xef: {  	[sflag:s20] =	ssyncset.done $0x0  }
0xf0: {  	[sflag:s20] =	ssyncadd.s32 $0xFFFFFF80  }
0xf1: {  	_ =	swait.ge [sflag:s31], $0x4000  }
0xf2: {  	[sflag:s31] =	ssyncset.done $0x0  }
0xf3: {  	[sflag:s31] =	ssyncadd.s32 $0xFFFFC000  }
0xf4: {  	[tilespmem:s23], [sflag:$0x2] =	stream.indirect.gather [hbm4b:s5+s22], $0x80, s1, s22, $0xb8;
	[tilespmem:$0x1CB00] =	vst v63  }
0xf5: {  	_ =	swait.ge [sflag:s24], $0x4000  }
0xf6: {  	[sflag:s24] =	ssyncset.done $0x0  }
0xf7: {  	[sflag:s24] =	ssyncadd.s32 $0xFFFFC000  }
0xf8: {  	[spmem:s2] =	stream.indirect.scatter.add.f32 [tilespmem:s19], [sflag:$0x3], $0x80, s0, s22, $0xb8;
	[tilespmem:$0x1CB00] =	vst v63  }
0xf9: {  	_ = 	snop  }
0xfa: {  	[spmem:s3] =	stream.indirect.scatter.add.f32 [tilespmem:s25], [sflag:$0x5], $0x1, s0, s22, $0xb8;
	[tilespmem:$0x1CB00] =	vst v63  }
0xfb: {  	_ =	swait.ge [sflag:s20], $0x80  }
0xfc: {  	[sflag:s20] =	ssyncset.done $0x0  }
0xfd: {  	[sflag:s20] =	ssyncadd.s32 $0xFFFFFF80  }
0xfe: {  	_ =	swait.ge [sflag:s26], $0x4000  }
0xff: {  	[sflag:s26] =	ssyncset.done $0x0  }
0x100: {  	[sflag:s26] =	ssyncadd.s32 $0xFFFFC000  }
0x101: {  	[tilespmem:s19], [sflag:$0x1] =	stream.indirect.gather [hbm4b:s5+s22], $0x80, s8, s22, $0xb8;
	[tilespmem:$0x1CB00] =	vst v63  }
0x102: {  	_ =	swait.ge [sflag:s29], $0x4000  }
0x103: {  	[sflag:s29] =	ssyncset.done $0x0  }
0x104: {  	[sflag:s29] =	ssyncadd.s32 $0xFFFFC000  }
0x105: {  	[spmem:s2] =	stream.indirect.scatter.add.f32 [tilespmem:s23], [sflag:$0x4], $0x80, s9, s22, $0xb8;
	[tilespmem:$0x1CB00] =	vst v63  }
0x106: {  	_ = 	snop  }
0x107: {  	[spmem:s3] =	stream.indirect.scatter.add.f32 [tilespmem:s25], [sflag:$0x5], $0x1, s9, s22, $0xb8;
	[tilespmem:$0x1CB00] =	vst v63  }
0x108: {  	_ =	swait.ge [sflag:s20], $0x80  }
0x109: {  	[sflag:s20] =	ssyncset.done $0x0  }
0x10a: {  	[sflag:s20] =	ssyncadd.s32 $0xFFFFFF80  }
0x10b: {  	_ =	swait.ge [sflag:s31], $0x4000  }
0x10c: {  	[sflag:s31] =	ssyncset.done $0x0  }
0x10d: {  	[sflag:s31] =	ssyncadd.s32 $0xFFFFC000  }
0x10e: {  	[tilespmem:s23], [sflag:$0x2] =	stream.indirect.gather [hbm4b:s5+s22], $0x80, s10, s22, $0xb8;
	[tilespmem:$0x1CB00] =	vst v63  }
0x10f: {  	_ =	swait.ge [sflag:s24], $0x4000  }
0x110: {  	[sflag:s24] =	ssyncset.done $0x0  }
0x111: {  	[sflag:s24] =	ssyncadd.s32 $0xFFFFC000  }
0x112: {  	[spmem:s2] =	stream.indirect.scatter.add.f32 [tilespmem:s19], [sflag:$0x3], $0x80, s11, s22, $0xb8;
	[tilespmem:$0x1CB00] =	vst v63  }
0x113: {  	_ = 	snop  }
0x114: {  	[spmem:s3] =	stream.indirect.scatter.add.f32 [tilespmem:s25], [sflag:$0x5], $0x1, s11, s22, $0xb8;
	[tilespmem:$0x1CB00] =	vst v63  }
0x115: {  	_ =	swait.ge [sflag:s20], $0x80  }
0x116: {  	[sflag:s20] =	ssyncset.done $0x0  }
0x117: {  	[sflag:s20] =	ssyncadd.s32 $0xFFFFFF80  }
0x118: {  	_ =	swait.ge [sflag:s26], $0x4000  }
0x119: {  	[sflag:s26] =	ssyncset.done $0x0  }
0x11a: {  	[sflag:s26] =	ssyncadd.s32 $0xFFFFC000  }
0x11b: {  	[tilespmem:s19], [sflag:$0x1] =	stream.indirect.gather [hbm4b:s5+s22], $0x80, s12, s22, $0xb8;
	[tilespmem:$0x1CB00] =	vst v63  }
0x11c: {  	_ =	swait.ge [sflag:s29], $0x4000  }
0x11d: {  	[sflag:s29] =	ssyncset.done $0x0  }
0x11e: {  	[sflag:s29] =	ssyncadd.s32 $0xFFFFC000  }
0x11f: {  	[spmem:s2] =	stream.indirect.scatter.add.f32 [tilespmem:s23], [sflag:$0x4], $0x80, s13, s22, $0xb8;
	[tilespmem:$0x1CB00] =	vst v63  }
0x120: {  	_ = 	snop  }
0x121: {  	[spmem:s3] =	stream.indirect.scatter.add.f32 [tilespmem:s25], [sflag:$0x5], $0x1, s13, s22, $0xb8;
	[tilespmem:$0x1CB00] =	vst v63  }
0x122: {  	_ =	swait.ge [sflag:s20], $0x80  }
0x123: {  	[sflag:s20] =	ssyncset.done $0x0  }
0x124: {  	[sflag:s20] =	ssyncadd.s32 $0xFFFFFF80  }
0x125: {  	_ =	swait.ge [sflag:s31], $0x4000  }
0x126: {  	[sflag:s31] =	ssyncset.done $0x0  }
0x127: {  	[sflag:s31] =	ssyncadd.s32 $0xFFFFC000  }
0x128: {  	[tilespmem:s23], [sflag:$0x2] =	stream.indirect.gather [hbm4b:s5+s22], $0x80, s14, s22, $0xb8;
	[tilespmem:$0x1CB00] =	vst v63  }
0x129: {  	_ =	swait.ge [sflag:s24], $0x4000  }
0x12a: {  	[sflag:s24] =	ssyncset.done $0x0  }
0x12b: {  	[sflag:s24] =	ssyncadd.s32 $0xFFFFC000  }
0x12c: {  	[spmem:s2] =	stream.indirect.scatter.add.f32 [tilespmem:s19], [sflag:$0x3], $0x80, s15, s22, $0xb8;
	[tilespmem:$0x1CB00] =	vst v63  }
0x12d: {  	_ = 	snop  }
0x12e: {  	[spmem:s3] =	stream.indirect.scatter.add.f32 [tilespmem:s25], [sflag:$0x5], $0x1, s15, s22, $0xb8;
	[tilespmem:$0x1CB00] =	vst v63  }
0x12f: {  	_ =	swait.ge [sflag:s20], $0x80  }
0x130: {  	[sflag:s20] =	ssyncset.done $0x0  }
0x131: {  	[sflag:s20] =	ssyncadd.s32 $0xFFFFFF80  }
0x132: {  	_ =	swait.ge [sflag:s29], $0x4000  }
0x133: {  	[sflag:s29] =	ssyncset.done $0x0  }
0x134: {  	[sflag:s29] =	ssyncadd.s32 $0xFFFFC000  }
0x135: {  	[spmem:s2] =	stream.indirect.scatter.add.f32 [tilespmem:s23], [sflag:$0x4], $0x80, s16, s22, $0xb8;
	[tilespmem:$0x1CB00] =	vst v63  }
0x136: {  	_ = 	snop  }
0x137: {  	[spmem:s3] =	stream.indirect.scatter.add.f32 [tilespmem:s25], [sflag:$0x5], $0x1, s16, s22, $0xb8;
	[tilespmem:$0x1CB00] =	vst v63  }
0x138: {  	_ =	swait.ge [sflag:s20], $0x80  }
0x139: {  	[sflag:s20] =	ssyncset.done $0x0  }
0x13a: {  	p0 =	sne.s32 s6, $0x9000;
	[sflag:s20] =	ssyncadd.s32 $0xFFFFFF80  }
.Ltmp1:
0x13b: {  	_ =	swait.ge [sflag:s26], $0x4000;
	(pc) =	sbr.rel @p0 .LBB2_4-.Ltmp1, $4  }
0x13c: {  	[sflag:s26] =	ssyncset.done $0x0  }
0x13d: {  	[sflag:s26] =	ssyncadd.s32 $0xFFFFC000  }
0x13e: {  	s17 =	smov.u32 s6;
	s6 =	sadd.s32 $0x1000, s6;
	_ =	swait.ge [sflag:s31], $0x4000  }
0x13f: {  	s18 =	smov.u32 s17;
	s7 =	rddreg [dreg:$0x5];
	[sflag:s31] =	ssyncset.done $0x0  }
0x140: {  	[sflag:s31] =	ssyncadd.s32 $0xFFFFC000;
	s6 =	sadd.s32 s18, s7  }
0x141: {  	[tilespmem:s4], [sflag:$0x5] =	stream.linear.gather [hbm4b:s6+s4], $0x400, $0x38;
	[tilespmem:$0x1CB00] =	vst v63  }
0x142: {  	_ =	swait.ge [sflag:s20], $0x400  }
0x143: {  	s7 =	rddreg [dreg:$0x6];
	[sflag:s20] =	ssyncset.done $0x0  }
0x144: {  	[sflag:s20] =	ssyncadd.s32 $0xFFFFFC00;
	s6 =	sadd.s32 s18, s7  }
0x145: {  	[tilespmem:s21], [sflag:$0x5] =	stream.linear.gather [hbm4b:s6+s4], $0x400, $0x38;
	[tilespmem:$0x1CB00] =	vst v63  }
0x146: {  	_ =	swait.ge [sflag:s20], $0x400  }
0x147: {  	[sflag:s20] =	ssyncset.done $0x0  }
0x148: {  	[sflag:s20] =	ssyncadd.s32 $0xFFFFFC00  }
0x149: {  	[tilespmem:s19], [sflag:$0x1] =	stream.indirect.gather [hbm4b:s5+s22], $0x80, s4, s22, $0xb8;
	[tilespmem:$0x1CB00] =	vst v63  }
0x14a: {  	_ = 	snop  }
0x14b: {  	[tilespmem:s23], [sflag:$0x2] =	stream.indirect.gather [hbm4b:s5+s22], $0x80, s22, s22, $0xb8;
	[tilespmem:$0x1CB00] =	vst v63  }
0x14c: {  	_ =	swait.ge [sflag:s24], $0x4000  }
0x14d: {  	[sflag:s24] =	ssyncset.done $0x0  }
0x14e: {  	[sflag:s24] =	ssyncadd.s32 $0xFFFFC000  }
0x14f: {  	[spmem:s2] =	stream.indirect.scatter.add.f32 [tilespmem:s19], [sflag:$0x3], $0x80, s21, s22, $0xb8;
	[tilespmem:$0x1CB00] =	vst v63  }
0x150: {  	_ = 	snop  }
0x151: {  	[spmem:s3] =	stream.indirect.scatter.add.f32 [tilespmem:s25], [sflag:$0x5], $0x1, s21, s22, $0xb8;
	[tilespmem:$0x1CB00] =	vst v63  }
0x152: {  	_ =	swait.ge [sflag:s20], $0x80  }
0x153: {  	[sflag:s20] =	ssyncset.done $0x0  }
0x154: {  	[sflag:s20] =	ssyncadd.s32 $0xFFFFFF80  }
0x155: {  	_ =	swait.ge [sflag:s26], $0x4000  }
0x156: {  	[sflag:s26] =	ssyncset.done $0x0  }
0x157: {  	[sflag:s26] =	ssyncadd.s32 $0xFFFFC000  }
0x158: {  	[tilespmem:s19], [sflag:$0x1] =	stream.indirect.gather [hbm4b:s5+s22], $0x80, s28, s22, $0xb8;
	[tilespmem:$0x1CB00] =	vst v63  }
0x159: {  	_ =	swait.ge [sflag:s29], $0x4000  }
0x15a: {  	[sflag:s29] =	ssyncset.done $0x0  }
0x15b: {  	[sflag:s29] =	ssyncadd.s32 $0xFFFFC000  }
0x15c: {  	[spmem:s2] =	stream.indirect.scatter.add.f32 [tilespmem:s23], [sflag:$0x4], $0x80, s30, s22, $0xb8;
	[tilespmem:$0x1CB00] =	vst v63  }
0x15d: {  	_ = 	snop  }
0x15e: {  	[spmem:s3] =	stream.indirect.scatter.add.f32 [tilespmem:s25], [sflag:$0x5], $0x1, s30, s22, $0xb8;
	[tilespmem:$0x1CB00] =	vst v63  }
0x15f: {  	_ =	swait.ge [sflag:s20], $0x80  }
0x160: {  	[sflag:s20] =	ssyncset.done $0x0  }
0x161: {  	[sflag:s20] =	ssyncadd.s32 $0xFFFFFF80  }
0x162: {  	_ =	swait.ge [sflag:s31], $0x4000  }
0x163: {  	[sflag:s31] =	ssyncset.done $0x0  }
0x164: {  	[sflag:s31] =	ssyncadd.s32 $0xFFFFC000  }
0x165: {  	[tilespmem:s23], [sflag:$0x2] =	stream.indirect.gather [hbm4b:s5+s22], $0x80, s1, s22, $0xb8;
	[tilespmem:$0x1CB00] =	vst v63  }
0x166: {  	_ =	swait.ge [sflag:s24], $0x4000  }
0x167: {  	[sflag:s24] =	ssyncset.done $0x0  }
0x168: {  	[sflag:s24] =	ssyncadd.s32 $0xFFFFC000  }
0x169: {  	[spmem:s2] =	stream.indirect.scatter.add.f32 [tilespmem:s19], [sflag:$0x3], $0x80, s0, s22, $0xb8;
	[tilespmem:$0x1CB00] =	vst v63  }
0x16a: {  	_ = 	snop  }
0x16b: {  	[spmem:s3] =	stream.indirect.scatter.add.f32 [tilespmem:s25], [sflag:$0x5], $0x1, s0, s22, $0xb8;
	[tilespmem:$0x1CB00] =	vst v63  }
0x16c: {  	_ =	swait.ge [sflag:s20], $0x80  }
0x16d: {  	[sflag:s20] =	ssyncset.done $0x0  }
0x16e: {  	[sflag:s20] =	ssyncadd.s32 $0xFFFFFF80  }
0x16f: {  	_ =	swait.ge [sflag:s26], $0x4000  }
0x170: {  	[sflag:s26] =	ssyncset.done $0x0  }
0x171: {  	[sflag:s26] =	ssyncadd.s32 $0xFFFFC000  }
0x172: {  	[tilespmem:s19], [sflag:$0x1] =	stream.indirect.gather [hbm4b:s5+s22], $0x80, s8, s22, $0xb8;
	[tilespmem:$0x1CB00] =	vst v63  }
0x173: {  	_ =	swait.ge [sflag:s29], $0x4000  }
0x174: {  	[sflag:s29] =	ssyncset.done $0x0  }
0x175: {  	[sflag:s29] =	ssyncadd.s32 $0xFFFFC000  }
0x176: {  	[spmem:s2] =	stream.indirect.scatter.add.f32 [tilespmem:s23], [sflag:$0x4], $0x80, s9, s22, $0xb8;
	[tilespmem:$0x1CB00] =	vst v63  }
0x177: {  	_ = 	snop  }
0x178: {  	[spmem:s3] =	stream.indirect.scatter.add.f32 [tilespmem:s25], [sflag:$0x5], $0x1, s9, s22, $0xb8;
	[tilespmem:$0x1CB00] =	vst v63  }
0x179: {  	_ =	swait.ge [sflag:s20], $0x80  }
0x17a: {  	[sflag:s20] =	ssyncset.done $0x0  }
0x17b: {  	[sflag:s20] =	ssyncadd.s32 $0xFFFFFF80  }
0x17c: {  	_ =	swait.ge [sflag:s31], $0x4000  }
0x17d: {  	[sflag:s31] =	ssyncset.done $0x0  }
0x17e: {  	[sflag:s31] =	ssyncadd.s32 $0xFFFFC000  }
0x17f: {  	[tilespmem:s23], [sflag:$0x2] =	stream.indirect.gather [hbm4b:s5+s22], $0x80, s10, s22, $0xb8;
	[tilespmem:$0x1CB00] =	vst v63  }
0x180: {  	_ =	swait.ge [sflag:s24], $0x4000  }
0x181: {  	[sflag:s24] =	ssyncset.done $0x0  }
0x182: {  	[sflag:s24] =	ssyncadd.s32 $0xFFFFC000  }
0x183: {  	[spmem:s2] =	stream.indirect.scatter.add.f32 [tilespmem:s19], [sflag:$0x3], $0x80, s11, s22, $0xb8;
	[tilespmem:$0x1CB00] =	vst v63  }
0x184: {  	_ = 	snop  }
0x185: {  	[spmem:s3] =	stream.indirect.scatter.add.f32 [tilespmem:s25], [sflag:$0x5], $0x1, s11, s22, $0xb8;
	[tilespmem:$0x1CB00] =	vst v63  }
0x186: {  	_ =	swait.ge [sflag:s20], $0x80  }
0x187: {  	[sflag:s20] =	ssyncset.done $0x0  }
0x188: {  	[sflag:s20] =	ssyncadd.s32 $0xFFFFFF80  }
0x189: {  	_ =	swait.ge [sflag:s26], $0x4000  }
0x18a: {  	[sflag:s26] =	ssyncset.done $0x0  }
0x18b: {  	[sflag:s26] =	ssyncadd.s32 $0xFFFFC000  }
0x18c: {  	[tilespmem:s19], [sflag:$0x1] =	stream.indirect.gather [hbm4b:s5+s22], $0x80, s12, s22, $0xb8;
	[tilespmem:$0x1CB00] =	vst v63  }
0x18d: {  	_ =	swait.ge [sflag:s29], $0x4000  }
0x18e: {  	[sflag:s29] =	ssyncset.done $0x0  }
0x18f: {  	[sflag:s29] =	ssyncadd.s32 $0xFFFFC000  }
0x190: {  	[spmem:s2] =	stream.indirect.scatter.add.f32 [tilespmem:s23], [sflag:$0x4], $0x80, s13, s22, $0xb8;
	[tilespmem:$0x1CB00] =	vst v63  }
0x191: {  	_ = 	snop  }
0x192: {  	[spmem:s3] =	stream.indirect.scatter.add.f32 [tilespmem:s25], [sflag:$0x5], $0x1, s13, s22, $0xb8;
	[tilespmem:$0x1CB00] =	vst v63  }
0x193: {  	_ =	swait.ge [sflag:s20], $0x80  }
0x194: {  	[sflag:s20] =	ssyncset.done $0x0  }
0x195: {  	[sflag:s20] =	ssyncadd.s32 $0xFFFFFF80  }
0x196: {  	_ =	swait.ge [sflag:s31], $0x4000  }
0x197: {  	[sflag:s31] =	ssyncset.done $0x0  }
0x198: {  	[sflag:s31] =	ssyncadd.s32 $0xFFFFC000  }
0x199: {  	[tilespmem:s23], [sflag:$0x2] =	stream.indirect.gather [hbm4b:s5+s22], $0x80, s14, s22, $0xb8;
	[tilespmem:$0x1CB00] =	vst v63  }
0x19a: {  	_ =	swait.ge [sflag:s24], $0x4000  }
0x19b: {  	[sflag:s24] =	ssyncset.done $0x0  }
0x19c: {  	[sflag:s24] =	ssyncadd.s32 $0xFFFFC000  }
0x19d: {  	[spmem:s2] =	stream.indirect.scatter.add.f32 [tilespmem:s19], [sflag:$0x3], $0x80, s15, s22, $0xb8;
	[tilespmem:$0x1CB00] =	vst v63  }
0x19e: {  	_ = 	snop  }
0x19f: {  	[spmem:s3] =	stream.indirect.scatter.add.f32 [tilespmem:s25], [sflag:$0x5], $0x1, s15, s22, $0xb8;
	[tilespmem:$0x1CB00] =	vst v63  }
0x1a0: {  	_ =	swait.ge [sflag:s20], $0x80  }
0x1a1: {  	[sflag:s20] =	ssyncset.done $0x0  }
0x1a2: {  	[sflag:s20] =	ssyncadd.s32 $0xFFFFFF80  }
0x1a3: {  	_ =	swait.ge [sflag:s29], $0x4000  }
0x1a4: {  	[sflag:s29] =	ssyncset.done $0x0  }
0x1a5: {  	[sflag:s29] =	ssyncadd.s32 $0xFFFFC000  }
0x1a6: {  	[spmem:s2] =	stream.indirect.scatter.add.f32 [tilespmem:s23], [sflag:$0x4], $0x80, s16, s22, $0xb8;
	[tilespmem:$0x1CB00] =	vst v63  }
0x1a7: {  	_ = 	snop  }
0x1a8: {  	[spmem:s3] =	stream.indirect.scatter.add.f32 [tilespmem:s25], [sflag:$0x5], $0x1, s16, s22, $0xb8;
	[tilespmem:$0x1CB00] =	vst v63  }
0x1a9: {  	_ =	swait.ge [sflag:s20], $0x80  }
0x1aa: {  	[sflag:s20] =	ssyncset.done $0x0  }
0x1ab: {  	[sflag:s20] =	ssyncadd.s32 $0xFFFFFF80  }
0x1ac: {  	_ =	swait.ge [sflag:s26], $0x4000  }
0x1ad: {  	[sflag:s26] =	ssyncset.done $0x0  }
0x1ae: {  	[sflag:s26] =	ssyncadd.s32 $0xFFFFC000  }
0x1af: {  	_ =	swait.ge [sflag:s31], $0x4000  }
0x1b0: {  	[sflag:s31] =	ssyncset.done $0x0  }
0x1b1: {  	[sflag:s31] =	ssyncadd.s32 $0xFFFFC000  }
0x1b2: {  	s17 =	stileid.u32;
	[bflag:$0x0] =	sbarrier.arrive $0xFFFF  }
0x1b3: {  	s6 =	sshll.u32 s17, $0x6;
	s18 =	rddreg [dreg:$0x7]  }
0x1b4: {  	s6 =	sor.u32 $0x1C05, s6;
	s17 =	rddreg [dreg:$0x11];
	s7 =	sshrl.u32 s18, $0x3  }
0x1b5: {  	[hbm:s17], [sflag:s6] =	dma.local [spmem:s7], $0x2800  }
0x1b6: {  	_ =	swait.ge [sflag:s20], $0x2800  }
0x1b7: {  	[sflag:s20] =	ssyncset.done $0x0;
	s17 =	rddreg [dreg:$0x8]  }
0x1b8: {  	s18 =	rddreg [dreg:$0x12];
	[sflag:s20] =	ssyncadd.s32 $0xFFFFD800;
	s7 =	sshrl.u32 s17, $0x3  }
0x1b9: {  	[hbm:s18], [sflag:s6] =	dma.local [spmem:s7], $0x50  }
0x1ba: {  	_ =	swait.ge [sflag:s20], $0x50  }
0x1bb: {  	s17 =	rddreg [dreg:$0x14]  }
0x1bc: {  	s18 =	rddreg [dreg:$0x13];
	s7 =	sadd.s32 $0x1, s17  }
0x1bd: {  	p0 =	sne.s32 s7, s18  }
.Ltmp2:
0x1be: {  	_ = 	snop;
	(pc) =	sbr.rel @p0 .LBB2_1-.Ltmp2, $3  }
0x1bf: {  	_ =	sdelay $0x1  }
0x1c0: {  	[sflag:s20] =	ssyncset.done $0x0  }
0x1c1: {  	[sflag:s20] =	ssyncadd.s32 $0xFFFFFFB0  }
0x1c2: {  	_ =	sfence.sel $0x180000  }
0x1c3: {  	[bflag:$0x0] =	sbarrier.arrive $0xFFFF  }
0x1c4: {  	_ =	strace $0x90000047  }
0x1c5: {  	s0 =	stileid.u32;
	[bflag:$0x2] =	sbarrier.arrive $0xFFFF  }
0x1c6: {  	p0 =	sne.s32 s0, $0x0;
	s0 =	rddreg [dreg:$0x4]  }
0x1c7: {  	s0 =	sadd.s32 @!p0 $0x100000, s0  }
0x1c8: {  	[sflag:s0] =	ssyncadd.tile.s32 @!p0 $0x1;
	_ =	shalt  }
.Lfunc_end2:
_tile_overlayer_lowered:
.L_overlay_start_2:
0x1c9: {  	(tag) =	ssettag $0x2  }
0x1ca: {  	s0 =	rddreg [dreg:$0x0];
	s2 =	stileid.u32  }
0x1cb: {  	s1 =	rddreg [dreg:$0x1];
	p0 =	sne.s32 s2, $0x0  }
0x1cc: {  	s3 =	rddreg [dreg:$0x2];
	[bflag:$0x3] =	sbarrier.arrive $0xFFFF;
	s2 =	simm.s32 @!p0 $0x1C05  }
0x1cd: {  	[timem:s3], [sflag:s2] =	dma.local @!p0 [hbm:s0], s1  }
0x1ce: {  	s0 =	simm.s32 @!p0 $0x5  }
0x1cf: {  	_ =	swait.ge @!p0 [sflag:s0], s1  }
0x1d0: {  	s1 =	ssub.s32 @!p0 $0x0, s1;
	[sflag:s0] =	ssyncset.done @!p0 $0x0  }
0x1d1: {  	[sflag:s0] =	ssyncadd.s32 @!p0 s1  }
0x1d2: {  	[bflag:$0x3] =	sbarrier.arrive $0xFFFF  }
0x1d3: {  	_ =	shalt  }

// kernel: kernel.15.cloned.1.call-start
scs
__scs_entry_jumppad:
0x0: {  	(pc) =	sbr.rel $0x88, $3  }
0x1: {  	(tag) =	ssettag $0x0;
	lr =	simm.s32 $0x1  }
0x2: {  	[smem:$0x3F8F] =	sst lr;
	_ =	strace $0xD0000000  }
0x3: {  	_ = 	snop  }
0x4: {  	_ = 	snop  }
0x5: {  	_ = 	snop  }
0x6: {  	_ = 	snop  }
0x7: {  	_ = 	snop  }
__scs_overlays_trampoline_lowered:
0x8: {  	[smem:$0x3F9E] =	sst s0  }
0x9: {  	[smem:$0x3F9F] =	sst s1  }
0xa: {  	[smem:$0x3FA0] =	sst s2  }
0xb: {  	[smem:$0x3FA1] =	sst s3  }
0xc: {  	[smem:$0x3FA2] =	sst s4  }
0xd: {  	[smem:$0x3FA3] =	sst s5  }
0xe: {  	[smem:$0x3FA4] =	sst s6  }
0xf: {  	[smem:$0x3FA5] =	sst s7  }
0x10: {  	[smem:$0x3FA6] =	sst s8  }
0x11: {  	[smem:$0x3FA7] =	sst s9;
	s0 =	simm.s32 @!p0 $0x0  }
0x12: {  	s1 =	sld [smem:$0x3F8D];
	s0 =	simm.s32 @p0 $0x1  }
0x13: {  	[smem:$0x3FA8] =	sst s0;
	s0 =	simm.s32 @!p1 $0x0  }
0x14: {  	s2 =	sld [smem:$0x3F8C];
	s0 =	simm.s32 @p1 $0x1  }
0x15: {  	[smem:$0x3FA9] =	sst s0;
	s0 =	simm.s32 @!p2 $0x0  }
0x16: {  	s3 =	sld [smem:$0x3FDB];
	s0 =	simm.s32 @p2 $0x1  }
0x17: {  	s4 =	simm.s32 $0x1BF5;
	[smem:$0x3FAB] =	sst s0  }
0x18: {  	s0 =	sld [smem:$0x3F8E];
	_ =	swait.ge [sflag:s4], $0x0  }
0x19: {  	s7 =	sld [smem:$0x3F8F]  }
0x1a: {  	s8 =	sadd.s32 $0xFFFFE003, lr  }
0x1b: {  	s9 =	sadd.s32 $0xFFFFFEF7, lr;
	s5 =	simm.s32 $0xFFFFFFFF;
	p2 =	slt.u32 s8, $0xFFFFF086  }
0x1c: {  	p1 =	slt.u32 s9, $0xF7A;
	s5 =	simm.s32 @!p2 $0x0  }
0x1d: {  	s5 =	simm.s32 @p1 $0x1;
	p0 =	seq.s32 s7, s2  }
0x1e: {  	s7 =	smul.u32 @!p0 $0xF7A, s2;
	p2 =	seq.s32 @!p0 s5, $0x0  }
0x1f: {  	s9 =	smul.u32 $0xF7A, s1;
	s8 =	simm.s32 @!p0 $0x1BF5;
	p2 =	por !p2, p0  }
0x20: {  	[sflag:s8] =	ssyncset.s32 @!p0 $0xFFFFF086;
	s6 =	sadd.s32 @!p0 s3, s7;
	s7 =	simm.s32 @!p0 $0x108  }
0x21: {  	s3 =	sadd.s32 s3, s9;
	s6 =	sadd.s32 @!p0 $0x88, s6;
	s7 =	simm.s32 @p2 $0x1082  }
0x22: {  	[simem:s7], [sflag:s8] =	dma.local @!p0 [hbm:s6], $0xF7A  }
0x23: {  	s9 =	sor.u32 $0xD0000000, s2;
	s6 =	simm.s32 $0x108;
	_ =	swait.ge @!p0 [sflag:s8], $0x0  }
0x24: {  	s3 =	sadd.s32 $0x88, s3;
	s6 =	simm.s32 @!p1 $0x1082;
	[sflag:s4] =	ssyncset.s32 $0xFFFFF086  }
0x25: {  	[simem:s6], [sflag:s4] =	dma.local [hbm:s3], $0xF7A  }
0x26: {  	[smem:$0x3F8F] =	sst s1;
	(tag) =	ssettag s2;
	_ =	strace s9  }
0x27: {  	s1 =	sld [smem:$0x3F9F]  }
0x28: {  	s2 =	sld [smem:$0x3FA0]  }
0x29: {  	s4 =	sld [smem:$0x3FA2]  }
0x2a: {  	p0 =	seq.s32 s5, $0x0;
	s5 =	sld [smem:$0x3FA3]  }
0x2b: {  	s6 =	sld [smem:$0x3FA4]  }
0x2c: {  	s7 =	sld [smem:$0x3FA5]  }
0x2d: {  	s3 =	simm.s32 $0x108;
	s8 =	sld [smem:$0x3FA6]  }
0x2e: {  	s3 =	simm.s32 @!p0 $0x1082;
	s9 =	sld [smem:$0x3FA7]  }
0x2f: {  	lr =	sadd.s32 s0, s3;
	s0 =	sld [smem:$0x3F9E]  }
0x30: {  	s3 =	sld [smem:$0x3FA1]  }
0x31: {  	[smem:$0x3FAA] =	sst s10  }
0x32: {  	s10 =	sld [smem:$0x3FA8];
	_ =	sdelay $0x3  }
0x33: {  	p0 =	seq.s32 s10, $0x1;
	s10 =	sld [smem:$0x3FAA];
	_ =	sdelay $0x3  }
0x34: {  	[smem:$0x3FAA] =	sst s10  }
0x35: {  	s10 =	sld [smem:$0x3FA9];
	_ =	sdelay $0x3  }
0x36: {  	p1 =	seq.s32 s10, $0x1;
	s10 =	sld [smem:$0x3FAA];
	_ =	sdelay $0x3  }
0x37: {  	[smem:$0x3FAA] =	sst s10  }
0x38: {  	s10 =	sld [smem:$0x3FAB]  }
0x39: {  	_ = 	snop;
	(pc) =	sbr.ind lr, $3  }
0x3a: {  	_ = 	snop  }
0x3b: {  	_ = 	snop  }
0x3c: {  	p2 =	seq.s32 s10, $0x1;
	s10 =	sld [smem:$0x3FAA]  }
0x3d: {  	_ =	shalt  }
0x3e: {  	_ =	shalt  }
0x3f: {  	_ =	shalt  }
0x40: {  	_ =	shalt  }
0x41: {  	_ =	shalt  }
0x42: {  	_ =	shalt  }
0x43: {  	_ =	shalt  }
0x44: {  	_ =	shalt  }
0x45: {  	_ =	shalt  }
0x46: {  	_ =	shalt  }
0x47: {  	_ =	shalt  }
0x48: {  	_ =	shalt  }
0x49: {  	_ =	shalt  }
0x4a: {  	_ =	shalt  }
0x4b: {  	_ =	shalt  }
0x4c: {  	_ =	shalt  }
0x4d: {  	_ =	shalt  }
0x4e: {  	_ =	shalt  }
0x4f: {  	_ =	shalt  }
0x50: {  	_ =	shalt  }
0x51: {  	_ =	shalt  }
0x52: {  	_ =	shalt  }
0x53: {  	_ =	shalt  }
0x54: {  	_ =	shalt  }
0x55: {  	_ =	shalt  }
0x56: {  	_ =	shalt  }
0x57: {  	_ =	shalt  }
0x58: {  	_ =	shalt  }
0x59: {  	_ =	shalt  }
0x5a: {  	_ =	shalt  }
0x5b: {  	_ =	shalt  }
0x5c: {  	_ =	shalt  }
0x5d: {  	_ =	shalt  }
0x5e: {  	_ =	shalt  }
0x5f: {  	_ =	shalt  }
0x60: {  	_ =	shalt  }
0x61: {  	_ =	shalt  }
0x62: {  	_ =	shalt  }
0x63: {  	_ =	shalt  }
0x64: {  	_ =	shalt  }
0x65: {  	_ =	shalt  }
0x66: {  	_ =	shalt  }
0x67: {  	_ =	shalt  }
0x68: {  	_ =	shalt  }
0x69: {  	_ =	shalt  }
0x6a: {  	_ =	shalt  }
0x6b: {  	_ =	shalt  }
0x6c: {  	_ =	shalt  }
0x6d: {  	_ =	shalt  }
0x6e: {  	_ =	shalt  }
0x6f: {  	_ =	shalt  }
0x70: {  	_ =	shalt  }
0x71: {  	_ =	shalt  }
0x72: {  	_ =	shalt  }
0x73: {  	_ =	shalt  }
0x74: {  	_ =	shalt  }
0x75: {  	_ =	shalt  }
0x76: {  	_ =	shalt  }
0x77: {  	_ =	shalt  }
0x78: {  	_ =	shalt  }
0x79: {  	_ =	shalt  }
0x7a: {  	_ =	shalt  }
0x7b: {  	_ =	shalt  }
0x7c: {  	_ =	shalt  }
0x7d: {  	_ =	shalt  }
0x7e: {  	_ =	shalt  }
0x7f: {  	_ =	shalt  }
0x80: {  	_ =	shalt  }
0x81: {  	_ =	shalt  }
0x82: {  	_ =	shalt  }
0x83: {  	_ =	shalt  }
0x84: {  	_ =	shalt  }
0x85: {  	_ =	shalt  }
0x86: {  	_ =	shalt  }
0x87: {  	_ =	shalt  }
.Lfunc_end0:
.L_simem_size_0:
called_computation.1_lowered:
.L_overlay_start_0:
0x88: {  	s2 =	sld [smem:$0x3FD9]  }
0x89: {  	s3 =	sld [smem:$0x3FFE];
	_ =	sdelay $0x1  }
0x8a: {  	s1 =	srdreg.scid  }
0x8b: {  	s0 =	sand.u32 $0x1, s1  }
0x8c: {  	s16 =	sshll.u32 s0, $0xA;
	s2 =	sadd.s32 s3, s2  }
0x8d: {  	s2 =	sadd.s32 s2, s16  }
0x8e: {  	[smem:$0x3FB6] =	sst s2  }
0x8f: {  	_ = 	snop  }
0x90: {  	(tm) =	ssettm $0x1  }
0x91: {  	s17 =	sld [smem:$0x3FFB];
	_ =	sdelay $0x3  }
0x92: {  	_ =	strace s17  }
0x93: {  	s2 =	sld [smem:$0x3FFC];
	_ =	sdelay $0x3  }
0x94: {  	_ =	strace s2  }
0x95: {  	s2 =	sld [smem:$0x3FFD];
	_ =	sdelay $0x3  }
0x96: {  	_ =	strace s2  }
0x97: {  	_ =	strace $0x8FFFFFFF  }
0x98: {  	s18 =	sld [smem:$0x3FDB];
	_ =	sdelay $0x1  }
0x99: {  	s19 =	simm.s32 $_scs_section_size  }
0x9a: {  	s4 =	simm.s32 $_size__tile_overlayer_lowered;
	s5 =	simm.s32 $_tile_overlayer_lowered  }
0x9b: {  	s22 =	simm.s32 $0x1BFF;
	s21 =	sshll.u32 s5, $0x1;
	s2 =	sadd.s32 s19, s18  }
0x9c: {  	s6 =	simm.s32 $0x0;
	s20 =	sshll.u32 s4, $0x1;
	s4 =	sadd.s32 s21, s2  }
0x9d: {  	[timem:s6], [sflag:s22] =	dma.local [hbm:s4], s20  }
0x9e: {  	_ =	swait.ge [sflag:s22], s20  }
0x9f: {  	s3 =	ssub.s32 $0x0, s20;
	[sflag:s22] =	ssyncset.done $0x0  }
0xa0: {  	[sflag:s22] =	ssyncadd.s32 s3;
	_ =	sdelay $0x1  }
0xa1: {  	s23 =	simm.s32 $0x1B8B  }
0xa2: {  	_ =	swait.ge [sflag:s23], $0x1  }
0xa3: {  	[sflag:s23] =	ssyncset.done $0x0  }
0xa4: {  	s25 =	simm.s32 $0x1B8E;
	s24 =	sld [smem:$0x3FFE];
	[sflag:s23] =	ssyncadd.s32 $0xFFFFFFFF  }
0xa5: {  	s26 =	simm.s32 $execute0_lowered;
	[smem:$0x3FD2] =	sst s25  }
0xa6: {  	s4 =	sshll.u32 s26, $0x1;
	_ =	strace $0x80000049;
	[dreg:$0x1] =	wrdreg $0xFFFFFFFF  }
0xa7: {  	s28 =	simm.s32 $_size_execute0_lowered;
	s2 =	sadd.s32 s2, s4;
	[dreg:$0x0] =	wrdreg $0x0  }
0xa8: {  	s4 =	sshll.u32 s28, $0x1;
	[dreg:$0x2] =	wrdreg s2  }
0xa9: {  	[dreg:$0x3] =	wrdreg s4  }
0xaa: {  	[dreg:$0x4] =	wrdreg $0xC0  }
0xab: {  	_ =	task [dreg:s6], $0x5FFFF  }
0xac: {  	[dreg:$0x1] =	wrdreg $0xFFFFFFFF  }
0xad: {  	[dreg:$0x0] =	wrdreg $0x60  }
0xae: {  	[dreg:$0x2] =	wrdreg s24  }
0xaf: {  	[dreg:$0x3] =	wrdreg $0x82000  }
0xb0: {  	[dreg:$0x4] =	wrdreg $0x1C2800  }
0xb1: {  	[dreg:$0x5] =	wrdreg $0x9  }
0xb2: {  	_ =	task.clear_ibuf [dreg:s6], $0x6FFFF;
	_ =	strace $0x90000049  }
0xb3: {  	s29 =	simm.s32 $0x9;
	_ =	strace $0x8000004B  }
0xb4: {  	_ =	swait.ge [sflag:s29], $0x1  }
0xb5: {  	[sflag:s29] =	ssyncadd.s32 $0xFFFFFFFF  }
0xb6: {  	_ =	strace $0x9000004B  }
0xb7: {  	_ =	sfence  }
0xb8: {  	s30 =	sld [smem:$0x0];
	_ =	sdelay $0x2  }
0xb9: {  	s31 =	sshll.u32 s1, $0xD;
	s1 =	sshrl.u32 s1, $0x2  }
0xba: {  	s3 =	sand.u32 $0x4000, s31;
	s1 =	sadd.s32 s1, s30  }
0xbb: {  	s0 =	sor.u32 s3, s0;
	s1 =	sshll.u32 s1, $0x11  }
0xbc: {  	s0 =	sor.u32 s1, s0  }
0xbd: {  	s0 =	sadd.s32 $0x8F2B, s0  }
0xbe: {  	[sflag:s0] =	ssyncadd.remote.s32 $0x1  }
0xbf: {  	_ =	sfence.sel $0xFFFF  }
0xc0: {  	[dreg:$0x0] =	wrdreg $0xFFFFFFFF;
	(pc) =	sbr.abs _section_cstart, $3  }
0xc1: {  	[dreg:$0x1] =	wrdreg $0xFFFFFFFF  }
0xc2: {  	_ =	task.clear_ibuf [dreg:s6], $0x2FFFF;
	_ =	strace $0x9FFFFFFF  }
0xc3: {  	(tm) =	ssettm $0x7FFFFFFF  }
tec
execute0_lowered:
.L_overlay_start_1:
0x0: {  	(tag) =	ssettag $0x1  }
0x1: {  	s0 =	rddreg [dreg:$0x0]  }
0x2: {  	s15 =	rddreg [dreg:$0x1]  }
0x3: {  	s16 =	rddreg [dreg:$0x2];
	s4 =	simm.s32 $0x0  }
0x4: {  	s1 =	srdreg.scid;
	s13 =	stileid.u32;
	s28 =	simm.s32 $0x1C500  }
0x5: {  	s29 =	simm.s32 $0x4;
	s30 =	simm.s32 $0x20;
	s31 =	simm.s32 $0x1C580  }
0x6: {  	[smem:$0x7FF] =	sst s4;
	s1 =	sand.u32 $0x1, s1;
	s2 =	smul.u32 $0x280, s13  }
0x7: {  	s3 =	sshll.u32 s13, $0x1;
	s5 =	sadd.s32 $0xDB200, s0;
	s8 =	sadd.s32 $0x8A600, s0  }
0x8: {  	s9 =	sadd.s32 $0x8AA00, s0;
	s10 =	sadd.s32 $0x7A00, s0;
	s13 =	smul.u32 $0x50000, s13  }
0x9: {  	_ =	strace $0x8000004A;
	s6 =	smul.u32 $0x2800, s1;
	s3 =	sor.u32 s1, s3  }
0xa: {  	[dreg:$0x4] =	wrdreg s10;
	s1 =	ssub.s32 $0x2, s1;
	s7 =	sshll.u32 s3, $0x2  }
0xb: {  	s24 =	sshll.u32 s3, $0x9;
	s11 =	sshrl.u32 s1, $0x1;
	s25 =	sshrl.u32 s13, $0x2  }
0xc: {  	s26 =	sadd.s32 $0x80, s2;
	s14 =	sadd.s32 $0x100, s2;
	s20 =	sshll.u32 s3, $0x4  }
0xd: {  	s21 =	sadd.s32 $0x180, s2;
	s3 =	simm.s32 $0x80;
	s6 =	sadd.s32 s2, s6  }
0xe: {  	s7 =	sadd.s32 s7, s0;
	s1 =	ssub.s32 s1, s11;
	s11 =	sadd.s32 s2, s16  }
0xf: {  	s17 =	sshll.u32 s26, $0x7;
	s18 =	sshll.u32 s14, $0x7;
	s19 =	sadd.s32 s14, s16  }
0x10: {  	s2 =	sadd.s32 $0x200, s2;
	s22 =	sor.u32 $0x200, s20;
	s14 =	simm.s32 $0x0  }
0x11: {  	s23 =	sshll.u32 s6, $0x4;
	s6 =	sshrl.u32 s6, $0x3;
	s7 =	sadd.s32 $0x8A400, s7  }
0x12: {  	s13 =	sadd.s32 s17, s15;
	[dreg:$0xa] =	wrdreg s19;
	s19 =	sadd.s32 s9, s22  }
0x13: {  	s12 =	sadd.s32 s23, s0;
	s6 =	sadd.s32 s6, s0;
	s0 =	sadd.s32 s24, s0  }
0x14: {  	[dreg:$0x7] =	wrdreg s13;
	s23 =	sadd.s32 s8, s20;
	s24 =	sadd.s32 s8, s22  }
0x15: {  	s8 =	simm.s32 $0x4200;
	s13 =	simm.s32 $0x2;
	[dreg:$0xb] =	wrdreg s23  }
0x16: {  	s10 =	sadd.s32 $0x103200, s0;
	s0 =	sadd.s32 $0x107200, s0;
	[dreg:$0xd] =	wrdreg s24  }
0x17: {  	s23 =	sadd.s32 s2, s16;
	s24 =	sadd.s32 $0x10B200, s12;
	[dreg:$0x5] =	wrdreg s10  }
0x18: {  	s12 =	simm.s32 $0x1C200;
	[dreg:$0x6] =	wrdreg s0;
	s10 =	sadd.s32 s25, s15  }
0x19: {  	s0 =	sadd.s32 s26, s16;
	s25 =	sshll.u32 s21, $0x7;
	s26 =	sshll.u32 s2, $0x7  }
0x1a: {  	s21 =	sadd.s32 s21, s16;
	s2 =	simm.s32 $0x200;
	[dreg:$0x8] =	wrdreg s0  }
0x1b: {  	s0 =	sadd.s32 s18, s15;
	s22 =	sadd.s32 s26, s15;
	s26 =	smax.u32 s1, $0x1  }
0x1c: {  	s1 =	simm.s32 $0x100;
	[dreg:$0x9] =	wrdreg s0;
	s0 =	sadd.s32 s9, s20  }
0x1d: {  	s20 =	sadd.s32 s25, s15;
	s25 =	sadd.s32 $0x39A00, s6;
	s6 =	simm.s32 $0x180  }
0x1e: {  	v0 =	vimm.f32 $0.0e+00;
	v1 =	vimm.f32 $1.000000000e+00;
	s9 =	simm.s32 $0x1;
	[dreg:$0xc] =	wrdreg s0;
	s0 =	simm.s32 $0x3  }
.LBB2_1:
0x1f: {  	[tilespmem:s28], [sflag:$0x4] =	stream.linear.gather [hbm4b:s7+s4], $0x20, $0x38;
	[tilespmem:$0x1D580] =	vst v63  }
0x20: {  	_ =	swait.ge [sflag:s29], $0x20  }
0x21: {  	[sflag:s29] =	ssyncset.done $0x0  }
0x22: {  	s15 =	rddreg [dreg:$0x4];
	[sflag:s29] =	ssyncadd.s32 $0xFFFFFFE0  }
0x23: {  	[tilespmem:s31], [sflag:$0x3] =	stream.indirect.gather [hbm4b:s15+s30], $0x80, s28, s30, $0xb8;
	[tilespmem:$0x1D580] =	vst v63  }
0x24: {  	_ =	swait.ge [sflag:s0], $0x1000  }
0x25: {  	[sflag:s0] =	ssyncset.done $0x0  }
0x26: {  	s16 =	rddreg [dreg:$0x5];
	[sflag:s0] =	ssyncadd.s32 $0xFFFFF000  }
0x27: {  	[hbm4b:s16+s4] =	stream.linear.scatter [tilespmem:s31], [sflag:$0x4], $0x1000, $0x38;
	[tilespmem:$0x1D580] =	vst v63  }
0x28: {  	_ =	swait.ge [sflag:s29], $0x1000  }
0x29: {  	[sflag:s29] =	ssyncset.done $0x0  }
0x2a: {  	[sflag:s29] =	ssyncadd.s32 $0xFFFFF000  }
0x2b: {  	[tilespmem:s28], [sflag:$0x4] =	stream.linear.gather [hbm4b:s7+s4], $0x20, $0x38;
	[tilespmem:$0x1D580] =	vst v63  }
0x2c: {  	_ =	swait.ge [sflag:s29], $0x20  }
0x2d: {  	[sflag:s29] =	ssyncset.done $0x0  }
0x2e: {  	[sflag:s29] =	ssyncadd.s32 $0xFFFFFFE0  }
0x2f: {  	[tilespmem:s31], [sflag:$0x3] =	stream.indirect.gather [hbm4b:s5+s30], $0x80, s28, s30, $0xb8;
	[tilespmem:$0x1D580] =	vst v63  }
0x30: {  	_ =	swait.ge [sflag:s0], $0x1000  }
0x31: {  	[sflag:s0] =	ssyncset.done $0x0  }
0x32: {  	s17 =	rddreg [dreg:$0x6];
	[sflag:s0] =	ssyncadd.s32 $0xFFFFF000  }
0x33: {  	[hbm4b:s17+s4] =	stream.linear.scatter [tilespmem:s31], [sflag:$0x4], $0x1000, $0x38;
	[tilespmem:$0x1D580] =	vst v63  }
0x34: {  	s18 =	sand.u32 $0xFE00, s4;
	s15 =	simm.s32 $0x40;
	_ =	swait.ge [sflag:s29], $0x1000  }
0x35: {  	s16 =	sand.u32 $0x70, s4;
	s17 =	sshrl.u32 s18, $0x2;
	[sflag:s29] =	ssyncset.done $0x0  }
0x36: {  	s17 =	sor.u32 s16, s17;
	s16 =	simm.s32 $0x0;
	[sflag:s29] =	ssyncadd.s32 $0xFFFFF000  }
.LBB2_2:
0x37: {  	p0 =	sne.s32 s15, $0xFFC0  }
0x38: {  	[tilespmem:s17+$0x200] =	vst v0;
	s16 =	sadd.s32 $0x10, s16;
	s17 =	smov.u32 s15;
	s15 =	sadd.s32 $0x40, s15  }
.Ltmp0:
0x39: {  	(pc) =	sbr.rel @p0 .LBB2_2-.Ltmp0, $4  }
0x3a: {  	_ = 	snop  }
0x3b: {  	s17 =	sand.u32 $0xFE00, s17  }
0x3c: {  	s18 =	sand.u32 $0x70, s16;
	s17 =	sshrl.u32 s17, $0x2  }
0x3d: {  	s17 =	sor.u32 s18, s17  }
0x3e: {  	[tilespmem:s17+$0x200] =	vst v0  }
0x3f: {  	[spmem:s10] =	stream.linear.scatter [tilespmem:s2], [sflag:$0x4], $0x4000, $0x38;
	[tilespmem:$0x1D580] =	vst v63  }
0x40: {  	_ =	swait.ge [sflag:s29], $0x4000  }
0x41: {  	[sflag:s29] =	ssyncset.done $0x0  }
0x42: {  	[sflag:s29] =	ssyncadd.s32 $0xFFFFC000  }
0x43: {  	[spmem:s11] =	stream.linear.scatter [tilespmem:s2], [sflag:$0x4], $0x80, $0x38;
	[tilespmem:$0x1D580] =	vst v63  }
0x44: {  	_ =	swait.ge [sflag:s29], $0x80  }
0x45: {  	[sflag:s29] =	ssyncset.done $0x0  }
0x46: {  	s15 =	rddreg [dreg:$0x7];
	[sflag:s29] =	ssyncadd.s32 $0xFFFFFF80  }
0x47: {  	[spmem:s15] =	stream.linear.scatter [tilespmem:s2], [sflag:$0x4], $0x4000, $0x38;
	[tilespmem:$0x1D580] =	vst v63  }
0x48: {  	_ =	swait.ge [sflag:s29], $0x4000  }
0x49: {  	[sflag:s29] =	ssyncset.done $0x0  }
0x4a: {  	s18 =	rddreg [dreg:$0x8];
	[sflag:s29] =	ssyncadd.s32 $0xFFFFC000  }
0x4b: {  	[spmem:s18] =	stream.linear.scatter [tilespmem:s2], [sflag:$0x4], $0x80, $0x38;
	[tilespmem:$0x1D580] =	vst v63  }
0x4c: {  	_ =	swait.ge [sflag:s29], $0x80  }
0x4d: {  	[sflag:s29] =	ssyncset.done $0x0  }
0x4e: {  	s16 =	rddreg [dreg:$0x9];
	[sflag:s29] =	ssyncadd.s32 $0xFFFFFF80  }
0x4f: {  	[spmem:s16] =	stream.linear.scatter [tilespmem:s2], [sflag:$0x4], $0x4000, $0x38;
	[tilespmem:$0x1D580] =	vst v63  }
0x50: {  	_ =	swait.ge [sflag:s29], $0x4000  }
0x51: {  	[sflag:s29] =	ssyncset.done $0x0  }
0x52: {  	s17 =	rddreg [dreg:$0xa];
	[sflag:s29] =	ssyncadd.s32 $0xFFFFC000  }
0x53: {  	[spmem:s17] =	stream.linear.scatter [tilespmem:s2], [sflag:$0x4], $0x80, $0x38;
	[tilespmem:$0x1D580] =	vst v63  }
0x54: {  	_ =	swait.ge [sflag:s29], $0x80  }
0x55: {  	[sflag:s29] =	ssyncset.done $0x0  }
0x56: {  	[sflag:s29] =	ssyncadd.s32 $0xFFFFFF80  }
0x57: {  	[spmem:s20] =	stream.linear.scatter [tilespmem:s2], [sflag:$0x4], $0x4000, $0x38;
	[tilespmem:$0x1D580] =	vst v63  }
0x58: {  	_ =	swait.ge [sflag:s29], $0x4000  }
0x59: {  	[sflag:s29] =	ssyncset.done $0x0  }
0x5a: {  	[sflag:s29] =	ssyncadd.s32 $0xFFFFC000  }
0x5b: {  	[spmem:s21] =	stream.linear.scatter [tilespmem:s2], [sflag:$0x4], $0x80, $0x38;
	[tilespmem:$0x1D580] =	vst v63  }
0x5c: {  	_ =	swait.ge [sflag:s29], $0x80  }
0x5d: {  	[sflag:s29] =	ssyncset.done $0x0  }
0x5e: {  	[sflag:s29] =	ssyncadd.s32 $0xFFFFFF80  }
0x5f: {  	[spmem:s22] =	stream.linear.scatter [tilespmem:s2], [sflag:$0x4], $0x4000, $0x38;
	[tilespmem:$0x1D580] =	vst v63  }
0x60: {  	_ =	swait.ge [sflag:s29], $0x4000  }
0x61: {  	[sflag:s29] =	ssyncset.done $0x0  }
0x62: {  	[sflag:s29] =	ssyncadd.s32 $0xFFFFC000  }
0x63: {  	[spmem:s23] =	stream.linear.scatter [tilespmem:s2], [sflag:$0x4], $0x80, $0x38;
	[tilespmem:$0x1D580] =	vst v63  }
0x64: {  	_ =	swait.ge [sflag:s29], $0x80  }
0x65: {  	[sflag:s29] =	ssyncset.done $0x0  }
0x66: {  	[sflag:s29] =	ssyncadd.s32 $0xFFFFFF80  }
0x67: {  	[tilespmem:$0x1C200] =	vst v1  }
0x68: {  	[tilespmem:$0x1C210] =	vst v1  }
0x69: {  	[tilespmem:$0x1C220] =	vst v1  }
0x6a: {  	[tilespmem:$0x1C230] =	vst v1  }
0x6b: {  	[tilespmem:$0x1C240] =	vst v1  }
0x6c: {  	[tilespmem:$0x1C250] =	vst v1  }
0x6d: {  	[tilespmem:$0x1C260] =	vst v1  }
0x6e: {  	[tilespmem:$0x1C270] =	vst v1  }
0x6f: {  	[bflag:$0x0] =	sbarrier.arrive $0xFFFF  }
0x70: {  	s18 =	rddreg [dreg:$0xb]  }
0x71: {  	[tilespmem:s4], [sflag:$0x4] =	stream.linear.gather [hbm4b:s18+s4], $0x80, $0x38;
	[tilespmem:$0x1D580] =	vst v63  }
0x72: {  	_ =	swait.ge [sflag:s29], $0x80  }
0x73: {  	[sflag:s29] =	ssyncset.done $0x0  }
0x74: {  	s16 =	rddreg [dreg:$0xc];
	[sflag:s29] =	ssyncadd.s32 $0xFFFFFF80  }
0x75: {  	[tilespmem:s1], [sflag:$0x4] =	stream.linear.gather [hbm4b:s16+s4], $0x80, $0x38;
	[tilespmem:$0x1D580] =	vst v63  }
0x76: {  	_ =	swait.ge [sflag:s29], $0x80  }
0x77: {  	[sflag:s29] =	ssyncset.done $0x0  }
0x78: {  	[sflag:s29] =	ssyncadd.s32 $0xFFFFFF80  }
0x79: {  	[tilespmem:s2], [sflag:$0x1] =	stream.indirect.gather [hbm4b:s5+s3], $0x80, s4, s3, $0xb8;
	[tilespmem:$0x1D580] =	vst v63  }
0x7a: {  	s17 =	rddreg [dreg:$0xd]  }
0x7b: {  	[tilespmem:s3], [sflag:$0x4] =	stream.linear.gather [hbm4b:s17+s4], $0x80, $0x38;
	[tilespmem:$0x1D580] =	vst v63  }
0x7c: {  	_ =	swait.ge [sflag:s29], $0x80  }
0x7d: {  	[sflag:s29] =	ssyncset.done $0x0  }
0x7e: {  	[sflag:s29] =	ssyncadd.s32 $0xFFFFFF80  }
0x7f: {  	[tilespmem:s6], [sflag:$0x4] =	stream.linear.gather [hbm4b:s19+s4], $0x80, $0x38;
	[tilespmem:$0x1D580] =	vst v63  }
0x80: {  	_ =	swait.ge [sflag:s29], $0x80  }
0x81: {  	[sflag:s29] =	ssyncset.done $0x0  }
0x82: {  	[sflag:s29] =	ssyncadd.s32 $0xFFFFFF80  }
0x83: {  	[tilespmem:s8], [sflag:$0x2] =	stream.indirect.gather [hbm4b:s5+s3], $0x80, s3, s3, $0xb8;
	[tilespmem:$0x1D580] =	vst v63  }
0x84: {  	_ =	swait.ge [sflag:s9], $0x4000  }
0x85: {  	[sflag:s9] =	ssyncset.done $0x0  }
0x86: {  	[sflag:s9] =	ssyncadd.s32 $0xFFFFC000  }
0x87: {  	s18 =	rddreg [dreg:$0x1]  }
0x88: {  	[spmem:s18] =	stream.indirect.scatter.add.f32 [tilespmem:s2], [sflag:$0x4], $0x80, s1, s3, $0xb8;
	[tilespmem:$0x1D580] =	vst v63  }
0x89: {  	_ =	swait.ge [sflag:s29], $0x4000  }
0x8a: {  	[sflag:s29] =	ssyncset.done $0x0  }
0x8b: {  	[sflag:s29] =	ssyncadd.s32 $0xFFFFC000  }
0x8c: {  	s16 =	rddreg [dreg:$0x2]  }
0x8d: {  	[spmem:s16] =	stream.indirect.scatter.add.f32 [tilespmem:s12], [sflag:$0x4], $0x1, s1, s3, $0xb8;
	[tilespmem:$0x1D580] =	vst v63  }
0x8e: {  	_ =	swait.ge [sflag:s29], $0x80  }
0x8f: {  	[sflag:s29] =	ssyncset.done $0x0  }
0x90: {  	[sflag:s29] =	ssyncadd.s32 $0xFFFFFF80  }
0x91: {  	_ =	swait.ge [sflag:s13], $0x4000  }
0x92: {  	[sflag:s13] =	ssyncset.done $0x0  }
0x93: {  	[sflag:s13] =	ssyncadd.s32 $0xFFFFC000  }
0x94: {  	[spmem:s18] =	stream.indirect.scatter.add.f32 [tilespmem:s8], [sflag:$0x4], $0x80, s6, s3, $0xb8;
	[tilespmem:$0x1D580] =	vst v63  }
0x95: {  	_ =	swait.ge [sflag:s29], $0x4000  }
0x96: {  	[sflag:s29] =	ssyncset.done $0x0  }
0x97: {  	[sflag:s29] =	ssyncadd.s32 $0xFFFFC000  }
0x98: {  	[spmem:s16] =	stream.indirect.scatter.add.f32 [tilespmem:s12], [sflag:$0x4], $0x1, s6, s3, $0xb8;
	[tilespmem:$0x1D580] =	vst v63  }
0x99: {  	_ =	swait.ge [sflag:s29], $0x80  }
0x9a: {  	s16 =	stileid.u32;
	[sflag:s29] =	ssyncset.done $0x0  }
0x9b: {  	s15 =	sshll.u32 s16, $0x6;
	[sflag:s29] =	ssyncadd.s32 $0xFFFFFF80  }
0x9c: {  	s17 =	sshrl.u32 s10, $0x3;
	s15 =	sor.u32 $0x1C04, s15;
	[bflag:$0x0] =	sbarrier.arrive $0xFFFF  }
0x9d: {  	[hbm:s24], [sflag:s15] =	dma.local [spmem:s17], $0x2800  }
0x9e: {  	s14 =	sadd.s32 $0x1, s14;
	_ =	swait.ge [sflag:s29], $0x2800  }
0x9f: {  	p0 =	sne.s32 s14, s26;
	[sflag:s29] =	ssyncset.done $0x0  }
.Ltmp1:
0xa0: {  	s18 =	sshrl.u32 s11, $0x3;
	[sflag:s29] =	ssyncadd.s32 $0xFFFFD800;
	(pc) =	sbr.rel @p0 .LBB2_1-.Ltmp1, $4  }
0xa1: {  	[hbm:s25], [sflag:s15] =	dma.local [spmem:s18], $0x50  }
0xa2: {  	_ =	swait.ge [sflag:s29], $0x50  }
0xa3: {  	[sflag:s29] =	ssyncset.done $0x0  }
0xa4: {  	[sflag:s29] =	ssyncadd.s32 $0xFFFFFFB0  }
0xa5: {  	_ =	sfence.sel $0x180000  }
0xa6: {  	[bflag:$0x0] =	sbarrier.arrive $0xFFFF  }
0xa7: {  	_ =	strace $0x9000004A  }
0xa8: {  	s0 =	stileid.u32;
	[bflag:$0x2] =	sbarrier.arrive $0xFFFF  }
0xa9: {  	p0 =	sne.s32 s0, $0x0;
	s0 =	rddreg [dreg:$0x3]  }
0xaa: {  	s0 =	sadd.s32 @!p0 $0x100000, s0  }
0xab: {  	[sflag:s0] =	ssyncadd.tile.s32 @!p0 $0x1;
	_ =	shalt  }
.Lfunc_end2:
_tile_overlayer_lowered:
.L_overlay_start_2:
0xac: {  	(tag) =	ssettag $0x2  }
0xad: {  	s0 =	rddreg [dreg:$0x0];
	s2 =	stileid.u32  }
0xae: {  	s1 =	rddreg [dreg:$0x1];
	p0 =	sne.s32 s2, $0x0  }
0xaf: {  	s3 =	rddreg [dreg:$0x2];
	[bflag:$0x3] =	sbarrier.arrive $0xFFFF;
	s2 =	simm.s32 @!p0 $0x1C04  }
0xb0: {  	[timem:s3], [sflag:s2] =	dma.local @!p0 [hbm:s0], s1  }
0xb1: {  	s0 =	simm.s32 @!p0 $0x4  }
0xb2: {  	_ =	swait.ge @!p0 [sflag:s0], s1  }
0xb3: {  	s1 =	ssub.s32 @!p0 $0x0, s1;
	[sflag:s0] =	ssyncset.done @!p0 $0x0  }
0xb4: {  	[sflag:s0] =	ssyncadd.s32 @!p0 s1  }
0xb5: {  	[bflag:$0x3] =	sbarrier.arrive $0xFFFF  }
0xb6: {  	_ =	shalt  }

// kernel: kernel.18.cloned.1.call-start
scs
__scs_entry_jumppad:
0x0: {  	(pc) =	sbr.rel $0x88, $3  }
0x1: {  	(tag) =	ssettag $0x0;
	lr =	simm.s32 $0x1  }
0x2: {  	[smem:$0x3F8F] =	sst lr;
	_ =	strace $0xD0000000  }
0x3: {  	_ = 	snop  }
0x4: {  	_ = 	snop  }
0x5: {  	_ = 	snop  }
0x6: {  	_ = 	snop  }
0x7: {  	_ = 	snop  }
__scs_overlays_trampoline_lowered:
0x8: {  	[smem:$0x3F9E] =	sst s0  }
0x9: {  	[smem:$0x3F9F] =	sst s1  }
0xa: {  	[smem:$0x3FA0] =	sst s2  }
0xb: {  	[smem:$0x3FA1] =	sst s3  }
0xc: {  	[smem:$0x3FA2] =	sst s4  }
0xd: {  	[smem:$0x3FA3] =	sst s5  }
0xe: {  	[smem:$0x3FA4] =	sst s6  }
0xf: {  	[smem:$0x3FA5] =	sst s7  }
0x10: {  	[smem:$0x3FA6] =	sst s8  }
0x11: {  	[smem:$0x3FA7] =	sst s9;
	s0 =	simm.s32 @!p0 $0x0  }
0x12: {  	s1 =	sld [smem:$0x3F8D];
	s0 =	simm.s32 @p0 $0x1  }
0x13: {  	[smem:$0x3FA8] =	sst s0;
	s0 =	simm.s32 @!p1 $0x0  }
0x14: {  	s2 =	sld [smem:$0x3F8C];
	s0 =	simm.s32 @p1 $0x1  }
0x15: {  	[smem:$0x3FA9] =	sst s0;
	s0 =	simm.s32 @!p2 $0x0  }
0x16: {  	s3 =	sld [smem:$0x3FDB];
	s0 =	simm.s32 @p2 $0x1  }
0x17: {  	s4 =	simm.s32 $0x1BF5;
	[smem:$0x3FAB] =	sst s0  }
0x18: {  	s0 =	sld [smem:$0x3F8E];
	_ =	swait.ge [sflag:s4], $0x0  }
0x19: {  	s7 =	sld [smem:$0x3F8F]  }
0x1a: {  	s8 =	sadd.s32 $0xFFFFE003, lr  }
0x1b: {  	s9 =	sadd.s32 $0xFFFFFEF7, lr;
	s5 =	simm.s32 $0xFFFFFFFF;
	p2 =	slt.u32 s8, $0xFFFFF086  }
0x1c: {  	p1 =	slt.u32 s9, $0xF7A;
	s5 =	simm.s32 @!p2 $0x0  }
0x1d: {  	s5 =	simm.s32 @p1 $0x1;
	p0 =	seq.s32 s7, s2  }
0x1e: {  	s7 =	smul.u32 @!p0 $0xF7A, s2;
	p2 =	seq.s32 @!p0 s5, $0x0  }
0x1f: {  	s9 =	smul.u32 $0xF7A, s1;
	s8 =	simm.s32 @!p0 $0x1BF5;
	p2 =	por !p2, p0  }
0x20: {  	[sflag:s8] =	ssyncset.s32 @!p0 $0xFFFFF086;
	s6 =	sadd.s32 @!p0 s3, s7;
	s7 =	simm.s32 @!p0 $0x108  }
0x21: {  	s3 =	sadd.s32 s3, s9;
	s6 =	sadd.s32 @!p0 $0x88, s6;
	s7 =	simm.s32 @p2 $0x1082  }
0x22: {  	[simem:s7], [sflag:s8] =	dma.local @!p0 [hbm:s6], $0xF7A  }
0x23: {  	s9 =	sor.u32 $0xD0000000, s2;
	s6 =	simm.s32 $0x108;
	_ =	swait.ge @!p0 [sflag:s8], $0x0  }
0x24: {  	s3 =	sadd.s32 $0x88, s3;
	s6 =	simm.s32 @!p1 $0x1082;
	[sflag:s4] =	ssyncset.s32 $0xFFFFF086  }
0x25: {  	[simem:s6], [sflag:s4] =	dma.local [hbm:s3], $0xF7A  }
0x26: {  	[smem:$0x3F8F] =	sst s1;
	(tag) =	ssettag s2;
	_ =	strace s9  }
0x27: {  	s1 =	sld [smem:$0x3F9F]  }
0x28: {  	s2 =	sld [smem:$0x3FA0]  }
0x29: {  	s4 =	sld [smem:$0x3FA2]  }
0x2a: {  	p0 =	seq.s32 s5, $0x0;
	s5 =	sld [smem:$0x3FA3]  }
0x2b: {  	s6 =	sld [smem:$0x3FA4]  }
0x2c: {  	s7 =	sld [smem:$0x3FA5]  }
0x2d: {  	s3 =	simm.s32 $0x108;
	s8 =	sld [smem:$0x3FA6]  }
0x2e: {  	s3 =	simm.s32 @!p0 $0x1082;
	s9 =	sld [smem:$0x3FA7]  }
0x2f: {  	lr =	sadd.s32 s0, s3;
	s0 =	sld [smem:$0x3F9E]  }
0x30: {  	s3 =	sld [smem:$0x3FA1]  }
0x31: {  	[smem:$0x3FAA] =	sst s10  }
0x32: {  	s10 =	sld [smem:$0x3FA8];
	_ =	sdelay $0x3  }
0x33: {  	p0 =	seq.s32 s10, $0x1;
	s10 =	sld [smem:$0x3FAA];
	_ =	sdelay $0x3  }
0x34: {  	[smem:$0x3FAA] =	sst s10  }
0x35: {  	s10 =	sld [smem:$0x3FA9];
	_ =	sdelay $0x3  }
0x36: {  	p1 =	seq.s32 s10, $0x1;
	s10 =	sld [smem:$0x3FAA];
	_ =	sdelay $0x3  }
0x37: {  	[smem:$0x3FAA] =	sst s10  }
0x38: {  	s10 =	sld [smem:$0x3FAB]  }
0x39: {  	_ = 	snop;
	(pc) =	sbr.ind lr, $3  }
0x3a: {  	_ = 	snop  }
0x3b: {  	_ = 	snop  }
0x3c: {  	p2 =	seq.s32 s10, $0x1;
	s10 =	sld [smem:$0x3FAA]  }
0x3d: {  	_ =	shalt  }
0x3e: {  	_ =	shalt  }
0x3f: {  	_ =	shalt  }
0x40: {  	_ =	shalt  }
0x41: {  	_ =	shalt  }
0x42: {  	_ =	shalt  }
0x43: {  	_ =	shalt  }
0x44: {  	_ =	shalt  }
0x45: {  	_ =	shalt  }
0x46: {  	_ =	shalt  }
0x47: {  	_ =	shalt  }
0x48: {  	_ =	shalt  }
0x49: {  	_ =	shalt  }
0x4a: {  	_ =	shalt  }
0x4b: {  	_ =	shalt  }
0x4c: {  	_ =	shalt  }
0x4d: {  	_ =	shalt  }
0x4e: {  	_ =	shalt  }
0x4f: {  	_ =	shalt  }
0x50: {  	_ =	shalt  }
0x51: {  	_ =	shalt  }
0x52: {  	_ =	shalt  }
0x53: {  	_ =	shalt  }
0x54: {  	_ =	shalt  }
0x55: {  	_ =	shalt  }
0x56: {  	_ =	shalt  }
0x57: {  	_ =	shalt  }
0x58: {  	_ =	shalt  }
0x59: {  	_ =	shalt  }
0x5a: {  	_ =	shalt  }
0x5b: {  	_ =	shalt  }
0x5c: {  	_ =	shalt  }
0x5d: {  	_ =	shalt  }
0x5e: {  	_ =	shalt  }
0x5f: {  	_ =	shalt  }
0x60: {  	_ =	shalt  }
0x61: {  	_ =	shalt  }
0x62: {  	_ =	shalt  }
0x63: {  	_ =	shalt  }
0x64: {  	_ =	shalt  }
0x65: {  	_ =	shalt  }
0x66: {  	_ =	shalt  }
0x67: {  	_ =	shalt  }
0x68: {  	_ =	shalt  }
0x69: {  	_ =	shalt  }
0x6a: {  	_ =	shalt  }
0x6b: {  	_ =	shalt  }
0x6c: {  	_ =	shalt  }
0x6d: {  	_ =	shalt  }
0x6e: {  	_ =	shalt  }
0x6f: {  	_ =	shalt  }
0x70: {  	_ =	shalt  }
0x71: {  	_ =	shalt  }
0x72: {  	_ =	shalt  }
0x73: {  	_ =	shalt  }
0x74: {  	_ =	shalt  }
0x75: {  	_ =	shalt  }
0x76: {  	_ =	shalt  }
0x77: {  	_ =	shalt  }
0x78: {  	_ =	shalt  }
0x79: {  	_ =	shalt  }
0x7a: {  	_ =	shalt  }
0x7b: {  	_ =	shalt  }
0x7c: {  	_ =	shalt  }
0x7d: {  	_ =	shalt  }
0x7e: {  	_ =	shalt  }
0x7f: {  	_ =	shalt  }
0x80: {  	_ =	shalt  }
0x81: {  	_ =	shalt  }
0x82: {  	_ =	shalt  }
0x83: {  	_ =	shalt  }
0x84: {  	_ =	shalt  }
0x85: {  	_ =	shalt  }
0x86: {  	_ =	shalt  }
0x87: {  	_ =	shalt  }
.Lfunc_end0:
.L_simem_size_0:
called_computation.2_lowered:
.L_overlay_start_0:
0x88: {  	s2 =	sld [smem:$0x3FD9]  }
0x89: {  	s3 =	sld [smem:$0x3FFE];
	_ =	sdelay $0x1  }
0x8a: {  	s1 =	srdreg.scid  }
0x8b: {  	s0 =	sand.u32 $0x1, s1  }
0x8c: {  	s17 =	sshll.u32 s0, $0xA;
	s2 =	sadd.s32 s3, s2  }
0x8d: {  	s2 =	sadd.s32 s2, s17  }
0x8e: {  	[smem:$0x3FB6] =	sst s2  }
0x8f: {  	_ = 	snop  }
0x90: {  	s18 =	sld [smem:$0x3FD0];
	(tm) =	ssettm $0x1  }
0x91: {  	s19 =	sld [smem:$0x3FFB];
	_ =	sdelay $0x3  }
0x92: {  	_ =	strace s19  }
0x93: {  	s2 =	sld [smem:$0x3FFC];
	_ =	sdelay $0x3  }
0x94: {  	_ =	strace s2  }
0x95: {  	s2 =	sld [smem:$0x3FFD];
	_ =	sdelay $0x3  }
0x96: {  	_ =	strace s2  }
0x97: {  	_ =	strace $0x8FFFFFFF  }
0x98: {  	s20 =	sld [smem:$0x3FDB];
	_ =	sdelay $0x1  }
0x99: {  	s4 =	simm.s32 $_scs_section_size  }
0x9a: {  	s5 =	simm.s32 $_size__tile_overlayer_lowered;
	s6 =	simm.s32 $_tile_overlayer_lowered  }
0x9b: {  	s7 =	simm.s32 $0x1BFF;
	s21 =	sshll.u32 s6, $0x1;
	s4 =	sadd.s32 s4, s20  }
0x9c: {  	s22 =	simm.s32 $0x0;
	s5 =	sshll.u32 s5, $0x1;
	s6 =	sadd.s32 s21, s4  }
0x9d: {  	[timem:s22], [sflag:s7] =	dma.local [hbm:s6], s5  }
0x9e: {  	_ =	swait.ge [sflag:s7], s5  }
0x9f: {  	s5 =	ssub.s32 $0x0, s5;
	[sflag:s7] =	ssyncset.done $0x0  }
0xa0: {  	[sflag:s7] =	ssyncadd.s32 s5;
	_ =	sdelay $0x1  }
0xa1: {  	s23 =	simm.s32 $0x1B8B  }
0xa2: {  	_ =	swait.ge [sflag:s23], $0x1  }
0xa3: {  	[sflag:s23] =	ssyncset.done $0x0  }
0xa4: {  	[sflag:s23] =	ssyncadd.s32 $0xFFFFFFFF  }
0xa5: {  	s5 =	sld [smem:$0x0]  }
0xa6: {  	s6 =	sand.u32 $0xFFFFFFFE, s1  }
0xa7: {  	p0 =	sne.s32 s1, s6  }
0xa8: {  	s6 =	sshll.u32 @p0 s6, $0xE  }
0xa9: {  	s6 =	sadd.s32 @p0 $0x11B8D, s6;
	s7 =	sshll.u32 @p0 s5, $0x11  }
0xaa: {  	s6 =	sor.u32 @p0 s7, s6  }
0xab: {  	[sflag:s6] =	ssyncadd.remote.s32 @p0 $0x1;
	_ =	sdelay $0x1  }
0xac: {  	s6 =	simm.s32 @p0 $0x1B8D  }
0xad: {  	_ =	swait.eq @p0 [sflag:s6], $0x1  }
0xae: {  	[sflag:s6] =	ssyncadd.s32 @p0 $0xFFFFFFFF  }
0xaf: {  	s7 =	sshll.u32 @!p0 s1, $0xE  }
0xb0: {  	s7 =	sor.u32 @!p0 $0x4000, s7;
	s6 =	simm.s32 @!p0 $0x1B8D  }
0xb1: {  	s5 =	sshll.u32 @!p0 s5, $0x11;
	s7 =	sadd.s32 @!p0 $0x11B8D, s7;
	_ =	swait.eq @!p0 [sflag:s6], $0x1  }
0xb2: {  	s5 =	sor.u32 @!p0 s5, s7;
	[sflag:s6] =	ssyncadd.s32 @!p0 $0xFFFFFFFF  }
0xb3: {  	s25 =	simm.s32 $0x1B8E;
	s24 =	sld [smem:$0x3FFE];
	[sflag:s5] =	ssyncadd.remote.s32 @!p0 $0x1  }
0xb4: {  	s26 =	simm.s32 $execute0_lowered;
	[smem:$0x3FD2] =	sst s25  }
0xb5: {  	s6 =	sshll.u32 s26, $0x1;
	_ =	strace $0x8000004F;
	[dreg:$0x1] =	wrdreg $0xFFFFFFFF  }
0xb6: {  	s28 =	simm.s32 $_size_execute0_lowered;
	s4 =	sadd.s32 s4, s6;
	[dreg:$0x0] =	wrdreg $0x0  }
0xb7: {  	s6 =	sshll.u32 s28, $0x1;
	[dreg:$0x2] =	wrdreg s4  }
0xb8: {  	[dreg:$0x3] =	wrdreg s6  }
0xb9: {  	[dreg:$0x4] =	wrdreg $0xC0  }
0xba: {  	_ =	task [dreg:s22], $0x5FFFF  }
0xbb: {  	[dreg:$0x1] =	wrdreg $0xFFFFFFFF  }
0xbc: {  	[dreg:$0x0] =	wrdreg $0x60  }
0xbd: {  	[dreg:$0x2] =	wrdreg s24  }
0xbe: {  	[dreg:$0x3] =	wrdreg s18  }
0xbf: {  	[dreg:$0x4] =	wrdreg $0x88000  }
0xc0: {  	[dreg:$0x5] =	wrdreg $0x9  }
0xc1: {  	_ =	task.clear_ibuf [dreg:s22], $0x6FFFF;
	_ =	strace $0x9000004F  }
0xc2: {  	s29 =	simm.s32 $0x9;
	_ =	strace $0x80000051  }
0xc3: {  	_ =	swait.ge [sflag:s29], $0x1  }
0xc4: {  	[sflag:s29] =	ssyncadd.s32 $0xFFFFFFFF  }
0xc5: {  	_ =	strace $0x90000051  }
0xc6: {  	_ =	sfence  }
0xc7: {  	s30 =	sld [smem:$0x0];
	_ =	sdelay $0x2  }
0xc8: {  	s31 =	sshll.u32 s1, $0xD;
	s1 =	sshrl.u32 s1, $0x2  }
0xc9: {  	s4 =	sand.u32 $0x4000, s31;
	s1 =	sadd.s32 s1, s30  }
0xca: {  	s0 =	sor.u32 s4, s0;
	s1 =	sshll.u32 s1, $0x11  }
0xcb: {  	s0 =	sor.u32 s1, s0  }
0xcc: {  	s0 =	sadd.s32 $0x8F2B, s0  }
0xcd: {  	[sflag:s0] =	ssyncadd.remote.s32 $0x1  }
0xce: {  	_ =	sfence.sel $0xFFFF  }
0xcf: {  	[dreg:$0x0] =	wrdreg $0xFFFFFFFF;
	(pc) =	sbr.abs _section_cstart, $3  }
0xd0: {  	[dreg:$0x1] =	wrdreg $0xFFFFFFFF  }
0xd1: {  	_ =	task.clear_ibuf [dreg:s22], $0x2FFFF;
	_ =	strace $0x9FFFFFFF  }
0xd2: {  	(tm) =	ssettm $0x7FFFFFFF  }
0xd3: {  	_ =	shalt  }
tec
execute0_lowered:
.L_overlay_start_1:
0x0: {  	(tag) =	ssettag $0x1  }
0x1: {  	s0 =	rddreg [dreg:$0x0]  }
0x2: {  	s1 =	rddreg [dreg:$0x1]  }
0x3: {  	s4 =	stileid.u32;
	s3 =	srdreg.scid  }
0x4: {  	s2 =	rddreg [dreg:$0x2];
	s13 =	simm.s32 $0x800;
	s14 =	simm.s32 $0x5  }
0x5: {  	s15 =	simm.s32 $0x400;
	s16 =	simm.s32 $0x80;
	s17 =	simm.s32 $0x4800  }
0x6: {  	s18 =	simm.s32 $0x1;
	s19 =	simm.s32 $0x3;
	s28 =	simm.s32 $0x580  }
0x7: {  	s29 =	simm.s32 $0x280;
	s30 =	simm.s32 $0x600;
	s31 =	simm.s32 $0x300  }
0x8: {  	s6 =	sand.u32 $0x1, s3;
	s5 =	smul.u32 $0x2800, s4;
	s3 =	simm.s32 $0x0  }
0x9: {  	s8 =	sshll.u32 s4, $0x8;
	s9 =	smul.u32 $0x50000, s4;
	s4 =	sadd.s32 $0x7A00, s0  }
0xa: {  	s7 =	smul.u32 $0x28000, s6;
	[smem:$0x7FF] =	sst s3;
	s10 =	sadd.s32 s8, s0  }
0xb: {  	s20 =	ssub.s32 $0x2, s6;
	s6 =	sshll.u32 s6, $0x7;
	s1 =	sadd.s32 s8, s1  }
0xc: {  	s8 =	simm.s32 $0x0;
	_ =	strace $0x80000050;
	s9 =	sshrl.u32 s9, $0x2  }
0xd: {  	s11 =	sshrl.u32 s20, $0x1;
	s24 =	sadd.s32 s6, s1;
	s26 =	sadd.s32 s6, s10  }
0xe: {  	s1 =	simm.s32 $0x680;
	s6 =	simm.s32 $0x700;
	s5 =	sadd.s32 s5, s7  }
0xf: {  	s21 =	sadd.s32 s9, s2;
	s7 =	ssub.s32 s20, s11;
	[dreg:$0x4] =	wrdreg s24  }
0x10: {  	s12 =	sadd.s32 $0x2FA00, s26;
	s20 =	simm.s32 $0x100;
	s24 =	simm.s32 $0x180  }
0x11: {  	s26 =	simm.s32 $0x200;
	s9 =	sadd.s32 $0x4000, s21;
	[dreg:$0x5] =	wrdreg s21  }
0x12: {  	s0 =	sadd.s32 s5, s0;
	s22 =	sadd.s32 $0x8000, s21;
	[dreg:$0x6] =	wrdreg s9  }
0x13: {  	s23 =	sadd.s32 $0xC000, s21;
	s5 =	sadd.s32 $0x10000, s21;
	[dreg:$0x7] =	wrdreg s22  }
0x14: {  	s25 =	smax.u32 s7, $0x1;
	s21 =	simm.s32 $0x2;
	[dreg:$0x8] =	wrdreg s23  }
0x15: {  	s7 =	simm.s32 $0x780;
	[dreg:$0x9] =	wrdreg s5;
	s0 =	sadd.s32 $0x133200, s0  }
0x16: {  	[dreg:$0xb] =	wrdreg s25;
	s22 =	simm.s32 $0x480;
	s23 =	simm.s32 $0x4  }
0x17: {  	v0 =	vimm.f32 $0.0e+00;
	s25 =	simm.s32 $0x500;
	[dreg:$0xa] =	wrdreg s0;
	s0 =	simm.s32 $0x380  }
.LBB2_1:
0x18: {  	s9 =	sand.u32 $0xFE00, s3  }
0x19: {  	s10 =	sand.u32 $0x70, s3;
	s11 =	sshrl.u32 s9, $0x2  }
0x1a: {  	s9 =	simm.s32 $0x40;
	s11 =	sor.u32 s10, s11;
	s10 =	simm.s32 $0x0  }
.LBB2_2:
0x1b: {  	p0 =	sne.s32 s9, $0xFFC0  }
0x1c: {  	[tilespmem:s11+$0x800] =	vst v0;
	s10 =	sadd.s32 $0x10, s10;
	s11 =	smov.u32 s9;
	s9 =	sadd.s32 $0x40, s9  }
.Ltmp0:
0x1d: {  	(pc) =	sbr.rel @p0 .LBB2_2-.Ltmp0, $4  }
0x1e: {  	_ = 	snop  }
0x1f: {  	s11 =	sand.u32 $0xFE00, s11  }
0x20: {  	s5 =	sand.u32 $0x70, s10;
	s11 =	sshrl.u32 s11, $0x2  }
0x21: {  	s11 =	sor.u32 s5, s11  }
0x22: {  	[tilespmem:s11+$0x800] =	vst v0;
	s5 =	rddreg [dreg:$0x5]  }
0x23: {  	[spmem:s5] =	stream.linear.scatter [tilespmem:s13], [sflag:$0x5], $0x4000, $0x38;
	[tilespmem:$0x1C800] =	vst v63  }
0x24: {  	_ =	swait.ge [sflag:s14], $0x4000  }
0x25: {  	[sflag:s14] =	ssyncset.done $0x0  }
0x26: {  	s9 =	rddreg [dreg:$0x6];
	[sflag:s14] =	ssyncadd.s32 $0xFFFFC000  }
0x27: {  	[spmem:s9] =	stream.linear.scatter [tilespmem:s13], [sflag:$0x5], $0x4000, $0x38;
	[tilespmem:$0x1C800] =	vst v63  }
0x28: {  	_ =	swait.ge [sflag:s14], $0x4000  }
0x29: {  	[sflag:s14] =	ssyncset.done $0x0  }
0x2a: {  	s10 =	rddreg [dreg:$0x7];
	[sflag:s14] =	ssyncadd.s32 $0xFFFFC000  }
0x2b: {  	[spmem:s10] =	stream.linear.scatter [tilespmem:s13], [sflag:$0x5], $0x4000, $0x38;
	[tilespmem:$0x1C800] =	vst v63  }
0x2c: {  	_ =	swait.ge [sflag:s14], $0x4000  }
0x2d: {  	[sflag:s14] =	ssyncset.done $0x0  }
0x2e: {  	s11 =	rddreg [dreg:$0x8];
	[sflag:s14] =	ssyncadd.s32 $0xFFFFC000  }
0x2f: {  	[spmem:s11] =	stream.linear.scatter [tilespmem:s13], [sflag:$0x5], $0x4000, $0x38;
	[tilespmem:$0x1C800] =	vst v63  }
0x30: {  	_ =	swait.ge [sflag:s14], $0x4000  }
0x31: {  	[sflag:s14] =	ssyncset.done $0x0  }
0x32: {  	s9 =	rddreg [dreg:$0x9];
	[sflag:s14] =	ssyncadd.s32 $0xFFFFC000  }
0x33: {  	[spmem:s9] =	stream.linear.scatter [tilespmem:s13], [sflag:$0x5], $0x4000, $0x38;
	[tilespmem:$0x1C800] =	vst v63  }
0x34: {  	_ =	swait.ge [sflag:s14], $0x4000  }
0x35: {  	[sflag:s14] =	ssyncset.done $0x0  }
0x36: {  	[sflag:s14] =	ssyncadd.s32 $0xFFFFC000  }
0x37: {  	[bflag:$0x0] =	sbarrier.arrive $0xFFFF  }
0x38: {  	s10 =	rddreg [dreg:$0x4]  }
0x39: {  	s5 =	sadd.s32 $0x0, s10  }
0x3a: {  	[tilespmem:s3], [sflag:$0x5] =	stream.linear.gather [hbm4b:s5+s3], $0x400, $0x38;
	[tilespmem:$0x1C800] =	vst v63  }
0x3b: {  	_ =	swait.ge [sflag:s14], $0x400  }
0x3c: {  	[sflag:s14] =	ssyncset.done $0x0  }
0x3d: {  	s11 =	sadd.s32 $0x0, s12;
	[sflag:s14] =	ssyncadd.s32 $0xFFFFFC00  }
0x3e: {  	[tilespmem:s15], [sflag:$0x5] =	stream.linear.gather [hbm4b:s11+s3], $0x400, $0x38;
	[tilespmem:$0x1C800] =	vst v63  }
0x3f: {  	_ =	swait.ge [sflag:s14], $0x400  }
0x40: {  	[sflag:s14] =	ssyncset.done $0x0  }
0x41: {  	[sflag:s14] =	ssyncadd.s32 $0xFFFFFC00  }
0x42: {  	[tilespmem:s13], [sflag:$0x1] =	stream.indirect.gather [hbm4b:s4+s16], $0x80, s3, s16, $0xb8;
	[tilespmem:$0x1C800] =	vst v63  }
0x43: {  	_ = 	snop  }
0x44: {  	[tilespmem:s17], [sflag:$0x2] =	stream.indirect.gather [hbm4b:s4+s16], $0x80, s16, s16, $0xb8;
	[tilespmem:$0x1C800] =	vst v63  }
0x45: {  	_ =	swait.ge [sflag:s18], $0x4000  }
0x46: {  	[sflag:s18] =	ssyncset.done $0x0  }
0x47: {  	[sflag:s18] =	ssyncadd.s32 $0xFFFFC000  }
0x48: {  	[spmem:s2] =	stream.indirect.scatter.add.f32 [tilespmem:s13], [sflag:$0x3], $0x80, s15, s16, $0xb8;
	[tilespmem:$0x1C800] =	vst v63  }
0x49: {  	_ =	swait.ge [sflag:s19], $0x4000  }
0x4a: {  	[sflag:s19] =	ssyncset.done $0x0  }
0x4b: {  	[sflag:s19] =	ssyncadd.s32 $0xFFFFC000  }
0x4c: {  	[tilespmem:s13], [sflag:$0x1] =	stream.indirect.gather [hbm4b:s4+s16], $0x80, s20, s16, $0xb8;
	[tilespmem:$0x1C800] =	vst v63  }
0x4d: {  	_ =	swait.ge [sflag:s21], $0x4000  }
0x4e: {  	[sflag:s21] =	ssyncset.done $0x0  }
0x4f: {  	[sflag:s21] =	ssyncadd.s32 $0xFFFFC000  }
0x50: {  	[spmem:s2] =	stream.indirect.scatter.add.f32 [tilespmem:s17], [sflag:$0x4], $0x80, s22, s16, $0xb8;
	[tilespmem:$0x1C800] =	vst v63  }
0x51: {  	_ =	swait.ge [sflag:s23], $0x4000  }
0x52: {  	[sflag:s23] =	ssyncset.done $0x0  }
0x53: {  	[sflag:s23] =	ssyncadd.s32 $0xFFFFC000  }
0x54: {  	[tilespmem:s17], [sflag:$0x2] =	stream.indirect.gather [hbm4b:s4+s16], $0x80, s24, s16, $0xb8;
	[tilespmem:$0x1C800] =	vst v63  }
0x55: {  	_ =	swait.ge [sflag:s18], $0x4000  }
0x56: {  	[sflag:s18] =	ssyncset.done $0x0  }
0x57: {  	[sflag:s18] =	ssyncadd.s32 $0xFFFFC000  }
0x58: {  	[spmem:s2] =	stream.indirect.scatter.add.f32 [tilespmem:s13], [sflag:$0x3], $0x80, s25, s16, $0xb8;
	[tilespmem:$0x1C800] =	vst v63  }
0x59: {  	_ =	swait.ge [sflag:s19], $0x4000  }
0x5a: {  	[sflag:s19] =	ssyncset.done $0x0  }
0x5b: {  	[sflag:s19] =	ssyncadd.s32 $0xFFFFC000  }
0x5c: {  	[tilespmem:s13], [sflag:$0x1] =	stream.indirect.gather [hbm4b:s4+s16], $0x80, s26, s16, $0xb8;
	[tilespmem:$0x1C800] =	vst v63  }
0x5d: {  	_ =	swait.ge [sflag:s21], $0x4000  }
0x5e: {  	[sflag:s21] =	ssyncset.done $0x0  }
0x5f: {  	[sflag:s21] =	ssyncadd.s32 $0xFFFFC000  }
0x60: {  	[spmem:s2] =	stream.indirect.scatter.add.f32 [tilespmem:s17], [sflag:$0x4], $0x80, s28, s16, $0xb8;
	[tilespmem:$0x1C800] =	vst v63  }
0x61: {  	_ =	swait.ge [sflag:s23], $0x4000  }
0x62: {  	[sflag:s23] =	ssyncset.done $0x0  }
0x63: {  	[sflag:s23] =	ssyncadd.s32 $0xFFFFC000  }
0x64: {  	[tilespmem:s17], [sflag:$0x2] =	stream.indirect.gather [hbm4b:s4+s16], $0x80, s29, s16, $0xb8;
	[tilespmem:$0x1C800] =	vst v63  }
0x65: {  	_ =	swait.ge [sflag:s18], $0x4000  }
0x66: {  	[sflag:s18] =	ssyncset.done $0x0  }
0x67: {  	[sflag:s18] =	ssyncadd.s32 $0xFFFFC000  }
0x68: {  	[spmem:s2] =	stream.indirect.scatter.add.f32 [tilespmem:s13], [sflag:$0x3], $0x80, s30, s16, $0xb8;
	[tilespmem:$0x1C800] =	vst v63  }
0x69: {  	_ =	swait.ge [sflag:s19], $0x4000  }
0x6a: {  	[sflag:s19] =	ssyncset.done $0x0  }
0x6b: {  	[sflag:s19] =	ssyncadd.s32 $0xFFFFC000  }
0x6c: {  	[tilespmem:s13], [sflag:$0x1] =	stream.indirect.gather [hbm4b:s4+s16], $0x80, s31, s16, $0xb8;
	[tilespmem:$0x1C800] =	vst v63  }
0x6d: {  	_ =	swait.ge [sflag:s21], $0x4000  }
0x6e: {  	[sflag:s21] =	ssyncset.done $0x0  }
0x6f: {  	[sflag:s21] =	ssyncadd.s32 $0xFFFFC000  }
0x70: {  	[spmem:s2] =	stream.indirect.scatter.add.f32 [tilespmem:s17], [sflag:$0x4], $0x80, s1, s16, $0xb8;
	[tilespmem:$0x1C800] =	vst v63  }
0x71: {  	_ =	swait.ge [sflag:s23], $0x4000  }
0x72: {  	[sflag:s23] =	ssyncset.done $0x0  }
0x73: {  	[sflag:s23] =	ssyncadd.s32 $0xFFFFC000  }
0x74: {  	[tilespmem:s17], [sflag:$0x2] =	stream.indirect.gather [hbm4b:s4+s16], $0x80, s0, s16, $0xb8;
	[tilespmem:$0x1C800] =	vst v63  }
0x75: {  	_ =	swait.ge [sflag:s18], $0x4000  }
0x76: {  	[sflag:s18] =	ssyncset.done $0x0  }
0x77: {  	[sflag:s18] =	ssyncadd.s32 $0xFFFFC000  }
0x78: {  	[spmem:s2] =	stream.indirect.scatter.add.f32 [tilespmem:s13], [sflag:$0x3], $0x80, s6, s16, $0xb8;
	[tilespmem:$0x1C800] =	vst v63  }
0x79: {  	_ =	swait.ge [sflag:s21], $0x4000  }
0x7a: {  	[sflag:s21] =	ssyncset.done $0x0  }
0x7b: {  	[sflag:s21] =	ssyncadd.s32 $0xFFFFC000  }
0x7c: {  	[spmem:s2] =	stream.indirect.scatter.add.f32 [tilespmem:s17], [sflag:$0x4], $0x80, s7, s16, $0xb8;
	[tilespmem:$0x1C800] =	vst v63  }
0x7d: {  	_ =	swait.ge [sflag:s19], $0x4000  }
0x7e: {  	[sflag:s19] =	ssyncset.done $0x0  }
0x7f: {  	[sflag:s19] =	ssyncadd.s32 $0xFFFFC000  }
0x80: {  	_ =	swait.ge [sflag:s23], $0x4000  }
0x81: {  	s9 =	simm.s32 $0x1000;
	[sflag:s23] =	ssyncset.done $0x0  }
.LBB2_4:
0x82: {  	s5 =	rddreg [dreg:$0x4];
	s10 =	smov.u32 s9  }
0x83: {  	[sflag:s23] =	ssyncadd.s32 $0xFFFFC000;
	s5 =	sadd.s32 s10, s5  }
0x84: {  	[tilespmem:s3], [sflag:$0x5] =	stream.linear.gather [hbm4b:s5+s3], $0x400, $0x38;
	[tilespmem:$0x1C800] =	vst v63  }
0x85: {  	_ =	swait.ge [sflag:s14], $0x400  }
0x86: {  	[sflag:s14] =	ssyncset.done $0x0  }
0x87: {  	s11 =	sadd.s32 s10, s12;
	[sflag:s14] =	ssyncadd.s32 $0xFFFFFC00  }
0x88: {  	[tilespmem:s15], [sflag:$0x5] =	stream.linear.gather [hbm4b:s11+s3], $0x400, $0x38;
	[tilespmem:$0x1C800] =	vst v63  }
0x89: {  	_ =	swait.ge [sflag:s14], $0x400  }
0x8a: {  	[sflag:s14] =	ssyncset.done $0x0  }
0x8b: {  	[sflag:s14] =	ssyncadd.s32 $0xFFFFFC00  }
0x8c: {  	[tilespmem:s13], [sflag:$0x1] =	stream.indirect.gather [hbm4b:s4+s16], $0x80, s3, s16, $0xb8;
	[tilespmem:$0x1C800] =	vst v63  }
0x8d: {  	_ = 	snop  }
0x8e: {  	[tilespmem:s17], [sflag:$0x2] =	stream.indirect.gather [hbm4b:s4+s16], $0x80, s16, s16, $0xb8;
	[tilespmem:$0x1C800] =	vst v63  }
0x8f: {  	_ =	swait.ge [sflag:s18], $0x4000  }
0x90: {  	[sflag:s18] =	ssyncset.done $0x0  }
0x91: {  	[sflag:s18] =	ssyncadd.s32 $0xFFFFC000  }
0x92: {  	[spmem:s2] =	stream.indirect.scatter.add.f32 [tilespmem:s13], [sflag:$0x3], $0x80, s15, s16, $0xb8;
	[tilespmem:$0x1C800] =	vst v63  }
0x93: {  	_ =	swait.ge [sflag:s19], $0x4000  }
0x94: {  	[sflag:s19] =	ssyncset.done $0x0  }
0x95: {  	[sflag:s19] =	ssyncadd.s32 $0xFFFFC000  }
0x96: {  	[tilespmem:s13], [sflag:$0x1] =	stream.indirect.gather [hbm4b:s4+s16], $0x80, s20, s16, $0xb8;
	[tilespmem:$0x1C800] =	vst v63  }
0x97: {  	_ =	swait.ge [sflag:s21], $0x4000  }
0x98: {  	[sflag:s21] =	ssyncset.done $0x0  }
0x99: {  	[sflag:s21] =	ssyncadd.s32 $0xFFFFC000  }
0x9a: {  	[spmem:s2] =	stream.indirect.scatter.add.f32 [tilespmem:s17], [sflag:$0x4], $0x80, s22, s16, $0xb8;
	[tilespmem:$0x1C800] =	vst v63  }
0x9b: {  	_ =	swait.ge [sflag:s23], $0x4000  }
0x9c: {  	[sflag:s23] =	ssyncset.done $0x0  }
0x9d: {  	[sflag:s23] =	ssyncadd.s32 $0xFFFFC000  }
0x9e: {  	[tilespmem:s17], [sflag:$0x2] =	stream.indirect.gather [hbm4b:s4+s16], $0x80, s24, s16, $0xb8;
	[tilespmem:$0x1C800] =	vst v63  }
0x9f: {  	_ =	swait.ge [sflag:s18], $0x4000  }
0xa0: {  	[sflag:s18] =	ssyncset.done $0x0  }
0xa1: {  	[sflag:s18] =	ssyncadd.s32 $0xFFFFC000  }
0xa2: {  	[spmem:s2] =	stream.indirect.scatter.add.f32 [tilespmem:s13], [sflag:$0x3], $0x80, s25, s16, $0xb8;
	[tilespmem:$0x1C800] =	vst v63  }
0xa3: {  	_ =	swait.ge [sflag:s19], $0x4000  }
0xa4: {  	[sflag:s19] =	ssyncset.done $0x0  }
0xa5: {  	[sflag:s19] =	ssyncadd.s32 $0xFFFFC000  }
0xa6: {  	[tilespmem:s13], [sflag:$0x1] =	stream.indirect.gather [hbm4b:s4+s16], $0x80, s26, s16, $0xb8;
	[tilespmem:$0x1C800] =	vst v63  }
0xa7: {  	_ =	swait.ge [sflag:s21], $0x4000  }
0xa8: {  	[sflag:s21] =	ssyncset.done $0x0  }
0xa9: {  	[sflag:s21] =	ssyncadd.s32 $0xFFFFC000  }
0xaa: {  	[spmem:s2] =	stream.indirect.scatter.add.f32 [tilespmem:s17], [sflag:$0x4], $0x80, s28, s16, $0xb8;
	[tilespmem:$0x1C800] =	vst v63  }
0xab: {  	_ =	swait.ge [sflag:s23], $0x4000  }
0xac: {  	[sflag:s23] =	ssyncset.done $0x0  }
0xad: {  	[sflag:s23] =	ssyncadd.s32 $0xFFFFC000  }
0xae: {  	[tilespmem:s17], [sflag:$0x2] =	stream.indirect.gather [hbm4b:s4+s16], $0x80, s29, s16, $0xb8;
	[tilespmem:$0x1C800] =	vst v63  }
0xaf: {  	_ =	swait.ge [sflag:s18], $0x4000  }
0xb0: {  	[sflag:s18] =	ssyncset.done $0x0  }
0xb1: {  	[sflag:s18] =	ssyncadd.s32 $0xFFFFC000  }
0xb2: {  	[spmem:s2] =	stream.indirect.scatter.add.f32 [tilespmem:s13], [sflag:$0x3], $0x80, s30, s16, $0xb8;
	[tilespmem:$0x1C800] =	vst v63  }
0xb3: {  	_ =	swait.ge [sflag:s19], $0x4000  }
0xb4: {  	[sflag:s19] =	ssyncset.done $0x0  }
0xb5: {  	[sflag:s19] =	ssyncadd.s32 $0xFFFFC000  }
0xb6: {  	[tilespmem:s13], [sflag:$0x1] =	stream.indirect.gather [hbm4b:s4+s16], $0x80, s31, s16, $0xb8;
	[tilespmem:$0x1C800] =	vst v63  }
0xb7: {  	_ =	swait.ge [sflag:s21], $0x4000  }
0xb8: {  	[sflag:s21] =	ssyncset.done $0x0  }
0xb9: {  	[sflag:s21] =	ssyncadd.s32 $0xFFFFC000  }
0xba: {  	[spmem:s2] =	stream.indirect.scatter.add.f32 [tilespmem:s17], [sflag:$0x4], $0x80, s1, s16, $0xb8;
	[tilespmem:$0x1C800] =	vst v63  }
0xbb: {  	_ =	swait.ge [sflag:s23], $0x4000  }
0xbc: {  	[sflag:s23] =	ssyncset.done $0x0  }
0xbd: {  	[sflag:s23] =	ssyncadd.s32 $0xFFFFC000  }
0xbe: {  	[tilespmem:s17], [sflag:$0x2] =	stream.indirect.gather [hbm4b:s4+s16], $0x80, s0, s16, $0xb8;
	[tilespmem:$0x1C800] =	vst v63  }
0xbf: {  	_ =	swait.ge [sflag:s18], $0x4000  }
0xc0: {  	[sflag:s18] =	ssyncset.done $0x0  }
0xc1: {  	[sflag:s18] =	ssyncadd.s32 $0xFFFFC000  }
0xc2: {  	[spmem:s2] =	stream.indirect.scatter.add.f32 [tilespmem:s13], [sflag:$0x3], $0x80, s6, s16, $0xb8;
	[tilespmem:$0x1C800] =	vst v63  }
0xc3: {  	_ =	swait.ge [sflag:s21], $0x4000  }
0xc4: {  	[sflag:s21] =	ssyncset.done $0x0  }
0xc5: {  	p0 =	sne.s32 s9, $0x9000;
	[sflag:s21] =	ssyncadd.s32 $0xFFFFC000  }
0xc6: {  	[spmem:s2] =	stream.indirect.scatter.add.f32 [tilespmem:s17], [sflag:$0x4], $0x80, s7, s16, $0xb8;
	[tilespmem:$0x1C800] =	vst v63  }
.Ltmp1:
0xc7: {  	_ =	swait.ge [sflag:s19], $0x4000;
	(pc) =	sbr.rel @p0 .LBB2_4-.Ltmp1, $4  }
0xc8: {  	[sflag:s19] =	ssyncset.done $0x0  }
0xc9: {  	[sflag:s19] =	ssyncadd.s32 $0xFFFFC000  }
0xca: {  	_ =	swait.ge [sflag:s23], $0x4000  }
0xcb: {  	s9 =	sadd.s32 $0x1000, s9;
	[sflag:s23] =	ssyncset.done $0x0  }
0xcc: {  	[sflag:s23] =	ssyncadd.s32 $0xFFFFC000  }
0xcd: {  	s5 =	stileid.u32;
	[bflag:$0x0] =	sbarrier.arrive $0xFFFF  }
0xce: {  	s5 =	sshll.u32 s5, $0x6;
	s9 =	rddreg [dreg:$0x5]  }
0xcf: {  	s5 =	sor.u32 $0x1C05, s5;
	s10 =	rddreg [dreg:$0xa];
	s9 =	sshrl.u32 s9, $0x3  }
0xd0: {  	[hbm:s10], [sflag:s5] =	dma.local [spmem:s9], $0x2800  }
0xd1: {  	_ =	swait.ge [sflag:s14], $0x2800  }
0xd2: {  	s8 =	sadd.s32 $0x1, s8;
	s11 =	rddreg [dreg:$0xb]  }
0xd3: {  	p0 =	sne.s32 s8, s11  }
.Ltmp2:
0xd4: {  	_ = 	snop;
	(pc) =	sbr.rel @p0 .LBB2_1-.Ltmp2, $3  }
0xd5: {  	_ =	sdelay $0x1  }
0xd6: {  	[sflag:s14] =	ssyncset.done $0x0  }
0xd7: {  	[sflag:s14] =	ssyncadd.s32 $0xFFFFD800  }
0xd8: {  	_ =	sfence.sel $0x180000  }
0xd9: {  	[bflag:$0x0] =	sbarrier.arrive $0xFFFF  }
0xda: {  	_ =	strace $0x90000050  }
0xdb: {  	s0 =	stileid.u32;
	[bflag:$0x2] =	sbarrier.arrive $0xFFFF  }
0xdc: {  	p0 =	sne.s32 s0, $0x0;
	s0 =	rddreg [dreg:$0x3]  }
0xdd: {  	s0 =	sadd.s32 @!p0 $0x100000, s0  }
0xde: {  	[sflag:s0] =	ssyncadd.tile.s32 @!p0 $0x1;
	_ =	shalt  }
.Lfunc_end2:
_tile_overlayer_lowered:
.L_overlay_start_2:
0xdf: {  	(tag) =	ssettag $0x2  }
0xe0: {  	s0 =	rddreg [dreg:$0x0];
	s2 =	stileid.u32  }
0xe1: {  	s1 =	rddreg [dreg:$0x1];
	p0 =	sne.s32 s2, $0x0  }
0xe2: {  	s3 =	rddreg [dreg:$0x2];
	[bflag:$0x3] =	sbarrier.arrive $0xFFFF;
	s2 =	simm.s32 @!p0 $0x1C05  }
0xe3: {  	[timem:s3], [sflag:s2] =	dma.local @!p0 [hbm:s0], s1  }
0xe4: {  	s0 =	simm.s32 @!p0 $0x5  }
0xe5: {  	_ =	swait.ge @!p0 [sflag:s0], s1  }
0xe6: {  	s1 =	ssub.s32 @!p0 $0x0, s1;
	[sflag:s0] =	ssyncset.done @!p0 $0x0  }
0xe7: {  	[sflag:s0] =	ssyncadd.s32 @!p0 s1  }
0xe8: {  	[bflag:$0x3] =	sbarrier.arrive $0xFFFF  }
0xe9: {  	_ =	shalt  }

// kernel: kernel.21.cloned.1.call-start
scs
__scs_entry_jumppad:
0x0: {  	(pc) =	sbr.rel $0x88, $3  }
0x1: {  	(tag) =	ssettag $0x0;
	lr =	simm.s32 $0x1  }
0x2: {  	[smem:$0x3F8F] =	sst lr;
	_ =	strace $0xD0000000  }
0x3: {  	_ = 	snop  }
0x4: {  	_ = 	snop  }
0x5: {  	_ = 	snop  }
0x6: {  	_ = 	snop  }
0x7: {  	_ = 	snop  }
__scs_overlays_trampoline_lowered:
0x8: {  	[smem:$0x3F9E] =	sst s0  }
0x9: {  	[smem:$0x3F9F] =	sst s1  }
0xa: {  	[smem:$0x3FA0] =	sst s2  }
0xb: {  	[smem:$0x3FA1] =	sst s3  }
0xc: {  	[smem:$0x3FA2] =	sst s4  }
0xd: {  	[smem:$0x3FA3] =	sst s5  }
0xe: {  	[smem:$0x3FA4] =	sst s6  }
0xf: {  	[smem:$0x3FA5] =	sst s7  }
0x10: {  	[smem:$0x3FA6] =	sst s8  }
0x11: {  	[smem:$0x3FA7] =	sst s9;
	s0 =	simm.s32 @!p0 $0x0  }
0x12: {  	s1 =	sld [smem:$0x3F8D];
	s0 =	simm.s32 @p0 $0x1  }
0x13: {  	[smem:$0x3FA8] =	sst s0;
	s0 =	simm.s32 @!p1 $0x0  }
0x14: {  	s2 =	sld [smem:$0x3F8C];
	s0 =	simm.s32 @p1 $0x1  }
0x15: {  	[smem:$0x3FA9] =	sst s0;
	s0 =	simm.s32 @!p2 $0x0  }
0x16: {  	s3 =	sld [smem:$0x3FDB];
	s0 =	simm.s32 @p2 $0x1  }
0x17: {  	s4 =	simm.s32 $0x1BF5;
	[smem:$0x3FAB] =	sst s0  }
0x18: {  	s0 =	sld [smem:$0x3F8E];
	_ =	swait.ge [sflag:s4], $0x0  }
0x19: {  	s7 =	sld [smem:$0x3F8F]  }
0x1a: {  	s8 =	sadd.s32 $0xFFFFE003, lr  }
0x1b: {  	s9 =	sadd.s32 $0xFFFFFEF7, lr;
	s5 =	simm.s32 $0xFFFFFFFF;
	p2 =	slt.u32 s8, $0xFFFFF086  }
0x1c: {  	p1 =	slt.u32 s9, $0xF7A;
	s5 =	simm.s32 @!p2 $0x0  }
0x1d: {  	s5 =	simm.s32 @p1 $0x1;
	p0 =	seq.s32 s7, s2  }
0x1e: {  	s7 =	smul.u32 @!p0 $0xF7A, s2;
	p2 =	seq.s32 @!p0 s5, $0x0  }
0x1f: {  	s9 =	smul.u32 $0xF7A, s1;
	s8 =	simm.s32 @!p0 $0x1BF5;
	p2 =	por !p2, p0  }
0x20: {  	[sflag:s8] =	ssyncset.s32 @!p0 $0xFFFFF086;
	s6 =	sadd.s32 @!p0 s3, s7;
	s7 =	simm.s32 @!p0 $0x108  }
0x21: {  	s3 =	sadd.s32 s3, s9;
	s6 =	sadd.s32 @!p0 $0x88, s6;
	s7 =	simm.s32 @p2 $0x1082  }
0x22: {  	[simem:s7], [sflag:s8] =	dma.local @!p0 [hbm:s6], $0xF7A  }
0x23: {  	s9 =	sor.u32 $0xD0000000, s2;
	s6 =	simm.s32 $0x108;
	_ =	swait.ge @!p0 [sflag:s8], $0x0  }
0x24: {  	s3 =	sadd.s32 $0x88, s3;
	s6 =	simm.s32 @!p1 $0x1082;
	[sflag:s4] =	ssyncset.s32 $0xFFFFF086  }
0x25: {  	[simem:s6], [sflag:s4] =	dma.local [hbm:s3], $0xF7A  }
0x26: {  	[smem:$0x3F8F] =	sst s1;
	(tag) =	ssettag s2;
	_ =	strace s9  }
0x27: {  	s1 =	sld [smem:$0x3F9F]  }
0x28: {  	s2 =	sld [smem:$0x3FA0]  }
0x29: {  	s4 =	sld [smem:$0x3FA2]  }
0x2a: {  	p0 =	seq.s32 s5, $0x0;
	s5 =	sld [smem:$0x3FA3]  }
0x2b: {  	s6 =	sld [smem:$0x3FA4]  }
0x2c: {  	s7 =	sld [smem:$0x3FA5]  }
0x2d: {  	s3 =	simm.s32 $0x108;
	s8 =	sld [smem:$0x3FA6]  }
0x2e: {  	s3 =	simm.s32 @!p0 $0x1082;
	s9 =	sld [smem:$0x3FA7]  }
0x2f: {  	lr =	sadd.s32 s0, s3;
	s0 =	sld [smem:$0x3F9E]  }
0x30: {  	s3 =	sld [smem:$0x3FA1]  }
0x31: {  	[smem:$0x3FAA] =	sst s10  }
0x32: {  	s10 =	sld [smem:$0x3FA8];
	_ =	sdelay $0x3  }
0x33: {  	p0 =	seq.s32 s10, $0x1;
	s10 =	sld [smem:$0x3FAA];
	_ =	sdelay $0x3  }
0x34: {  	[smem:$0x3FAA] =	sst s10  }
0x35: {  	s10 =	sld [smem:$0x3FA9];
	_ =	sdelay $0x3  }
0x36: {  	p1 =	seq.s32 s10, $0x1;
	s10 =	sld [smem:$0x3FAA];
	_ =	sdelay $0x3  }
0x37: {  	[smem:$0x3FAA] =	sst s10  }
0x38: {  	s10 =	sld [smem:$0x3FAB]  }
0x39: {  	_ = 	snop;
	(pc) =	sbr.ind lr, $3  }
0x3a: {  	_ = 	snop  }
0x3b: {  	_ = 	snop  }
0x3c: {  	p2 =	seq.s32 s10, $0x1;
	s10 =	sld [smem:$0x3FAA]  }
0x3d: {  	_ =	shalt  }
0x3e: {  	_ =	shalt  }
0x3f: {  	_ =	shalt  }
0x40: {  	_ =	shalt  }
0x41: {  	_ =	shalt  }
0x42: {  	_ =	shalt  }
0x43: {  	_ =	shalt  }
0x44: {  	_ =	shalt  }
0x45: {  	_ =	shalt  }
0x46: {  	_ =	shalt  }
0x47: {  	_ =	shalt  }
0x48: {  	_ =	shalt  }
0x49: {  	_ =	shalt  }
0x4a: {  	_ =	shalt  }
0x4b: {  	_ =	shalt  }
0x4c: {  	_ =	shalt  }
0x4d: {  	_ =	shalt  }
0x4e: {  	_ =	shalt  }
0x4f: {  	_ =	shalt  }
0x50: {  	_ =	shalt  }
0x51: {  	_ =	shalt  }
0x52: {  	_ =	shalt  }
0x53: {  	_ =	shalt  }
0x54: {  	_ =	shalt  }
0x55: {  	_ =	shalt  }
0x56: {  	_ =	shalt  }
0x57: {  	_ =	shalt  }
0x58: {  	_ =	shalt  }
0x59: {  	_ =	shalt  }
0x5a: {  	_ =	shalt  }
0x5b: {  	_ =	shalt  }
0x5c: {  	_ =	shalt  }
0x5d: {  	_ =	shalt  }
0x5e: {  	_ =	shalt  }
0x5f: {  	_ =	shalt  }
0x60: {  	_ =	shalt  }
0x61: {  	_ =	shalt  }
0x62: {  	_ =	shalt  }
0x63: {  	_ =	shalt  }
0x64: {  	_ =	shalt  }
0x65: {  	_ =	shalt  }
0x66: {  	_ =	shalt  }
0x67: {  	_ =	shalt  }
0x68: {  	_ =	shalt  }
0x69: {  	_ =	shalt  }
0x6a: {  	_ =	shalt  }
0x6b: {  	_ =	shalt  }
0x6c: {  	_ =	shalt  }
0x6d: {  	_ =	shalt  }
0x6e: {  	_ =	shalt  }
0x6f: {  	_ =	shalt  }
0x70: {  	_ =	shalt  }
0x71: {  	_ =	shalt  }
0x72: {  	_ =	shalt  }
0x73: {  	_ =	shalt  }
0x74: {  	_ =	shalt  }
0x75: {  	_ =	shalt  }
0x76: {  	_ =	shalt  }
0x77: {  	_ =	shalt  }
0x78: {  	_ =	shalt  }
0x79: {  	_ =	shalt  }
0x7a: {  	_ =	shalt  }
0x7b: {  	_ =	shalt  }
0x7c: {  	_ =	shalt  }
0x7d: {  	_ =	shalt  }
0x7e: {  	_ =	shalt  }
0x7f: {  	_ =	shalt  }
0x80: {  	_ =	shalt  }
0x81: {  	_ =	shalt  }
0x82: {  	_ =	shalt  }
0x83: {  	_ =	shalt  }
0x84: {  	_ =	shalt  }
0x85: {  	_ =	shalt  }
0x86: {  	_ =	shalt  }
0x87: {  	_ =	shalt  }
.Lfunc_end0:
.L_simem_size_0:
called_computation.3_lowered:
.L_overlay_start_0:
0x88: {  	s2 =	sld [smem:$0x3FD9]  }
0x89: {  	s3 =	sld [smem:$0x3FFE];
	_ =	sdelay $0x1  }
0x8a: {  	s1 =	srdreg.scid  }
0x8b: {  	s0 =	sand.u32 $0x1, s1  }
0x8c: {  	s17 =	sshll.u32 s0, $0xA;
	s2 =	sadd.s32 s3, s2  }
0x8d: {  	s2 =	sadd.s32 s2, s17  }
0x8e: {  	[smem:$0x3FB6] =	sst s2  }
0x8f: {  	_ = 	snop  }
0x90: {  	s18 =	sld [smem:$0x3FD0];
	(tm) =	ssettm $0x1  }
0x91: {  	s19 =	sld [smem:$0x3FFB];
	_ =	sdelay $0x3  }
0x92: {  	_ =	strace s19  }
0x93: {  	s2 =	sld [smem:$0x3FFC];
	_ =	sdelay $0x3  }
0x94: {  	_ =	strace s2  }
0x95: {  	s2 =	sld [smem:$0x3FFD];
	_ =	sdelay $0x3  }
0x96: {  	_ =	strace s2  }
0x97: {  	_ =	strace $0x8FFFFFFF  }
0x98: {  	s20 =	sld [smem:$0x3FDB];
	_ =	sdelay $0x1  }
0x99: {  	s4 =	simm.s32 $_scs_section_size  }
0x9a: {  	s5 =	simm.s32 $_size__tile_overlayer_lowered;
	s6 =	simm.s32 $_tile_overlayer_lowered  }
0x9b: {  	s7 =	simm.s32 $0x1BFF;
	s21 =	sshll.u32 s6, $0x1;
	s4 =	sadd.s32 s4, s20  }
0x9c: {  	s22 =	simm.s32 $0x0;
	s5 =	sshll.u32 s5, $0x1;
	s6 =	sadd.s32 s21, s4  }
0x9d: {  	[timem:s22], [sflag:s7] =	dma.local [hbm:s6], s5  }
0x9e: {  	_ =	swait.ge [sflag:s7], s5  }
0x9f: {  	s5 =	ssub.s32 $0x0, s5;
	[sflag:s7] =	ssyncset.done $0x0  }
0xa0: {  	[sflag:s7] =	ssyncadd.s32 s5;
	_ =	sdelay $0x1  }
0xa1: {  	s23 =	simm.s32 $0x1B8B  }
0xa2: {  	_ =	swait.ge [sflag:s23], $0x1  }
0xa3: {  	[sflag:s23] =	ssyncset.done $0x0  }
0xa4: {  	[sflag:s23] =	ssyncadd.s32 $0xFFFFFFFF  }
0xa5: {  	s5 =	sld [smem:$0x0]  }
0xa6: {  	s6 =	sand.u32 $0xFFFFFFFE, s1  }
0xa7: {  	p0 =	sne.s32 s1, s6  }
0xa8: {  	s6 =	sshll.u32 @p0 s6, $0xE  }
0xa9: {  	s6 =	sadd.s32 @p0 $0x11B8D, s6;
	s7 =	sshll.u32 @p0 s5, $0x11  }
0xaa: {  	s6 =	sor.u32 @p0 s7, s6  }
0xab: {  	[sflag:s6] =	ssyncadd.remote.s32 @p0 $0x1;
	_ =	sdelay $0x1  }
0xac: {  	s6 =	simm.s32 @p0 $0x1B8D  }
0xad: {  	_ =	swait.eq @p0 [sflag:s6], $0x1  }
0xae: {  	[sflag:s6] =	ssyncadd.s32 @p0 $0xFFFFFFFF  }
0xaf: {  	s7 =	sshll.u32 @!p0 s1, $0xE  }
0xb0: {  	s7 =	sor.u32 @!p0 $0x4000, s7;
	s6 =	simm.s32 @!p0 $0x1B8D  }
0xb1: {  	s5 =	sshll.u32 @!p0 s5, $0x11;
	s7 =	sadd.s32 @!p0 $0x11B8D, s7;
	_ =	swait.eq @!p0 [sflag:s6], $0x1  }
0xb2: {  	s5 =	sor.u32 @!p0 s5, s7;
	[sflag:s6] =	ssyncadd.s32 @!p0 $0xFFFFFFFF  }
0xb3: {  	s25 =	simm.s32 $0x1B8E;
	s24 =	sld [smem:$0x3FFE];
	[sflag:s5] =	ssyncadd.remote.s32 @!p0 $0x1  }
0xb4: {  	s26 =	simm.s32 $execute0_lowered;
	[smem:$0x3FD2] =	sst s25  }
0xb5: {  	s6 =	sshll.u32 s26, $0x1;
	_ =	strace $0x80000052;
	[dreg:$0x1] =	wrdreg $0xFFFFFFFF  }
0xb6: {  	s28 =	simm.s32 $_size_execute0_lowered;
	s4 =	sadd.s32 s4, s6;
	[dreg:$0x0] =	wrdreg $0x0  }
0xb7: {  	s6 =	sshll.u32 s28, $0x1;
	[dreg:$0x2] =	wrdreg s4  }
0xb8: {  	[dreg:$0x3] =	wrdreg s6  }
0xb9: {  	[dreg:$0x4] =	wrdreg $0xC0  }
0xba: {  	_ =	task [dreg:s22], $0x5FFFF  }
0xbb: {  	[dreg:$0x1] =	wrdreg $0xFFFFFFFF  }
0xbc: {  	[dreg:$0x0] =	wrdreg $0x60  }
0xbd: {  	[dreg:$0x2] =	wrdreg s24  }
0xbe: {  	[dreg:$0x3] =	wrdreg s18  }
0xbf: {  	[dreg:$0x4] =	wrdreg $0x88000  }
0xc0: {  	[dreg:$0x5] =	wrdreg $0xA  }
0xc1: {  	_ =	task.clear_ibuf [dreg:s22], $0x6FFFF;
	_ =	strace $0x90000052  }
0xc2: {  	s29 =	simm.s32 $0xA;
	_ =	strace $0x80000054  }
0xc3: {  	_ =	swait.ge [sflag:s29], $0x1  }
0xc4: {  	[sflag:s29] =	ssyncadd.s32 $0xFFFFFFFF  }
0xc5: {  	_ =	strace $0x90000054  }
0xc6: {  	_ =	sfence  }
0xc7: {  	s30 =	sld [smem:$0x0];
	_ =	sdelay $0x2  }
0xc8: {  	s31 =	sshll.u32 s1, $0xD;
	s1 =	sshrl.u32 s1, $0x2  }
0xc9: {  	s4 =	sand.u32 $0x4000, s31;
	s1 =	sadd.s32 s1, s30  }
0xca: {  	s0 =	sor.u32 s4, s0;
	s1 =	sshll.u32 s1, $0x11  }
0xcb: {  	s0 =	sor.u32 s1, s0  }
0xcc: {  	s0 =	sadd.s32 $0x8F2B, s0  }
0xcd: {  	[sflag:s0] =	ssyncadd.remote.s32 $0x1  }
0xce: {  	_ =	sfence.sel $0xFFFF  }
0xcf: {  	[dreg:$0x0] =	wrdreg $0xFFFFFFFF;
	(pc) =	sbr.abs _section_cstart, $3  }
0xd0: {  	[dreg:$0x1] =	wrdreg $0xFFFFFFFF  }
0xd1: {  	_ =	task.clear_ibuf [dreg:s22], $0x2FFFF;
	_ =	strace $0x9FFFFFFF  }
0xd2: {  	(tm) =	ssettm $0x7FFFFFFF  }
0xd3: {  	_ =	shalt  }
tec
execute0_lowered:
.L_overlay_start_1:
0x0: {  	(tag) =	ssettag $0x1  }
0x1: {  	s0 =	rddreg [dreg:$0x0]  }
0x2: {  	s1 =	rddreg [dreg:$0x1]  }
0x3: {  	s4 =	stileid.u32;
	s3 =	srdreg.scid  }
0x4: {  	s2 =	rddreg [dreg:$0x2];
	s13 =	simm.s32 $0x800;
	s14 =	simm.s32 $0x5  }
0x5: {  	s15 =	simm.s32 $0x400;
	s16 =	simm.s32 $0x80;
	s17 =	simm.s32 $0x4800  }
0x6: {  	s18 =	simm.s32 $0x1;
	s19 =	simm.s32 $0x3;
	s28 =	simm.s32 $0x580  }
0x7: {  	s29 =	simm.s32 $0x280;
	s30 =	simm.s32 $0x600;
	s31 =	simm.s32 $0x300  }
0x8: {  	s6 =	sand.u32 $0x1, s3;
	s5 =	smul.u32 $0x2800, s4;
	s3 =	simm.s32 $0x0  }
0x9: {  	s8 =	sshll.u32 s4, $0x8;
	s9 =	smul.u32 $0x50000, s4;
	s4 =	sadd.s32 $0x8B200, s0  }
0xa: {  	s7 =	smul.u32 $0x28000, s6;
	[smem:$0x7FF] =	sst s3;
	s10 =	sadd.s32 s8, s0  }
0xb: {  	s20 =	ssub.s32 $0x2, s6;
	s6 =	sshll.u32 s6, $0x7;
	s1 =	sadd.s32 s8, s1  }
0xc: {  	s8 =	simm.s32 $0x0;
	_ =	strace $0x80000053;
	s9 =	sshrl.u32 s9, $0x2  }
0xd: {  	s11 =	sshrl.u32 s20, $0x1;
	s24 =	sadd.s32 s6, s1;
	s26 =	sadd.s32 s6, s10  }
0xe: {  	s1 =	simm.s32 $0x680;
	s6 =	simm.s32 $0x700;
	s5 =	sadd.s32 s5, s7  }
0xf: {  	s21 =	sadd.s32 s9, s2;
	s7 =	ssub.s32 s20, s11;
	[dreg:$0x4] =	wrdreg s24  }
0x10: {  	s12 =	sadd.s32 $0x2FA00, s26;
	s20 =	simm.s32 $0x100;
	s24 =	simm.s32 $0x180  }
0x11: {  	s26 =	simm.s32 $0x200;
	s9 =	sadd.s32 $0x4000, s21;
	[dreg:$0x5] =	wrdreg s21  }
0x12: {  	s0 =	sadd.s32 s5, s0;
	s22 =	sadd.s32 $0x8000, s21;
	[dreg:$0x6] =	wrdreg s9  }
0x13: {  	s23 =	sadd.s32 $0xC000, s21;
	s5 =	sadd.s32 $0x10000, s21;
	[dreg:$0x7] =	wrdreg s22  }
0x14: {  	s25 =	smax.u32 s7, $0x1;
	s21 =	simm.s32 $0x2;
	[dreg:$0x8] =	wrdreg s23  }
0x15: {  	s7 =	simm.s32 $0x780;
	[dreg:$0x9] =	wrdreg s5;
	s0 =	sadd.s32 $0x183200, s0  }
0x16: {  	[dreg:$0xb] =	wrdreg s25;
	s22 =	simm.s32 $0x480;
	s23 =	simm.s32 $0x4  }
0x17: {  	v0 =	vimm.f32 $0.0e+00;
	s25 =	simm.s32 $0x500;
	[dreg:$0xa] =	wrdreg s0;
	s0 =	simm.s32 $0x380  }
.LBB2_1:
0x18: {  	s9 =	sand.u32 $0xFE00, s3  }
0x19: {  	s10 =	sand.u32 $0x70, s3;
	s11 =	sshrl.u32 s9, $0x2  }
0x1a: {  	s9 =	simm.s32 $0x40;
	s11 =	sor.u32 s10, s11;
	s10 =	simm.s32 $0x0  }
.LBB2_2:
0x1b: {  	p0 =	sne.s32 s9, $0xFFC0  }
0x1c: {  	[tilespmem:s11+$0x800] =	vst v0;
	s10 =	sadd.s32 $0x10, s10;
	s11 =	smov.u32 s9;
	s9 =	sadd.s32 $0x40, s9  }
.Ltmp0:
0x1d: {  	(pc) =	sbr.rel @p0 .LBB2_2-.Ltmp0, $4  }
0x1e: {  	_ = 	snop  }
0x1f: {  	s11 =	sand.u32 $0xFE00, s11  }
0x20: {  	s5 =	sand.u32 $0x70, s10;
	s11 =	sshrl.u32 s11, $0x2  }
0x21: {  	s11 =	sor.u32 s5, s11  }
0x22: {  	[tilespmem:s11+$0x800] =	vst v0;
	s5 =	rddreg [dreg:$0x5]  }
0x23: {  	[spmem:s5] =	stream.linear.scatter [tilespmem:s13], [sflag:$0x5], $0x4000, $0x38;
	[tilespmem:$0x1C800] =	vst v63  }
0x24: {  	_ =	swait.ge [sflag:s14], $0x4000  }
0x25: {  	[sflag:s14] =	ssyncset.done $0x0  }
0x26: {  	s9 =	rddreg [dreg:$0x6];
	[sflag:s14] =	ssyncadd.s32 $0xFFFFC000  }
0x27: {  	[spmem:s9] =	stream.linear.scatter [tilespmem:s13], [sflag:$0x5], $0x4000, $0x38;
	[tilespmem:$0x1C800] =	vst v63  }
0x28: {  	_ =	swait.ge [sflag:s14], $0x4000  }
0x29: {  	[sflag:s14] =	ssyncset.done $0x0  }
0x2a: {  	s10 =	rddreg [dreg:$0x7];
	[sflag:s14] =	ssyncadd.s32 $0xFFFFC000  }
0x2b: {  	[spmem:s10] =	stream.linear.scatter [tilespmem:s13], [sflag:$0x5], $0x4000, $0x38;
	[tilespmem:$0x1C800] =	vst v63  }
0x2c: {  	_ =	swait.ge [sflag:s14], $0x4000  }
0x2d: {  	[sflag:s14] =	ssyncset.done $0x0  }
0x2e: {  	s11 =	rddreg [dreg:$0x8];
	[sflag:s14] =	ssyncadd.s32 $0xFFFFC000  }
0x2f: {  	[spmem:s11] =	stream.linear.scatter [tilespmem:s13], [sflag:$0x5], $0x4000, $0x38;
	[tilespmem:$0x1C800] =	vst v63  }
0x30: {  	_ =	swait.ge [sflag:s14], $0x4000  }
0x31: {  	[sflag:s14] =	ssyncset.done $0x0  }
0x32: {  	s9 =	rddreg [dreg:$0x9];
	[sflag:s14] =	ssyncadd.s32 $0xFFFFC000  }
0x33: {  	[spmem:s9] =	stream.linear.scatter [tilespmem:s13], [sflag:$0x5], $0x4000, $0x38;
	[tilespmem:$0x1C800] =	vst v63  }
0x34: {  	_ =	swait.ge [sflag:s14], $0x4000  }
0x35: {  	[sflag:s14] =	ssyncset.done $0x0  }
0x36: {  	[sflag:s14] =	ssyncadd.s32 $0xFFFFC000  }
0x37: {  	[bflag:$0x0] =	sbarrier.arrive $0xFFFF  }
0x38: {  	s10 =	rddreg [dreg:$0x4]  }
0x39: {  	s5 =	sadd.s32 $0x0, s10  }
0x3a: {  	[tilespmem:s3], [sflag:$0x5] =	stream.linear.gather [hbm4b:s5+s3], $0x400, $0x38;
	[tilespmem:$0x1C800] =	vst v63  }
0x3b: {  	_ =	swait.ge [sflag:s14], $0x400  }
0x3c: {  	[sflag:s14] =	ssyncset.done $0x0  }
0x3d: {  	s11 =	sadd.s32 $0x0, s12;
	[sflag:s14] =	ssyncadd.s32 $0xFFFFFC00  }
0x3e: {  	[tilespmem:s15], [sflag:$0x5] =	stream.linear.gather [hbm4b:s11+s3], $0x400, $0x38;
	[tilespmem:$0x1C800] =	vst v63  }
0x3f: {  	_ =	swait.ge [sflag:s14], $0x400  }
0x40: {  	[sflag:s14] =	ssyncset.done $0x0  }
0x41: {  	[sflag:s14] =	ssyncadd.s32 $0xFFFFFC00  }
0x42: {  	[tilespmem:s13], [sflag:$0x1] =	stream.indirect.gather [hbm4b:s4+s16], $0x80, s3, s16, $0xb8;
	[tilespmem:$0x1C800] =	vst v63  }
0x43: {  	_ = 	snop  }
0x44: {  	[tilespmem:s17], [sflag:$0x2] =	stream.indirect.gather [hbm4b:s4+s16], $0x80, s16, s16, $0xb8;
	[tilespmem:$0x1C800] =	vst v63  }
0x45: {  	_ =	swait.ge [sflag:s18], $0x4000  }
0x46: {  	[sflag:s18] =	ssyncset.done $0x0  }
0x47: {  	[sflag:s18] =	ssyncadd.s32 $0xFFFFC000  }
0x48: {  	[spmem:s2] =	stream.indirect.scatter.add.f32 [tilespmem:s13], [sflag:$0x3], $0x80, s15, s16, $0xb8;
	[tilespmem:$0x1C800] =	vst v63  }
0x49: {  	_ =	swait.ge [sflag:s19], $0x4000  }
0x4a: {  	[sflag:s19] =	ssyncset.done $0x0  }
0x4b: {  	[sflag:s19] =	ssyncadd.s32 $0xFFFFC000  }
0x4c: {  	[tilespmem:s13], [sflag:$0x1] =	stream.indirect.gather [hbm4b:s4+s16], $0x80, s20, s16, $0xb8;
	[tilespmem:$0x1C800] =	vst v63  }
0x4d: {  	_ =	swait.ge [sflag:s21], $0x4000  }
0x4e: {  	[sflag:s21] =	ssyncset.done $0x0  }
0x4f: {  	[sflag:s21] =	ssyncadd.s32 $0xFFFFC000  }
0x50: {  	[spmem:s2] =	stream.indirect.scatter.add.f32 [tilespmem:s17], [sflag:$0x4], $0x80, s22, s16, $0xb8;
	[tilespmem:$0x1C800] =	vst v63  }
0x51: {  	_ =	swait.ge [sflag:s23], $0x4000  }
0x52: {  	[sflag:s23] =	ssyncset.done $0x0  }
0x53: {  	[sflag:s23] =	ssyncadd.s32 $0xFFFFC000  }
0x54: {  	[tilespmem:s17], [sflag:$0x2] =	stream.indirect.gather [hbm4b:s4+s16], $0x80, s24, s16, $0xb8;
	[tilespmem:$0x1C800] =	vst v63  }
0x55: {  	_ =	swait.ge [sflag:s18], $0x4000  }
0x56: {  	[sflag:s18] =	ssyncset.done $0x0  }
0x57: {  	[sflag:s18] =	ssyncadd.s32 $0xFFFFC000  }
0x58: {  	[spmem:s2] =	stream.indirect.scatter.add.f32 [tilespmem:s13], [sflag:$0x3], $0x80, s25, s16, $0xb8;
	[tilespmem:$0x1C800] =	vst v63  }
0x59: {  	_ =	swait.ge [sflag:s19], $0x4000  }
0x5a: {  	[sflag:s19] =	ssyncset.done $0x0  }
0x5b: {  	[sflag:s19] =	ssyncadd.s32 $0xFFFFC000  }
0x5c: {  	[tilespmem:s13], [sflag:$0x1] =	stream.indirect.gather [hbm4b:s4+s16], $0x80, s26, s16, $0xb8;
	[tilespmem:$0x1C800] =	vst v63  }
0x5d: {  	_ =	swait.ge [sflag:s21], $0x4000  }
0x5e: {  	[sflag:s21] =	ssyncset.done $0x0  }
0x5f: {  	[sflag:s21] =	ssyncadd.s32 $0xFFFFC000  }
0x60: {  	[spmem:s2] =	stream.indirect.scatter.add.f32 [tilespmem:s17], [sflag:$0x4], $0x80, s28, s16, $0xb8;
	[tilespmem:$0x1C800] =	vst v63  }
0x61: {  	_ =	swait.ge [sflag:s23], $0x4000  }
0x62: {  	[sflag:s23] =	ssyncset.done $0x0  }
0x63: {  	[sflag:s23] =	ssyncadd.s32 $0xFFFFC000  }
0x64: {  	[tilespmem:s17], [sflag:$0x2] =	stream.indirect.gather [hbm4b:s4+s16], $0x80, s29, s16, $0xb8;
	[tilespmem:$0x1C800] =	vst v63  }
0x65: {  	_ =	swait.ge [sflag:s18], $0x4000  }
0x66: {  	[sflag:s18] =	ssyncset.done $0x0  }
0x67: {  	[sflag:s18] =	ssyncadd.s32 $0xFFFFC000  }
0x68: {  	[spmem:s2] =	stream.indirect.scatter.add.f32 [tilespmem:s13], [sflag:$0x3], $0x80, s30, s16, $0xb8;
	[tilespmem:$0x1C800] =	vst v63  }
0x69: {  	_ =	swait.ge [sflag:s19], $0x4000  }
0x6a: {  	[sflag:s19] =	ssyncset.done $0x0  }
0x6b: {  	[sflag:s19] =	ssyncadd.s32 $0xFFFFC000  }
0x6c: {  	[tilespmem:s13], [sflag:$0x1] =	stream.indirect.gather [hbm4b:s4+s16], $0x80, s31, s16, $0xb8;
	[tilespmem:$0x1C800] =	vst v63  }
0x6d: {  	_ =	swait.ge [sflag:s21], $0x4000  }
0x6e: {  	[sflag:s21] =	ssyncset.done $0x0  }
0x6f: {  	[sflag:s21] =	ssyncadd.s32 $0xFFFFC000  }
0x70: {  	[spmem:s2] =	stream.indirect.scatter.add.f32 [tilespmem:s17], [sflag:$0x4], $0x80, s1, s16, $0xb8;
	[tilespmem:$0x1C800] =	vst v63  }
0x71: {  	_ =	swait.ge [sflag:s23], $0x4000  }
0x72: {  	[sflag:s23] =	ssyncset.done $0x0  }
0x73: {  	[sflag:s23] =	ssyncadd.s32 $0xFFFFC000  }
0x74: {  	[tilespmem:s17], [sflag:$0x2] =	stream.indirect.gather [hbm4b:s4+s16], $0x80, s0, s16, $0xb8;
	[tilespmem:$0x1C800] =	vst v63  }
0x75: {  	_ =	swait.ge [sflag:s18], $0x4000  }
0x76: {  	[sflag:s18] =	ssyncset.done $0x0  }
0x77: {  	[sflag:s18] =	ssyncadd.s32 $0xFFFFC000  }
0x78: {  	[spmem:s2] =	stream.indirect.scatter.add.f32 [tilespmem:s13], [sflag:$0x3], $0x80, s6, s16, $0xb8;
	[tilespmem:$0x1C800] =	vst v63  }
0x79: {  	_ =	swait.ge [sflag:s21], $0x4000  }
0x7a: {  	[sflag:s21] =	ssyncset.done $0x0  }
0x7b: {  	[sflag:s21] =	ssyncadd.s32 $0xFFFFC000  }
0x7c: {  	[spmem:s2] =	stream.indirect.scatter.add.f32 [tilespmem:s17], [sflag:$0x4], $0x80, s7, s16, $0xb8;
	[tilespmem:$0x1C800] =	vst v63  }
0x7d: {  	_ =	swait.ge [sflag:s19], $0x4000  }
0x7e: {  	[sflag:s19] =	ssyncset.done $0x0  }
0x7f: {  	[sflag:s19] =	ssyncadd.s32 $0xFFFFC000  }
0x80: {  	_ =	swait.ge [sflag:s23], $0x4000  }
0x81: {  	s9 =	simm.s32 $0x1000;
	[sflag:s23] =	ssyncset.done $0x0  }
.LBB2_4:
0x82: {  	s5 =	rddreg [dreg:$0x4];
	s10 =	smov.u32 s9  }
0x83: {  	[sflag:s23] =	ssyncadd.s32 $0xFFFFC000;
	s5 =	sadd.s32 s10, s5  }
0x84: {  	[tilespmem:s3], [sflag:$0x5] =	stream.linear.gather [hbm4b:s5+s3], $0x400, $0x38;
	[tilespmem:$0x1C800] =	vst v63  }
0x85: {  	_ =	swait.ge [sflag:s14], $0x400  }
0x86: {  	[sflag:s14] =	ssyncset.done $0x0  }
0x87: {  	s11 =	sadd.s32 s10, s12;
	[sflag:s14] =	ssyncadd.s32 $0xFFFFFC00  }
0x88: {  	[tilespmem:s15], [sflag:$0x5] =	stream.linear.gather [hbm4b:s11+s3], $0x400, $0x38;
	[tilespmem:$0x1C800] =	vst v63  }
0x89: {  	_ =	swait.ge [sflag:s14], $0x400  }
0x8a: {  	[sflag:s14] =	ssyncset.done $0x0  }
0x8b: {  	[sflag:s14] =	ssyncadd.s32 $0xFFFFFC00  }
0x8c: {  	[tilespmem:s13], [sflag:$0x1] =	stream.indirect.gather [hbm4b:s4+s16], $0x80, s3, s16, $0xb8;
	[tilespmem:$0x1C800] =	vst v63  }
0x8d: {  	_ = 	snop  }
0x8e: {  	[tilespmem:s17], [sflag:$0x2] =	stream.indirect.gather [hbm4b:s4+s16], $0x80, s16, s16, $0xb8;
	[tilespmem:$0x1C800] =	vst v63  }
0x8f: {  	_ =	swait.ge [sflag:s18], $0x4000  }
0x90: {  	[sflag:s18] =	ssyncset.done $0x0  }
0x91: {  	[sflag:s18] =	ssyncadd.s32 $0xFFFFC000  }
0x92: {  	[spmem:s2] =	stream.indirect.scatter.add.f32 [tilespmem:s13], [sflag:$0x3], $0x80, s15, s16, $0xb8;
	[tilespmem:$0x1C800] =	vst v63  }
0x93: {  	_ =	swait.ge [sflag:s19], $0x4000  }
0x94: {  	[sflag:s19] =	ssyncset.done $0x0  }
0x95: {  	[sflag:s19] =	ssyncadd.s32 $0xFFFFC000  }
0x96: {  	[tilespmem:s13], [sflag:$0x1] =	stream.indirect.gather [hbm4b:s4+s16], $0x80, s20, s16, $0xb8;
	[tilespmem:$0x1C800] =	vst v63  }
0x97: {  	_ =	swait.ge [sflag:s21], $0x4000  }
0x98: {  	[sflag:s21] =	ssyncset.done $0x0  }
0x99: {  	[sflag:s21] =	ssyncadd.s32 $0xFFFFC000  }
0x9a: {  	[spmem:s2] =	stream.indirect.scatter.add.f32 [tilespmem:s17], [sflag:$0x4], $0x80, s22, s16, $0xb8;
	[tilespmem:$0x1C800] =	vst v63  }
0x9b: {  	_ =	swait.ge [sflag:s23], $0x4000  }
0x9c: {  	[sflag:s23] =	ssyncset.done $0x0  }
0x9d: {  	[sflag:s23] =	ssyncadd.s32 $0xFFFFC000  }
0x9e: {  	[tilespmem:s17], [sflag:$0x2] =	stream.indirect.gather [hbm4b:s4+s16], $0x80, s24, s16, $0xb8;
	[tilespmem:$0x1C800] =	vst v63  }
0x9f: {  	_ =	swait.ge [sflag:s18], $0x4000  }
0xa0: {  	[sflag:s18] =	ssyncset.done $0x0  }
0xa1: {  	[sflag:s18] =	ssyncadd.s32 $0xFFFFC000  }
0xa2: {  	[spmem:s2] =	stream.indirect.scatter.add.f32 [tilespmem:s13], [sflag:$0x3], $0x80, s25, s16, $0xb8;
	[tilespmem:$0x1C800] =	vst v63  }
0xa3: {  	_ =	swait.ge [sflag:s19], $0x4000  }
0xa4: {  	[sflag:s19] =	ssyncset.done $0x0  }
0xa5: {  	[sflag:s19] =	ssyncadd.s32 $0xFFFFC000  }
0xa6: {  	[tilespmem:s13], [sflag:$0x1] =	stream.indirect.gather [hbm4b:s4+s16], $0x80, s26, s16, $0xb8;
	[tilespmem:$0x1C800] =	vst v63  }
0xa7: {  	_ =	swait.ge [sflag:s21], $0x4000  }
0xa8: {  	[sflag:s21] =	ssyncset.done $0x0  }
0xa9: {  	[sflag:s21] =	ssyncadd.s32 $0xFFFFC000  }
0xaa: {  	[spmem:s2] =	stream.indirect.scatter.add.f32 [tilespmem:s17], [sflag:$0x4], $0x80, s28, s16, $0xb8;
	[tilespmem:$0x1C800] =	vst v63  }
0xab: {  	_ =	swait.ge [sflag:s23], $0x4000  }
0xac: {  	[sflag:s23] =	ssyncset.done $0x0  }
0xad: {  	[sflag:s23] =	ssyncadd.s32 $0xFFFFC000  }
0xae: {  	[tilespmem:s17], [sflag:$0x2] =	stream.indirect.gather [hbm4b:s4+s16], $0x80, s29, s16, $0xb8;
	[tilespmem:$0x1C800] =	vst v63  }
0xaf: {  	_ =	swait.ge [sflag:s18], $0x4000  }
0xb0: {  	[sflag:s18] =	ssyncset.done $0x0  }
0xb1: {  	[sflag:s18] =	ssyncadd.s32 $0xFFFFC000  }
0xb2: {  	[spmem:s2] =	stream.indirect.scatter.add.f32 [tilespmem:s13], [sflag:$0x3], $0x80, s30, s16, $0xb8;
	[tilespmem:$0x1C800] =	vst v63  }
0xb3: {  	_ =	swait.ge [sflag:s19], $0x4000  }
0xb4: {  	[sflag:s19] =	ssyncset.done $0x0  }
0xb5: {  	[sflag:s19] =	ssyncadd.s32 $0xFFFFC000  }
0xb6: {  	[tilespmem:s13], [sflag:$0x1] =	stream.indirect.gather [hbm4b:s4+s16], $0x80, s31, s16, $0xb8;
	[tilespmem:$0x1C800] =	vst v63  }
0xb7: {  	_ =	swait.ge [sflag:s21], $0x4000  }
0xb8: {  	[sflag:s21] =	ssyncset.done $0x0  }
0xb9: {  	[sflag:s21] =	ssyncadd.s32 $0xFFFFC000  }
0xba: {  	[spmem:s2] =	stream.indirect.scatter.add.f32 [tilespmem:s17], [sflag:$0x4], $0x80, s1, s16, $0xb8;
	[tilespmem:$0x1C800] =	vst v63  }
0xbb: {  	_ =	swait.ge [sflag:s23], $0x4000  }
0xbc: {  	[sflag:s23] =	ssyncset.done $0x0  }
0xbd: {  	[sflag:s23] =	ssyncadd.s32 $0xFFFFC000  }
0xbe: {  	[tilespmem:s17], [sflag:$0x2] =	stream.indirect.gather [hbm4b:s4+s16], $0x80, s0, s16, $0xb8;
	[tilespmem:$0x1C800] =	vst v63  }
0xbf: {  	_ =	swait.ge [sflag:s18], $0x4000  }
0xc0: {  	[sflag:s18] =	ssyncset.done $0x0  }
0xc1: {  	[sflag:s18] =	ssyncadd.s32 $0xFFFFC000  }
0xc2: {  	[spmem:s2] =	stream.indirect.scatter.add.f32 [tilespmem:s13], [sflag:$0x3], $0x80, s6, s16, $0xb8;
	[tilespmem:$0x1C800] =	vst v63  }
0xc3: {  	_ =	swait.ge [sflag:s21], $0x4000  }
0xc4: {  	[sflag:s21] =	ssyncset.done $0x0  }
0xc5: {  	p0 =	sne.s32 s9, $0x9000;
	[sflag:s21] =	ssyncadd.s32 $0xFFFFC000  }
0xc6: {  	[spmem:s2] =	stream.indirect.scatter.add.f32 [tilespmem:s17], [sflag:$0x4], $0x80, s7, s16, $0xb8;
	[tilespmem:$0x1C800] =	vst v63  }
.Ltmp1:
0xc7: {  	_ =	swait.ge [sflag:s19], $0x4000;
	(pc) =	sbr.rel @p0 .LBB2_4-.Ltmp1, $4  }
0xc8: {  	[sflag:s19] =	ssyncset.done $0x0  }
0xc9: {  	[sflag:s19] =	ssyncadd.s32 $0xFFFFC000  }
0xca: {  	_ =	swait.ge [sflag:s23], $0x4000  }
0xcb: {  	s9 =	sadd.s32 $0x1000, s9;
	[sflag:s23] =	ssyncset.done $0x0  }
0xcc: {  	[sflag:s23] =	ssyncadd.s32 $0xFFFFC000  }
0xcd: {  	s5 =	stileid.u32;
	[bflag:$0x0] =	sbarrier.arrive $0xFFFF  }
0xce: {  	s5 =	sshll.u32 s5, $0x6;
	s9 =	rddreg [dreg:$0x5]  }
0xcf: {  	s5 =	sor.u32 $0x1C05, s5;
	s10 =	rddreg [dreg:$0xa];
	s9 =	sshrl.u32 s9, $0x3  }
0xd0: {  	[hbm:s10], [sflag:s5] =	dma.local [spmem:s9], $0x2800  }
0xd1: {  	_ =	swait.ge [sflag:s14], $0x2800  }
0xd2: {  	s8 =	sadd.s32 $0x1, s8;
	s11 =	rddreg [dreg:$0xb]  }
0xd3: {  	p0 =	sne.s32 s8, s11  }
.Ltmp2:
0xd4: {  	_ = 	snop;
	(pc) =	sbr.rel @p0 .LBB2_1-.Ltmp2, $3  }
0xd5: {  	_ =	sdelay $0x1  }
0xd6: {  	[sflag:s14] =	ssyncset.done $0x0  }
0xd7: {  	[sflag:s14] =	ssyncadd.s32 $0xFFFFD800  }
0xd8: {  	_ =	sfence.sel $0x180000  }
0xd9: {  	[bflag:$0x0] =	sbarrier.arrive $0xFFFF  }
0xda: {  	_ =	strace $0x90000053  }
0xdb: {  	s0 =	stileid.u32;
	[bflag:$0x2] =	sbarrier.arrive $0xFFFF  }
0xdc: {  	p0 =	sne.s32 s0, $0x0;
	s0 =	rddreg [dreg:$0x3]  }
0xdd: {  	s0 =	sadd.s32 @!p0 $0x100000, s0  }
0xde: {  	[sflag:s0] =	ssyncadd.tile.s32 @!p0 $0x1;
	_ =	shalt  }
.Lfunc_end2:
_tile_overlayer_lowered:
.L_overlay_start_2:
0xdf: {  	(tag) =	ssettag $0x2  }
0xe0: {  	s0 =	rddreg [dreg:$0x0];
	s2 =	stileid.u32  }
0xe1: {  	s1 =	rddreg [dreg:$0x1];
	p0 =	sne.s32 s2, $0x0  }
0xe2: {  	s3 =	rddreg [dreg:$0x2];
	[bflag:$0x3] =	sbarrier.arrive $0xFFFF;
	s2 =	simm.s32 @!p0 $0x1C05  }
0xe3: {  	[timem:s3], [sflag:s2] =	dma.local @!p0 [hbm:s0], s1  }
0xe4: {  	s0 =	simm.s32 @!p0 $0x5  }
0xe5: {  	_ =	swait.ge @!p0 [sflag:s0], s1  }
0xe6: {  	s1 =	ssub.s32 @!p0 $0x0, s1;
	[sflag:s0] =	ssyncset.done @!p0 $0x0  }
0xe7: {  	[sflag:s0] =	ssyncadd.s32 @!p0 s1  }
0xe8: {  	[bflag:$0x3] =	sbarrier.arrive $0xFFFF  }
0xe9: {  	_ =	shalt  }

// kernel: kernel.24.cloned.1.call-start
scs
__scs_entry_jumppad:
0x0: {  	(pc) =	sbr.rel $0x88, $3  }
0x1: {  	(tag) =	ssettag $0x0;
	lr =	simm.s32 $0x1  }
0x2: {  	[smem:$0x3F8F] =	sst lr;
	_ =	strace $0xD0000000  }
0x3: {  	_ = 	snop  }
0x4: {  	_ = 	snop  }
0x5: {  	_ = 	snop  }
0x6: {  	_ = 	snop  }
0x7: {  	_ = 	snop  }
__scs_overlays_trampoline_lowered:
0x8: {  	[smem:$0x3F9E] =	sst s0  }
0x9: {  	[smem:$0x3F9F] =	sst s1  }
0xa: {  	[smem:$0x3FA0] =	sst s2  }
0xb: {  	[smem:$0x3FA1] =	sst s3  }
0xc: {  	[smem:$0x3FA2] =	sst s4  }
0xd: {  	[smem:$0x3FA3] =	sst s5  }
0xe: {  	[smem:$0x3FA4] =	sst s6  }
0xf: {  	[smem:$0x3FA5] =	sst s7  }
0x10: {  	[smem:$0x3FA6] =	sst s8  }
0x11: {  	[smem:$0x3FA7] =	sst s9;
	s0 =	simm.s32 @!p0 $0x0  }
0x12: {  	s1 =	sld [smem:$0x3F8D];
	s0 =	simm.s32 @p0 $0x1  }
0x13: {  	[smem:$0x3FA8] =	sst s0;
	s0 =	simm.s32 @!p1 $0x0  }
0x14: {  	s2 =	sld [smem:$0x3F8C];
	s0 =	simm.s32 @p1 $0x1  }
0x15: {  	[smem:$0x3FA9] =	sst s0;
	s0 =	simm.s32 @!p2 $0x0  }
0x16: {  	s3 =	sld [smem:$0x3FDB];
	s0 =	simm.s32 @p2 $0x1  }
0x17: {  	s4 =	simm.s32 $0x1BF5;
	[smem:$0x3FAB] =	sst s0  }
0x18: {  	s0 =	sld [smem:$0x3F8E];
	_ =	swait.ge [sflag:s4], $0x0  }
0x19: {  	s7 =	sld [smem:$0x3F8F]  }
0x1a: {  	s8 =	sadd.s32 $0xFFFFE003, lr  }
0x1b: {  	s9 =	sadd.s32 $0xFFFFFEF7, lr;
	s5 =	simm.s32 $0xFFFFFFFF;
	p2 =	slt.u32 s8, $0xFFFFF086  }
0x1c: {  	p1 =	slt.u32 s9, $0xF7A;
	s5 =	simm.s32 @!p2 $0x0  }
0x1d: {  	s5 =	simm.s32 @p1 $0x1;
	p0 =	seq.s32 s7, s2  }
0x1e: {  	s7 =	smul.u32 @!p0 $0xF7A, s2;
	p2 =	seq.s32 @!p0 s5, $0x0  }
0x1f: {  	s9 =	smul.u32 $0xF7A, s1;
	s8 =	simm.s32 @!p0 $0x1BF5;
	p2 =	por !p2, p0  }
0x20: {  	[sflag:s8] =	ssyncset.s32 @!p0 $0xFFFFF086;
	s6 =	sadd.s32 @!p0 s3, s7;
	s7 =	simm.s32 @!p0 $0x108  }
0x21: {  	s3 =	sadd.s32 s3, s9;
	s6 =	sadd.s32 @!p0 $0x88, s6;
	s7 =	simm.s32 @p2 $0x1082  }
0x22: {  	[simem:s7], [sflag:s8] =	dma.local @!p0 [hbm:s6], $0xF7A  }
0x23: {  	s9 =	sor.u32 $0xD0000000, s2;
	s6 =	simm.s32 $0x108;
	_ =	swait.ge @!p0 [sflag:s8], $0x0  }
0x24: {  	s3 =	sadd.s32 $0x88, s3;
	s6 =	simm.s32 @!p1 $0x1082;
	[sflag:s4] =	ssyncset.s32 $0xFFFFF086  }
0x25: {  	[simem:s6], [sflag:s4] =	dma.local [hbm:s3], $0xF7A  }
0x26: {  	[smem:$0x3F8F] =	sst s1;
	(tag) =	ssettag s2;
	_ =	strace s9  }
0x27: {  	s1 =	sld [smem:$0x3F9F]  }
0x28: {  	s2 =	sld [smem:$0x3FA0]  }
0x29: {  	s4 =	sld [smem:$0x3FA2]  }
0x2a: {  	p0 =	seq.s32 s5, $0x0;
	s5 =	sld [smem:$0x3FA3]  }
0x2b: {  	s6 =	sld [smem:$0x3FA4]  }
0x2c: {  	s7 =	sld [smem:$0x3FA5]  }
0x2d: {  	s3 =	simm.s32 $0x108;
	s8 =	sld [smem:$0x3FA6]  }
0x2e: {  	s3 =	simm.s32 @!p0 $0x1082;
	s9 =	sld [smem:$0x3FA7]  }
0x2f: {  	lr =	sadd.s32 s0, s3;
	s0 =	sld [smem:$0x3F9E]  }
0x30: {  	s3 =	sld [smem:$0x3FA1]  }
0x31: {  	[smem:$0x3FAA] =	sst s10  }
0x32: {  	s10 =	sld [smem:$0x3FA8];
	_ =	sdelay $0x3  }
0x33: {  	p0 =	seq.s32 s10, $0x1;
	s10 =	sld [smem:$0x3FAA];
	_ =	sdelay $0x3  }
0x34: {  	[smem:$0x3FAA] =	sst s10  }
0x35: {  	s10 =	sld [smem:$0x3FA9];
	_ =	sdelay $0x3  }
0x36: {  	p1 =	seq.s32 s10, $0x1;
	s10 =	sld [smem:$0x3FAA];
	_ =	sdelay $0x3  }
0x37: {  	[smem:$0x3FAA] =	sst s10  }
0x38: {  	s10 =	sld [smem:$0x3FAB]  }
0x39: {  	_ = 	snop;
	(pc) =	sbr.ind lr, $3  }
0x3a: {  	_ = 	snop  }
0x3b: {  	_ = 	snop  }
0x3c: {  	p2 =	seq.s32 s10, $0x1;
	s10 =	sld [smem:$0x3FAA]  }
0x3d: {  	_ =	shalt  }
0x3e: {  	_ =	shalt  }
0x3f: {  	_ =	shalt  }
0x40: {  	_ =	shalt  }
0x41: {  	_ =	shalt  }
0x42: {  	_ =	shalt  }
0x43: {  	_ =	shalt  }
0x44: {  	_ =	shalt  }
0x45: {  	_ =	shalt  }
0x46: {  	_ =	shalt  }
0x47: {  	_ =	shalt  }
0x48: {  	_ =	shalt  }
0x49: {  	_ =	shalt  }
0x4a: {  	_ =	shalt  }
0x4b: {  	_ =	shalt  }
0x4c: {  	_ =	shalt  }
0x4d: {  	_ =	shalt  }
0x4e: {  	_ =	shalt  }
0x4f: {  	_ =	shalt  }
0x50: {  	_ =	shalt  }
0x51: {  	_ =	shalt  }
0x52: {  	_ =	shalt  }
0x53: {  	_ =	shalt  }
0x54: {  	_ =	shalt  }
0x55: {  	_ =	shalt  }
0x56: {  	_ =	shalt  }
0x57: {  	_ =	shalt  }
0x58: {  	_ =	shalt  }
0x59: {  	_ =	shalt  }
0x5a: {  	_ =	shalt  }
0x5b: {  	_ =	shalt  }
0x5c: {  	_ =	shalt  }
0x5d: {  	_ =	shalt  }
0x5e: {  	_ =	shalt  }
0x5f: {  	_ =	shalt  }
0x60: {  	_ =	shalt  }
0x61: {  	_ =	shalt  }
0x62: {  	_ =	shalt  }
0x63: {  	_ =	shalt  }
0x64: {  	_ =	shalt  }
0x65: {  	_ =	shalt  }
0x66: {  	_ =	shalt  }
0x67: {  	_ =	shalt  }
0x68: {  	_ =	shalt  }
0x69: {  	_ =	shalt  }
0x6a: {  	_ =	shalt  }
0x6b: {  	_ =	shalt  }
0x6c: {  	_ =	shalt  }
0x6d: {  	_ =	shalt  }
0x6e: {  	_ =	shalt  }
0x6f: {  	_ =	shalt  }
0x70: {  	_ =	shalt  }
0x71: {  	_ =	shalt  }
0x72: {  	_ =	shalt  }
0x73: {  	_ =	shalt  }
0x74: {  	_ =	shalt  }
0x75: {  	_ =	shalt  }
0x76: {  	_ =	shalt  }
0x77: {  	_ =	shalt  }
0x78: {  	_ =	shalt  }
0x79: {  	_ =	shalt  }
0x7a: {  	_ =	shalt  }
0x7b: {  	_ =	shalt  }
0x7c: {  	_ =	shalt  }
0x7d: {  	_ =	shalt  }
0x7e: {  	_ =	shalt  }
0x7f: {  	_ =	shalt  }
0x80: {  	_ =	shalt  }
0x81: {  	_ =	shalt  }
0x82: {  	_ =	shalt  }
0x83: {  	_ =	shalt  }
0x84: {  	_ =	shalt  }
0x85: {  	_ =	shalt  }
0x86: {  	_ =	shalt  }
0x87: {  	_ =	shalt  }
.Lfunc_end0:
.L_simem_size_0:
called_computation.4_lowered:
.L_overlay_start_0:
0x88: {  	s2 =	sld [smem:$0x3FD9]  }
0x89: {  	s3 =	sld [smem:$0x3FFE];
	_ =	sdelay $0x1  }
0x8a: {  	s1 =	srdreg.scid  }
0x8b: {  	s0 =	sand.u32 $0x1, s1  }
0x8c: {  	s16 =	sshll.u32 s0, $0xA;
	s2 =	sadd.s32 s3, s2  }
0x8d: {  	s2 =	sadd.s32 s2, s16  }
0x8e: {  	[smem:$0x3FB6] =	sst s2  }
0x8f: {  	_ = 	snop  }
0x90: {  	(tm) =	ssettm $0x1  }
0x91: {  	s17 =	sld [smem:$0x3FFB];
	_ =	sdelay $0x3  }
0x92: {  	_ =	strace s17  }
0x93: {  	s2 =	sld [smem:$0x3FFC];
	_ =	sdelay $0x3  }
0x94: {  	_ =	strace s2  }
0x95: {  	s2 =	sld [smem:$0x3FFD];
	_ =	sdelay $0x3  }
0x96: {  	_ =	strace s2  }
0x97: {  	_ =	strace $0x8FFFFFFF  }
0x98: {  	s18 =	sld [smem:$0x3FDB];
	_ =	sdelay $0x1  }
0x99: {  	s19 =	simm.s32 $_scs_section_size  }
0x9a: {  	s4 =	simm.s32 $_size__tile_overlayer_lowered;
	s5 =	simm.s32 $_tile_overlayer_lowered  }
0x9b: {  	s22 =	simm.s32 $0x1BFF;
	s21 =	sshll.u32 s5, $0x1;
	s2 =	sadd.s32 s19, s18  }
0x9c: {  	s6 =	simm.s32 $0x0;
	s20 =	sshll.u32 s4, $0x1;
	s4 =	sadd.s32 s21, s2  }
0x9d: {  	[timem:s6], [sflag:s22] =	dma.local [hbm:s4], s20  }
0x9e: {  	_ =	swait.ge [sflag:s22], s20  }
0x9f: {  	s3 =	ssub.s32 $0x0, s20;
	[sflag:s22] =	ssyncset.done $0x0  }
0xa0: {  	[sflag:s22] =	ssyncadd.s32 s3;
	_ =	sdelay $0x1  }
0xa1: {  	s23 =	simm.s32 $0x1B8B  }
0xa2: {  	_ =	swait.ge [sflag:s23], $0x1  }
0xa3: {  	[sflag:s23] =	ssyncset.done $0x0  }
0xa4: {  	s25 =	simm.s32 $0x1B8E;
	s24 =	sld [smem:$0x3FFE];
	[sflag:s23] =	ssyncadd.s32 $0xFFFFFFFF  }
0xa5: {  	s26 =	simm.s32 $execute0_lowered;
	[smem:$0x3FD2] =	sst s25  }
0xa6: {  	s4 =	sshll.u32 s26, $0x1;
	_ =	strace $0x8000004C;
	[dreg:$0x1] =	wrdreg $0xFFFFFFFF  }
0xa7: {  	s28 =	simm.s32 $_size_execute0_lowered;
	s2 =	sadd.s32 s2, s4;
	[dreg:$0x0] =	wrdreg $0x0  }
0xa8: {  	s4 =	sshll.u32 s28, $0x1;
	[dreg:$0x2] =	wrdreg s2  }
0xa9: {  	[dreg:$0x3] =	wrdreg s4  }
0xaa: {  	[dreg:$0x4] =	wrdreg $0xC0  }
0xab: {  	_ =	task [dreg:s6], $0x5FFFF  }
0xac: {  	[dreg:$0x1] =	wrdreg $0xFFFFFFFF  }
0xad: {  	[dreg:$0x0] =	wrdreg $0x60  }
0xae: {  	[dreg:$0x2] =	wrdreg s24  }
0xaf: {  	[dreg:$0x3] =	wrdreg $0x82000  }
0xb0: {  	[dreg:$0x4] =	wrdreg $0xB  }
0xb1: {  	_ =	task.clear_ibuf [dreg:s6], $0x5FFFF;
	_ =	strace $0x9000004C  }
0xb2: {  	s29 =	simm.s32 $0xB;
	_ =	strace $0x8000004E  }
0xb3: {  	_ =	swait.ge [sflag:s29], $0x1  }
0xb4: {  	[sflag:s29] =	ssyncadd.s32 $0xFFFFFFFF  }
0xb5: {  	_ =	strace $0x9000004E  }
0xb6: {  	_ =	sfence  }
0xb7: {  	s30 =	sld [smem:$0x0];
	_ =	sdelay $0x2  }
0xb8: {  	s31 =	sshll.u32 s1, $0xD;
	s1 =	sshrl.u32 s1, $0x2  }
0xb9: {  	s3 =	sand.u32 $0x4000, s31;
	s1 =	sadd.s32 s1, s30  }
0xba: {  	s0 =	sor.u32 s3, s0;
	s1 =	sshll.u32 s1, $0x11  }
0xbb: {  	s0 =	sor.u32 s1, s0  }
0xbc: {  	s0 =	sadd.s32 $0x8F2B, s0  }
0xbd: {  	[sflag:s0] =	ssyncadd.remote.s32 $0x1  }
0xbe: {  	_ =	sfence.sel $0xFFFF  }
0xbf: {  	[dreg:$0x0] =	wrdreg $0xFFFFFFFF;
	(pc) =	sbr.abs _section_cstart, $3  }
0xc0: {  	[dreg:$0x1] =	wrdreg $0xFFFFFFFF  }
0xc1: {  	_ =	task.clear_ibuf [dreg:s6], $0x2FFFF;
	_ =	strace $0x9FFFFFFF  }
0xc2: {  	(tm) =	ssettm $0x7FFFFFFF  }
0xc3: {  	_ =	shalt  }
tec
execute0_lowered:
.L_overlay_start_1:
0x0: {  	(tag) =	ssettag $0x1  }
0x1: {  	s0 =	rddreg [dreg:$0x0]  }
0x2: {  	s1 =	rddreg [dreg:$0x1];
	s2 =	simm.s32 $0x0;
	s17 =	srdreg.scid  }
0x3: {  	s4 =	stileid.u32;
	s28 =	simm.s32 $0x3;
	s29 =	simm.s32 $0x200  }
0x4: {  	s30 =	simm.s32 $0x100;
	s31 =	simm.s32 $0x80;
	[smem:$0x7FF] =	sst s2  }
0x5: {  	s3 =	sadd.s32 $0xDB200, s0;
	s5 =	sadd.s32 $0xDF200, s0;
	s6 =	sshll.u32 s4, $0x1  }
0x6: {  	s7 =	smul.u32 $0x280, s4;
	s9 =	sadd.s32 $0x8AE00, s0;
	s10 =	sadd.s32 $0x7A00, s0  }
0x7: {  	s12 =	sadd.s32 $0x8B200, s0;
	_ =	strace $0x8000004D;
	[dreg:$0x3] =	wrdreg s3  }
0x8: {  	s19 =	smul.u32 $0x50000, s4;
	s3 =	sand.u32 $0x1, s17;
	[dreg:$0x4] =	wrdreg s10  }
0x9: {  	s11 =	sadd.s32 $0x8AA00, s0;
	[dreg:$0x5] =	wrdreg s12;
	s6 =	sor.u32 s3, s6  }
0xa: {  	s8 =	smul.u32 $0x2800, s3;
	s3 =	ssub.s32 $0x2, s3;
	s21 =	sshrl.u32 s19, $0x2  }
0xb: {  	s18 =	sshll.u32 s6, $0x2;
	s20 =	sshll.u32 s6, $0x9;
	s13 =	sshrl.u32 s3, $0x1  }
0xc: {  	s23 =	sshll.u32 s6, $0x4;
	s6 =	simm.s32 $0x1;
	s10 =	sadd.s32 s18, s0  }
0xd: {  	s7 =	sadd.s32 s7, s8;
	s3 =	ssub.s32 s3, s13;
	s16 =	sadd.s32 s9, s23  }
0xe: {  	s17 =	sadd.s32 s11, s23;
	s7 =	sshll.u32 s7, $0x4;
	s8 =	sadd.s32 $0x8A400, s10  }
0xf: {  	s10 =	sadd.s32 s21, s1;
	s26 =	smax.u32 s3, $0x1;
	s3 =	simm.s32 $0x4200  }
0x10: {  	s7 =	sadd.s32 s7, s0;
	s0 =	sadd.s32 s20, s0;
	s12 =	sadd.s32 $0x4000, s10  }
0x11: {  	s13 =	sadd.s32 $0x8000, s10;
	[dreg:$0xa] =	wrdreg s26;
	s22 =	sadd.s32 $0xB3200, s0  }
0x12: {  	s14 =	sadd.s32 $0xC000, s10;
	s0 =	sadd.s32 $0xB7200, s0;
	[dreg:$0x6] =	wrdreg s22  }
0x13: {  	s15 =	sadd.s32 $0x10000, s10;
	s24 =	sadd.s32 $0x39A00, s7;
	[dreg:$0x7] =	wrdreg s0  }
0x14: {  	s26 =	simm.s32 $0x1C280;
	s25 =	sadd.s32 $0xE3200, s7;
	[dreg:$0x8] =	wrdreg s24  }
0x15: {  	s7 =	simm.s32 $0x2;
	s0 =	sor.u32 $0x200, s23;
	[dreg:$0x9] =	wrdreg s25  }
0x16: {  	s23 =	simm.s32 $0x1C200;
	s24 =	simm.s32 $0x4;
	s18 =	sadd.s32 s9, s0  }
0x17: {  	v0 =	vimm.f32 $0.0e+00;
	s19 =	sadd.s32 s11, s0;
	s0 =	simm.s32 $0x180;
	s9 =	simm.s32 $0x0  }
.LBB2_1:
0x18: {  	[tilespmem:s23], [sflag:$0x4] =	stream.linear.gather [hbm4b:s8+s2], $0x20, $0x38;
	[tilespmem:$0x1D280] =	vst v63  }
0x19: {  	_ =	swait.ge [sflag:s24], $0x20  }
0x1a: {  	[sflag:s24] =	ssyncset.done $0x0  }
0x1b: {  	s11 =	simm.s32 $0x20;
	s4 =	rddreg [dreg:$0x4];
	[sflag:s24] =	ssyncadd.s32 $0xFFFFFFE0  }
0x1c: {  	[tilespmem:s26], [sflag:$0x3] =	stream.indirect.gather [hbm4b:s4+s11], $0x80, s23, s11, $0xb8;
	[tilespmem:$0x1D280] =	vst v63  }
0x1d: {  	_ =	swait.ge [sflag:s28], $0x1000  }
0x1e: {  	[sflag:s28] =	ssyncset.done $0x0  }
0x1f: {  	s20 =	rddreg [dreg:$0x6];
	[sflag:s28] =	ssyncadd.s32 $0xFFFFF000  }
0x20: {  	[hbm4b:s20+s2] =	stream.linear.scatter [tilespmem:s26], [sflag:$0x4], $0x1000, $0x38;
	[tilespmem:$0x1D280] =	vst v63  }
0x21: {  	_ =	swait.ge [sflag:s24], $0x1000  }
0x22: {  	[sflag:s24] =	ssyncset.done $0x0  }
0x23: {  	[sflag:s24] =	ssyncadd.s32 $0xFFFFF000  }
0x24: {  	[tilespmem:s23], [sflag:$0x4] =	stream.linear.gather [hbm4b:s8+s2], $0x20, $0x38;
	[tilespmem:$0x1D280] =	vst v63  }
0x25: {  	_ =	swait.ge [sflag:s24], $0x20  }
0x26: {  	[sflag:s24] =	ssyncset.done $0x0  }
0x27: {  	s21 =	rddreg [dreg:$0x5];
	[sflag:s24] =	ssyncadd.s32 $0xFFFFFFE0  }
0x28: {  	[tilespmem:s26], [sflag:$0x3] =	stream.indirect.gather [hbm4b:s21+s11], $0x80, s23, s11, $0xb8;
	[tilespmem:$0x1D280] =	vst v63  }
0x29: {  	_ =	swait.ge [sflag:s28], $0x1000  }
0x2a: {  	[sflag:s28] =	ssyncset.done $0x0  }
0x2b: {  	s22 =	rddreg [dreg:$0x7];
	[sflag:s28] =	ssyncadd.s32 $0xFFFFF000  }
0x2c: {  	[hbm4b:s22+s2] =	stream.linear.scatter [tilespmem:s26], [sflag:$0x4], $0x1000, $0x38;
	[tilespmem:$0x1D280] =	vst v63  }
0x2d: {  	s25 =	sand.u32 $0xFE00, s2;
	s20 =	sand.u32 $0x70, s2;
	_ =	swait.ge [sflag:s24], $0x1000  }
0x2e: {  	s21 =	sshrl.u32 s25, $0x2;
	s11 =	simm.s32 $0x40;
	[sflag:s24] =	ssyncset.done $0x0  }
0x2f: {  	s21 =	sor.u32 s20, s21;
	s20 =	simm.s32 $0x0;
	[sflag:s24] =	ssyncadd.s32 $0xFFFFF000  }
.LBB2_2:
0x30: {  	p0 =	sne.s32 s11, $0xFFC0  }
0x31: {  	[tilespmem:s21+$0x200] =	vst v0;
	s20 =	sadd.s32 $0x10, s20;
	s21 =	smov.u32 s11;
	s11 =	sadd.s32 $0x40, s11  }
.Ltmp0:
0x32: {  	(pc) =	sbr.rel @p0 .LBB2_2-.Ltmp0, $4  }
0x33: {  	_ = 	snop  }
0x34: {  	s21 =	sand.u32 $0xFE00, s21  }
0x35: {  	s22 =	sand.u32 $0x70, s20;
	s21 =	sshrl.u32 s21, $0x2  }
0x36: {  	s21 =	sor.u32 s22, s21  }
0x37: {  	[tilespmem:s21+$0x200] =	vst v0  }
0x38: {  	[spmem:s10] =	stream.linear.scatter [tilespmem:s29], [sflag:$0x4], $0x4000, $0x38;
	[tilespmem:$0x1D280] =	vst v63  }
0x39: {  	_ =	swait.ge [sflag:s24], $0x4000  }
0x3a: {  	[sflag:s24] =	ssyncset.done $0x0  }
0x3b: {  	[sflag:s24] =	ssyncadd.s32 $0xFFFFC000  }
0x3c: {  	[spmem:s12] =	stream.linear.scatter [tilespmem:s29], [sflag:$0x4], $0x4000, $0x38;
	[tilespmem:$0x1D280] =	vst v63  }
0x3d: {  	_ =	swait.ge [sflag:s24], $0x4000  }
0x3e: {  	[sflag:s24] =	ssyncset.done $0x0  }
0x3f: {  	[sflag:s24] =	ssyncadd.s32 $0xFFFFC000  }
0x40: {  	[spmem:s13] =	stream.linear.scatter [tilespmem:s29], [sflag:$0x4], $0x4000, $0x38;
	[tilespmem:$0x1D280] =	vst v63  }
0x41: {  	_ =	swait.ge [sflag:s24], $0x4000  }
0x42: {  	[sflag:s24] =	ssyncset.done $0x0  }
0x43: {  	[sflag:s24] =	ssyncadd.s32 $0xFFFFC000  }
0x44: {  	[spmem:s14] =	stream.linear.scatter [tilespmem:s29], [sflag:$0x4], $0x4000, $0x38;
	[tilespmem:$0x1D280] =	vst v63  }
0x45: {  	_ =	swait.ge [sflag:s24], $0x4000  }
0x46: {  	[sflag:s24] =	ssyncset.done $0x0  }
0x47: {  	[sflag:s24] =	ssyncadd.s32 $0xFFFFC000  }
0x48: {  	[spmem:s15] =	stream.linear.scatter [tilespmem:s29], [sflag:$0x4], $0x4000, $0x38;
	[tilespmem:$0x1D280] =	vst v63  }
0x49: {  	_ =	swait.ge [sflag:s24], $0x4000  }
0x4a: {  	[sflag:s24] =	ssyncset.done $0x0  }
0x4b: {  	[sflag:s24] =	ssyncadd.s32 $0xFFFFC000  }
0x4c: {  	s21 =	simm.s32 $0x0;
	[bflag:$0x0] =	sbarrier.arrive $0xFFFF  }
0x4d: {  	[tilespmem:s21], [sflag:$0x4] =	stream.linear.gather [hbm4b:s16+s21], $0x80, $0x38;
	[tilespmem:$0x1D280] =	vst v63  }
0x4e: {  	_ =	swait.ge [sflag:s24], $0x80  }
0x4f: {  	[sflag:s24] =	ssyncset.done $0x0  }
0x50: {  	[sflag:s24] =	ssyncadd.s32 $0xFFFFFF80  }
0x51: {  	[tilespmem:s30], [sflag:$0x4] =	stream.linear.gather [hbm4b:s17+s21], $0x80, $0x38;
	[tilespmem:$0x1D280] =	vst v63  }
0x52: {  	_ =	swait.ge [sflag:s24], $0x80  }
0x53: {  	[sflag:s24] =	ssyncset.done $0x0  }
0x54: {  	s4 =	rddreg [dreg:$0x3];
	[sflag:s24] =	ssyncadd.s32 $0xFFFFFF80  }
0x55: {  	[tilespmem:s29], [sflag:$0x1] =	stream.indirect.gather [hbm4b:s4+s31], $0x80, s21, s31, $0xb8;
	[tilespmem:$0x1D280] =	vst v63  }
0x56: {  	_ = 	snop  }
0x57: {  	[tilespmem:s31], [sflag:$0x4] =	stream.linear.gather [hbm4b:s18+s21], $0x80, $0x38;
	[tilespmem:$0x1D280] =	vst v63  }
0x58: {  	_ =	swait.ge [sflag:s24], $0x80  }
0x59: {  	[sflag:s24] =	ssyncset.done $0x0  }
0x5a: {  	[sflag:s24] =	ssyncadd.s32 $0xFFFFFF80  }
0x5b: {  	[tilespmem:s0], [sflag:$0x4] =	stream.linear.gather [hbm4b:s19+s21], $0x80, $0x38;
	[tilespmem:$0x1D280] =	vst v63  }
0x5c: {  	_ =	swait.ge [sflag:s24], $0x80  }
0x5d: {  	[sflag:s24] =	ssyncset.done $0x0  }
0x5e: {  	[sflag:s24] =	ssyncadd.s32 $0xFFFFFF80  }
0x5f: {  	[tilespmem:s3], [sflag:$0x2] =	stream.indirect.gather [hbm4b:s4+s31], $0x80, s31, s31, $0xb8;
	[tilespmem:$0x1D280] =	vst v63  }
0x60: {  	_ =	swait.ge [sflag:s6], $0x4000  }
0x61: {  	[sflag:s6] =	ssyncset.done $0x0  }
0x62: {  	[sflag:s6] =	ssyncadd.s32 $0xFFFFC000  }
0x63: {  	[spmem:s1] =	stream.indirect.scatter.add.f32 [tilespmem:s29], [sflag:$0x4], $0x80, s30, s31, $0xb8;
	[tilespmem:$0x1D280] =	vst v63  }
0x64: {  	_ =	swait.ge [sflag:s24], $0x4000  }
0x65: {  	[sflag:s24] =	ssyncset.done $0x0  }
0x66: {  	[sflag:s24] =	ssyncadd.s32 $0xFFFFC000  }
0x67: {  	_ =	swait.ge [sflag:s7], $0x4000  }
0x68: {  	[sflag:s7] =	ssyncset.done $0x0  }
0x69: {  	[sflag:s7] =	ssyncadd.s32 $0xFFFFC000  }
0x6a: {  	[spmem:s1] =	stream.indirect.scatter.add.f32 [tilespmem:s3], [sflag:$0x4], $0x80, s0, s31, $0xb8;
	[tilespmem:$0x1D280] =	vst v63  }
0x6b: {  	_ =	swait.ge [sflag:s24], $0x4000  }
0x6c: {  	[sflag:s24] =	ssyncset.done $0x0  }
0x6d: {  	s22 =	stileid.u32;
	[sflag:s24] =	ssyncadd.s32 $0xFFFFC000  }
0x6e: {  	s20 =	sshrl.u32 s10, $0x3;
	s11 =	sshll.u32 s22, $0x6;
	[bflag:$0x0] =	sbarrier.arrive $0xFFFF  }
0x6f: {  	s22 =	sand.u32 $0xFE00, s21;
	s11 =	sor.u32 $0x1C04, s11;
	s25 =	rddreg [dreg:$0x8]  }
0x70: {  	[hbm:s25], [sflag:s11] =	dma.local [spmem:s20], $0x2800  }
0x71: {  	s22 =	sshrl.u32 s22, $0x2;
	_ =	swait.ge [sflag:s24], $0x2800  }
0x72: {  	s4 =	smov.u32 s1;
	s25 =	sand.u32 $0x70, s21;
	[sflag:s24] =	ssyncset.done $0x0  }
0x73: {  	s22 =	sor.u32 s25, s22;
	s25 =	simm.s32 $0x40;
	[sflag:s24] =	ssyncadd.s32 $0xFFFFD800  }
.LBB2_4:
0x74: {  	p0 =	sne.s32 s25, $0xFFC0  }
0x75: {  	[tilespmem:s22+$0x200] =	vst v0;
	s21 =	sadd.s32 $0x10, s21;
	s22 =	smov.u32 s25;
	s25 =	sadd.s32 $0x40, s25  }
.Ltmp1:
0x76: {  	(pc) =	sbr.rel @p0 .LBB2_4-.Ltmp1, $4  }
0x77: {  	_ = 	snop  }
0x78: {  	s22 =	sand.u32 $0xFE00, s22  }
0x79: {  	s1 =	sand.u32 $0x70, s21;
	s22 =	sshrl.u32 s22, $0x2  }
0x7a: {  	s22 =	sor.u32 s1, s22  }
0x7b: {  	[tilespmem:s22+$0x200] =	vst v0  }
0x7c: {  	[spmem:s10] =	stream.linear.scatter [tilespmem:s29], [sflag:$0x4], $0x4000, $0x38;
	[tilespmem:$0x1D280] =	vst v63  }
0x7d: {  	_ =	swait.ge [sflag:s24], $0x4000  }
0x7e: {  	[sflag:s24] =	ssyncset.done $0x0  }
0x7f: {  	[sflag:s24] =	ssyncadd.s32 $0xFFFFC000  }
0x80: {  	[spmem:s12] =	stream.linear.scatter [tilespmem:s29], [sflag:$0x4], $0x4000, $0x38;
	[tilespmem:$0x1D280] =	vst v63  }
0x81: {  	_ =	swait.ge [sflag:s24], $0x4000  }
0x82: {  	[sflag:s24] =	ssyncset.done $0x0  }
0x83: {  	[sflag:s24] =	ssyncadd.s32 $0xFFFFC000  }
0x84: {  	[spmem:s13] =	stream.linear.scatter [tilespmem:s29], [sflag:$0x4], $0x4000, $0x38;
	[tilespmem:$0x1D280] =	vst v63  }
0x85: {  	_ =	swait.ge [sflag:s24], $0x4000  }
0x86: {  	[sflag:s24] =	ssyncset.done $0x0  }
0x87: {  	[sflag:s24] =	ssyncadd.s32 $0xFFFFC000  }
0x88: {  	[spmem:s14] =	stream.linear.scatter [tilespmem:s29], [sflag:$0x4], $0x4000, $0x38;
	[tilespmem:$0x1D280] =	vst v63  }
0x89: {  	_ =	swait.ge [sflag:s24], $0x4000  }
0x8a: {  	[sflag:s24] =	ssyncset.done $0x0  }
0x8b: {  	[sflag:s24] =	ssyncadd.s32 $0xFFFFC000  }
0x8c: {  	[spmem:s15] =	stream.linear.scatter [tilespmem:s29], [sflag:$0x4], $0x4000, $0x38;
	[tilespmem:$0x1D280] =	vst v63  }
0x8d: {  	_ =	swait.ge [sflag:s24], $0x4000  }
0x8e: {  	[sflag:s24] =	ssyncset.done $0x0  }
0x8f: {  	[sflag:s24] =	ssyncadd.s32 $0xFFFFC000  }
0x90: {  	[bflag:$0x0] =	sbarrier.arrive $0xFFFF  }
0x91: {  	[tilespmem:s2], [sflag:$0x4] =	stream.linear.gather [hbm4b:s16+s2], $0x80, $0x38;
	[tilespmem:$0x1D280] =	vst v63  }
0x92: {  	_ =	swait.ge [sflag:s24], $0x80  }
0x93: {  	[sflag:s24] =	ssyncset.done $0x0  }
0x94: {  	[sflag:s24] =	ssyncadd.s32 $0xFFFFFF80  }
0x95: {  	[tilespmem:s30], [sflag:$0x4] =	stream.linear.gather [hbm4b:s17+s2], $0x80, $0x38;
	[tilespmem:$0x1D280] =	vst v63  }
0x96: {  	_ =	swait.ge [sflag:s24], $0x80  }
0x97: {  	[sflag:s24] =	ssyncset.done $0x0  }
0x98: {  	[sflag:s24] =	ssyncadd.s32 $0xFFFFFF80  }
0x99: {  	[tilespmem:s29], [sflag:$0x1] =	stream.indirect.gather [hbm4b:s5+s31], $0x80, s2, s31, $0xb8;
	[tilespmem:$0x1D280] =	vst v63  }
0x9a: {  	_ = 	snop  }
0x9b: {  	[tilespmem:s31], [sflag:$0x4] =	stream.linear.gather [hbm4b:s18+s2], $0x80, $0x38;
	[tilespmem:$0x1D280] =	vst v63  }
0x9c: {  	_ =	swait.ge [sflag:s24], $0x80  }
0x9d: {  	[sflag:s24] =	ssyncset.done $0x0  }
0x9e: {  	[sflag:s24] =	ssyncadd.s32 $0xFFFFFF80  }
0x9f: {  	[tilespmem:s0], [sflag:$0x4] =	stream.linear.gather [hbm4b:s19+s2], $0x80, $0x38;
	[tilespmem:$0x1D280] =	vst v63  }
0xa0: {  	_ =	swait.ge [sflag:s24], $0x80  }
0xa1: {  	[sflag:s24] =	ssyncset.done $0x0  }
0xa2: {  	[sflag:s24] =	ssyncadd.s32 $0xFFFFFF80  }
0xa3: {  	[tilespmem:s3], [sflag:$0x2] =	stream.indirect.gather [hbm4b:s5+s31], $0x80, s31, s31, $0xb8;
	[tilespmem:$0x1D280] =	vst v63  }
0xa4: {  	_ =	swait.ge [sflag:s6], $0x4000  }
0xa5: {  	[sflag:s6] =	ssyncset.done $0x0  }
0xa6: {  	[sflag:s6] =	ssyncadd.s32 $0xFFFFC000  }
0xa7: {  	[spmem:s4] =	stream.indirect.scatter.add.f32 [tilespmem:s29], [sflag:$0x4], $0x80, s30, s31, $0xb8;
	[tilespmem:$0x1D280] =	vst v63  }
0xa8: {  	_ =	swait.ge [sflag:s24], $0x4000  }
0xa9: {  	[sflag:s24] =	ssyncset.done $0x0  }
0xaa: {  	[sflag:s24] =	ssyncadd.s32 $0xFFFFC000  }
0xab: {  	_ =	swait.ge [sflag:s7], $0x4000  }
0xac: {  	[sflag:s7] =	ssyncset.done $0x0  }
0xad: {  	[sflag:s7] =	ssyncadd.s32 $0xFFFFC000  }
0xae: {  	[spmem:s4] =	stream.indirect.scatter.add.f32 [tilespmem:s3], [sflag:$0x4], $0x80, s0, s31, $0xb8;
	[tilespmem:$0x1D280] =	vst v63  }
0xaf: {  	_ =	swait.ge [sflag:s24], $0x4000  }
0xb0: {  	[sflag:s24] =	ssyncset.done $0x0  }
0xb1: {  	[sflag:s24] =	ssyncadd.s32 $0xFFFFC000  }
0xb2: {  	[bflag:$0x0] =	sbarrier.arrive $0xFFFF  }
0xb3: {  	s22 =	rddreg [dreg:$0x9]  }
0xb4: {  	[hbm:s22], [sflag:s11] =	dma.local [spmem:s20], $0x2800  }
0xb5: {  	_ =	swait.ge [sflag:s24], $0x2800  }
0xb6: {  	s9 =	sadd.s32 $0x1, s9;
	s25 =	rddreg [dreg:$0xa]  }
0xb7: {  	p0 =	sne.s32 s9, s25  }
.Ltmp2:
0xb8: {  	_ = 	snop;
	(pc) =	sbr.rel @p0 .LBB2_1-.Ltmp2, $3  }
0xb9: {  	_ =	sdelay $0x1  }
0xba: {  	[sflag:s24] =	ssyncset.done $0x0  }
0xbb: {  	s1 =	smov.u32 s4;
	[sflag:s24] =	ssyncadd.s32 $0xFFFFD800  }
0xbc: {  	_ =	sfence.sel $0x180000  }
0xbd: {  	[bflag:$0x0] =	sbarrier.arrive $0xFFFF  }
0xbe: {  	_ =	strace $0x9000004D  }
0xbf: {  	s0 =	stileid.u32;
	[bflag:$0x2] =	sbarrier.arrive $0xFFFF  }
0xc0: {  	p0 =	sne.s32 s0, $0x0;
	s0 =	rddreg [dreg:$0x2]  }
0xc1: {  	s0 =	sadd.s32 @!p0 $0x100000, s0  }
0xc2: {  	[sflag:s0] =	ssyncadd.tile.s32 @!p0 $0x1;
	_ =	shalt  }
.Lfunc_end2:
_tile_overlayer_lowered:
.L_overlay_start_2:
0xc3: {  	(tag) =	ssettag $0x2  }
0xc4: {  	s0 =	rddreg [dreg:$0x0];
	s2 =	stileid.u32  }
0xc5: {  	s1 =	rddreg [dreg:$0x1];
	p0 =	sne.s32 s2, $0x0  }
0xc6: {  	s3 =	rddreg [dreg:$0x2];
	[bflag:$0x3] =	sbarrier.arrive $0xFFFF;
	s2 =	simm.s32 @!p0 $0x1C04  }
0xc7: {  	[timem:s3], [sflag:s2] =	dma.local @!p0 [hbm:s0], s1  }
0xc8: {  	s0 =	simm.s32 @!p0 $0x4  }
0xc9: {  	_ =	swait.ge @!p0 [sflag:s0], s1  }
0xca: {  	s1 =	ssub.s32 @!p0 $0x0, s1;
	[sflag:s0] =	ssyncset.done @!p0 $0x0  }
0xcb: {  	[sflag:s0] =	ssyncadd.s32 @!p0 s1  }
0xcc: {  	[bflag:$0x3] =	sbarrier.arrive $0xFFFF  }
0xcd: {  	_ =	shalt  }

</sc_bundles>
